<compile_context>
chip_gen: v7x
topology: tpu7x:2x2x1
jax: 0.10.2.dev20260603
libtpu: 0.0.44.dev20260713+nightly
codegen_flags: <defaults>
</compile_context>

<pallas_src>
import functools

import jax
import jax.numpy as jnp
from jax import lax
from jax.experimental import pallas as pl
from jax.experimental.pallas import tpu as pltpu
from jax.experimental.pallas import tpu_sc as plsc

N_NODES = 10000
NPAD = 10240
NDUMP = 8
E_EDGES = 160000
EPAD = 163840
CHUNK = 128
CHUNKS_PER_TILE = 80
K_TOP = 25
NEG = -3.0e38


def _round_up(x, m):
    return (x + m - 1) // m * m




def _mm_kernel(x_ref, w_ref, o_ref):
    o_ref[...] = jax.lax.dot_general(
        x_ref[...], w_ref[...], (((1,), (0,)), ((), ())),
        preferred_element_type=jnp.float32)


def _mm(x, w, bm=512):
    m, k = x.shape
    n = w.shape[1]
    mp = _round_up(m, bm)
    if mp != m:
        x = jnp.pad(x, ((0, mp - m), (0, 0)))
    out = pl.pallas_call(
        _mm_kernel,
        grid=(mp // bm,),
        in_specs=[
            pl.BlockSpec((bm, k), lambda i: (i, 0)),
            pl.BlockSpec((k, n), lambda i: (0, 0)),
        ],
        out_specs=pl.BlockSpec((bm, n), lambda i: (i, 0)),
        out_shape=jax.ShapeDtypeStruct((mp, n), jnp.float32),
    )(x, w)
    return out[:m]


def _mm4_kernel(x_ref, w_ref, o_ref):
    o_ref[0] = jax.lax.dot_general(
        x_ref[...], w_ref[...], (((1,), (0,)), ((), ())),
        preferred_element_type=jnp.float32)


def _mm4(x, w12, bm=512):
    m, k = x.shape
    assert m % bm == 0 and w12.shape == (k, 512)
    return pl.pallas_call(
        _mm4_kernel,
        grid=(m // bm, 4),
        in_specs=[
            pl.BlockSpec((bm, k), lambda i, h: (i, 0)),
            pl.BlockSpec((k, 128), lambda i, h: (0, h)),
        ],
        out_specs=pl.BlockSpec((1, bm, 128), lambda i, h: (h, i, 0)),
        out_shape=jax.ShapeDtypeStruct((4, m, 128), jnp.float32),
        compiler_params=pltpu.CompilerParams(
            dimension_semantics=("parallel", "parallel")),
    )(x, w12)


def _combine_kernel(x_ref, w_ref, b_ref, a1_ref, a2_ref, d_ref, o_ref):
    acc = jax.lax.dot_general(
        x_ref[...], w_ref[...], (((1,), (0,)), ((), ())),
        preferred_element_type=jnp.float32)
    a1 = jnp.concatenate([a1_ref[0], a1_ref[1]], axis=1)
    a2 = jnp.concatenate([a2_ref[0], a2_ref[1]], axis=1)
    din = jnp.maximum(d_ref[0, 0][:, :1], 1.0)
    dout = jnp.maximum(d_ref[1, 0][:, :1], 1.0)
    acc = acc + b_ref[...] + a1 / din + a2 / dout
    o_ref[...] = jnp.maximum(acc, 0.0)


def _combine(x, w, b, a1, a2, deg, bm=512):
    m, k = x.shape
    n = w.shape[1]
    nb = NPAD // bm
    return pl.pallas_call(
        _combine_kernel,
        grid=(m // bm,),
        in_specs=[
            pl.BlockSpec((bm, k), lambda i: (i, 0)),
            pl.BlockSpec((k, n), lambda i: (0, 0)),
            pl.BlockSpec((1, n), lambda i: (0, 0)),
            pl.BlockSpec((2, bm, 128), lambda i: (0, i, 0)),
            pl.BlockSpec((2, bm, 128), lambda i: (0, i, 0)),
            pl.BlockSpec((2, 1, bm, 128), lambda i: (0, i // nb, i % nb, 0)),
        ],
        out_specs=pl.BlockSpec((bm, n), lambda i: (i, 0)),
        out_shape=jax.ShapeDtypeStruct((m, n), jnp.float32),
    )(x, w, b.reshape(1, n), a1, a2, deg)



_MESH = plsc.VectorSubcoreMesh(core_axis_name="c", subcore_axis_name="s")


def _sc_scatter_body(mout, gidx, sidx, zrows, out1, out2, gv, sv, rows, acc):
    c = lax.axis_index("c")
    s = lax.axis_index("s")
    r0 = s * (NPAD // 16)
    nr = NPAD // 16
    pltpu.sync_copy(zrows.at[pl.ds(r0, nr)], acc.at[pl.ds(r0, nr)])

    @pl.when(s == 0)
    def _zero_dump():
        pltpu.sync_copy(zrows.at[pl.ds(NPAD, NDUMP)], acc.at[pl.ds(NPAD, NDUMP)])

    plsc.subcore_barrier()

    for p in range(4):
        tbl = mout.at[2 * (p % 2) + c]
        out = out1 if p % 2 == 0 else out2
        row_off = 0 if p < 2 else NPAD
        pltpu.sync_copy(gidx.at[p, pl.ds(s * CHUNKS_PER_TILE, CHUNKS_PER_TILE)], gv)
        pltpu.sync_copy(sidx.at[p, pl.ds(s * CHUNKS_PER_TILE, CHUNKS_PER_TILE)], sv)

        def chunk(j, carry):
            pltpu.sync_copy(tbl.at[gv.at[j]], rows)
            pltpu.sync_copy(rows, acc.at[sv.at[j]], add=True)
            return carry

        lax.fori_loop(0, CHUNKS_PER_TILE, chunk, 0)
        plsc.subcore_barrier()
        pltpu.sync_copy(acc.at[pl.ds(r0, nr)], out.at[c, pl.ds(row_off + r0, nr)])
        if p < 3:
            pltpu.sync_copy(zrows.at[pl.ds(r0, nr)], acc.at[pl.ds(r0, nr)])
        plsc.subcore_barrier()


def _sc_scatter(mout, gidx, sidx, zrows):
    f = pl.kernel(
        _sc_scatter_body,
        out_type=(
            jax.ShapeDtypeStruct((2, 2 * NPAD, 128), jnp.float32),
            jax.ShapeDtypeStruct((2, 2 * NPAD, 128), jnp.float32),
        ),
        mesh=_MESH,
        scratch_types=[
            pltpu.VMEM((CHUNKS_PER_TILE, CHUNK), jnp.int32),
            pltpu.VMEM((CHUNKS_PER_TILE, CHUNK), jnp.int32),
            pltpu.VMEM((CHUNK, 128), jnp.float32),
            pltpu.VMEM_SHARED((NPAD + NDUMP, 128), jnp.float32),
        ],
    )
    return f(mout, gidx, sidx, zrows)


def _sc_degrees_body(sidx, ones_h, zrows, outdeg, sv, ones_v, accd):
    c = lax.axis_index("c")
    s = lax.axis_index("s")
    r0 = s * (NPAD // 16)
    nr = NPAD // 16
    pltpu.sync_copy(ones_h, ones_v)
    pltpu.sync_copy(zrows.at[pl.ds(r0, nr)], accd.at[pl.ds(r0, nr)])

    @pl.when(s == 0)
    def _zero_dump():
        pltpu.sync_copy(zrows.at[pl.ds(NPAD, NDUMP)], accd.at[pl.ds(NPAD, NDUMP)])

    plsc.subcore_barrier()
    for d in range(2):
        pltpu.sync_copy(sidx.at[2 * c + d, pl.ds(s * CHUNKS_PER_TILE, CHUNKS_PER_TILE)], sv)

        def chunk(j, carry):
            pltpu.sync_copy(ones_v, accd.at[sv.at[j]], add=True)
            return carry

        lax.fori_loop(0, CHUNKS_PER_TILE, chunk, 0)
        plsc.subcore_barrier()
        pltpu.sync_copy(accd.at[pl.ds(r0, nr)], outdeg.at[d, c, pl.ds(r0, nr)])
        if d == 0:
            pltpu.sync_copy(zrows.at[pl.ds(r0, nr)], accd.at[pl.ds(r0, nr)])
        plsc.subcore_barrier()


def _sc_degrees(sidx, ones_h, zrows):
    f = pl.kernel(
        _sc_degrees_body,
        out_type=jax.ShapeDtypeStruct((2, 2, NPAD, 128), jnp.float32),
        mesh=_MESH,
        scratch_types=[
            pltpu.VMEM((CHUNKS_PER_TILE, CHUNK), jnp.int32),
            pltpu.VMEM((CHUNK, 128), jnp.float32),
            pltpu.VMEM_SHARED((NPAD + NDUMP, 128), jnp.float32),
        ],
    )
    return f(sidx, ones_h, zrows)




def _topk_kernel(hs_ref, ht_ref, o_ref, top_ref, *, bn, n_valid):
    j = pl.program_id(1)
    nj = pl.num_programs(1)

    @pl.when(j == 0)
    def _init():
        top_ref[...] = jnp.full_like(top_ref, NEG)

    scores = jax.lax.dot_general(
        hs_ref[...], ht_ref[...], (((1,), (1,)), ((), ())),
        preferred_element_type=jnp.float32)

    col = jax.lax.broadcasted_iota(jnp.int32, scores.shape, 1) + j * bn
    scores = jnp.where(col < n_valid, scores, NEG)

    cand = jnp.concatenate([top_ref[...], scores], axis=1)
    w = cand.shape[1]
    lane = jax.lax.broadcasted_iota(jnp.int32, cand.shape, 1)
    for k in range(K_TOP):
        m = jnp.max(cand, axis=1, keepdims=True)
        top_ref[:, pl.ds(k, 1)] = m
        sel = jnp.where(cand == m, lane, w)
        first = jnp.min(sel, axis=1, keepdims=True)
        cand = jnp.where(lane == first, NEG, cand)

    @pl.when(j == nj - 1)
    def _softmax():
        t = top_ref[:, :K_TOP]
        mx = t[:, :1]
        e = jnp.exp(t - mx)
        s = jnp.sum(e, axis=1, keepdims=True)
        o_ref[...] = e / s


def _topk_softmax(h_s, h_t, bm=256, bn=512):
    m = h_s.shape[0]
    n = h_t.shape[0]
    mp = _round_up(m, bm)
    np_ = _round_up(n, bn)
    if mp != m:
        h_s = jnp.pad(h_s, ((0, mp - m), (0, 0)))
    if np_ != n:
        h_t = jnp.pad(h_t, ((0, np_ - n), (0, 0)))
    out = pl.pallas_call(
        functools.partial(_topk_kernel, bn=bn, n_valid=n),
        grid=(mp // bm, np_ // bn),
        in_specs=[
            pl.BlockSpec((bm, h_s.shape[1]), lambda i, j: (i, 0)),
            pl.BlockSpec((bn, h_t.shape[1]), lambda i, j: (j, 0)),
        ],
        out_specs=pl.BlockSpec((bm, K_TOP), lambda i, j: (i, 0)),
        out_shape=jax.ShapeDtypeStruct((mp, K_TOP), jnp.float32),
        scratch_shapes=[pltpu.VMEM((bm, 32), jnp.float32)],
        compiler_params=pltpu.CompilerParams(
            dimension_semantics=("parallel", "arbitrary")),
    )(h_s, h_t)
    return out[:m]




def _pad_idx(idx, fill):
    return jnp.concatenate([idx, fill.astype(jnp.int32)])


def kernel(x1, x2, edge1, edge2, y, params):
    e1 = jnp.concatenate([edge1[i] for i in range(edge1.shape[0])], axis=1)
    e2 = jnp.concatenate([edge2[i] for i in range(edge2.shape[0])], axis=1)
    n = x1.shape[0]
    x1p = jnp.pad(x1, ((0, NPAD - n), (0, 0)))
    x2p = jnp.pad(x2, ((0, NPAD - n), (0, 0)))
    x = jnp.concatenate([x1p, x2p], axis=0)

    npad_e = EPAD - E_EDGES
    ar = jnp.arange(npad_e, dtype=jnp.int32)
    gfill = ar % 64
    sfill = NPAD + (ar % NDUMP)
    src1, dst1 = e1[0], e1[1]
    src2, dst2 = e2[0], e2[1]
    gidx = jnp.stack([
        _pad_idx(src1, gfill),
        _pad_idx(dst1, gfill),
        _pad_idx(src2 + NPAD, gfill),
        _pad_idx(dst2 + NPAD, gfill),
    ]).reshape(4, EPAD // CHUNK, CHUNK)
    sidx = jnp.stack([
        _pad_idx(dst1, sfill),
        _pad_idx(src1, sfill),
        _pad_idx(dst2, sfill),
        _pad_idx(src2, sfill),
    ]).reshape(4, EPAD // CHUNK, CHUNK)

    zrows = jnp.zeros((NPAD + NDUMP, 128), jnp.float32)
    ones_h = jnp.ones((CHUNK, 128), jnp.float32)
    deg = _sc_degrees(sidx, ones_h, zrows)

    h = x
    xs = [x]
    for i in range(3):
        w12 = jnp.concatenate([params[f"W1_{i}"], params[f"W2_{i}"]], axis=1)
        mout = _mm4(h, w12)
        a1, a2 = _sc_scatter(mout, gidx, sidx, zrows)
        h = _combine(h, params[f"Wr_{i}"], params[f"br_{i}"], a1, a2, deg)
        xs.append(h)
    hcat = jnp.concatenate(xs, axis=1)
    hf = _mm(hcat, params["Wf"]) + params["bf"]
    h_s = hf[:n]
    h_t = hf[NPAD:NPAD + n]
    return _topk_softmax(h_s, h_t)

# --- scband reference (transcript-rebuilt; emitter-appended) ---
"""Pipeline reference for scband-graph-model-32555852103680 (READ-ONLY COPY).

The authoritative reference and input builder live on the scoring server;
editing this copy changes nothing except your own understanding.
"""

import jax, jax.numpy as jnp
import numpy as np

N, E, C_IN, C_OUT, K, NUM_LAYERS = 10000, 160000, 256, 256, 25, 3


def _glorot(key, shape):
    lim = (6.0 / (shape[0] + shape[1])) ** 0.5
    return jax.random.uniform(key, shape, minval=-lim, maxval=lim, dtype=jnp.float32)


def setup_inputs(seed: int = 0) -> dict:
    key = jax.random.key(seed)
    ks = jax.random.split(key, 40)
    x1 = jax.random.normal(ks[0], (N, C_IN), dtype=jnp.float32)
    x2 = jax.random.normal(ks[1], (N, C_IN), dtype=jnp.float32)
    edge1 = jax.random.randint(ks[2], (1, 2, E), 0, N, dtype=jnp.int32)
    edge2 = jax.random.randint(ks[3], (1, 2, E), 0, N, dtype=jnp.int32)
    y = jax.random.randint(ks[4], (2, 1000), 0, N, dtype=jnp.int32)
    params = {}
    cin = C_IN
    j = 5
    for i in range(NUM_LAYERS):
        params[f"W1_{i}"] = _glorot(ks[j], (cin, C_OUT)); j += 1
        params[f"W2_{i}"] = _glorot(ks[j], (cin, C_OUT)); j += 1
        params[f"Wr_{i}"] = _glorot(ks[j], (cin, C_OUT)); j += 1
        params[f"br_{i}"] = jnp.zeros((C_OUT,), dtype=jnp.float32)
        cin = C_OUT
    params["Wf"] = _glorot(ks[j], (C_IN + NUM_LAYERS * C_OUT, C_OUT)); j += 1
    params["bf"] = jnp.zeros((C_OUT,), dtype=jnp.float32)
    return {"x1": x1, "x2": x2, "edge1": edge1, "edge2": edge2, "y": y, "params": params}


def _rel_conv(x, src, dst, W1, W2, Wr, br):
    n = x.shape[0]
    ones = jnp.ones(src.shape[0], dtype=x.dtype)
    m1 = (x @ W1)[src]
    agg1 = jax.ops.segment_sum(m1, dst, num_segments=n)
    deg_in = jnp.clip(jax.ops.segment_sum(ones, dst, num_segments=n), 1.0)
    out1 = agg1 / deg_in[:, None]
    m2 = (x @ W2)[dst]
    agg2 = jax.ops.segment_sum(m2, src, num_segments=n)
    deg_out = jnp.clip(jax.ops.segment_sum(ones, src, num_segments=n), 1.0)
    out2 = agg2 / deg_out[:, None]
    return x @ Wr + br + out1 + out2


def _psi1(x, edge_index, params):
    # RelCNN(num_layers=3, cat=True, lin=True), eval mode (dropout inactive, no batch_norm)
    src, dst = edge_index[0], edge_index[1]
    xs = [x]
    h = x
    for i in range(NUM_LAYERS):
        h = _rel_conv(h, src, dst, params[f"W1_{i}"], params[f"W2_{i}"], params[f"Wr_{i}"], params[f"br_{i}"])
        h = jax.nn.relu(h)
        xs.append(h)
    h = jnp.concatenate(xs, axis=-1)
    return h @ params["Wf"] + params["bf"]


def reference(x1, x2, edge1, edge2, y, params):
    # torch.cat(edge1, dim=1): edge1 is a length-1 sequence of [2, E] tensors
    e1 = jnp.concatenate([edge1[i] for i in range(edge1.shape[0])], axis=1)
    e2 = jnp.concatenate([edge2[i] for i in range(edge2.shape[0])], axis=1)
    h_s = _psi1(x1, e1, params)
    h_t = _psi1(x2, e2, params)
    # DGMC sparse variant: full similarity, top-k correspondences, softmax over k
    S_hat = h_s @ h_t.T
    vals, S_idx = jax.lax.top_k(S_hat, K)
    S_0 = jax.nn.softmax(vals, axis=-1)
    # num_steps=None -> no consensus refinement iterations; S_L == S_0 (eval, y unused)
    S_L = S_0
    return S_L

if __name__ == "__main__":
    import jax
    _d = setup_inputs()
    print(jax.jit(kernel)(*tuple(_d.values())))

</pallas_src>

<mosaic_0001>
#map = affine_map<(d0, d1) -> (0, 0, 0)>
#map1 = affine_map<(d0, d1) -> (0, 0)>
#map2 = affine_map<(d0, d1) -> (0, 0, 0, 0)>
module attributes {stable_mosaic.version = 14 : i64} {
  func.func @_sc_degrees_body(%arg0: i32, %arg1: i32, %arg2: memref<4x1280x128xi32, #tpu.memory_space<hbm>>, %arg3: memref<128x128xf32, #tpu.memory_space<hbm>>, %arg4: memref<10248x128xf32, #tpu.memory_space<hbm>>, %arg5: memref<2x2x10240x128xf32, #tpu.memory_space<hbm>>, %arg6: memref<80x128xi32, #tpu.memory_space<vmem>>, %arg7: memref<128x128xf32, #tpu.memory_space<vmem>>, %arg8: memref<10248x128xf32, #tpu.memory_space<vmem_shared>>) attributes {dimension_semantics = [#tpu.dimension_semantics<core_parallel>, #tpu.dimension_semantics<subcore_parallel>], iteration_bounds = array<i64: 2, 16>, scalar_prefetch = 0 : i64, scratch_operands = 3 : i64, tpu.core_type = #tpu.core_type<sc_vector_subcore>, window_params = [{transform_indices = #map}, {transform_indices = #map1}, {transform_indices = #map1}, {transform_indices = #map2}]} {
    %mul3A = arith.constant 640 : i32
    %mul3A_0 = arith.muli %arg1, %mul3A : i32
    "tpu.region"() ({
      %run_scoped3A_30 = tpu.sem_alloc : memref<!tpu.dma_semaphore, #tpu.memory_space<semaphore_mem>>
      tpu.enqueue_dma source(%arg3 : memref<128x128xf32, #tpu.memory_space<hbm>>) target(%arg7 : memref<128x128xf32, #tpu.memory_space<vmem>>) target_semaphore(%run_scoped3A_30 : memref<!tpu.dma_semaphore, #tpu.memory_space<semaphore_mem>>)
      tpu.wait_dma2 semaphore(%run_scoped3A_30 : memref<!tpu.dma_semaphore, #tpu.memory_space<semaphore_mem>>) src(%arg3 : memref<128x128xf32, #tpu.memory_space<hbm>>) dst(%arg7 : memref<128x128xf32, #tpu.memory_space<vmem>>)
      tpu.yield
    }) : () -> ()
    "tpu.region"() ({
      %run_scoped3A_30 = tpu.sem_alloc : memref<!tpu.dma_semaphore, #tpu.memory_space<semaphore_mem>>
      %dma_start3A = arith.constant 0 : i32
      %dma_start3A_31 = tpu.memref_slice %arg8[%mul3A_0, %dma_start3A] : memref<10248x128xf32, #tpu.memory_space<vmem_shared>> -> memref<640x128xf32, #tpu.memory_space<vmem_shared>>
      %dma_start3A_32 = arith.constant 0 : i32
      %dma_start3A_33 = tpu.memref_slice %arg4[%mul3A_0, %dma_start3A_32] : memref<10248x128xf32, #tpu.memory_space<hbm>> -> memref<640x128xf32, #tpu.memory_space<hbm>>
      tpu.enqueue_dma source(%dma_start3A_33 : memref<640x128xf32, #tpu.memory_space<hbm>>) target(%dma_start3A_31 : memref<640x128xf32, #tpu.memory_space<vmem_shared>>) target_semaphore(%run_scoped3A_30 : memref<!tpu.dma_semaphore, #tpu.memory_space<semaphore_mem>>)
      %dma_wait3A = arith.constant 0 : i32
      %dma_wait3A_34 = tpu.memref_slice %arg8[%mul3A_0, %dma_wait3A] : memref<10248x128xf32, #tpu.memory_space<vmem_shared>> -> memref<640x128xf32, #tpu.memory_space<vmem_shared>>
      %dma_wait3A_35 = arith.constant 0 : i32
      %dma_wait3A_36 = tpu.memref_slice %arg4[%mul3A_0, %dma_wait3A_35] : memref<10248x128xf32, #tpu.memory_space<hbm>> -> memref<640x128xf32, #tpu.memory_space<hbm>>
      tpu.wait_dma2 semaphore(%run_scoped3A_30 : memref<!tpu.dma_semaphore, #tpu.memory_space<semaphore_mem>>) src(%dma_wait3A_36 : memref<640x128xf32, #tpu.memory_space<hbm>>) dst(%dma_wait3A_34 : memref<640x128xf32, #tpu.memory_space<vmem_shared>>)
      tpu.yield
    }) : () -> ()
    %eq3A = arith.constant 0 : i32
    %eq3A_1 = arith.cmpi eq, %arg1, %eq3A : i32
    %convert_element_type3A = arith.extui %eq3A_1 : i1 to i32
    %cond3A = arith.constant 0 : i32
    %cond3A_2 = arith.cmpi ne, %convert_element_type3A, %cond3A : i32
    scf.if %cond3A_2 {
      "tpu.region"() ({
        %run_scoped3A_30 = tpu.sem_alloc : memref<!tpu.dma_semaphore, #tpu.memory_space<semaphore_mem>>
        %dma_start3A = arith.constant 10240 : i32
        %dma_start3A_31 = arith.constant 0 : i32
        %dma_start3A_32 = tpu.memref_slice %arg8[%dma_start3A, %dma_start3A_31] : memref<10248x128xf32, #tpu.memory_space<vmem_shared>> -> memref<8x128xf32, #tpu.memory_space<vmem_shared>>
        %dma_start3A_33 = arith.constant 10240 : i32
        %dma_start3A_34 = arith.constant 0 : i32
        %dma_start3A_35 = tpu.memref_slice %arg4[%dma_start3A_33, %dma_start3A_34] : memref<10248x128xf32, #tpu.memory_space<hbm>> -> memref<8x128xf32, #tpu.memory_space<hbm>>
        tpu.enqueue_dma source(%dma_start3A_35 : memref<8x128xf32, #tpu.memory_space<hbm>>) target(%dma_start3A_32 : memref<8x128xf32, #tpu.memory_space<vmem_shared>>) target_semaphore(%run_scoped3A_30 : memref<!tpu.dma_semaphore, #tpu.memory_space<semaphore_mem>>)
        %dma_wait3A = arith.constant 10240 : i32
        %dma_wait3A_36 = arith.constant 0 : i32
        %dma_wait3A_37 = tpu.memref_slice %arg8[%dma_wait3A, %dma_wait3A_36] : memref<10248x128xf32, #tpu.memory_space<vmem_shared>> -> memref<8x128xf32, #tpu.memory_space<vmem_shared>>
        %dma_wait3A_38 = arith.constant 10240 : i32
        %dma_wait3A_39 = arith.constant 0 : i32
        %dma_wait3A_40 = tpu.memref_slice %arg4[%dma_wait3A_38, %dma_wait3A_39] : memref<10248x128xf32, #tpu.memory_space<hbm>> -> memref<8x128xf32, #tpu.memory_space<hbm>>
        tpu.wait_dma2 semaphore(%run_scoped3A_30 : memref<!tpu.dma_semaphore, #tpu.memory_space<semaphore_mem>>) src(%dma_wait3A_40 : memref<8x128xf32, #tpu.memory_space<hbm>>) dst(%dma_wait3A_37 : memref<8x128xf32, #tpu.memory_space<vmem_shared>>)
        tpu.yield
      }) : () -> ()
    } else {
    }
    %barrier3A = arith.constant 0 : index
    tpu.barrier barrier_id(%barrier3A)
    %mul3A_3 = arith.constant 2 : i32
    %mul3A_4 = arith.muli %mul3A_3, %arg0 : i32
    %add3A = arith.constant 0 : i32
    %add3A_5 = arith.addi %mul3A_4, %add3A : i32
    %mul3A_6 = arith.constant 80 : i32
    %mul3A_7 = arith.muli %arg1, %mul3A_6 : i32
    "tpu.region"() ({
      %run_scoped3A_30 = tpu.sem_alloc : memref<!tpu.dma_semaphore, #tpu.memory_space<semaphore_mem>>
      %dma_start3A = arith.constant 0 : i32
      %dma_start3A_31 = tpu.memref_slice %arg2[%add3A_5, %mul3A_7, %dma_start3A] : memref<4x1280x128xi32, #tpu.memory_space<hbm>> -> memref<1x80x128xi32, #tpu.memory_space<hbm>>
      %dma_start3A_32 = tpu.memref_squeeze %dma_start3A_31 : memref<1x80x128xi32, #tpu.memory_space<hbm>> -> memref<80x128xi32, #tpu.memory_space<hbm>>
      %dma_start3A_33 = arith.constant 0 : i32
      %dma_start3A_34 = tpu.memref_slice %arg2[%add3A_5, %mul3A_7, %dma_start3A_33] : memref<4x1280x128xi32, #tpu.memory_space<hbm>> -> memref<1x80x128xi32, #tpu.memory_space<hbm>>
      %dma_start3A_35 = tpu.memref_squeeze %dma_start3A_34 : memref<1x80x128xi32, #tpu.memory_space<hbm>> -> memref<80x128xi32, #tpu.memory_space<hbm>>
      tpu.enqueue_dma source(%dma_start3A_35 : memref<80x128xi32, #tpu.memory_space<hbm>>) target(%arg6 : memref<80x128xi32, #tpu.memory_space<vmem>>) target_semaphore(%run_scoped3A_30 : memref<!tpu.dma_semaphore, #tpu.memory_space<semaphore_mem>>)
      %dma_wait3A = arith.constant 0 : i32
      %dma_wait3A_36 = tpu.memref_slice %arg2[%add3A_5, %mul3A_7, %dma_wait3A] : memref<4x1280x128xi32, #tpu.memory_space<hbm>> -> memref<1x80x128xi32, #tpu.memory_space<hbm>>
      %dma_wait3A_37 = tpu.memref_squeeze %dma_wait3A_36 : memref<1x80x128xi32, #tpu.memory_space<hbm>> -> memref<80x128xi32, #tpu.memory_space<hbm>>
      %dma_wait3A_38 = arith.constant 0 : i32
      %dma_wait3A_39 = tpu.memref_slice %arg2[%add3A_5, %mul3A_7, %dma_wait3A_38] : memref<4x1280x128xi32, #tpu.memory_space<hbm>> -> memref<1x80x128xi32, #tpu.memory_space<hbm>>
      %dma_wait3A_40 = tpu.memref_squeeze %dma_wait3A_39 : memref<1x80x128xi32, #tpu.memory_space<hbm>> -> memref<80x128xi32, #tpu.memory_space<hbm>>
      tpu.wait_dma2 semaphore(%run_scoped3A_30 : memref<!tpu.dma_semaphore, #tpu.memory_space<semaphore_mem>>) src(%dma_wait3A_40 : memref<80x128xi32, #tpu.memory_space<hbm>>) dst(%arg6 : memref<80x128xi32, #tpu.memory_space<vmem>>)
      tpu.yield
    }) : () -> ()
    %scan3A = arith.constant 0 : i32
    %scan3A_8 = arith.constant 0 : i32
    %scan3A_9 = arith.constant 80 : i32
    %scan3A_10 = arith.addi %scan3A_8, %scan3A_9 : i32
    %scan3A_11 = arith.constant 1 : i32
    scf.for %scan3A_30 = %scan3A_8 to %scan3A_10 step %scan3A_11  : i32 {
      "tpu.region"() ({
        %run_scoped3A_31 = tpu.sem_alloc : memref<!tpu.dma_semaphore, #tpu.memory_space<semaphore_mem>>
        %dma_start3A = arith.constant 0 : i32
        %dma_start3A_32 = tpu.memref_slice %arg6[%scan3A_30, %dma_start3A] : memref<80x128xi32, #tpu.memory_space<vmem>> -> memref<1x128xi32, #tpu.memory_space<vmem>>
        %dma_start3A_33 = tpu.memref_squeeze %dma_start3A_32 : memref<1x128xi32, #tpu.memory_space<vmem>> -> memref<128xi32, #tpu.memory_space<vmem>>
        %dma_start3A_34 = arith.constant 0 : i32
        %dma_start3A_35 = arith.constant 0 : i32
        %dma_start3A_36 = tpu.memref_slice %arg8[%dma_start3A_34, %dma_start3A_35] : memref<10248x128xf32, #tpu.memory_space<vmem_shared>> -> memref<10248x128xf32, #tpu.memory_space<vmem_shared>>
        tpu.enqueue_indirect_dma source(%arg7 : memref<128x128xf32, #tpu.memory_space<vmem>>) target(%dma_start3A_36 : memref<10248x128xf32, #tpu.memory_space<vmem_shared>>) offsets(%dma_start3A_33 : memref<128xi32, #tpu.memory_space<vmem>>) semaphore(%run_scoped3A_31 : memref<!tpu.dma_semaphore, #tpu.memory_space<semaphore_mem>>) {add = true}
        %dma_wait3A = arith.constant 0 : i32
        %dma_wait3A_37 = tpu.memref_slice %arg6[%scan3A_30, %dma_wait3A] : memref<80x128xi32, #tpu.memory_space<vmem>> -> memref<1x128xi32, #tpu.memory_space<vmem>>
        %dma_wait3A_38 = tpu.memref_squeeze %dma_wait3A_37 : memref<1x128xi32, #tpu.memory_space<vmem>> -> memref<128xi32, #tpu.memory_space<vmem>>
        %dma_wait3A_39 = arith.constant 0 : i32
        %dma_wait3A_40 = arith.constant 0 : i32
        %dma_wait3A_41 = tpu.memref_slice %arg8[%dma_wait3A_39, %dma_wait3A_40] : memref<10248x128xf32, #tpu.memory_space<vmem_shared>> -> memref<10248x128xf32, #tpu.memory_space<vmem_shared>>
        tpu.wait_indirect_dma semaphore(%run_scoped3A_31 : memref<!tpu.dma_semaphore, #tpu.memory_space<semaphore_mem>>) src(%arg7 : memref<128x128xf32, #tpu.memory_space<vmem>>) dst(%dma_wait3A_41 : memref<10248x128xf32, #tpu.memory_space<vmem_shared>>)
        tpu.yield
      }) : () -> ()
    }
    %scan3A_12 = arith.constant 80 : i32
    %barrier3A_13 = arith.constant 0 : index
    tpu.barrier barrier_id(%barrier3A_13)
    %run_scoped3A = arith.constant 0 : i32
    "tpu.region"() ({
      %run_scoped3A_30 = tpu.sem_alloc : memref<!tpu.dma_semaphore, #tpu.memory_space<semaphore_mem>>
      %dma_start3A = arith.constant 0 : i32
      %dma_start3A_31 = tpu.memref_slice %arg5[%run_scoped3A, %arg0, %mul3A_0, %dma_start3A] : memref<2x2x10240x128xf32, #tpu.memory_space<hbm>> -> memref<1x1x640x128xf32, #tpu.memory_space<hbm>>
      %dma_start3A_32 = tpu.memref_squeeze %dma_start3A_31 : memref<1x1x640x128xf32, #tpu.memory_space<hbm>> -> memref<640x128xf32, #tpu.memory_space<hbm>>
      %dma_start3A_33 = arith.constant 0 : i32
      %dma_start3A_34 = tpu.memref_slice %arg8[%mul3A_0, %dma_start3A_33] : memref<10248x128xf32, #tpu.memory_space<vmem_shared>> -> memref<640x128xf32, #tpu.memory_space<vmem_shared>>
      tpu.enqueue_dma source(%dma_start3A_34 : memref<640x128xf32, #tpu.memory_space<vmem_shared>>) target(%dma_start3A_32 : memref<640x128xf32, #tpu.memory_space<hbm>>) target_semaphore(%run_scoped3A_30 : memref<!tpu.dma_semaphore, #tpu.memory_space<semaphore_mem>>)
      %dma_wait3A = arith.constant 0 : i32
      %dma_wait3A_35 = tpu.memref_slice %arg5[%run_scoped3A, %arg0, %mul3A_0, %dma_wait3A] : memref<2x2x10240x128xf32, #tpu.memory_space<hbm>> -> memref<1x1x640x128xf32, #tpu.memory_space<hbm>>
      %dma_wait3A_36 = tpu.memref_squeeze %dma_wait3A_35 : memref<1x1x640x128xf32, #tpu.memory_space<hbm>> -> memref<640x128xf32, #tpu.memory_space<hbm>>
      %dma_wait3A_37 = arith.constant 0 : i32
      %dma_wait3A_38 = tpu.memref_slice %arg8[%mul3A_0, %dma_wait3A_37] : memref<10248x128xf32, #tpu.memory_space<vmem_shared>> -> memref<640x128xf32, #tpu.memory_space<vmem_shared>>
      tpu.wait_dma2 semaphore(%run_scoped3A_30 : memref<!tpu.dma_semaphore, #tpu.memory_space<semaphore_mem>>) src(%dma_wait3A_38 : memref<640x128xf32, #tpu.memory_space<vmem_shared>>) dst(%dma_wait3A_36 : memref<640x128xf32, #tpu.memory_space<hbm>>)
      tpu.yield
    }) : () -> ()
    "tpu.region"() ({
      %run_scoped3A_30 = tpu.sem_alloc : memref<!tpu.dma_semaphore, #tpu.memory_space<semaphore_mem>>
      %dma_start3A = arith.constant 0 : i32
      %dma_start3A_31 = tpu.memref_slice %arg8[%mul3A_0, %dma_start3A] : memref<10248x128xf32, #tpu.memory_space<vmem_shared>> -> memref<640x128xf32, #tpu.memory_space<vmem_shared>>
      %dma_start3A_32 = arith.constant 0 : i32
      %dma_start3A_33 = tpu.memref_slice %arg4[%mul3A_0, %dma_start3A_32] : memref<10248x128xf32, #tpu.memory_space<hbm>> -> memref<640x128xf32, #tpu.memory_space<hbm>>
      tpu.enqueue_dma source(%dma_start3A_33 : memref<640x128xf32, #tpu.memory_space<hbm>>) target(%dma_start3A_31 : memref<640x128xf32, #tpu.memory_space<vmem_shared>>) target_semaphore(%run_scoped3A_30 : memref<!tpu.dma_semaphore, #tpu.memory_space<semaphore_mem>>)
      %dma_wait3A = arith.constant 0 : i32
      %dma_wait3A_34 = tpu.memref_slice %arg8[%mul3A_0, %dma_wait3A] : memref<10248x128xf32, #tpu.memory_space<vmem_shared>> -> memref<640x128xf32, #tpu.memory_space<vmem_shared>>
      %dma_wait3A_35 = arith.constant 0 : i32
      %dma_wait3A_36 = tpu.memref_slice %arg4[%mul3A_0, %dma_wait3A_35] : memref<10248x128xf32, #tpu.memory_space<hbm>> -> memref<640x128xf32, #tpu.memory_space<hbm>>
      tpu.wait_dma2 semaphore(%run_scoped3A_30 : memref<!tpu.dma_semaphore, #tpu.memory_space<semaphore_mem>>) src(%dma_wait3A_36 : memref<640x128xf32, #tpu.memory_space<hbm>>) dst(%dma_wait3A_34 : memref<640x128xf32, #tpu.memory_space<vmem_shared>>)
      tpu.yield
    }) : () -> ()
    %barrier3A_14 = arith.constant 0 : index
    tpu.barrier barrier_id(%barrier3A_14)
    %mul3A_15 = arith.constant 2 : i32
    %mul3A_16 = arith.muli %mul3A_15, %arg0 : i32
    %add3A_17 = arith.constant 1 : i32
    %add3A_18 = arith.addi %mul3A_16, %add3A_17 : i32
    %mul3A_19 = arith.constant 80 : i32
    %mul3A_20 = arith.muli %arg1, %mul3A_19 : i32
    "tpu.region"() ({
      %run_scoped3A_30 = tpu.sem_alloc : memref<!tpu.dma_semaphore, #tpu.memory_space<semaphore_mem>>
      %dma_start3A = arith.constant 0 : i32
      %dma_start3A_31 = tpu.memref_slice %arg2[%add3A_18, %mul3A_20, %dma_start3A] : memref<4x1280x128xi32, #tpu.memory_space<hbm>> -> memref<1x80x128xi32, #tpu.memory_space<hbm>>
      %dma_start3A_32 = tpu.memref_squeeze %dma_start3A_31 : memref<1x80x128xi32, #tpu.memory_space<hbm>> -> memref<80x128xi32, #tpu.memory_space<hbm>>
      %dma_start3A_33 = arith.constant 0 : i32
      %dma_start3A_34 = tpu.memref_slice %arg2[%add3A_18, %mul3A_20, %dma_start3A_33] : memref<4x1280x128xi32, #tpu.memory_space<hbm>> -> memref<1x80x128xi32, #tpu.memory_space<hbm>>
      %dma_start3A_35 = tpu.memref_squeeze %dma_start3A_34 : memref<1x80x128xi32, #tpu.memory_space<hbm>> -> memref<80x128xi32, #tpu.memory_space<hbm>>
      tpu.enqueue_dma source(%dma_start3A_35 : memref<80x128xi32, #tpu.memory_space<hbm>>) target(%arg6 : memref<80x128xi32, #tpu.memory_space<vmem>>) target_semaphore(%run_scoped3A_30 : memref<!tpu.dma_semaphore, #tpu.memory_space<semaphore_mem>>)
      %dma_wait3A = arith.constant 0 : i32
      %dma_wait3A_36 = tpu.memref_slice %arg2[%add3A_18, %mul3A_20, %dma_wait3A] : memref<4x1280x128xi32, #tpu.memory_space<hbm>> -> memref<1x80x128xi32, #tpu.memory_space<hbm>>
      %dma_wait3A_37 = tpu.memref_squeeze %dma_wait3A_36 : memref<1x80x128xi32, #tpu.memory_space<hbm>> -> memref<80x128xi32, #tpu.memory_space<hbm>>
      %dma_wait3A_38 = arith.constant 0 : i32
      %dma_wait3A_39 = tpu.memref_slice %arg2[%add3A_18, %mul3A_20, %dma_wait3A_38] : memref<4x1280x128xi32, #tpu.memory_space<hbm>> -> memref<1x80x128xi32, #tpu.memory_space<hbm>>
      %dma_wait3A_40 = tpu.memref_squeeze %dma_wait3A_39 : memref<1x80x128xi32, #tpu.memory_space<hbm>> -> memref<80x128xi32, #tpu.memory_space<hbm>>
      tpu.wait_dma2 semaphore(%run_scoped3A_30 : memref<!tpu.dma_semaphore, #tpu.memory_space<semaphore_mem>>) src(%dma_wait3A_40 : memref<80x128xi32, #tpu.memory_space<hbm>>) dst(%arg6 : memref<80x128xi32, #tpu.memory_space<vmem>>)
      tpu.yield
    }) : () -> ()
    %scan3A_21 = arith.constant 0 : i32
    %scan3A_22 = arith.constant 0 : i32
    %scan3A_23 = arith.constant 80 : i32
    %scan3A_24 = arith.addi %scan3A_22, %scan3A_23 : i32
    %scan3A_25 = arith.constant 1 : i32
    scf.for %scan3A_30 = %scan3A_22 to %scan3A_24 step %scan3A_25  : i32 {
      "tpu.region"() ({
        %run_scoped3A_31 = tpu.sem_alloc : memref<!tpu.dma_semaphore, #tpu.memory_space<semaphore_mem>>
        %dma_start3A = arith.constant 0 : i32
        %dma_start3A_32 = tpu.memref_slice %arg6[%scan3A_30, %dma_start3A] : memref<80x128xi32, #tpu.memory_space<vmem>> -> memref<1x128xi32, #tpu.memory_space<vmem>>
        %dma_start3A_33 = tpu.memref_squeeze %dma_start3A_32 : memref<1x128xi32, #tpu.memory_space<vmem>> -> memref<128xi32, #tpu.memory_space<vmem>>
        %dma_start3A_34 = arith.constant 0 : i32
        %dma_start3A_35 = arith.constant 0 : i32
        %dma_start3A_36 = tpu.memref_slice %arg8[%dma_start3A_34, %dma_start3A_35] : memref<10248x128xf32, #tpu.memory_space<vmem_shared>> -> memref<10248x128xf32, #tpu.memory_space<vmem_shared>>
        tpu.enqueue_indirect_dma source(%arg7 : memref<128x128xf32, #tpu.memory_space<vmem>>) target(%dma_start3A_36 : memref<10248x128xf32, #tpu.memory_space<vmem_shared>>) offsets(%dma_start3A_33 : memref<128xi32, #tpu.memory_space<vmem>>) semaphore(%run_scoped3A_31 : memref<!tpu.dma_semaphore, #tpu.memory_space<semaphore_mem>>) {add = true}
        %dma_wait3A = arith.constant 0 : i32
        %dma_wait3A_37 = tpu.memref_slice %arg6[%scan3A_30, %dma_wait3A] : memref<80x128xi32, #tpu.memory_space<vmem>> -> memref<1x128xi32, #tpu.memory_space<vmem>>
        %dma_wait3A_38 = tpu.memref_squeeze %dma_wait3A_37 : memref<1x128xi32, #tpu.memory_space<vmem>> -> memref<128xi32, #tpu.memory_space<vmem>>
        %dma_wait3A_39 = arith.constant 0 : i32
        %dma_wait3A_40 = arith.constant 0 : i32
        %dma_wait3A_41 = tpu.memref_slice %arg8[%dma_wait3A_39, %dma_wait3A_40] : memref<10248x128xf32, #tpu.memory_space<vmem_shared>> -> memref<10248x128xf32, #tpu.memory_space<vmem_shared>>
        tpu.wait_indirect_dma semaphore(%run_scoped3A_31 : memref<!tpu.dma_semaphore, #tpu.memory_space<semaphore_mem>>) src(%arg7 : memref<128x128xf32, #tpu.memory_space<vmem>>) dst(%dma_wait3A_41 : memref<10248x128xf32, #tpu.memory_space<vmem_shared>>)
        tpu.yield
      }) : () -> ()
    }
    %scan3A_26 = arith.constant 80 : i32
    %barrier3A_27 = arith.constant 0 : index
    tpu.barrier barrier_id(%barrier3A_27)
    %run_scoped3A_28 = arith.constant 1 : i32
    "tpu.region"() ({
      %run_scoped3A_30 = tpu.sem_alloc : memref<!tpu.dma_semaphore, #tpu.memory_space<semaphore_mem>>
      %dma_start3A = arith.constant 0 : i32
      %dma_start3A_31 = tpu.memref_slice %arg5[%run_scoped3A_28, %arg0, %mul3A_0, %dma_start3A] : memref<2x2x10240x128xf32, #tpu.memory_space<hbm>> -> memref<1x1x640x128xf32, #tpu.memory_space<hbm>>
      %dma_start3A_32 = tpu.memref_squeeze %dma_start3A_31 : memref<1x1x640x128xf32, #tpu.memory_space<hbm>> -> memref<640x128xf32, #tpu.memory_space<hbm>>
      %dma_start3A_33 = arith.constant 0 : i32
      %dma_start3A_34 = tpu.memref_slice %arg8[%mul3A_0, %dma_start3A_33] : memref<10248x128xf32, #tpu.memory_space<vmem_shared>> -> memref<640x128xf32, #tpu.memory_space<vmem_shared>>
      tpu.enqueue_dma source(%dma_start3A_34 : memref<640x128xf32, #tpu.memory_space<vmem_shared>>) target(%dma_start3A_32 : memref<640x128xf32, #tpu.memory_space<hbm>>) target_semaphore(%run_scoped3A_30 : memref<!tpu.dma_semaphore, #tpu.memory_space<semaphore_mem>>)
      %dma_wait3A = arith.constant 0 : i32
      %dma_wait3A_35 = tpu.memref_slice %arg5[%run_scoped3A_28, %arg0, %mul3A_0, %dma_wait3A] : memref<2x2x10240x128xf32, #tpu.memory_space<hbm>> -> memref<1x1x640x128xf32, #tpu.memory_space<hbm>>
      %dma_wait3A_36 = tpu.memref_squeeze %dma_wait3A_35 : memref<1x1x640x128xf32, #tpu.memory_space<hbm>> -> memref<640x128xf32, #tpu.memory_space<hbm>>
      %dma_wait3A_37 = arith.constant 0 : i32
      %dma_wait3A_38 = tpu.memref_slice %arg8[%mul3A_0, %dma_wait3A_37] : memref<10248x128xf32, #tpu.memory_space<vmem_shared>> -> memref<640x128xf32, #tpu.memory_space<vmem_shared>>
      tpu.wait_dma2 semaphore(%run_scoped3A_30 : memref<!tpu.dma_semaphore, #tpu.memory_space<semaphore_mem>>) src(%dma_wait3A_38 : memref<640x128xf32, #tpu.memory_space<vmem_shared>>) dst(%dma_wait3A_36 : memref<640x128xf32, #tpu.memory_space<hbm>>)
      tpu.yield
    }) : () -> ()
    %barrier3A_29 = arith.constant 0 : index
    tpu.barrier barrier_id(%barrier3A_29)
    return
  }
}

#map = affine_map<(d0, d1) -> (0, 0, 0)>
#map1 = affine_map<(d0, d1) -> (0, 0)>
module attributes {stable_mosaic.version = 14 : i64} {
  func.func @_sc_scatter_body(%arg0: i32, %arg1: i32, %arg2: memref<4x20480x128xf32, #tpu.memory_space<hbm>>, %arg3: memref<4x1280x128xi32, #tpu.memory_space<hbm>>, %arg4: memref<4x1280x128xi32, #tpu.memory_space<hbm>>, %arg5: memref<10248x128xf32, #tpu.memory_space<hbm>>, %arg6: memref<2x20480x128xf32, #tpu.memory_space<hbm>>, %arg7: memref<2x20480x128xf32, #tpu.memory_space<hbm>>, %arg8: memref<80x128xi32, #tpu.memory_space<vmem>>, %arg9: memref<80x128xi32, #tpu.memory_space<vmem>>, %arg10: memref<128x128xf32, #tpu.memory_space<vmem>>, %arg11: memref<10248x128xf32, #tpu.memory_space<vmem_shared>>) attributes {dimension_semantics = [#tpu.dimension_semantics<core_parallel>, #tpu.dimension_semantics<subcore_parallel>], iteration_bounds = array<i64: 2, 16>, scalar_prefetch = 0 : i64, scratch_operands = 4 : i64, tpu.core_type = #tpu.core_type<sc_vector_subcore>, window_params = [{transform_indices = #map}, {transform_indices = #map}, {transform_indices = #map}, {transform_indices = #map1}, {transform_indices = #map}, {transform_indices = #map}]} {
    %mul3A = arith.constant 640 : i32
    %mul3A_0 = arith.muli %arg1, %mul3A : i32
    "tpu.region"() ({
      %run_scoped3A_72 = tpu.sem_alloc : memref<!tpu.dma_semaphore, #tpu.memory_space<semaphore_mem>>
      %dma_start3A = arith.constant 0 : i32
      %dma_start3A_73 = tpu.memref_slice %arg11[%mul3A_0, %dma_start3A] : memref<10248x128xf32, #tpu.memory_space<vmem_shared>> -> memref<640x128xf32, #tpu.memory_space<vmem_shared>>
      %dma_start3A_74 = arith.constant 0 : i32
      %dma_start3A_75 = tpu.memref_slice %arg5[%mul3A_0, %dma_start3A_74] : memref<10248x128xf32, #tpu.memory_space<hbm>> -> memref<640x128xf32, #tpu.memory_space<hbm>>
      tpu.enqueue_dma source(%dma_start3A_75 : memref<640x128xf32, #tpu.memory_space<hbm>>) target(%dma_start3A_73 : memref<640x128xf32, #tpu.memory_space<vmem_shared>>) target_semaphore(%run_scoped3A_72 : memref<!tpu.dma_semaphore, #tpu.memory_space<semaphore_mem>>)
      %dma_wait3A = arith.constant 0 : i32
      %dma_wait3A_76 = tpu.memref_slice %arg11[%mul3A_0, %dma_wait3A] : memref<10248x128xf32, #tpu.memory_space<vmem_shared>> -> memref<640x128xf32, #tpu.memory_space<vmem_shared>>
      %dma_wait3A_77 = arith.constant 0 : i32
      %dma_wait3A_78 = tpu.memref_slice %arg5[%mul3A_0, %dma_wait3A_77] : memref<10248x128xf32, #tpu.memory_space<hbm>> -> memref<640x128xf32, #tpu.memory_space<hbm>>
      tpu.wait_dma2 semaphore(%run_scoped3A_72 : memref<!tpu.dma_semaphore, #tpu.memory_space<semaphore_mem>>) src(%dma_wait3A_78 : memref<640x128xf32, #tpu.memory_space<hbm>>) dst(%dma_wait3A_76 : memref<640x128xf32, #tpu.memory_space<vmem_shared>>)
      tpu.yield
    }) : () -> ()
    %eq3A = arith.constant 0 : i32
    %eq3A_1 = arith.cmpi eq, %arg1, %eq3A : i32
    %convert_element_type3A = arith.extui %eq3A_1 : i1 to i32
    %cond3A = arith.constant 0 : i32
    %cond3A_2 = arith.cmpi ne, %convert_element_type3A, %cond3A : i32
    scf.if %cond3A_2 {
      "tpu.region"() ({
        %run_scoped3A_72 = tpu.sem_alloc : memref<!tpu.dma_semaphore, #tpu.memory_space<semaphore_mem>>
        %dma_start3A = arith.constant 10240 : i32
        %dma_start3A_73 = arith.constant 0 : i32
        %dma_start3A_74 = tpu.memref_slice %arg11[%dma_start3A, %dma_start3A_73] : memref<10248x128xf32, #tpu.memory_space<vmem_shared>> -> memref<8x128xf32, #tpu.memory_space<vmem_shared>>
        %dma_start3A_75 = arith.constant 10240 : i32
        %dma_start3A_76 = arith.constant 0 : i32
        %dma_start3A_77 = tpu.memref_slice %arg5[%dma_start3A_75, %dma_start3A_76] : memref<10248x128xf32, #tpu.memory_space<hbm>> -> memref<8x128xf32, #tpu.memory_space<hbm>>
        tpu.enqueue_dma source(%dma_start3A_77 : memref<8x128xf32, #tpu.memory_space<hbm>>) target(%dma_start3A_74 : memref<8x128xf32, #tpu.memory_space<vmem_shared>>) target_semaphore(%run_scoped3A_72 : memref<!tpu.dma_semaphore, #tpu.memory_space<semaphore_mem>>)
        %dma_wait3A = arith.constant 10240 : i32
        %dma_wait3A_78 = arith.constant 0 : i32
        %dma_wait3A_79 = tpu.memref_slice %arg11[%dma_wait3A, %dma_wait3A_78] : memref<10248x128xf32, #tpu.memory_space<vmem_shared>> -> memref<8x128xf32, #tpu.memory_space<vmem_shared>>
        %dma_wait3A_80 = arith.constant 10240 : i32
        %dma_wait3A_81 = arith.constant 0 : i32
        %dma_wait3A_82 = tpu.memref_slice %arg5[%dma_wait3A_80, %dma_wait3A_81] : memref<10248x128xf32, #tpu.memory_space<hbm>> -> memref<8x128xf32, #tpu.memory_space<hbm>>
        tpu.wait_dma2 semaphore(%run_scoped3A_72 : memref<!tpu.dma_semaphore, #tpu.memory_space<semaphore_mem>>) src(%dma_wait3A_82 : memref<8x128xf32, #tpu.memory_space<hbm>>) dst(%dma_wait3A_79 : memref<8x128xf32, #tpu.memory_space<vmem_shared>>)
        tpu.yield
      }) : () -> ()
    } else {
    }
    %barrier3A = arith.constant 0 : index
    tpu.barrier barrier_id(%barrier3A)
    %add3A = arith.constant 0 : i32
    %add3A_3 = arith.addi %add3A, %arg0 : i32
    %mul3A_4 = arith.constant 80 : i32
    %mul3A_5 = arith.muli %arg1, %mul3A_4 : i32
    %run_scoped3A = arith.constant 0 : i32
    "tpu.region"() ({
      %run_scoped3A_72 = tpu.sem_alloc : memref<!tpu.dma_semaphore, #tpu.memory_space<semaphore_mem>>
      %dma_start3A = arith.constant 0 : i32
      %dma_start3A_73 = tpu.memref_slice %arg3[%run_scoped3A, %mul3A_5, %dma_start3A] : memref<4x1280x128xi32, #tpu.memory_space<hbm>> -> memref<1x80x128xi32, #tpu.memory_space<hbm>>
      %dma_start3A_74 = tpu.memref_squeeze %dma_start3A_73 : memref<1x80x128xi32, #tpu.memory_space<hbm>> -> memref<80x128xi32, #tpu.memory_space<hbm>>
      %dma_start3A_75 = arith.constant 0 : i32
      %dma_start3A_76 = tpu.memref_slice %arg3[%run_scoped3A, %mul3A_5, %dma_start3A_75] : memref<4x1280x128xi32, #tpu.memory_space<hbm>> -> memref<1x80x128xi32, #tpu.memory_space<hbm>>
      %dma_start3A_77 = tpu.memref_squeeze %dma_start3A_76 : memref<1x80x128xi32, #tpu.memory_space<hbm>> -> memref<80x128xi32, #tpu.memory_space<hbm>>
      tpu.enqueue_dma source(%dma_start3A_77 : memref<80x128xi32, #tpu.memory_space<hbm>>) target(%arg8 : memref<80x128xi32, #tpu.memory_space<vmem>>) target_semaphore(%run_scoped3A_72 : memref<!tpu.dma_semaphore, #tpu.memory_space<semaphore_mem>>)
      %dma_wait3A = arith.constant 0 : i32
      %dma_wait3A_78 = tpu.memref_slice %arg3[%run_scoped3A, %mul3A_5, %dma_wait3A] : memref<4x1280x128xi32, #tpu.memory_space<hbm>> -> memref<1x80x128xi32, #tpu.memory_space<hbm>>
      %dma_wait3A_79 = tpu.memref_squeeze %dma_wait3A_78 : memref<1x80x128xi32, #tpu.memory_space<hbm>> -> memref<80x128xi32, #tpu.memory_space<hbm>>
      %dma_wait3A_80 = arith.constant 0 : i32
      %dma_wait3A_81 = tpu.memref_slice %arg3[%run_scoped3A, %mul3A_5, %dma_wait3A_80] : memref<4x1280x128xi32, #tpu.memory_space<hbm>> -> memref<1x80x128xi32, #tpu.memory_space<hbm>>
      %dma_wait3A_82 = tpu.memref_squeeze %dma_wait3A_81 : memref<1x80x128xi32, #tpu.memory_space<hbm>> -> memref<80x128xi32, #tpu.memory_space<hbm>>
      tpu.wait_dma2 semaphore(%run_scoped3A_72 : memref<!tpu.dma_semaphore, #tpu.memory_space<semaphore_mem>>) src(%dma_wait3A_82 : memref<80x128xi32, #tpu.memory_space<hbm>>) dst(%arg8 : memref<80x128xi32, #tpu.memory_space<vmem>>)
      tpu.yield
    }) : () -> ()
    %mul3A_6 = arith.constant 80 : i32
    %mul3A_7 = arith.muli %arg1, %mul3A_6 : i32
    %run_scoped3A_8 = arith.constant 0 : i32
    "tpu.region"() ({
      %run_scoped3A_72 = tpu.sem_alloc : memref<!tpu.dma_semaphore, #tpu.memory_space<semaphore_mem>>
      %dma_start3A = arith.constant 0 : i32
      %dma_start3A_73 = tpu.memref_slice %arg4[%run_scoped3A_8, %mul3A_7, %dma_start3A] : memref<4x1280x128xi32, #tpu.memory_space<hbm>> -> memref<1x80x128xi32, #tpu.memory_space<hbm>>
      %dma_start3A_74 = tpu.memref_squeeze %dma_start3A_73 : memref<1x80x128xi32, #tpu.memory_space<hbm>> -> memref<80x128xi32, #tpu.memory_space<hbm>>
      %dma_start3A_75 = arith.constant 0 : i32
      %dma_start3A_76 = tpu.memref_slice %arg4[%run_scoped3A_8, %mul3A_7, %dma_start3A_75] : memref<4x1280x128xi32, #tpu.memory_space<hbm>> -> memref<1x80x128xi32, #tpu.memory_space<hbm>>
      %dma_start3A_77 = tpu.memref_squeeze %dma_start3A_76 : memref<1x80x128xi32, #tpu.memory_space<hbm>> -> memref<80x128xi32, #tpu.memory_space<hbm>>
      tpu.enqueue_dma source(%dma_start3A_77 : memref<80x128xi32, #tpu.memory_space<hbm>>) target(%arg9 : memref<80x128xi32, #tpu.memory_space<vmem>>) target_semaphore(%run_scoped3A_72 : memref<!tpu.dma_semaphore, #tpu.memory_space<semaphore_mem>>)
      %dma_wait3A = arith.constant 0 : i32
      %dma_wait3A_78 = tpu.memref_slice %arg4[%run_scoped3A_8, %mul3A_7, %dma_wait3A] : memref<4x1280x128xi32, #tpu.memory_space<hbm>> -> memref<1x80x128xi32, #tpu.memory_space<hbm>>
      %dma_wait3A_79 = tpu.memref_squeeze %dma_wait3A_78 : memref<1x80x128xi32, #tpu.memory_space<hbm>> -> memref<80x128xi32, #tpu.memory_space<hbm>>
      %dma_wait3A_80 = arith.constant 0 : i32
      %dma_wait3A_81 = tpu.memref_slice %arg4[%run_scoped3A_8, %mul3A_7, %dma_wait3A_80] : memref<4x1280x128xi32, #tpu.memory_space<hbm>> -> memref<1x80x128xi32, #tpu.memory_space<hbm>>
      %dma_wait3A_82 = tpu.memref_squeeze %dma_wait3A_81 : memref<1x80x128xi32, #tpu.memory_space<hbm>> -> memref<80x128xi32, #tpu.memory_space<hbm>>
      tpu.wait_dma2 semaphore(%run_scoped3A_72 : memref<!tpu.dma_semaphore, #tpu.memory_space<semaphore_mem>>) src(%dma_wait3A_82 : memref<80x128xi32, #tpu.memory_space<hbm>>) dst(%arg9 : memref<80x128xi32, #tpu.memory_space<vmem>>)
      tpu.yield
    }) : () -> ()
    %scan3A = arith.constant 0 : i32
    %scan3A_9 = arith.constant 0 : i32
    %scan3A_10 = arith.constant 80 : i32
    %scan3A_11 = arith.addi %scan3A_9, %scan3A_10 : i32
    %scan3A_12 = arith.constant 1 : i32
    scf.for %scan3A_72 = %scan3A_9 to %scan3A_11 step %scan3A_12  : i32 {
      "tpu.region"() ({
        %run_scoped3A_73 = tpu.sem_alloc : memref<!tpu.dma_semaphore, #tpu.memory_space<semaphore_mem>>
        %dma_start3A = arith.constant 0 : i32
        %dma_start3A_74 = tpu.memref_slice %arg8[%scan3A_72, %dma_start3A] : memref<80x128xi32, #tpu.memory_space<vmem>> -> memref<1x128xi32, #tpu.memory_space<vmem>>
        %dma_start3A_75 = tpu.memref_squeeze %dma_start3A_74 : memref<1x128xi32, #tpu.memory_space<vmem>> -> memref<128xi32, #tpu.memory_space<vmem>>
        %dma_start3A_76 = arith.constant 0 : i32
        %dma_start3A_77 = arith.constant 0 : i32
        %dma_start3A_78 = tpu.memref_slice %arg2[%add3A_3, %dma_start3A_76, %dma_start3A_77] : memref<4x20480x128xf32, #tpu.memory_space<hbm>> -> memref<1x20480x128xf32, #tpu.memory_space<hbm>>
        %dma_start3A_79 = tpu.memref_squeeze %dma_start3A_78 : memref<1x20480x128xf32, #tpu.memory_space<hbm>> -> memref<20480x128xf32, #tpu.memory_space<hbm>>
        %dma_start3A_80 = arith.constant 0 : i32
        %dma_start3A_81 = arith.constant 0 : i32
        %dma_start3A_82 = tpu.memref_slice %dma_start3A_79[%dma_start3A_80, %dma_start3A_81] : memref<20480x128xf32, #tpu.memory_space<hbm>> -> memref<20480x128xf32, #tpu.memory_space<hbm>>
        tpu.enqueue_indirect_dma source(%dma_start3A_82 : memref<20480x128xf32, #tpu.memory_space<hbm>>) target(%arg10 : memref<128x128xf32, #tpu.memory_space<vmem>>) offsets(%dma_start3A_75 : memref<128xi32, #tpu.memory_space<vmem>>) semaphore(%run_scoped3A_73 : memref<!tpu.dma_semaphore, #tpu.memory_space<semaphore_mem>>)
        %dma_wait3A = arith.constant 0 : i32
        %dma_wait3A_83 = tpu.memref_slice %arg8[%scan3A_72, %dma_wait3A] : memref<80x128xi32, #tpu.memory_space<vmem>> -> memref<1x128xi32, #tpu.memory_space<vmem>>
        %dma_wait3A_84 = tpu.memref_squeeze %dma_wait3A_83 : memref<1x128xi32, #tpu.memory_space<vmem>> -> memref<128xi32, #tpu.memory_space<vmem>>
        %dma_wait3A_85 = arith.constant 0 : i32
        %dma_wait3A_86 = arith.constant 0 : i32
        %dma_wait3A_87 = tpu.memref_slice %arg2[%add3A_3, %dma_wait3A_85, %dma_wait3A_86] : memref<4x20480x128xf32, #tpu.memory_space<hbm>> -> memref<1x20480x128xf32, #tpu.memory_space<hbm>>
        %dma_wait3A_88 = tpu.memref_squeeze %dma_wait3A_87 : memref<1x20480x128xf32, #tpu.memory_space<hbm>> -> memref<20480x128xf32, #tpu.memory_space<hbm>>
        %dma_wait3A_89 = arith.constant 0 : i32
        %dma_wait3A_90 = arith.constant 0 : i32
        %dma_wait3A_91 = tpu.memref_slice %dma_wait3A_88[%dma_wait3A_89, %dma_wait3A_90] : memref<20480x128xf32, #tpu.memory_space<hbm>> -> memref<20480x128xf32, #tpu.memory_space<hbm>>
        tpu.wait_indirect_dma semaphore(%run_scoped3A_73 : memref<!tpu.dma_semaphore, #tpu.memory_space<semaphore_mem>>) src(%dma_wait3A_91 : memref<20480x128xf32, #tpu.memory_space<hbm>>) dst(%arg10 : memref<128x128xf32, #tpu.memory_space<vmem>>)
        tpu.yield
      }) : () -> ()
      "tpu.region"() ({
        %run_scoped3A_73 = tpu.sem_alloc : memref<!tpu.dma_semaphore, #tpu.memory_space<semaphore_mem>>
        %dma_start3A = arith.constant 0 : i32
        %dma_start3A_74 = tpu.memref_slice %arg9[%scan3A_72, %dma_start3A] : memref<80x128xi32, #tpu.memory_space<vmem>> -> memref<1x128xi32, #tpu.memory_space<vmem>>
        %dma_start3A_75 = tpu.memref_squeeze %dma_start3A_74 : memref<1x128xi32, #tpu.memory_space<vmem>> -> memref<128xi32, #tpu.memory_space<vmem>>
        %dma_start3A_76 = arith.constant 0 : i32
        %dma_start3A_77 = arith.constant 0 : i32
        %dma_start3A_78 = tpu.memref_slice %arg11[%dma_start3A_76, %dma_start3A_77] : memref<10248x128xf32, #tpu.memory_space<vmem_shared>> -> memref<10248x128xf32, #tpu.memory_space<vmem_shared>>
        tpu.enqueue_indirect_dma source(%arg10 : memref<128x128xf32, #tpu.memory_space<vmem>>) target(%dma_start3A_78 : memref<10248x128xf32, #tpu.memory_space<vmem_shared>>) offsets(%dma_start3A_75 : memref<128xi32, #tpu.memory_space<vmem>>) semaphore(%run_scoped3A_73 : memref<!tpu.dma_semaphore, #tpu.memory_space<semaphore_mem>>) {add = true}
        %dma_wait3A = arith.constant 0 : i32
        %dma_wait3A_79 = tpu.memref_slice %arg9[%scan3A_72, %dma_wait3A] : memref<80x128xi32, #tpu.memory_space<vmem>> -> memref<1x128xi32, #tpu.memory_space<vmem>>
        %dma_wait3A_80 = tpu.memref_squeeze %dma_wait3A_79 : memref<1x128xi32, #tpu.memory_space<vmem>> -> memref<128xi32, #tpu.memory_space<vmem>>
        %dma_wait3A_81 = arith.constant 0 : i32
        %dma_wait3A_82 = arith.constant 0 : i32
        %dma_wait3A_83 = tpu.memref_slice %arg11[%dma_wait3A_81, %dma_wait3A_82] : memref<10248x128xf32, #tpu.memory_space<vmem_shared>> -> memref<10248x128xf32, #tpu.memory_space<vmem_shared>>
        tpu.wait_indirect_dma semaphore(%run_scoped3A_73 : memref<!tpu.dma_semaphore, #tpu.memory_space<semaphore_mem>>) src(%arg10 : memref<128x128xf32, #tpu.memory_space<vmem>>) dst(%dma_wait3A_83 : memref<10248x128xf32, #tpu.memory_space<vmem_shared>>)
        tpu.yield
      }) : () -> ()
    }
    %scan3A_13 = arith.constant 80 : i32
    %barrier3A_14 = arith.constant 0 : index
    tpu.barrier barrier_id(%barrier3A_14)
    %add3A_15 = arith.constant 0 : i32
    %add3A_16 = arith.addi %add3A_15, %mul3A_0 : i32
    "tpu.region"() ({
      %run_scoped3A_72 = tpu.sem_alloc : memref<!tpu.dma_semaphore, #tpu.memory_space<semaphore_mem>>
      %dma_start3A = arith.constant 0 : i32
      %dma_start3A_73 = tpu.memref_slice %arg6[%arg0, %add3A_16, %dma_start3A] : memref<2x20480x128xf32, #tpu.memory_space<hbm>> -> memref<1x640x128xf32, #tpu.memory_space<hbm>>
      %dma_start3A_74 = tpu.memref_squeeze %dma_start3A_73 : memref<1x640x128xf32, #tpu.memory_space<hbm>> -> memref<640x128xf32, #tpu.memory_space<hbm>>
      %dma_start3A_75 = arith.constant 0 : i32
      %dma_start3A_76 = tpu.memref_slice %arg11[%mul3A_0, %dma_start3A_75] : memref<10248x128xf32, #tpu.memory_space<vmem_shared>> -> memref<640x128xf32, #tpu.memory_space<vmem_shared>>
      tpu.enqueue_dma source(%dma_start3A_76 : memref<640x128xf32, #tpu.memory_space<vmem_shared>>) target(%dma_start3A_74 : memref<640x128xf32, #tpu.memory_space<hbm>>) target_semaphore(%run_scoped3A_72 : memref<!tpu.dma_semaphore, #tpu.memory_space<semaphore_mem>>)
      %dma_wait3A = arith.constant 0 : i32
      %dma_wait3A_77 = tpu.memref_slice %arg6[%arg0, %add3A_16, %dma_wait3A] : memref<2x20480x128xf32, #tpu.memory_space<hbm>> -> memref<1x640x128xf32, #tpu.memory_space<hbm>>
      %dma_wait3A_78 = tpu.memref_squeeze %dma_wait3A_77 : memref<1x640x128xf32, #tpu.memory_space<hbm>> -> memref<640x128xf32, #tpu.memory_space<hbm>>
      %dma_wait3A_79 = arith.constant 0 : i32
      %dma_wait3A_80 = tpu.memref_slice %arg11[%mul3A_0, %dma_wait3A_79] : memref<10248x128xf32, #tpu.memory_space<vmem_shared>> -> memref<640x128xf32, #tpu.memory_space<vmem_shared>>
      tpu.wait_dma2 semaphore(%run_scoped3A_72 : memref<!tpu.dma_semaphore, #tpu.memory_space<semaphore_mem>>) src(%dma_wait3A_80 : memref<640x128xf32, #tpu.memory_space<vmem_shared>>) dst(%dma_wait3A_78 : memref<640x128xf32, #tpu.memory_space<hbm>>)
      tpu.yield
    }) : () -> ()
    "tpu.region"() ({
      %run_scoped3A_72 = tpu.sem_alloc : memref<!tpu.dma_semaphore, #tpu.memory_space<semaphore_mem>>
      %dma_start3A = arith.constant 0 : i32
      %dma_start3A_73 = tpu.memref_slice %arg11[%mul3A_0, %dma_start3A] : memref<10248x128xf32, #tpu.memory_space<vmem_shared>> -> memref<640x128xf32, #tpu.memory_space<vmem_shared>>
      %dma_start3A_74 = arith.constant 0 : i32
      %dma_start3A_75 = tpu.memref_slice %arg5[%mul3A_0, %dma_start3A_74] : memref<10248x128xf32, #tpu.memory_space<hbm>> -> memref<640x128xf32, #tpu.memory_space<hbm>>
      tpu.enqueue_dma source(%dma_start3A_75 : memref<640x128xf32, #tpu.memory_space<hbm>>) target(%dma_start3A_73 : memref<640x128xf32, #tpu.memory_space<vmem_shared>>) target_semaphore(%run_scoped3A_72 : memref<!tpu.dma_semaphore, #tpu.memory_space<semaphore_mem>>)
      %dma_wait3A = arith.constant 0 : i32
      %dma_wait3A_76 = tpu.memref_slice %arg11[%mul3A_0, %dma_wait3A] : memref<10248x128xf32, #tpu.memory_space<vmem_shared>> -> memref<640x128xf32, #tpu.memory_space<vmem_shared>>
      %dma_wait3A_77 = arith.constant 0 : i32
      %dma_wait3A_78 = tpu.memref_slice %arg5[%mul3A_0, %dma_wait3A_77] : memref<10248x128xf32, #tpu.memory_space<hbm>> -> memref<640x128xf32, #tpu.memory_space<hbm>>
      tpu.wait_dma2 semaphore(%run_scoped3A_72 : memref<!tpu.dma_semaphore, #tpu.memory_space<semaphore_mem>>) src(%dma_wait3A_78 : memref<640x128xf32, #tpu.memory_space<hbm>>) dst(%dma_wait3A_76 : memref<640x128xf32, #tpu.memory_space<vmem_shared>>)
      tpu.yield
    }) : () -> ()
    %barrier3A_17 = arith.constant 0 : index
    tpu.barrier barrier_id(%barrier3A_17)
    %add3A_18 = arith.constant 2 : i32
    %add3A_19 = arith.addi %add3A_18, %arg0 : i32
    %mul3A_20 = arith.constant 80 : i32
    %mul3A_21 = arith.muli %arg1, %mul3A_20 : i32
    %run_scoped3A_22 = arith.constant 1 : i32
    "tpu.region"() ({
      %run_scoped3A_72 = tpu.sem_alloc : memref<!tpu.dma_semaphore, #tpu.memory_space<semaphore_mem>>
      %dma_start3A = arith.constant 0 : i32
      %dma_start3A_73 = tpu.memref_slice %arg3[%run_scoped3A_22, %mul3A_21, %dma_start3A] : memref<4x1280x128xi32, #tpu.memory_space<hbm>> -> memref<1x80x128xi32, #tpu.memory_space<hbm>>
      %dma_start3A_74 = tpu.memref_squeeze %dma_start3A_73 : memref<1x80x128xi32, #tpu.memory_space<hbm>> -> memref<80x128xi32, #tpu.memory_space<hbm>>
      %dma_start3A_75 = arith.constant 0 : i32
      %dma_start3A_76 = tpu.memref_slice %arg3[%run_scoped3A_22, %mul3A_21, %dma_start3A_75] : memref<4x1280x128xi32, #tpu.memory_space<hbm>> -> memref<1x80x128xi32, #tpu.memory_space<hbm>>
      %dma_start3A_77 = tpu.memref_squeeze %dma_start3A_76 : memref<1x80x128xi32, #tpu.memory_space<hbm>> -> memref<80x128xi32, #tpu.memory_space<hbm>>
      tpu.enqueue_dma source(%dma_start3A_77 : memref<80x128xi32, #tpu.memory_space<hbm>>) target(%arg8 : memref<80x128xi32, #tpu.memory_space<vmem>>) target_semaphore(%run_scoped3A_72 : memref<!tpu.dma_semaphore, #tpu.memory_space<semaphore_mem>>)
      %dma_wait3A = arith.constant 0 : i32
      %dma_wait3A_78 = tpu.memref_slice %arg3[%run_scoped3A_22, %mul3A_21, %dma_wait3A] : memref<4x1280x128xi32, #tpu.memory_space<hbm>> -> memref<1x80x128xi32, #tpu.memory_space<hbm>>
      %dma_wait3A_79 = tpu.memref_squeeze %dma_wait3A_78 : memref<1x80x128xi32, #tpu.memory_space<hbm>> -> memref<80x128xi32, #tpu.memory_space<hbm>>
      %dma_wait3A_80 = arith.constant 0 : i32
      %dma_wait3A_81 = tpu.memref_slice %arg3[%run_scoped3A_22, %mul3A_21, %dma_wait3A_80] : memref<4x1280x128xi32, #tpu.memory_space<hbm>> -> memref<1x80x128xi32, #tpu.memory_space<hbm>>
      %dma_wait3A_82 = tpu.memref_squeeze %dma_wait3A_81 : memref<1x80x128xi32, #tpu.memory_space<hbm>> -> memref<80x128xi32, #tpu.memory_space<hbm>>
      tpu.wait_dma2 semaphore(%run_scoped3A_72 : memref<!tpu.dma_semaphore, #tpu.memory_space<semaphore_mem>>) src(%dma_wait3A_82 : memref<80x128xi32, #tpu.memory_space<hbm>>) dst(%arg8 : memref<80x128xi32, #tpu.memory_space<vmem>>)
      tpu.yield
    }) : () -> ()
    %mul3A_23 = arith.constant 80 : i32
    %mul3A_24 = arith.muli %arg1, %mul3A_23 : i32
    %run_scoped3A_25 = arith.constant 1 : i32
    "tpu.region"() ({
      %run_scoped3A_72 = tpu.sem_alloc : memref<!tpu.dma_semaphore, #tpu.memory_space<semaphore_mem>>
      %dma_start3A = arith.constant 0 : i32
      %dma_start3A_73 = tpu.memref_slice %arg4[%run_scoped3A_25, %mul3A_24, %dma_start3A] : memref<4x1280x128xi32, #tpu.memory_space<hbm>> -> memref<1x80x128xi32, #tpu.memory_space<hbm>>
      %dma_start3A_74 = tpu.memref_squeeze %dma_start3A_73 : memref<1x80x128xi32, #tpu.memory_space<hbm>> -> memref<80x128xi32, #tpu.memory_space<hbm>>
      %dma_start3A_75 = arith.constant 0 : i32
      %dma_start3A_76 = tpu.memref_slice %arg4[%run_scoped3A_25, %mul3A_24, %dma_start3A_75] : memref<4x1280x128xi32, #tpu.memory_space<hbm>> -> memref<1x80x128xi32, #tpu.memory_space<hbm>>
      %dma_start3A_77 = tpu.memref_squeeze %dma_start3A_76 : memref<1x80x128xi32, #tpu.memory_space<hbm>> -> memref<80x128xi32, #tpu.memory_space<hbm>>
      tpu.enqueue_dma source(%dma_start3A_77 : memref<80x128xi32, #tpu.memory_space<hbm>>) target(%arg9 : memref<80x128xi32, #tpu.memory_space<vmem>>) target_semaphore(%run_scoped3A_72 : memref<!tpu.dma_semaphore, #tpu.memory_space<semaphore_mem>>)
      %dma_wait3A = arith.constant 0 : i32
      %dma_wait3A_78 = tpu.memref_slice %arg4[%run_scoped3A_25, %mul3A_24, %dma_wait3A] : memref<4x1280x128xi32, #tpu.memory_space<hbm>> -> memref<1x80x128xi32, #tpu.memory_space<hbm>>
      %dma_wait3A_79 = tpu.memref_squeeze %dma_wait3A_78 : memref<1x80x128xi32, #tpu.memory_space<hbm>> -> memref<80x128xi32, #tpu.memory_space<hbm>>
      %dma_wait3A_80 = arith.constant 0 : i32
      %dma_wait3A_81 = tpu.memref_slice %arg4[%run_scoped3A_25, %mul3A_24, %dma_wait3A_80] : memref<4x1280x128xi32, #tpu.memory_space<hbm>> -> memref<1x80x128xi32, #tpu.memory_space<hbm>>
      %dma_wait3A_82 = tpu.memref_squeeze %dma_wait3A_81 : memref<1x80x128xi32, #tpu.memory_space<hbm>> -> memref<80x128xi32, #tpu.memory_space<hbm>>
      tpu.wait_dma2 semaphore(%run_scoped3A_72 : memref<!tpu.dma_semaphore, #tpu.memory_space<semaphore_mem>>) src(%dma_wait3A_82 : memref<80x128xi32, #tpu.memory_space<hbm>>) dst(%arg9 : memref<80x128xi32, #tpu.memory_space<vmem>>)
      tpu.yield
    }) : () -> ()
    %scan3A_26 = arith.constant 0 : i32
    %scan3A_27 = arith.constant 0 : i32
    %scan3A_28 = arith.constant 80 : i32
    %scan3A_29 = arith.addi %scan3A_27, %scan3A_28 : i32
    %scan3A_30 = arith.constant 1 : i32
    scf.for %scan3A_72 = %scan3A_27 to %scan3A_29 step %scan3A_30  : i32 {
      "tpu.region"() ({
        %run_scoped3A_73 = tpu.sem_alloc : memref<!tpu.dma_semaphore, #tpu.memory_space<semaphore_mem>>
        %dma_start3A = arith.constant 0 : i32
        %dma_start3A_74 = tpu.memref_slice %arg8[%scan3A_72, %dma_start3A] : memref<80x128xi32, #tpu.memory_space<vmem>> -> memref<1x128xi32, #tpu.memory_space<vmem>>
        %dma_start3A_75 = tpu.memref_squeeze %dma_start3A_74 : memref<1x128xi32, #tpu.memory_space<vmem>> -> memref<128xi32, #tpu.memory_space<vmem>>
        %dma_start3A_76 = arith.constant 0 : i32
        %dma_start3A_77 = arith.constant 0 : i32
        %dma_start3A_78 = tpu.memref_slice %arg2[%add3A_19, %dma_start3A_76, %dma_start3A_77] : memref<4x20480x128xf32, #tpu.memory_space<hbm>> -> memref<1x20480x128xf32, #tpu.memory_space<hbm>>
        %dma_start3A_79 = tpu.memref_squeeze %dma_start3A_78 : memref<1x20480x128xf32, #tpu.memory_space<hbm>> -> memref<20480x128xf32, #tpu.memory_space<hbm>>
        %dma_start3A_80 = arith.constant 0 : i32
        %dma_start3A_81 = arith.constant 0 : i32
        %dma_start3A_82 = tpu.memref_slice %dma_start3A_79[%dma_start3A_80, %dma_start3A_81] : memref<20480x128xf32, #tpu.memory_space<hbm>> -> memref<20480x128xf32, #tpu.memory_space<hbm>>
        tpu.enqueue_indirect_dma source(%dma_start3A_82 : memref<20480x128xf32, #tpu.memory_space<hbm>>) target(%arg10 : memref<128x128xf32, #tpu.memory_space<vmem>>) offsets(%dma_start3A_75 : memref<128xi32, #tpu.memory_space<vmem>>) semaphore(%run_scoped3A_73 : memref<!tpu.dma_semaphore, #tpu.memory_space<semaphore_mem>>)
        %dma_wait3A = arith.constant 0 : i32
        %dma_wait3A_83 = tpu.memref_slice %arg8[%scan3A_72, %dma_wait3A] : memref<80x128xi32, #tpu.memory_space<vmem>> -> memref<1x128xi32, #tpu.memory_space<vmem>>
        %dma_wait3A_84 = tpu.memref_squeeze %dma_wait3A_83 : memref<1x128xi32, #tpu.memory_space<vmem>> -> memref<128xi32, #tpu.memory_space<vmem>>
        %dma_wait3A_85 = arith.constant 0 : i32
        %dma_wait3A_86 = arith.constant 0 : i32
        %dma_wait3A_87 = tpu.memref_slice %arg2[%add3A_19, %dma_wait3A_85, %dma_wait3A_86] : memref<4x20480x128xf32, #tpu.memory_space<hbm>> -> memref<1x20480x128xf32, #tpu.memory_space<hbm>>
        %dma_wait3A_88 = tpu.memref_squeeze %dma_wait3A_87 : memref<1x20480x128xf32, #tpu.memory_space<hbm>> -> memref<20480x128xf32, #tpu.memory_space<hbm>>
        %dma_wait3A_89 = arith.constant 0 : i32
        %dma_wait3A_90 = arith.constant 0 : i32
        %dma_wait3A_91 = tpu.memref_slice %dma_wait3A_88[%dma_wait3A_89, %dma_wait3A_90] : memref<20480x128xf32, #tpu.memory_space<hbm>> -> memref<20480x128xf32, #tpu.memory_space<hbm>>
        tpu.wait_indirect_dma semaphore(%run_scoped3A_73 : memref<!tpu.dma_semaphore, #tpu.memory_space<semaphore_mem>>) src(%dma_wait3A_91 : memref<20480x128xf32, #tpu.memory_space<hbm>>) dst(%arg10 : memref<128x128xf32, #tpu.memory_space<vmem>>)
        tpu.yield
      }) : () -> ()
      "tpu.region"() ({
        %run_scoped3A_73 = tpu.sem_alloc : memref<!tpu.dma_semaphore, #tpu.memory_space<semaphore_mem>>
        %dma_start3A = arith.constant 0 : i32
        %dma_start3A_74 = tpu.memref_slice %arg9[%scan3A_72, %dma_start3A] : memref<80x128xi32, #tpu.memory_space<vmem>> -> memref<1x128xi32, #tpu.memory_space<vmem>>
        %dma_start3A_75 = tpu.memref_squeeze %dma_start3A_74 : memref<1x128xi32, #tpu.memory_space<vmem>> -> memref<128xi32, #tpu.memory_space<vmem>>
        %dma_start3A_76 = arith.constant 0 : i32
        %dma_start3A_77 = arith.constant 0 : i32
        %dma_start3A_78 = tpu.memref_slice %arg11[%dma_start3A_76, %dma_start3A_77] : memref<10248x128xf32, #tpu.memory_space<vmem_shared>> -> memref<10248x128xf32, #tpu.memory_space<vmem_shared>>
        tpu.enqueue_indirect_dma source(%arg10 : memref<128x128xf32, #tpu.memory_space<vmem>>) target(%dma_start3A_78 : memref<10248x128xf32, #tpu.memory_space<vmem_shared>>) offsets(%dma_start3A_75 : memref<128xi32, #tpu.memory_space<vmem>>) semaphore(%run_scoped3A_73 : memref<!tpu.dma_semaphore, #tpu.memory_space<semaphore_mem>>) {add = true}
        %dma_wait3A = arith.constant 0 : i32
        %dma_wait3A_79 = tpu.memref_slice %arg9[%scan3A_72, %dma_wait3A] : memref<80x128xi32, #tpu.memory_space<vmem>> -> memref<1x128xi32, #tpu.memory_space<vmem>>
        %dma_wait3A_80 = tpu.memref_squeeze %dma_wait3A_79 : memref<1x128xi32, #tpu.memory_space<vmem>> -> memref<128xi32, #tpu.memory_space<vmem>>
        %dma_wait3A_81 = arith.constant 0 : i32
        %dma_wait3A_82 = arith.constant 0 : i32
        %dma_wait3A_83 = tpu.memref_slice %arg11[%dma_wait3A_81, %dma_wait3A_82] : memref<10248x128xf32, #tpu.memory_space<vmem_shared>> -> memref<10248x128xf32, #tpu.memory_space<vmem_shared>>
        tpu.wait_indirect_dma semaphore(%run_scoped3A_73 : memref<!tpu.dma_semaphore, #tpu.memory_space<semaphore_mem>>) src(%arg10 : memref<128x128xf32, #tpu.memory_space<vmem>>) dst(%dma_wait3A_83 : memref<10248x128xf32, #tpu.memory_space<vmem_shared>>)
        tpu.yield
      }) : () -> ()
    }
    %scan3A_31 = arith.constant 80 : i32
    %barrier3A_32 = arith.constant 0 : index
    tpu.barrier barrier_id(%barrier3A_32)
    %add3A_33 = arith.constant 0 : i32
    %add3A_34 = arith.addi %add3A_33, %mul3A_0 : i32
    "tpu.region"() ({
      %run_scoped3A_72 = tpu.sem_alloc : memref<!tpu.dma_semaphore, #tpu.memory_space<semaphore_mem>>
      %dma_start3A = arith.constant 0 : i32
      %dma_start3A_73 = tpu.memref_slice %arg7[%arg0, %add3A_34, %dma_start3A] : memref<2x20480x128xf32, #tpu.memory_space<hbm>> -> memref<1x640x128xf32, #tpu.memory_space<hbm>>
      %dma_start3A_74 = tpu.memref_squeeze %dma_start3A_73 : memref<1x640x128xf32, #tpu.memory_space<hbm>> -> memref<640x128xf32, #tpu.memory_space<hbm>>
      %dma_start3A_75 = arith.constant 0 : i32
      %dma_start3A_76 = tpu.memref_slice %arg11[%mul3A_0, %dma_start3A_75] : memref<10248x128xf32, #tpu.memory_space<vmem_shared>> -> memref<640x128xf32, #tpu.memory_space<vmem_shared>>
      tpu.enqueue_dma source(%dma_start3A_76 : memref<640x128xf32, #tpu.memory_space<vmem_shared>>) target(%dma_start3A_74 : memref<640x128xf32, #tpu.memory_space<hbm>>) target_semaphore(%run_scoped3A_72 : memref<!tpu.dma_semaphore, #tpu.memory_space<semaphore_mem>>)
      %dma_wait3A = arith.constant 0 : i32
      %dma_wait3A_77 = tpu.memref_slice %arg7[%arg0, %add3A_34, %dma_wait3A] : memref<2x20480x128xf32, #tpu.memory_space<hbm>> -> memref<1x640x128xf32, #tpu.memory_space<hbm>>
      %dma_wait3A_78 = tpu.memref_squeeze %dma_wait3A_77 : memref<1x640x128xf32, #tpu.memory_space<hbm>> -> memref<640x128xf32, #tpu.memory_space<hbm>>
      %dma_wait3A_79 = arith.constant 0 : i32
      %dma_wait3A_80 = tpu.memref_slice %arg11[%mul3A_0, %dma_wait3A_79] : memref<10248x128xf32, #tpu.memory_space<vmem_shared>> -> memref<640x128xf32, #tpu.memory_space<vmem_shared>>
      tpu.wait_dma2 semaphore(%run_scoped3A_72 : memref<!tpu.dma_semaphore, #tpu.memory_space<semaphore_mem>>) src(%dma_wait3A_80 : memref<640x128xf32, #tpu.memory_space<vmem_shared>>) dst(%dma_wait3A_78 : memref<640x128xf32, #tpu.memory_space<hbm>>)
      tpu.yield
    }) : () -> ()
    "tpu.region"() ({
      %run_scoped3A_72 = tpu.sem_alloc : memref<!tpu.dma_semaphore, #tpu.memory_space<semaphore_mem>>
      %dma_start3A = arith.constant 0 : i32
      %dma_start3A_73 = tpu.memref_slice %arg11[%mul3A_0, %dma_start3A] : memref<10248x128xf32, #tpu.memory_space<vmem_shared>> -> memref<640x128xf32, #tpu.memory_space<vmem_shared>>
      %dma_start3A_74 = arith.constant 0 : i32
      %dma_start3A_75 = tpu.memref_slice %arg5[%mul3A_0, %dma_start3A_74] : memref<10248x128xf32, #tpu.memory_space<hbm>> -> memref<640x128xf32, #tpu.memory_space<hbm>>
      tpu.enqueue_dma source(%dma_start3A_75 : memref<640x128xf32, #tpu.memory_space<hbm>>) target(%dma_start3A_73 : memref<640x128xf32, #tpu.memory_space<vmem_shared>>) target_semaphore(%run_scoped3A_72 : memref<!tpu.dma_semaphore, #tpu.memory_space<semaphore_mem>>)
      %dma_wait3A = arith.constant 0 : i32
      %dma_wait3A_76 = tpu.memref_slice %arg11[%mul3A_0, %dma_wait3A] : memref<10248x128xf32, #tpu.memory_space<vmem_shared>> -> memref<640x128xf32, #tpu.memory_space<vmem_shared>>
      %dma_wait3A_77 = arith.constant 0 : i32
      %dma_wait3A_78 = tpu.memref_slice %arg5[%mul3A_0, %dma_wait3A_77] : memref<10248x128xf32, #tpu.memory_space<hbm>> -> memref<640x128xf32, #tpu.memory_space<hbm>>
      tpu.wait_dma2 semaphore(%run_scoped3A_72 : memref<!tpu.dma_semaphore, #tpu.memory_space<semaphore_mem>>) src(%dma_wait3A_78 : memref<640x128xf32, #tpu.memory_space<hbm>>) dst(%dma_wait3A_76 : memref<640x128xf32, #tpu.memory_space<vmem_shared>>)
      tpu.yield
    }) : () -> ()
    %barrier3A_35 = arith.constant 0 : index
    tpu.barrier barrier_id(%barrier3A_35)
    %add3A_36 = arith.constant 0 : i32
    %add3A_37 = arith.addi %add3A_36, %arg0 : i32
    %mul3A_38 = arith.constant 80 : i32
    %mul3A_39 = arith.muli %arg1, %mul3A_38 : i32
    %run_scoped3A_40 = arith.constant 2 : i32
    "tpu.region"() ({
      %run_scoped3A_72 = tpu.sem_alloc : memref<!tpu.dma_semaphore, #tpu.memory_space<semaphore_mem>>
      %dma_start3A = arith.constant 0 : i32
      %dma_start3A_73 = tpu.memref_slice %arg3[%run_scoped3A_40, %mul3A_39, %dma_start3A] : memref<4x1280x128xi32, #tpu.memory_space<hbm>> -> memref<1x80x128xi32, #tpu.memory_space<hbm>>
      %dma_start3A_74 = tpu.memref_squeeze %dma_start3A_73 : memref<1x80x128xi32, #tpu.memory_space<hbm>> -> memref<80x128xi32, #tpu.memory_space<hbm>>
      %dma_start3A_75 = arith.constant 0 : i32
      %dma_start3A_76 = tpu.memref_slice %arg3[%run_scoped3A_40, %mul3A_39, %dma_start3A_75] : memref<4x1280x128xi32, #tpu.memory_space<hbm>> -> memref<1x80x128xi32, #tpu.memory_space<hbm>>
      %dma_start3A_77 = tpu.memref_squeeze %dma_start3A_76 : memref<1x80x128xi32, #tpu.memory_space<hbm>> -> memref<80x128xi32, #tpu.memory_space<hbm>>
      tpu.enqueue_dma source(%dma_start3A_77 : memref<80x128xi32, #tpu.memory_space<hbm>>) target(%arg8 : memref<80x128xi32, #tpu.memory_space<vmem>>) target_semaphore(%run_scoped3A_72 : memref<!tpu.dma_semaphore, #tpu.memory_space<semaphore_mem>>)
      %dma_wait3A = arith.constant 0 : i32
      %dma_wait3A_78 = tpu.memref_slice %arg3[%run_scoped3A_40, %mul3A_39, %dma_wait3A] : memref<4x1280x128xi32, #tpu.memory_space<hbm>> -> memref<1x80x128xi32, #tpu.memory_space<hbm>>
      %dma_wait3A_79 = tpu.memref_squeeze %dma_wait3A_78 : memref<1x80x128xi32, #tpu.memory_space<hbm>> -> memref<80x128xi32, #tpu.memory_space<hbm>>
      %dma_wait3A_80 = arith.constant 0 : i32
      %dma_wait3A_81 = tpu.memref_slice %arg3[%run_scoped3A_40, %mul3A_39, %dma_wait3A_80] : memref<4x1280x128xi32, #tpu.memory_space<hbm>> -> memref<1x80x128xi32, #tpu.memory_space<hbm>>
      %dma_wait3A_82 = tpu.memref_squeeze %dma_wait3A_81 : memref<1x80x128xi32, #tpu.memory_space<hbm>> -> memref<80x128xi32, #tpu.memory_space<hbm>>
      tpu.wait_dma2 semaphore(%run_scoped3A_72 : memref<!tpu.dma_semaphore, #tpu.memory_space<semaphore_mem>>) src(%dma_wait3A_82 : memref<80x128xi32, #tpu.memory_space<hbm>>) dst(%arg8 : memref<80x128xi32, #tpu.memory_space<vmem>>)
      tpu.yield
    }) : () -> ()
    %mul3A_41 = arith.constant 80 : i32
    %mul3A_42 = arith.muli %arg1, %mul3A_41 : i32
    %run_scoped3A_43 = arith.constant 2 : i32
    "tpu.region"() ({
      %run_scoped3A_72 = tpu.sem_alloc : memref<!tpu.dma_semaphore, #tpu.memory_space<semaphore_mem>>
      %dma_start3A = arith.constant 0 : i32
      %dma_start3A_73 = tpu.memref_slice %arg4[%run_scoped3A_43, %mul3A_42, %dma_start3A] : memref<4x1280x128xi32, #tpu.memory_space<hbm>> -> memref<1x80x128xi32, #tpu.memory_space<hbm>>
      %dma_start3A_74 = tpu.memref_squeeze %dma_start3A_73 : memref<1x80x128xi32, #tpu.memory_space<hbm>> -> memref<80x128xi32, #tpu.memory_space<hbm>>
      %dma_start3A_75 = arith.constant 0 : i32
      %dma_start3A_76 = tpu.memref_slice %arg4[%run_scoped3A_43, %mul3A_42, %dma_start3A_75] : memref<4x1280x128xi32, #tpu.memory_space<hbm>> -> memref<1x80x128xi32, #tpu.memory_space<hbm>>
      %dma_start3A_77 = tpu.memref_squeeze %dma_start3A_76 : memref<1x80x128xi32, #tpu.memory_space<hbm>> -> memref<80x128xi32, #tpu.memory_space<hbm>>
      tpu.enqueue_dma source(%dma_start3A_77 : memref<80x128xi32, #tpu.memory_space<hbm>>) target(%arg9 : memref<80x128xi32, #tpu.memory_space<vmem>>) target_semaphore(%run_scoped3A_72 : memref<!tpu.dma_semaphore, #tpu.memory_space<semaphore_mem>>)
      %dma_wait3A = arith.constant 0 : i32
      %dma_wait3A_78 = tpu.memref_slice %arg4[%run_scoped3A_43, %mul3A_42, %dma_wait3A] : memref<4x1280x128xi32, #tpu.memory_space<hbm>> -> memref<1x80x128xi32, #tpu.memory_space<hbm>>
      %dma_wait3A_79 = tpu.memref_squeeze %dma_wait3A_78 : memref<1x80x128xi32, #tpu.memory_space<hbm>> -> memref<80x128xi32, #tpu.memory_space<hbm>>
      %dma_wait3A_80 = arith.constant 0 : i32
      %dma_wait3A_81 = tpu.memref_slice %arg4[%run_scoped3A_43, %mul3A_42, %dma_wait3A_80] : memref<4x1280x128xi32, #tpu.memory_space<hbm>> -> memref<1x80x128xi32, #tpu.memory_space<hbm>>
      %dma_wait3A_82 = tpu.memref_squeeze %dma_wait3A_81 : memref<1x80x128xi32, #tpu.memory_space<hbm>> -> memref<80x128xi32, #tpu.memory_space<hbm>>
      tpu.wait_dma2 semaphore(%run_scoped3A_72 : memref<!tpu.dma_semaphore, #tpu.memory_space<semaphore_mem>>) src(%dma_wait3A_82 : memref<80x128xi32, #tpu.memory_space<hbm>>) dst(%arg9 : memref<80x128xi32, #tpu.memory_space<vmem>>)
      tpu.yield
    }) : () -> ()
    %scan3A_44 = arith.constant 0 : i32
    %scan3A_45 = arith.constant 0 : i32
    %scan3A_46 = arith.constant 80 : i32
    %scan3A_47 = arith.addi %scan3A_45, %scan3A_46 : i32
    %scan3A_48 = arith.constant 1 : i32
    scf.for %scan3A_72 = %scan3A_45 to %scan3A_47 step %scan3A_48  : i32 {
      "tpu.region"() ({
        %run_scoped3A_73 = tpu.sem_alloc : memref<!tpu.dma_semaphore, #tpu.memory_space<semaphore_mem>>
        %dma_start3A = arith.constant 0 : i32
        %dma_start3A_74 = tpu.memref_slice %arg8[%scan3A_72, %dma_start3A] : memref<80x128xi32, #tpu.memory_space<vmem>> -> memref<1x128xi32, #tpu.memory_space<vmem>>
        %dma_start3A_75 = tpu.memref_squeeze %dma_start3A_74 : memref<1x128xi32, #tpu.memory_space<vmem>> -> memref<128xi32, #tpu.memory_space<vmem>>
        %dma_start3A_76 = arith.constant 0 : i32
        %dma_start3A_77 = arith.constant 0 : i32
        %dma_start3A_78 = tpu.memref_slice %arg2[%add3A_37, %dma_start3A_76, %dma_start3A_77] : memref<4x20480x128xf32, #tpu.memory_space<hbm>> -> memref<1x20480x128xf32, #tpu.memory_space<hbm>>
        %dma_start3A_79 = tpu.memref_squeeze %dma_start3A_78 : memref<1x20480x128xf32, #tpu.memory_space<hbm>> -> memref<20480x128xf32, #tpu.memory_space<hbm>>
        %dma_start3A_80 = arith.constant 0 : i32
        %dma_start3A_81 = arith.constant 0 : i32
        %dma_start3A_82 = tpu.memref_slice %dma_start3A_79[%dma_start3A_80, %dma_start3A_81] : memref<20480x128xf32, #tpu.memory_space<hbm>> -> memref<20480x128xf32, #tpu.memory_space<hbm>>
        tpu.enqueue_indirect_dma source(%dma_start3A_82 : memref<20480x128xf32, #tpu.memory_space<hbm>>) target(%arg10 : memref<128x128xf32, #tpu.memory_space<vmem>>) offsets(%dma_start3A_75 : memref<128xi32, #tpu.memory_space<vmem>>) semaphore(%run_scoped3A_73 : memref<!tpu.dma_semaphore, #tpu.memory_space<semaphore_mem>>)
        %dma_wait3A = arith.constant 0 : i32
        %dma_wait3A_83 = tpu.memref_slice %arg8[%scan3A_72, %dma_wait3A] : memref<80x128xi32, #tpu.memory_space<vmem>> -> memref<1x128xi32, #tpu.memory_space<vmem>>
        %dma_wait3A_84 = tpu.memref_squeeze %dma_wait3A_83 : memref<1x128xi32, #tpu.memory_space<vmem>> -> memref<128xi32, #tpu.memory_space<vmem>>
        %dma_wait3A_85 = arith.constant 0 : i32
        %dma_wait3A_86 = arith.constant 0 : i32
        %dma_wait3A_87 = tpu.memref_slice %arg2[%add3A_37, %dma_wait3A_85, %dma_wait3A_86] : memref<4x20480x128xf32, #tpu.memory_space<hbm>> -> memref<1x20480x128xf32, #tpu.memory_space<hbm>>
        %dma_wait3A_88 = tpu.memref_squeeze %dma_wait3A_87 : memref<1x20480x128xf32, #tpu.memory_space<hbm>> -> memref<20480x128xf32, #tpu.memory_space<hbm>>
        %dma_wait3A_89 = arith.constant 0 : i32
        %dma_wait3A_90 = arith.constant 0 : i32
        %dma_wait3A_91 = tpu.memref_slice %dma_wait3A_88[%dma_wait3A_89, %dma_wait3A_90] : memref<20480x128xf32, #tpu.memory_space<hbm>> -> memref<20480x128xf32, #tpu.memory_space<hbm>>
        tpu.wait_indirect_dma semaphore(%run_scoped3A_73 : memref<!tpu.dma_semaphore, #tpu.memory_space<semaphore_mem>>) src(%dma_wait3A_91 : memref<20480x128xf32, #tpu.memory_space<hbm>>) dst(%arg10 : memref<128x128xf32, #tpu.memory_space<vmem>>)
        tpu.yield
      }) : () -> ()
      "tpu.region"() ({
        %run_scoped3A_73 = tpu.sem_alloc : memref<!tpu.dma_semaphore, #tpu.memory_space<semaphore_mem>>
        %dma_start3A = arith.constant 0 : i32
        %dma_start3A_74 = tpu.memref_slice %arg9[%scan3A_72, %dma_start3A] : memref<80x128xi32, #tpu.memory_space<vmem>> -> memref<1x128xi32, #tpu.memory_space<vmem>>
        %dma_start3A_75 = tpu.memref_squeeze %dma_start3A_74 : memref<1x128xi32, #tpu.memory_space<vmem>> -> memref<128xi32, #tpu.memory_space<vmem>>
        %dma_start3A_76 = arith.constant 0 : i32
        %dma_start3A_77 = arith.constant 0 : i32
        %dma_start3A_78 = tpu.memref_slice %arg11[%dma_start3A_76, %dma_start3A_77] : memref<10248x128xf32, #tpu.memory_space<vmem_shared>> -> memref<10248x128xf32, #tpu.memory_space<vmem_shared>>
        tpu.enqueue_indirect_dma source(%arg10 : memref<128x128xf32, #tpu.memory_space<vmem>>) target(%dma_start3A_78 : memref<10248x128xf32, #tpu.memory_space<vmem_shared>>) offsets(%dma_start3A_75 : memref<128xi32, #tpu.memory_space<vmem>>) semaphore(%run_scoped3A_73 : memref<!tpu.dma_semaphore, #tpu.memory_space<semaphore_mem>>) {add = true}
        %dma_wait3A = arith.constant 0 : i32
        %dma_wait3A_79 = tpu.memref_slice %arg9[%scan3A_72, %dma_wait3A] : memref<80x128xi32, #tpu.memory_space<vmem>> -> memref<1x128xi32, #tpu.memory_space<vmem>>
        %dma_wait3A_80 = tpu.memref_squeeze %dma_wait3A_79 : memref<1x128xi32, #tpu.memory_space<vmem>> -> memref<128xi32, #tpu.memory_space<vmem>>
        %dma_wait3A_81 = arith.constant 0 : i32
        %dma_wait3A_82 = arith.constant 0 : i32
        %dma_wait3A_83 = tpu.memref_slice %arg11[%dma_wait3A_81, %dma_wait3A_82] : memref<10248x128xf32, #tpu.memory_space<vmem_shared>> -> memref<10248x128xf32, #tpu.memory_space<vmem_shared>>
        tpu.wait_indirect_dma semaphore(%run_scoped3A_73 : memref<!tpu.dma_semaphore, #tpu.memory_space<semaphore_mem>>) src(%arg10 : memref<128x128xf32, #tpu.memory_space<vmem>>) dst(%dma_wait3A_83 : memref<10248x128xf32, #tpu.memory_space<vmem_shared>>)
        tpu.yield
      }) : () -> ()
    }
    %scan3A_49 = arith.constant 80 : i32
    %barrier3A_50 = arith.constant 0 : index
    tpu.barrier barrier_id(%barrier3A_50)
    %add3A_51 = arith.constant 10240 : i32
    %add3A_52 = arith.addi %add3A_51, %mul3A_0 : i32
    "tpu.region"() ({
      %run_scoped3A_72 = tpu.sem_alloc : memref<!tpu.dma_semaphore, #tpu.memory_space<semaphore_mem>>
      %dma_start3A = arith.constant 0 : i32
      %dma_start3A_73 = tpu.memref_slice %arg6[%arg0, %add3A_52, %dma_start3A] : memref<2x20480x128xf32, #tpu.memory_space<hbm>> -> memref<1x640x128xf32, #tpu.memory_space<hbm>>
      %dma_start3A_74 = tpu.memref_squeeze %dma_start3A_73 : memref<1x640x128xf32, #tpu.memory_space<hbm>> -> memref<640x128xf32, #tpu.memory_space<hbm>>
      %dma_start3A_75 = arith.constant 0 : i32
      %dma_start3A_76 = tpu.memref_slice %arg11[%mul3A_0, %dma_start3A_75] : memref<10248x128xf32, #tpu.memory_space<vmem_shared>> -> memref<640x128xf32, #tpu.memory_space<vmem_shared>>
      tpu.enqueue_dma source(%dma_start3A_76 : memref<640x128xf32, #tpu.memory_space<vmem_shared>>) target(%dma_start3A_74 : memref<640x128xf32, #tpu.memory_space<hbm>>) target_semaphore(%run_scoped3A_72 : memref<!tpu.dma_semaphore, #tpu.memory_space<semaphore_mem>>)
      %dma_wait3A = arith.constant 0 : i32
      %dma_wait3A_77 = tpu.memref_slice %arg6[%arg0, %add3A_52, %dma_wait3A] : memref<2x20480x128xf32, #tpu.memory_space<hbm>> -> memref<1x640x128xf32, #tpu.memory_space<hbm>>
      %dma_wait3A_78 = tpu.memref_squeeze %dma_wait3A_77 : memref<1x640x128xf32, #tpu.memory_space<hbm>> -> memref<640x128xf32, #tpu.memory_space<hbm>>
      %dma_wait3A_79 = arith.constant 0 : i32
      %dma_wait3A_80 = tpu.memref_slice %arg11[%mul3A_0, %dma_wait3A_79] : memref<10248x128xf32, #tpu.memory_space<vmem_shared>> -> memref<640x128xf32, #tpu.memory_space<vmem_shared>>
      tpu.wait_dma2 semaphore(%run_scoped3A_72 : memref<!tpu.dma_semaphore, #tpu.memory_space<semaphore_mem>>) src(%dma_wait3A_80 : memref<640x128xf32, #tpu.memory_space<vmem_shared>>) dst(%dma_wait3A_78 : memref<640x128xf32, #tpu.memory_space<hbm>>)
      tpu.yield
    }) : () -> ()
    "tpu.region"() ({
      %run_scoped3A_72 = tpu.sem_alloc : memref<!tpu.dma_semaphore, #tpu.memory_space<semaphore_mem>>
      %dma_start3A = arith.constant 0 : i32
      %dma_start3A_73 = tpu.memref_slice %arg11[%mul3A_0, %dma_start3A] : memref<10248x128xf32, #tpu.memory_space<vmem_shared>> -> memref<640x128xf32, #tpu.memory_space<vmem_shared>>
      %dma_start3A_74 = arith.constant 0 : i32
      %dma_start3A_75 = tpu.memref_slice %arg5[%mul3A_0, %dma_start3A_74] : memref<10248x128xf32, #tpu.memory_space<hbm>> -> memref<640x128xf32, #tpu.memory_space<hbm>>
      tpu.enqueue_dma source(%dma_start3A_75 : memref<640x128xf32, #tpu.memory_space<hbm>>) target(%dma_start3A_73 : memref<640x128xf32, #tpu.memory_space<vmem_shared>>) target_semaphore(%run_scoped3A_72 : memref<!tpu.dma_semaphore, #tpu.memory_space<semaphore_mem>>)
      %dma_wait3A = arith.constant 0 : i32
      %dma_wait3A_76 = tpu.memref_slice %arg11[%mul3A_0, %dma_wait3A] : memref<10248x128xf32, #tpu.memory_space<vmem_shared>> -> memref<640x128xf32, #tpu.memory_space<vmem_shared>>
      %dma_wait3A_77 = arith.constant 0 : i32
      %dma_wait3A_78 = tpu.memref_slice %arg5[%mul3A_0, %dma_wait3A_77] : memref<10248x128xf32, #tpu.memory_space<hbm>> -> memref<640x128xf32, #tpu.memory_space<hbm>>
      tpu.wait_dma2 semaphore(%run_scoped3A_72 : memref<!tpu.dma_semaphore, #tpu.memory_space<semaphore_mem>>) src(%dma_wait3A_78 : memref<640x128xf32, #tpu.memory_space<hbm>>) dst(%dma_wait3A_76 : memref<640x128xf32, #tpu.memory_space<vmem_shared>>)
      tpu.yield
    }) : () -> ()
    %barrier3A_53 = arith.constant 0 : index
    tpu.barrier barrier_id(%barrier3A_53)
    %add3A_54 = arith.constant 2 : i32
    %add3A_55 = arith.addi %add3A_54, %arg0 : i32
    %mul3A_56 = arith.constant 80 : i32
    %mul3A_57 = arith.muli %arg1, %mul3A_56 : i32
    %run_scoped3A_58 = arith.constant 3 : i32
    "tpu.region"() ({
      %run_scoped3A_72 = tpu.sem_alloc : memref<!tpu.dma_semaphore, #tpu.memory_space<semaphore_mem>>
      %dma_start3A = arith.constant 0 : i32
      %dma_start3A_73 = tpu.memref_slice %arg3[%run_scoped3A_58, %mul3A_57, %dma_start3A] : memref<4x1280x128xi32, #tpu.memory_space<hbm>> -> memref<1x80x128xi32, #tpu.memory_space<hbm>>
      %dma_start3A_74 = tpu.memref_squeeze %dma_start3A_73 : memref<1x80x128xi32, #tpu.memory_space<hbm>> -> memref<80x128xi32, #tpu.memory_space<hbm>>
      %dma_start3A_75 = arith.constant 0 : i32
      %dma_start3A_76 = tpu.memref_slice %arg3[%run_scoped3A_58, %mul3A_57, %dma_start3A_75] : memref<4x1280x128xi32, #tpu.memory_space<hbm>> -> memref<1x80x128xi32, #tpu.memory_space<hbm>>
      %dma_start3A_77 = tpu.memref_squeeze %dma_start3A_76 : memref<1x80x128xi32, #tpu.memory_space<hbm>> -> memref<80x128xi32, #tpu.memory_space<hbm>>
      tpu.enqueue_dma source(%dma_start3A_77 : memref<80x128xi32, #tpu.memory_space<hbm>>) target(%arg8 : memref<80x128xi32, #tpu.memory_space<vmem>>) target_semaphore(%run_scoped3A_72 : memref<!tpu.dma_semaphore, #tpu.memory_space<semaphore_mem>>)
      %dma_wait3A = arith.constant 0 : i32
      %dma_wait3A_78 = tpu.memref_slice %arg3[%run_scoped3A_58, %mul3A_57, %dma_wait3A] : memref<4x1280x128xi32, #tpu.memory_space<hbm>> -> memref<1x80x128xi32, #tpu.memory_space<hbm>>
      %dma_wait3A_79 = tpu.memref_squeeze %dma_wait3A_78 : memref<1x80x128xi32, #tpu.memory_space<hbm>> -> memref<80x128xi32, #tpu.memory_space<hbm>>
      %dma_wait3A_80 = arith.constant 0 : i32
      %dma_wait3A_81 = tpu.memref_slice %arg3[%run_scoped3A_58, %mul3A_57, %dma_wait3A_80] : memref<4x1280x128xi32, #tpu.memory_space<hbm>> -> memref<1x80x128xi32, #tpu.memory_space<hbm>>
      %dma_wait3A_82 = tpu.memref_squeeze %dma_wait3A_81 : memref<1x80x128xi32, #tpu.memory_space<hbm>> -> memref<80x128xi32, #tpu.memory_space<hbm>>
      tpu.wait_dma2 semaphore(%run_scoped3A_72 : memref<!tpu.dma_semaphore, #tpu.memory_space<semaphore_mem>>) src(%dma_wait3A_82 : memref<80x128xi32, #tpu.memory_space<hbm>>) dst(%arg8 : memref<80x128xi32, #tpu.memory_space<vmem>>)
      tpu.yield
    }) : () -> ()
    %mul3A_59 = arith.constant 80 : i32
    %mul3A_60 = arith.muli %arg1, %mul3A_59 : i32
    %run_scoped3A_61 = arith.constant 3 : i32
    "tpu.region"() ({
      %run_scoped3A_72 = tpu.sem_alloc : memref<!tpu.dma_semaphore, #tpu.memory_space<semaphore_mem>>
      %dma_start3A = arith.constant 0 : i32
      %dma_start3A_73 = tpu.memref_slice %arg4[%run_scoped3A_61, %mul3A_60, %dma_start3A] : memref<4x1280x128xi32, #tpu.memory_space<hbm>> -> memref<1x80x128xi32, #tpu.memory_space<hbm>>
      %dma_start3A_74 = tpu.memref_squeeze %dma_start3A_73 : memref<1x80x128xi32, #tpu.memory_space<hbm>> -> memref<80x128xi32, #tpu.memory_space<hbm>>
      %dma_start3A_75 = arith.constant 0 : i32
      %dma_start3A_76 = tpu.memref_slice %arg4[%run_scoped3A_61, %mul3A_60, %dma_start3A_75] : memref<4x1280x128xi32, #tpu.memory_space<hbm>> -> memref<1x80x128xi32, #tpu.memory_space<hbm>>
      %dma_start3A_77 = tpu.memref_squeeze %dma_start3A_76 : memref<1x80x128xi32, #tpu.memory_space<hbm>> -> memref<80x128xi32, #tpu.memory_space<hbm>>
      tpu.enqueue_dma source(%dma_start3A_77 : memref<80x128xi32, #tpu.memory_space<hbm>>) target(%arg9 : memref<80x128xi32, #tpu.memory_space<vmem>>) target_semaphore(%run_scoped3A_72 : memref<!tpu.dma_semaphore, #tpu.memory_space<semaphore_mem>>)
      %dma_wait3A = arith.constant 0 : i32
      %dma_wait3A_78 = tpu.memref_slice %arg4[%run_scoped3A_61, %mul3A_60, %dma_wait3A] : memref<4x1280x128xi32, #tpu.memory_space<hbm>> -> memref<1x80x128xi32, #tpu.memory_space<hbm>>
      %dma_wait3A_79 = tpu.memref_squeeze %dma_wait3A_78 : memref<1x80x128xi32, #tpu.memory_space<hbm>> -> memref<80x128xi32, #tpu.memory_space<hbm>>
      %dma_wait3A_80 = arith.constant 0 : i32
      %dma_wait3A_81 = tpu.memref_slice %arg4[%run_scoped3A_61, %mul3A_60, %dma_wait3A_80] : memref<4x1280x128xi32, #tpu.memory_space<hbm>> -> memref<1x80x128xi32, #tpu.memory_space<hbm>>
      %dma_wait3A_82 = tpu.memref_squeeze %dma_wait3A_81 : memref<1x80x128xi32, #tpu.memory_space<hbm>> -> memref<80x128xi32, #tpu.memory_space<hbm>>
      tpu.wait_dma2 semaphore(%run_scoped3A_72 : memref<!tpu.dma_semaphore, #tpu.memory_space<semaphore_mem>>) src(%dma_wait3A_82 : memref<80x128xi32, #tpu.memory_space<hbm>>) dst(%arg9 : memref<80x128xi32, #tpu.memory_space<vmem>>)
      tpu.yield
    }) : () -> ()
    %scan3A_62 = arith.constant 0 : i32
    %scan3A_63 = arith.constant 0 : i32
    %scan3A_64 = arith.constant 80 : i32
    %scan3A_65 = arith.addi %scan3A_63, %scan3A_64 : i32
    %scan3A_66 = arith.constant 1 : i32
    scf.for %scan3A_72 = %scan3A_63 to %scan3A_65 step %scan3A_66  : i32 {
      "tpu.region"() ({
        %run_scoped3A_73 = tpu.sem_alloc : memref<!tpu.dma_semaphore, #tpu.memory_space<semaphore_mem>>
        %dma_start3A = arith.constant 0 : i32
        %dma_start3A_74 = tpu.memref_slice %arg8[%scan3A_72, %dma_start3A] : memref<80x128xi32, #tpu.memory_space<vmem>> -> memref<1x128xi32, #tpu.memory_space<vmem>>
        %dma_start3A_75 = tpu.memref_squeeze %dma_start3A_74 : memref<1x128xi32, #tpu.memory_space<vmem>> -> memref<128xi32, #tpu.memory_space<vmem>>
        %dma_start3A_76 = arith.constant 0 : i32
        %dma_start3A_77 = arith.constant 0 : i32
        %dma_start3A_78 = tpu.memref_slice %arg2[%add3A_55, %dma_start3A_76, %dma_start3A_77] : memref<4x20480x128xf32, #tpu.memory_space<hbm>> -> memref<1x20480x128xf32, #tpu.memory_space<hbm>>
        %dma_start3A_79 = tpu.memref_squeeze %dma_start3A_78 : memref<1x20480x128xf32, #tpu.memory_space<hbm>> -> memref<20480x128xf32, #tpu.memory_space<hbm>>
        %dma_start3A_80 = arith.constant 0 : i32
        %dma_start3A_81 = arith.constant 0 : i32
        %dma_start3A_82 = tpu.memref_slice %dma_start3A_79[%dma_start3A_80, %dma_start3A_81] : memref<20480x128xf32, #tpu.memory_space<hbm>> -> memref<20480x128xf32, #tpu.memory_space<hbm>>
        tpu.enqueue_indirect_dma source(%dma_start3A_82 : memref<20480x128xf32, #tpu.memory_space<hbm>>) target(%arg10 : memref<128x128xf32, #tpu.memory_space<vmem>>) offsets(%dma_start3A_75 : memref<128xi32, #tpu.memory_space<vmem>>) semaphore(%run_scoped3A_73 : memref<!tpu.dma_semaphore, #tpu.memory_space<semaphore_mem>>)
        %dma_wait3A = arith.constant 0 : i32
        %dma_wait3A_83 = tpu.memref_slice %arg8[%scan3A_72, %dma_wait3A] : memref<80x128xi32, #tpu.memory_space<vmem>> -> memref<1x128xi32, #tpu.memory_space<vmem>>
        %dma_wait3A_84 = tpu.memref_squeeze %dma_wait3A_83 : memref<1x128xi32, #tpu.memory_space<vmem>> -> memref<128xi32, #tpu.memory_space<vmem>>
        %dma_wait3A_85 = arith.constant 0 : i32
        %dma_wait3A_86 = arith.constant 0 : i32
        %dma_wait3A_87 = tpu.memref_slice %arg2[%add3A_55, %dma_wait3A_85, %dma_wait3A_86] : memref<4x20480x128xf32, #tpu.memory_space<hbm>> -> memref<1x20480x128xf32, #tpu.memory_space<hbm>>
        %dma_wait3A_88 = tpu.memref_squeeze %dma_wait3A_87 : memref<1x20480x128xf32, #tpu.memory_space<hbm>> -> memref<20480x128xf32, #tpu.memory_space<hbm>>
        %dma_wait3A_89 = arith.constant 0 : i32
        %dma_wait3A_90 = arith.constant 0 : i32
        %dma_wait3A_91 = tpu.memref_slice %dma_wait3A_88[%dma_wait3A_89, %dma_wait3A_90] : memref<20480x128xf32, #tpu.memory_space<hbm>> -> memref<20480x128xf32, #tpu.memory_space<hbm>>
        tpu.wait_indirect_dma semaphore(%run_scoped3A_73 : memref<!tpu.dma_semaphore, #tpu.memory_space<semaphore_mem>>) src(%dma_wait3A_91 : memref<20480x128xf32, #tpu.memory_space<hbm>>) dst(%arg10 : memref<128x128xf32, #tpu.memory_space<vmem>>)
        tpu.yield
      }) : () -> ()
      "tpu.region"() ({
        %run_scoped3A_73 = tpu.sem_alloc : memref<!tpu.dma_semaphore, #tpu.memory_space<semaphore_mem>>
        %dma_start3A = arith.constant 0 : i32
        %dma_start3A_74 = tpu.memref_slice %arg9[%scan3A_72, %dma_start3A] : memref<80x128xi32, #tpu.memory_space<vmem>> -> memref<1x128xi32, #tpu.memory_space<vmem>>
        %dma_start3A_75 = tpu.memref_squeeze %dma_start3A_74 : memref<1x128xi32, #tpu.memory_space<vmem>> -> memref<128xi32, #tpu.memory_space<vmem>>
        %dma_start3A_76 = arith.constant 0 : i32
        %dma_start3A_77 = arith.constant 0 : i32
        %dma_start3A_78 = tpu.memref_slice %arg11[%dma_start3A_76, %dma_start3A_77] : memref<10248x128xf32, #tpu.memory_space<vmem_shared>> -> memref<10248x128xf32, #tpu.memory_space<vmem_shared>>
        tpu.enqueue_indirect_dma source(%arg10 : memref<128x128xf32, #tpu.memory_space<vmem>>) target(%dma_start3A_78 : memref<10248x128xf32, #tpu.memory_space<vmem_shared>>) offsets(%dma_start3A_75 : memref<128xi32, #tpu.memory_space<vmem>>) semaphore(%run_scoped3A_73 : memref<!tpu.dma_semaphore, #tpu.memory_space<semaphore_mem>>) {add = true}
        %dma_wait3A = arith.constant 0 : i32
        %dma_wait3A_79 = tpu.memref_slice %arg9[%scan3A_72, %dma_wait3A] : memref<80x128xi32, #tpu.memory_space<vmem>> -> memref<1x128xi32, #tpu.memory_space<vmem>>
        %dma_wait3A_80 = tpu.memref_squeeze %dma_wait3A_79 : memref<1x128xi32, #tpu.memory_space<vmem>> -> memref<128xi32, #tpu.memory_space<vmem>>
        %dma_wait3A_81 = arith.constant 0 : i32
        %dma_wait3A_82 = arith.constant 0 : i32
        %dma_wait3A_83 = tpu.memref_slice %arg11[%dma_wait3A_81, %dma_wait3A_82] : memref<10248x128xf32, #tpu.memory_space<vmem_shared>> -> memref<10248x128xf32, #tpu.memory_space<vmem_shared>>
        tpu.wait_indirect_dma semaphore(%run_scoped3A_73 : memref<!tpu.dma_semaphore, #tpu.memory_space<semaphore_mem>>) src(%arg10 : memref<128x128xf32, #tpu.memory_space<vmem>>) dst(%dma_wait3A_83 : memref<10248x128xf32, #tpu.memory_space<vmem_shared>>)
        tpu.yield
      }) : () -> ()
    }
    %scan3A_67 = arith.constant 80 : i32
    %barrier3A_68 = arith.constant 0 : index
    tpu.barrier barrier_id(%barrier3A_68)
    %add3A_69 = arith.constant 10240 : i32
    %add3A_70 = arith.addi %add3A_69, %mul3A_0 : i32
    "tpu.region"() ({
      %run_scoped3A_72 = tpu.sem_alloc : memref<!tpu.dma_semaphore, #tpu.memory_space<semaphore_mem>>
      %dma_start3A = arith.constant 0 : i32
      %dma_start3A_73 = tpu.memref_slice %arg7[%arg0, %add3A_70, %dma_start3A] : memref<2x20480x128xf32, #tpu.memory_space<hbm>> -> memref<1x640x128xf32, #tpu.memory_space<hbm>>
      %dma_start3A_74 = tpu.memref_squeeze %dma_start3A_73 : memref<1x640x128xf32, #tpu.memory_space<hbm>> -> memref<640x128xf32, #tpu.memory_space<hbm>>
      %dma_start3A_75 = arith.constant 0 : i32
      %dma_start3A_76 = tpu.memref_slice %arg11[%mul3A_0, %dma_start3A_75] : memref<10248x128xf32, #tpu.memory_space<vmem_shared>> -> memref<640x128xf32, #tpu.memory_space<vmem_shared>>
      tpu.enqueue_dma source(%dma_start3A_76 : memref<640x128xf32, #tpu.memory_space<vmem_shared>>) target(%dma_start3A_74 : memref<640x128xf32, #tpu.memory_space<hbm>>) target_semaphore(%run_scoped3A_72 : memref<!tpu.dma_semaphore, #tpu.memory_space<semaphore_mem>>)
      %dma_wait3A = arith.constant 0 : i32
      %dma_wait3A_77 = tpu.memref_slice %arg7[%arg0, %add3A_70, %dma_wait3A] : memref<2x20480x128xf32, #tpu.memory_space<hbm>> -> memref<1x640x128xf32, #tpu.memory_space<hbm>>
      %dma_wait3A_78 = tpu.memref_squeeze %dma_wait3A_77 : memref<1x640x128xf32, #tpu.memory_space<hbm>> -> memref<640x128xf32, #tpu.memory_space<hbm>>
      %dma_wait3A_79 = arith.constant 0 : i32
      %dma_wait3A_80 = tpu.memref_slice %arg11[%mul3A_0, %dma_wait3A_79] : memref<10248x128xf32, #tpu.memory_space<vmem_shared>> -> memref<640x128xf32, #tpu.memory_space<vmem_shared>>
      tpu.wait_dma2 semaphore(%run_scoped3A_72 : memref<!tpu.dma_semaphore, #tpu.memory_space<semaphore_mem>>) src(%dma_wait3A_80 : memref<640x128xf32, #tpu.memory_space<vmem_shared>>) dst(%dma_wait3A_78 : memref<640x128xf32, #tpu.memory_space<hbm>>)
      tpu.yield
    }) : () -> ()
    %barrier3A_71 = arith.constant 0 : index
    tpu.barrier barrier_id(%barrier3A_71)
    return
  }
}

#map = affine_map<(d0, d1) -> (0, 0, 0)>
#map1 = affine_map<(d0, d1) -> (0, 0)>
module attributes {stable_mosaic.version = 14 : i64} {
  func.func @_sc_scatter_body(%arg0: i32, %arg1: i32, %arg2: memref<4x20480x128xf32, #tpu.memory_space<hbm>>, %arg3: memref<4x1280x128xi32, #tpu.memory_space<hbm>>, %arg4: memref<4x1280x128xi32, #tpu.memory_space<hbm>>, %arg5: memref<10248x128xf32, #tpu.memory_space<hbm>>, %arg6: memref<2x20480x128xf32, #tpu.memory_space<hbm>>, %arg7: memref<2x20480x128xf32, #tpu.memory_space<hbm>>, %arg8: memref<80x128xi32, #tpu.memory_space<vmem>>, %arg9: memref<80x128xi32, #tpu.memory_space<vmem>>, %arg10: memref<128x128xf32, #tpu.memory_space<vmem>>, %arg11: memref<10248x128xf32, #tpu.memory_space<vmem_shared>>) attributes {dimension_semantics = [#tpu.dimension_semantics<core_parallel>, #tpu.dimension_semantics<subcore_parallel>], iteration_bounds = array<i64: 2, 16>, scalar_prefetch = 0 : i64, scratch_operands = 4 : i64, tpu.core_type = #tpu.core_type<sc_vector_subcore>, window_params = [{transform_indices = #map}, {transform_indices = #map}, {transform_indices = #map}, {transform_indices = #map1}, {transform_indices = #map}, {transform_indices = #map}]} {
    %mul3A = arith.constant 640 : i32
    %mul3A_0 = arith.muli %arg1, %mul3A : i32
    "tpu.region"() ({
      %run_scoped3A_72 = tpu.sem_alloc : memref<!tpu.dma_semaphore, #tpu.memory_space<semaphore_mem>>
      %dma_start3A = arith.constant 0 : i32
      %dma_start3A_73 = tpu.memref_slice %arg11[%mul3A_0, %dma_start3A] : memref<10248x128xf32, #tpu.memory_space<vmem_shared>> -> memref<640x128xf32, #tpu.memory_space<vmem_shared>>
      %dma_start3A_74 = arith.constant 0 : i32
      %dma_start3A_75 = tpu.memref_slice %arg5[%mul3A_0, %dma_start3A_74] : memref<10248x128xf32, #tpu.memory_space<hbm>> -> memref<640x128xf32, #tpu.memory_space<hbm>>
      tpu.enqueue_dma source(%dma_start3A_75 : memref<640x128xf32, #tpu.memory_space<hbm>>) target(%dma_start3A_73 : memref<640x128xf32, #tpu.memory_space<vmem_shared>>) target_semaphore(%run_scoped3A_72 : memref<!tpu.dma_semaphore, #tpu.memory_space<semaphore_mem>>)
      %dma_wait3A = arith.constant 0 : i32
      %dma_wait3A_76 = tpu.memref_slice %arg11[%mul3A_0, %dma_wait3A] : memref<10248x128xf32, #tpu.memory_space<vmem_shared>> -> memref<640x128xf32, #tpu.memory_space<vmem_shared>>
      %dma_wait3A_77 = arith.constant 0 : i32
      %dma_wait3A_78 = tpu.memref_slice %arg5[%mul3A_0, %dma_wait3A_77] : memref<10248x128xf32, #tpu.memory_space<hbm>> -> memref<640x128xf32, #tpu.memory_space<hbm>>
      tpu.wait_dma2 semaphore(%run_scoped3A_72 : memref<!tpu.dma_semaphore, #tpu.memory_space<semaphore_mem>>) src(%dma_wait3A_78 : memref<640x128xf32, #tpu.memory_space<hbm>>) dst(%dma_wait3A_76 : memref<640x128xf32, #tpu.memory_space<vmem_shared>>)
      tpu.yield
    }) : () -> ()
    %eq3A = arith.constant 0 : i32
    %eq3A_1 = arith.cmpi eq, %arg1, %eq3A : i32
    %convert_element_type3A = arith.extui %eq3A_1 : i1 to i32
    %cond3A = arith.constant 0 : i32
    %cond3A_2 = arith.cmpi ne, %convert_element_type3A, %cond3A : i32
    scf.if %cond3A_2 {
      "tpu.region"() ({
        %run_scoped3A_72 = tpu.sem_alloc : memref<!tpu.dma_semaphore, #tpu.memory_space<semaphore_mem>>
        %dma_start3A = arith.constant 10240 : i32
        %dma_start3A_73 = arith.constant 0 : i32
        %dma_start3A_74 = tpu.memref_slice %arg11[%dma_start3A, %dma_start3A_73] : memref<10248x128xf32, #tpu.memory_space<vmem_shared>> -> memref<8x128xf32, #tpu.memory_space<vmem_shared>>
        %dma_start3A_75 = arith.constant 10240 : i32
        %dma_start3A_76 = arith.constant 0 : i32
        %dma_start3A_77 = tpu.memref_slice %arg5[%dma_start3A_75, %dma_start3A_76] : memref<10248x128xf32, #tpu.memory_space<hbm>> -> memref<8x128xf32, #tpu.memory_space<hbm>>
        tpu.enqueue_dma source(%dma_start3A_77 : memref<8x128xf32, #tpu.memory_space<hbm>>) target(%dma_start3A_74 : memref<8x128xf32, #tpu.memory_space<vmem_shared>>) target_semaphore(%run_scoped3A_72 : memref<!tpu.dma_semaphore, #tpu.memory_space<semaphore_mem>>)
        %dma_wait3A = arith.constant 10240 : i32
        %dma_wait3A_78 = arith.constant 0 : i32
        %dma_wait3A_79 = tpu.memref_slice %arg11[%dma_wait3A, %dma_wait3A_78] : memref<10248x128xf32, #tpu.memory_space<vmem_shared>> -> memref<8x128xf32, #tpu.memory_space<vmem_shared>>
        %dma_wait3A_80 = arith.constant 10240 : i32
        %dma_wait3A_81 = arith.constant 0 : i32
        %dma_wait3A_82 = tpu.memref_slice %arg5[%dma_wait3A_80, %dma_wait3A_81] : memref<10248x128xf32, #tpu.memory_space<hbm>> -> memref<8x128xf32, #tpu.memory_space<hbm>>
        tpu.wait_dma2 semaphore(%run_scoped3A_72 : memref<!tpu.dma_semaphore, #tpu.memory_space<semaphore_mem>>) src(%dma_wait3A_82 : memref<8x128xf32, #tpu.memory_space<hbm>>) dst(%dma_wait3A_79 : memref<8x128xf32, #tpu.memory_space<vmem_shared>>)
        tpu.yield
      }) : () -> ()
    } else {
    }
    %barrier3A = arith.constant 0 : index
    tpu.barrier barrier_id(%barrier3A)
    %add3A = arith.constant 0 : i32
    %add3A_3 = arith.addi %add3A, %arg0 : i32
    %mul3A_4 = arith.constant 80 : i32
    %mul3A_5 = arith.muli %arg1, %mul3A_4 : i32
    %run_scoped3A = arith.constant 0 : i32
    "tpu.region"() ({
      %run_scoped3A_72 = tpu.sem_alloc : memref<!tpu.dma_semaphore, #tpu.memory_space<semaphore_mem>>
      %dma_start3A = arith.constant 0 : i32
      %dma_start3A_73 = tpu.memref_slice %arg3[%run_scoped3A, %mul3A_5, %dma_start3A] : memref<4x1280x128xi32, #tpu.memory_space<hbm>> -> memref<1x80x128xi32, #tpu.memory_space<hbm>>
      %dma_start3A_74 = tpu.memref_squeeze %dma_start3A_73 : memref<1x80x128xi32, #tpu.memory_space<hbm>> -> memref<80x128xi32, #tpu.memory_space<hbm>>
      %dma_start3A_75 = arith.constant 0 : i32
      %dma_start3A_76 = tpu.memref_slice %arg3[%run_scoped3A, %mul3A_5, %dma_start3A_75] : memref<4x1280x128xi32, #tpu.memory_space<hbm>> -> memref<1x80x128xi32, #tpu.memory_space<hbm>>
      %dma_start3A_77 = tpu.memref_squeeze %dma_start3A_76 : memref<1x80x128xi32, #tpu.memory_space<hbm>> -> memref<80x128xi32, #tpu.memory_space<hbm>>
      tpu.enqueue_dma source(%dma_start3A_77 : memref<80x128xi32, #tpu.memory_space<hbm>>) target(%arg8 : memref<80x128xi32, #tpu.memory_space<vmem>>) target_semaphore(%run_scoped3A_72 : memref<!tpu.dma_semaphore, #tpu.memory_space<semaphore_mem>>)
      %dma_wait3A = arith.constant 0 : i32
      %dma_wait3A_78 = tpu.memref_slice %arg3[%run_scoped3A, %mul3A_5, %dma_wait3A] : memref<4x1280x128xi32, #tpu.memory_space<hbm>> -> memref<1x80x128xi32, #tpu.memory_space<hbm>>
      %dma_wait3A_79 = tpu.memref_squeeze %dma_wait3A_78 : memref<1x80x128xi32, #tpu.memory_space<hbm>> -> memref<80x128xi32, #tpu.memory_space<hbm>>
      %dma_wait3A_80 = arith.constant 0 : i32
      %dma_wait3A_81 = tpu.memref_slice %arg3[%run_scoped3A, %mul3A_5, %dma_wait3A_80] : memref<4x1280x128xi32, #tpu.memory_space<hbm>> -> memref<1x80x128xi32, #tpu.memory_space<hbm>>
      %dma_wait3A_82 = tpu.memref_squeeze %dma_wait3A_81 : memref<1x80x128xi32, #tpu.memory_space<hbm>> -> memref<80x128xi32, #tpu.memory_space<hbm>>
      tpu.wait_dma2 semaphore(%run_scoped3A_72 : memref<!tpu.dma_semaphore, #tpu.memory_space<semaphore_mem>>) src(%dma_wait3A_82 : memref<80x128xi32, #tpu.memory_space<hbm>>) dst(%arg8 : memref<80x128xi32, #tpu.memory_space<vmem>>)
      tpu.yield
    }) : () -> ()
    %mul3A_6 = arith.constant 80 : i32
    %mul3A_7 = arith.muli %arg1, %mul3A_6 : i32
    %run_scoped3A_8 = arith.constant 0 : i32
    "tpu.region"() ({
      %run_scoped3A_72 = tpu.sem_alloc : memref<!tpu.dma_semaphore, #tpu.memory_space<semaphore_mem>>
      %dma_start3A = arith.constant 0 : i32
      %dma_start3A_73 = tpu.memref_slice %arg4[%run_scoped3A_8, %mul3A_7, %dma_start3A] : memref<4x1280x128xi32, #tpu.memory_space<hbm>> -> memref<1x80x128xi32, #tpu.memory_space<hbm>>
      %dma_start3A_74 = tpu.memref_squeeze %dma_start3A_73 : memref<1x80x128xi32, #tpu.memory_space<hbm>> -> memref<80x128xi32, #tpu.memory_space<hbm>>
      %dma_start3A_75 = arith.constant 0 : i32
      %dma_start3A_76 = tpu.memref_slice %arg4[%run_scoped3A_8, %mul3A_7, %dma_start3A_75] : memref<4x1280x128xi32, #tpu.memory_space<hbm>> -> memref<1x80x128xi32, #tpu.memory_space<hbm>>
      %dma_start3A_77 = tpu.memref_squeeze %dma_start3A_76 : memref<1x80x128xi32, #tpu.memory_space<hbm>> -> memref<80x128xi32, #tpu.memory_space<hbm>>
      tpu.enqueue_dma source(%dma_start3A_77 : memref<80x128xi32, #tpu.memory_space<hbm>>) target(%arg9 : memref<80x128xi32, #tpu.memory_space<vmem>>) target_semaphore(%run_scoped3A_72 : memref<!tpu.dma_semaphore, #tpu.memory_space<semaphore_mem>>)
      %dma_wait3A = arith.constant 0 : i32
      %dma_wait3A_78 = tpu.memref_slice %arg4[%run_scoped3A_8, %mul3A_7, %dma_wait3A] : memref<4x1280x128xi32, #tpu.memory_space<hbm>> -> memref<1x80x128xi32, #tpu.memory_space<hbm>>
      %dma_wait3A_79 = tpu.memref_squeeze %dma_wait3A_78 : memref<1x80x128xi32, #tpu.memory_space<hbm>> -> memref<80x128xi32, #tpu.memory_space<hbm>>
      %dma_wait3A_80 = arith.constant 0 : i32
      %dma_wait3A_81 = tpu.memref_slice %arg4[%run_scoped3A_8, %mul3A_7, %dma_wait3A_80] : memref<4x1280x128xi32, #tpu.memory_space<hbm>> -> memref<1x80x128xi32, #tpu.memory_space<hbm>>
      %dma_wait3A_82 = tpu.memref_squeeze %dma_wait3A_81 : memref<1x80x128xi32, #tpu.memory_space<hbm>> -> memref<80x128xi32, #tpu.memory_space<hbm>>
      tpu.wait_dma2 semaphore(%run_scoped3A_72 : memref<!tpu.dma_semaphore, #tpu.memory_space<semaphore_mem>>) src(%dma_wait3A_82 : memref<80x128xi32, #tpu.memory_space<hbm>>) dst(%arg9 : memref<80x128xi32, #tpu.memory_space<vmem>>)
      tpu.yield
    }) : () -> ()
    %scan3A = arith.constant 0 : i32
    %scan3A_9 = arith.constant 0 : i32
    %scan3A_10 = arith.constant 80 : i32
    %scan3A_11 = arith.addi %scan3A_9, %scan3A_10 : i32
    %scan3A_12 = arith.constant 1 : i32
    scf.for %scan3A_72 = %scan3A_9 to %scan3A_11 step %scan3A_12  : i32 {
      "tpu.region"() ({
        %run_scoped3A_73 = tpu.sem_alloc : memref<!tpu.dma_semaphore, #tpu.memory_space<semaphore_mem>>
        %dma_start3A = arith.constant 0 : i32
        %dma_start3A_74 = tpu.memref_slice %arg8[%scan3A_72, %dma_start3A] : memref<80x128xi32, #tpu.memory_space<vmem>> -> memref<1x128xi32, #tpu.memory_space<vmem>>
        %dma_start3A_75 = tpu.memref_squeeze %dma_start3A_74 : memref<1x128xi32, #tpu.memory_space<vmem>> -> memref<128xi32, #tpu.memory_space<vmem>>
        %dma_start3A_76 = arith.constant 0 : i32
        %dma_start3A_77 = arith.constant 0 : i32
        %dma_start3A_78 = tpu.memref_slice %arg2[%add3A_3, %dma_start3A_76, %dma_start3A_77] : memref<4x20480x128xf32, #tpu.memory_space<hbm>> -> memref<1x20480x128xf32, #tpu.memory_space<hbm>>
        %dma_start3A_79 = tpu.memref_squeeze %dma_start3A_78 : memref<1x20480x128xf32, #tpu.memory_space<hbm>> -> memref<20480x128xf32, #tpu.memory_space<hbm>>
        %dma_start3A_80 = arith.constant 0 : i32
        %dma_start3A_81 = arith.constant 0 : i32
        %dma_start3A_82 = tpu.memref_slice %dma_start3A_79[%dma_start3A_80, %dma_start3A_81] : memref<20480x128xf32, #tpu.memory_space<hbm>> -> memref<20480x128xf32, #tpu.memory_space<hbm>>
        tpu.enqueue_indirect_dma source(%dma_start3A_82 : memref<20480x128xf32, #tpu.memory_space<hbm>>) target(%arg10 : memref<128x128xf32, #tpu.memory_space<vmem>>) offsets(%dma_start3A_75 : memref<128xi32, #tpu.memory_space<vmem>>) semaphore(%run_scoped3A_73 : memref<!tpu.dma_semaphore, #tpu.memory_space<semaphore_mem>>)
        %dma_wait3A = arith.constant 0 : i32
        %dma_wait3A_83 = tpu.memref_slice %arg8[%scan3A_72, %dma_wait3A] : memref<80x128xi32, #tpu.memory_space<vmem>> -> memref<1x128xi32, #tpu.memory_space<vmem>>
        %dma_wait3A_84 = tpu.memref_squeeze %dma_wait3A_83 : memref<1x128xi32, #tpu.memory_space<vmem>> -> memref<128xi32, #tpu.memory_space<vmem>>
        %dma_wait3A_85 = arith.constant 0 : i32
        %dma_wait3A_86 = arith.constant 0 : i32
        %dma_wait3A_87 = tpu.memref_slice %arg2[%add3A_3, %dma_wait3A_85, %dma_wait3A_86] : memref<4x20480x128xf32, #tpu.memory_space<hbm>> -> memref<1x20480x128xf32, #tpu.memory_space<hbm>>
        %dma_wait3A_88 = tpu.memref_squeeze %dma_wait3A_87 : memref<1x20480x128xf32, #tpu.memory_space<hbm>> -> memref<20480x128xf32, #tpu.memory_space<hbm>>
        %dma_wait3A_89 = arith.constant 0 : i32
        %dma_wait3A_90 = arith.constant 0 : i32
        %dma_wait3A_91 = tpu.memref_slice %dma_wait3A_88[%dma_wait3A_89, %dma_wait3A_90] : memref<20480x128xf32, #tpu.memory_space<hbm>> -> memref<20480x128xf32, #tpu.memory_space<hbm>>
        tpu.wait_indirect_dma semaphore(%run_scoped3A_73 : memref<!tpu.dma_semaphore, #tpu.memory_space<semaphore_mem>>) src(%dma_wait3A_91 : memref<20480x128xf32, #tpu.memory_space<hbm>>) dst(%arg10 : memref<128x128xf32, #tpu.memory_space<vmem>>)
        tpu.yield
      }) : () -> ()
      "tpu.region"() ({
        %run_scoped3A_73 = tpu.sem_alloc : memref<!tpu.dma_semaphore, #tpu.memory_space<semaphore_mem>>
        %dma_start3A = arith.constant 0 : i32
        %dma_start3A_74 = tpu.memref_slice %arg9[%scan3A_72, %dma_start3A] : memref<80x128xi32, #tpu.memory_space<vmem>> -> memref<1x128xi32, #tpu.memory_space<vmem>>
        %dma_start3A_75 = tpu.memref_squeeze %dma_start3A_74 : memref<1x128xi32, #tpu.memory_space<vmem>> -> memref<128xi32, #tpu.memory_space<vmem>>
        %dma_start3A_76 = arith.constant 0 : i32
        %dma_start3A_77 = arith.constant 0 : i32
        %dma_start3A_78 = tpu.memref_slice %arg11[%dma_start3A_76, %dma_start3A_77] : memref<10248x128xf32, #tpu.memory_space<vmem_shared>> -> memref<10248x128xf32, #tpu.memory_space<vmem_shared>>
        tpu.enqueue_indirect_dma source(%arg10 : memref<128x128xf32, #tpu.memory_space<vmem>>) target(%dma_start3A_78 : memref<10248x128xf32, #tpu.memory_space<vmem_shared>>) offsets(%dma_start3A_75 : memref<128xi32, #tpu.memory_space<vmem>>) semaphore(%run_scoped3A_73 : memref<!tpu.dma_semaphore, #tpu.memory_space<semaphore_mem>>) {add = true}
        %dma_wait3A = arith.constant 0 : i32
        %dma_wait3A_79 = tpu.memref_slice %arg9[%scan3A_72, %dma_wait3A] : memref<80x128xi32, #tpu.memory_space<vmem>> -> memref<1x128xi32, #tpu.memory_space<vmem>>
        %dma_wait3A_80 = tpu.memref_squeeze %dma_wait3A_79 : memref<1x128xi32, #tpu.memory_space<vmem>> -> memref<128xi32, #tpu.memory_space<vmem>>
        %dma_wait3A_81 = arith.constant 0 : i32
        %dma_wait3A_82 = arith.constant 0 : i32
        %dma_wait3A_83 = tpu.memref_slice %arg11[%dma_wait3A_81, %dma_wait3A_82] : memref<10248x128xf32, #tpu.memory_space<vmem_shared>> -> memref<10248x128xf32, #tpu.memory_space<vmem_shared>>
        tpu.wait_indirect_dma semaphore(%run_scoped3A_73 : memref<!tpu.dma_semaphore, #tpu.memory_space<semaphore_mem>>) src(%arg10 : memref<128x128xf32, #tpu.memory_space<vmem>>) dst(%dma_wait3A_83 : memref<10248x128xf32, #tpu.memory_space<vmem_shared>>)
        tpu.yield
      }) : () -> ()
    }
    %scan3A_13 = arith.constant 80 : i32
    %barrier3A_14 = arith.constant 0 : index
    tpu.barrier barrier_id(%barrier3A_14)
    %add3A_15 = arith.constant 0 : i32
    %add3A_16 = arith.addi %add3A_15, %mul3A_0 : i32
    "tpu.region"() ({
      %run_scoped3A_72 = tpu.sem_alloc : memref<!tpu.dma_semaphore, #tpu.memory_space<semaphore_mem>>
      %dma_start3A = arith.constant 0 : i32
      %dma_start3A_73 = tpu.memref_slice %arg6[%arg0, %add3A_16, %dma_start3A] : memref<2x20480x128xf32, #tpu.memory_space<hbm>> -> memref<1x640x128xf32, #tpu.memory_space<hbm>>
      %dma_start3A_74 = tpu.memref_squeeze %dma_start3A_73 : memref<1x640x128xf32, #tpu.memory_space<hbm>> -> memref<640x128xf32, #tpu.memory_space<hbm>>
      %dma_start3A_75 = arith.constant 0 : i32
      %dma_start3A_76 = tpu.memref_slice %arg11[%mul3A_0, %dma_start3A_75] : memref<10248x128xf32, #tpu.memory_space<vmem_shared>> -> memref<640x128xf32, #tpu.memory_space<vmem_shared>>
      tpu.enqueue_dma source(%dma_start3A_76 : memref<640x128xf32, #tpu.memory_space<vmem_shared>>) target(%dma_start3A_74 : memref<640x128xf32, #tpu.memory_space<hbm>>) target_semaphore(%run_scoped3A_72 : memref<!tpu.dma_semaphore, #tpu.memory_space<semaphore_mem>>)
      %dma_wait3A = arith.constant 0 : i32
      %dma_wait3A_77 = tpu.memref_slice %arg6[%arg0, %add3A_16, %dma_wait3A] : memref<2x20480x128xf32, #tpu.memory_space<hbm>> -> memref<1x640x128xf32, #tpu.memory_space<hbm>>
      %dma_wait3A_78 = tpu.memref_squeeze %dma_wait3A_77 : memref<1x640x128xf32, #tpu.memory_space<hbm>> -> memref<640x128xf32, #tpu.memory_space<hbm>>
      %dma_wait3A_79 = arith.constant 0 : i32
      %dma_wait3A_80 = tpu.memref_slice %arg11[%mul3A_0, %dma_wait3A_79] : memref<10248x128xf32, #tpu.memory_space<vmem_shared>> -> memref<640x128xf32, #tpu.memory_space<vmem_shared>>
      tpu.wait_dma2 semaphore(%run_scoped3A_72 : memref<!tpu.dma_semaphore, #tpu.memory_space<semaphore_mem>>) src(%dma_wait3A_80 : memref<640x128xf32, #tpu.memory_space<vmem_shared>>) dst(%dma_wait3A_78 : memref<640x128xf32, #tpu.memory_space<hbm>>)
      tpu.yield
    }) : () -> ()
    "tpu.region"() ({
      %run_scoped3A_72 = tpu.sem_alloc : memref<!tpu.dma_semaphore, #tpu.memory_space<semaphore_mem>>
      %dma_start3A = arith.constant 0 : i32
      %dma_start3A_73 = tpu.memref_slice %arg11[%mul3A_0, %dma_start3A] : memref<10248x128xf32, #tpu.memory_space<vmem_shared>> -> memref<640x128xf32, #tpu.memory_space<vmem_shared>>
      %dma_start3A_74 = arith.constant 0 : i32
      %dma_start3A_75 = tpu.memref_slice %arg5[%mul3A_0, %dma_start3A_74] : memref<10248x128xf32, #tpu.memory_space<hbm>> -> memref<640x128xf32, #tpu.memory_space<hbm>>
      tpu.enqueue_dma source(%dma_start3A_75 : memref<640x128xf32, #tpu.memory_space<hbm>>) target(%dma_start3A_73 : memref<640x128xf32, #tpu.memory_space<vmem_shared>>) target_semaphore(%run_scoped3A_72 : memref<!tpu.dma_semaphore, #tpu.memory_space<semaphore_mem>>)
      %dma_wait3A = arith.constant 0 : i32
      %dma_wait3A_76 = tpu.memref_slice %arg11[%mul3A_0, %dma_wait3A] : memref<10248x128xf32, #tpu.memory_space<vmem_shared>> -> memref<640x128xf32, #tpu.memory_space<vmem_shared>>
      %dma_wait3A_77 = arith.constant 0 : i32
      %dma_wait3A_78 = tpu.memref_slice %arg5[%mul3A_0, %dma_wait3A_77] : memref<10248x128xf32, #tpu.memory_space<hbm>> -> memref<640x128xf32, #tpu.memory_space<hbm>>
      tpu.wait_dma2 semaphore(%run_scoped3A_72 : memref<!tpu.dma_semaphore, #tpu.memory_space<semaphore_mem>>) src(%dma_wait3A_78 : memref<640x128xf32, #tpu.memory_space<hbm>>) dst(%dma_wait3A_76 : memref<640x128xf32, #tpu.memory_space<vmem_shared>>)
      tpu.yield
    }) : () -> ()
    %barrier3A_17 = arith.constant 0 : index
    tpu.barrier barrier_id(%barrier3A_17)
    %add3A_18 = arith.constant 2 : i32
    %add3A_19 = arith.addi %add3A_18, %arg0 : i32
    %mul3A_20 = arith.constant 80 : i32
    %mul3A_21 = arith.muli %arg1, %mul3A_20 : i32
    %run_scoped3A_22 = arith.constant 1 : i32
    "tpu.region"() ({
      %run_scoped3A_72 = tpu.sem_alloc : memref<!tpu.dma_semaphore, #tpu.memory_space<semaphore_mem>>
      %dma_start3A = arith.constant 0 : i32
      %dma_start3A_73 = tpu.memref_slice %arg3[%run_scoped3A_22, %mul3A_21, %dma_start3A] : memref<4x1280x128xi32, #tpu.memory_space<hbm>> -> memref<1x80x128xi32, #tpu.memory_space<hbm>>
      %dma_start3A_74 = tpu.memref_squeeze %dma_start3A_73 : memref<1x80x128xi32, #tpu.memory_space<hbm>> -> memref<80x128xi32, #tpu.memory_space<hbm>>
      %dma_start3A_75 = arith.constant 0 : i32
      %dma_start3A_76 = tpu.memref_slice %arg3[%run_scoped3A_22, %mul3A_21, %dma_start3A_75] : memref<4x1280x128xi32, #tpu.memory_space<hbm>> -> memref<1x80x128xi32, #tpu.memory_space<hbm>>
      %dma_start3A_77 = tpu.memref_squeeze %dma_start3A_76 : memref<1x80x128xi32, #tpu.memory_space<hbm>> -> memref<80x128xi32, #tpu.memory_space<hbm>>
      tpu.enqueue_dma source(%dma_start3A_77 : memref<80x128xi32, #tpu.memory_space<hbm>>) target(%arg8 : memref<80x128xi32, #tpu.memory_space<vmem>>) target_semaphore(%run_scoped3A_72 : memref<!tpu.dma_semaphore, #tpu.memory_space<semaphore_mem>>)
      %dma_wait3A = arith.constant 0 : i32
      %dma_wait3A_78 = tpu.memref_slice %arg3[%run_scoped3A_22, %mul3A_21, %dma_wait3A] : memref<4x1280x128xi32, #tpu.memory_space<hbm>> -> memref<1x80x128xi32, #tpu.memory_space<hbm>>
      %dma_wait3A_79 = tpu.memref_squeeze %dma_wait3A_78 : memref<1x80x128xi32, #tpu.memory_space<hbm>> -> memref<80x128xi32, #tpu.memory_space<hbm>>
      %dma_wait3A_80 = arith.constant 0 : i32
      %dma_wait3A_81 = tpu.memref_slice %arg3[%run_scoped3A_22, %mul3A_21, %dma_wait3A_80] : memref<4x1280x128xi32, #tpu.memory_space<hbm>> -> memref<1x80x128xi32, #tpu.memory_space<hbm>>
      %dma_wait3A_82 = tpu.memref_squeeze %dma_wait3A_81 : memref<1x80x128xi32, #tpu.memory_space<hbm>> -> memref<80x128xi32, #tpu.memory_space<hbm>>
      tpu.wait_dma2 semaphore(%run_scoped3A_72 : memref<!tpu.dma_semaphore, #tpu.memory_space<semaphore_mem>>) src(%dma_wait3A_82 : memref<80x128xi32, #tpu.memory_space<hbm>>) dst(%arg8 : memref<80x128xi32, #tpu.memory_space<vmem>>)
      tpu.yield
    }) : () -> ()
    %mul3A_23 = arith.constant 80 : i32
    %mul3A_24 = arith.muli %arg1, %mul3A_23 : i32
    %run_scoped3A_25 = arith.constant 1 : i32
    "tpu.region"() ({
      %run_scoped3A_72 = tpu.sem_alloc : memref<!tpu.dma_semaphore, #tpu.memory_space<semaphore_mem>>
      %dma_start3A = arith.constant 0 : i32
      %dma_start3A_73 = tpu.memref_slice %arg4[%run_scoped3A_25, %mul3A_24, %dma_start3A] : memref<4x1280x128xi32, #tpu.memory_space<hbm>> -> memref<1x80x128xi32, #tpu.memory_space<hbm>>
      %dma_start3A_74 = tpu.memref_squeeze %dma_start3A_73 : memref<1x80x128xi32, #tpu.memory_space<hbm>> -> memref<80x128xi32, #tpu.memory_space<hbm>>
      %dma_start3A_75 = arith.constant 0 : i32
      %dma_start3A_76 = tpu.memref_slice %arg4[%run_scoped3A_25, %mul3A_24, %dma_start3A_75] : memref<4x1280x128xi32, #tpu.memory_space<hbm>> -> memref<1x80x128xi32, #tpu.memory_space<hbm>>
      %dma_start3A_77 = tpu.memref_squeeze %dma_start3A_76 : memref<1x80x128xi32, #tpu.memory_space<hbm>> -> memref<80x128xi32, #tpu.memory_space<hbm>>
      tpu.enqueue_dma source(%dma_start3A_77 : memref<80x128xi32, #tpu.memory_space<hbm>>) target(%arg9 : memref<80x128xi32, #tpu.memory_space<vmem>>) target_semaphore(%run_scoped3A_72 : memref<!tpu.dma_semaphore, #tpu.memory_space<semaphore_mem>>)
      %dma_wait3A = arith.constant 0 : i32
      %dma_wait3A_78 = tpu.memref_slice %arg4[%run_scoped3A_25, %mul3A_24, %dma_wait3A] : memref<4x1280x128xi32, #tpu.memory_space<hbm>> -> memref<1x80x128xi32, #tpu.memory_space<hbm>>
      %dma_wait3A_79 = tpu.memref_squeeze %dma_wait3A_78 : memref<1x80x128xi32, #tpu.memory_space<hbm>> -> memref<80x128xi32, #tpu.memory_space<hbm>>
      %dma_wait3A_80 = arith.constant 0 : i32
      %dma_wait3A_81 = tpu.memref_slice %arg4[%run_scoped3A_25, %mul3A_24, %dma_wait3A_80] : memref<4x1280x128xi32, #tpu.memory_space<hbm>> -> memref<1x80x128xi32, #tpu.memory_space<hbm>>
      %dma_wait3A_82 = tpu.memref_squeeze %dma_wait3A_81 : memref<1x80x128xi32, #tpu.memory_space<hbm>> -> memref<80x128xi32, #tpu.memory_space<hbm>>
      tpu.wait_dma2 semaphore(%run_scoped3A_72 : memref<!tpu.dma_semaphore, #tpu.memory_space<semaphore_mem>>) src(%dma_wait3A_82 : memref<80x128xi32, #tpu.memory_space<hbm>>) dst(%arg9 : memref<80x128xi32, #tpu.memory_space<vmem>>)
      tpu.yield
    }) : () -> ()
    %scan3A_26 = arith.constant 0 : i32
    %scan3A_27 = arith.constant 0 : i32
    %scan3A_28 = arith.constant 80 : i32
    %scan3A_29 = arith.addi %scan3A_27, %scan3A_28 : i32
    %scan3A_30 = arith.constant 1 : i32
    scf.for %scan3A_72 = %scan3A_27 to %scan3A_29 step %scan3A_30  : i32 {
      "tpu.region"() ({
        %run_scoped3A_73 = tpu.sem_alloc : memref<!tpu.dma_semaphore, #tpu.memory_space<semaphore_mem>>
        %dma_start3A = arith.constant 0 : i32
        %dma_start3A_74 = tpu.memref_slice %arg8[%scan3A_72, %dma_start3A] : memref<80x128xi32, #tpu.memory_space<vmem>> -> memref<1x128xi32, #tpu.memory_space<vmem>>
        %dma_start3A_75 = tpu.memref_squeeze %dma_start3A_74 : memref<1x128xi32, #tpu.memory_space<vmem>> -> memref<128xi32, #tpu.memory_space<vmem>>
        %dma_start3A_76 = arith.constant 0 : i32
        %dma_start3A_77 = arith.constant 0 : i32
        %dma_start3A_78 = tpu.memref_slice %arg2[%add3A_19, %dma_start3A_76, %dma_start3A_77] : memref<4x20480x128xf32, #tpu.memory_space<hbm>> -> memref<1x20480x128xf32, #tpu.memory_space<hbm>>
        %dma_start3A_79 = tpu.memref_squeeze %dma_start3A_78 : memref<1x20480x128xf32, #tpu.memory_space<hbm>> -> memref<20480x128xf32, #tpu.memory_space<hbm>>
        %dma_start3A_80 = arith.constant 0 : i32
        %dma_start3A_81 = arith.constant 0 : i32
        %dma_start3A_82 = tpu.memref_slice %dma_start3A_79[%dma_start3A_80, %dma_start3A_81] : memref<20480x128xf32, #tpu.memory_space<hbm>> -> memref<20480x128xf32, #tpu.memory_space<hbm>>
        tpu.enqueue_indirect_dma source(%dma_start3A_82 : memref<20480x128xf32, #tpu.memory_space<hbm>>) target(%arg10 : memref<128x128xf32, #tpu.memory_space<vmem>>) offsets(%dma_start3A_75 : memref<128xi32, #tpu.memory_space<vmem>>) semaphore(%run_scoped3A_73 : memref<!tpu.dma_semaphore, #tpu.memory_space<semaphore_mem>>)
        %dma_wait3A = arith.constant 0 : i32
        %dma_wait3A_83 = tpu.memref_slice %arg8[%scan3A_72, %dma_wait3A] : memref<80x128xi32, #tpu.memory_space<vmem>> -> memref<1x128xi32, #tpu.memory_space<vmem>>
        %dma_wait3A_84 = tpu.memref_squeeze %dma_wait3A_83 : memref<1x128xi32, #tpu.memory_space<vmem>> -> memref<128xi32, #tpu.memory_space<vmem>>
        %dma_wait3A_85 = arith.constant 0 : i32
        %dma_wait3A_86 = arith.constant 0 : i32
        %dma_wait3A_87 = tpu.memref_slice %arg2[%add3A_19, %dma_wait3A_85, %dma_wait3A_86] : memref<4x20480x128xf32, #tpu.memory_space<hbm>> -> memref<1x20480x128xf32, #tpu.memory_space<hbm>>
        %dma_wait3A_88 = tpu.memref_squeeze %dma_wait3A_87 : memref<1x20480x128xf32, #tpu.memory_space<hbm>> -> memref<20480x128xf32, #tpu.memory_space<hbm>>
        %dma_wait3A_89 = arith.constant 0 : i32
        %dma_wait3A_90 = arith.constant 0 : i32
        %dma_wait3A_91 = tpu.memref_slice %dma_wait3A_88[%dma_wait3A_89, %dma_wait3A_90] : memref<20480x128xf32, #tpu.memory_space<hbm>> -> memref<20480x128xf32, #tpu.memory_space<hbm>>
        tpu.wait_indirect_dma semaphore(%run_scoped3A_73 : memref<!tpu.dma_semaphore, #tpu.memory_space<semaphore_mem>>) src(%dma_wait3A_91 : memref<20480x128xf32, #tpu.memory_space<hbm>>) dst(%arg10 : memref<128x128xf32, #tpu.memory_space<vmem>>)
        tpu.yield
      }) : () -> ()
      "tpu.region"() ({
        %run_scoped3A_73 = tpu.sem_alloc : memref<!tpu.dma_semaphore, #tpu.memory_space<semaphore_mem>>
        %dma_start3A = arith.constant 0 : i32
        %dma_start3A_74 = tpu.memref_slice %arg9[%scan3A_72, %dma_start3A] : memref<80x128xi32, #tpu.memory_space<vmem>> -> memref<1x128xi32, #tpu.memory_space<vmem>>
        %dma_start3A_75 = tpu.memref_squeeze %dma_start3A_74 : memref<1x128xi32, #tpu.memory_space<vmem>> -> memref<128xi32, #tpu.memory_space<vmem>>
        %dma_start3A_76 = arith.constant 0 : i32
        %dma_start3A_77 = arith.constant 0 : i32
        %dma_start3A_78 = tpu.memref_slice %arg11[%dma_start3A_76, %dma_start3A_77] : memref<10248x128xf32, #tpu.memory_space<vmem_shared>> -> memref<10248x128xf32, #tpu.memory_space<vmem_shared>>
        tpu.enqueue_indirect_dma source(%arg10 : memref<128x128xf32, #tpu.memory_space<vmem>>) target(%dma_start3A_78 : memref<10248x128xf32, #tpu.memory_space<vmem_shared>>) offsets(%dma_start3A_75 : memref<128xi32, #tpu.memory_space<vmem>>) semaphore(%run_scoped3A_73 : memref<!tpu.dma_semaphore, #tpu.memory_space<semaphore_mem>>) {add = true}
        %dma_wait3A = arith.constant 0 : i32
        %dma_wait3A_79 = tpu.memref_slice %arg9[%scan3A_72, %dma_wait3A] : memref<80x128xi32, #tpu.memory_space<vmem>> -> memref<1x128xi32, #tpu.memory_space<vmem>>
        %dma_wait3A_80 = tpu.memref_squeeze %dma_wait3A_79 : memref<1x128xi32, #tpu.memory_space<vmem>> -> memref<128xi32, #tpu.memory_space<vmem>>
        %dma_wait3A_81 = arith.constant 0 : i32
        %dma_wait3A_82 = arith.constant 0 : i32
        %dma_wait3A_83 = tpu.memref_slice %arg11[%dma_wait3A_81, %dma_wait3A_82] : memref<10248x128xf32, #tpu.memory_space<vmem_shared>> -> memref<10248x128xf32, #tpu.memory_space<vmem_shared>>
        tpu.wait_indirect_dma semaphore(%run_scoped3A_73 : memref<!tpu.dma_semaphore, #tpu.memory_space<semaphore_mem>>) src(%arg10 : memref<128x128xf32, #tpu.memory_space<vmem>>) dst(%dma_wait3A_83 : memref<10248x128xf32, #tpu.memory_space<vmem_shared>>)
        tpu.yield
      }) : () -> ()
    }
    %scan3A_31 = arith.constant 80 : i32
    %barrier3A_32 = arith.constant 0 : index
    tpu.barrier barrier_id(%barrier3A_32)
    %add3A_33 = arith.constant 0 : i32
    %add3A_34 = arith.addi %add3A_33, %mul3A_0 : i32
    "tpu.region"() ({
      %run_scoped3A_72 = tpu.sem_alloc : memref<!tpu.dma_semaphore, #tpu.memory_space<semaphore_mem>>
      %dma_start3A = arith.constant 0 : i32
      %dma_start3A_73 = tpu.memref_slice %arg7[%arg0, %add3A_34, %dma_start3A] : memref<2x20480x128xf32, #tpu.memory_space<hbm>> -> memref<1x640x128xf32, #tpu.memory_space<hbm>>
      %dma_start3A_74 = tpu.memref_squeeze %dma_start3A_73 : memref<1x640x128xf32, #tpu.memory_space<hbm>> -> memref<640x128xf32, #tpu.memory_space<hbm>>
      %dma_start3A_75 = arith.constant 0 : i32
      %dma_start3A_76 = tpu.memref_slice %arg11[%mul3A_0, %dma_start3A_75] : memref<10248x128xf32, #tpu.memory_space<vmem_shared>> -> memref<640x128xf32, #tpu.memory_space<vmem_shared>>
      tpu.enqueue_dma source(%dma_start3A_76 : memref<640x128xf32, #tpu.memory_space<vmem_shared>>) target(%dma_start3A_74 : memref<640x128xf32, #tpu.memory_space<hbm>>) target_semaphore(%run_scoped3A_72 : memref<!tpu.dma_semaphore, #tpu.memory_space<semaphore_mem>>)
      %dma_wait3A = arith.constant 0 : i32
      %dma_wait3A_77 = tpu.memref_slice %arg7[%arg0, %add3A_34, %dma_wait3A] : memref<2x20480x128xf32, #tpu.memory_space<hbm>> -> memref<1x640x128xf32, #tpu.memory_space<hbm>>
      %dma_wait3A_78 = tpu.memref_squeeze %dma_wait3A_77 : memref<1x640x128xf32, #tpu.memory_space<hbm>> -> memref<640x128xf32, #tpu.memory_space<hbm>>
      %dma_wait3A_79 = arith.constant 0 : i32
      %dma_wait3A_80 = tpu.memref_slice %arg11[%mul3A_0, %dma_wait3A_79] : memref<10248x128xf32, #tpu.memory_space<vmem_shared>> -> memref<640x128xf32, #tpu.memory_space<vmem_shared>>
      tpu.wait_dma2 semaphore(%run_scoped3A_72 : memref<!tpu.dma_semaphore, #tpu.memory_space<semaphore_mem>>) src(%dma_wait3A_80 : memref<640x128xf32, #tpu.memory_space<vmem_shared>>) dst(%dma_wait3A_78 : memref<640x128xf32, #tpu.memory_space<hbm>>)
      tpu.yield
    }) : () -> ()
    "tpu.region"() ({
      %run_scoped3A_72 = tpu.sem_alloc : memref<!tpu.dma_semaphore, #tpu.memory_space<semaphore_mem>>
      %dma_start3A = arith.constant 0 : i32
      %dma_start3A_73 = tpu.memref_slice %arg11[%mul3A_0, %dma_start3A] : memref<10248x128xf32, #tpu.memory_space<vmem_shared>> -> memref<640x128xf32, #tpu.memory_space<vmem_shared>>
      %dma_start3A_74 = arith.constant 0 : i32
      %dma_start3A_75 = tpu.memref_slice %arg5[%mul3A_0, %dma_start3A_74] : memref<10248x128xf32, #tpu.memory_space<hbm>> -> memref<640x128xf32, #tpu.memory_space<hbm>>
      tpu.enqueue_dma source(%dma_start3A_75 : memref<640x128xf32, #tpu.memory_space<hbm>>) target(%dma_start3A_73 : memref<640x128xf32, #tpu.memory_space<vmem_shared>>) target_semaphore(%run_scoped3A_72 : memref<!tpu.dma_semaphore, #tpu.memory_space<semaphore_mem>>)
      %dma_wait3A = arith.constant 0 : i32
      %dma_wait3A_76 = tpu.memref_slice %arg11[%mul3A_0, %dma_wait3A] : memref<10248x128xf32, #tpu.memory_space<vmem_shared>> -> memref<640x128xf32, #tpu.memory_space<vmem_shared>>
      %dma_wait3A_77 = arith.constant 0 : i32
      %dma_wait3A_78 = tpu.memref_slice %arg5[%mul3A_0, %dma_wait3A_77] : memref<10248x128xf32, #tpu.memory_space<hbm>> -> memref<640x128xf32, #tpu.memory_space<hbm>>
      tpu.wait_dma2 semaphore(%run_scoped3A_72 : memref<!tpu.dma_semaphore, #tpu.memory_space<semaphore_mem>>) src(%dma_wait3A_78 : memref<640x128xf32, #tpu.memory_space<hbm>>) dst(%dma_wait3A_76 : memref<640x128xf32, #tpu.memory_space<vmem_shared>>)
      tpu.yield
    }) : () -> ()
    %barrier3A_35 = arith.constant 0 : index
    tpu.barrier barrier_id(%barrier3A_35)
    %add3A_36 = arith.constant 0 : i32
    %add3A_37 = arith.addi %add3A_36, %arg0 : i32
    %mul3A_38 = arith.constant 80 : i32
    %mul3A_39 = arith.muli %arg1, %mul3A_38 : i32
    %run_scoped3A_40 = arith.constant 2 : i32
    "tpu.region"() ({
      %run_scoped3A_72 = tpu.sem_alloc : memref<!tpu.dma_semaphore, #tpu.memory_space<semaphore_mem>>
      %dma_start3A = arith.constant 0 : i32
      %dma_start3A_73 = tpu.memref_slice %arg3[%run_scoped3A_40, %mul3A_39, %dma_start3A] : memref<4x1280x128xi32, #tpu.memory_space<hbm>> -> memref<1x80x128xi32, #tpu.memory_space<hbm>>
      %dma_start3A_74 = tpu.memref_squeeze %dma_start3A_73 : memref<1x80x128xi32, #tpu.memory_space<hbm>> -> memref<80x128xi32, #tpu.memory_space<hbm>>
      %dma_start3A_75 = arith.constant 0 : i32
      %dma_start3A_76 = tpu.memref_slice %arg3[%run_scoped3A_40, %mul3A_39, %dma_start3A_75] : memref<4x1280x128xi32, #tpu.memory_space<hbm>> -> memref<1x80x128xi32, #tpu.memory_space<hbm>>
      %dma_start3A_77 = tpu.memref_squeeze %dma_start3A_76 : memref<1x80x128xi32, #tpu.memory_space<hbm>> -> memref<80x128xi32, #tpu.memory_space<hbm>>
      tpu.enqueue_dma source(%dma_start3A_77 : memref<80x128xi32, #tpu.memory_space<hbm>>) target(%arg8 : memref<80x128xi32, #tpu.memory_space<vmem>>) target_semaphore(%run_scoped3A_72 : memref<!tpu.dma_semaphore, #tpu.memory_space<semaphore_mem>>)
      %dma_wait3A = arith.constant 0 : i32
      %dma_wait3A_78 = tpu.memref_slice %arg3[%run_scoped3A_40, %mul3A_39, %dma_wait3A] : memref<4x1280x128xi32, #tpu.memory_space<hbm>> -> memref<1x80x128xi32, #tpu.memory_space<hbm>>
      %dma_wait3A_79 = tpu.memref_squeeze %dma_wait3A_78 : memref<1x80x128xi32, #tpu.memory_space<hbm>> -> memref<80x128xi32, #tpu.memory_space<hbm>>
      %dma_wait3A_80 = arith.constant 0 : i32
      %dma_wait3A_81 = tpu.memref_slice %arg3[%run_scoped3A_40, %mul3A_39, %dma_wait3A_80] : memref<4x1280x128xi32, #tpu.memory_space<hbm>> -> memref<1x80x128xi32, #tpu.memory_space<hbm>>
      %dma_wait3A_82 = tpu.memref_squeeze %dma_wait3A_81 : memref<1x80x128xi32, #tpu.memory_space<hbm>> -> memref<80x128xi32, #tpu.memory_space<hbm>>
      tpu.wait_dma2 semaphore(%run_scoped3A_72 : memref<!tpu.dma_semaphore, #tpu.memory_space<semaphore_mem>>) src(%dma_wait3A_82 : memref<80x128xi32, #tpu.memory_space<hbm>>) dst(%arg8 : memref<80x128xi32, #tpu.memory_space<vmem>>)
      tpu.yield
    }) : () -> ()
    %mul3A_41 = arith.constant 80 : i32
    %mul3A_42 = arith.muli %arg1, %mul3A_41 : i32
    %run_scoped3A_43 = arith.constant 2 : i32
    "tpu.region"() ({
      %run_scoped3A_72 = tpu.sem_alloc : memref<!tpu.dma_semaphore, #tpu.memory_space<semaphore_mem>>
      %dma_start3A = arith.constant 0 : i32
      %dma_start3A_73 = tpu.memref_slice %arg4[%run_scoped3A_43, %mul3A_42, %dma_start3A] : memref<4x1280x128xi32, #tpu.memory_space<hbm>> -> memref<1x80x128xi32, #tpu.memory_space<hbm>>
      %dma_start3A_74 = tpu.memref_squeeze %dma_start3A_73 : memref<1x80x128xi32, #tpu.memory_space<hbm>> -> memref<80x128xi32, #tpu.memory_space<hbm>>
      %dma_start3A_75 = arith.constant 0 : i32
      %dma_start3A_76 = tpu.memref_slice %arg4[%run_scoped3A_43, %mul3A_42, %dma_start3A_75] : memref<4x1280x128xi32, #tpu.memory_space<hbm>> -> memref<1x80x128xi32, #tpu.memory_space<hbm>>
      %dma_start3A_77 = tpu.memref_squeeze %dma_start3A_76 : memref<1x80x128xi32, #tpu.memory_space<hbm>> -> memref<80x128xi32, #tpu.memory_space<hbm>>
      tpu.enqueue_dma source(%dma_start3A_77 : memref<80x128xi32, #tpu.memory_space<hbm>>) target(%arg9 : memref<80x128xi32, #tpu.memory_space<vmem>>) target_semaphore(%run_scoped3A_72 : memref<!tpu.dma_semaphore, #tpu.memory_space<semaphore_mem>>)
      %dma_wait3A = arith.constant 0 : i32
      %dma_wait3A_78 = tpu.memref_slice %arg4[%run_scoped3A_43, %mul3A_42, %dma_wait3A] : memref<4x1280x128xi32, #tpu.memory_space<hbm>> -> memref<1x80x128xi32, #tpu.memory_space<hbm>>
      %dma_wait3A_79 = tpu.memref_squeeze %dma_wait3A_78 : memref<1x80x128xi32, #tpu.memory_space<hbm>> -> memref<80x128xi32, #tpu.memory_space<hbm>>
      %dma_wait3A_80 = arith.constant 0 : i32
      %dma_wait3A_81 = tpu.memref_slice %arg4[%run_scoped3A_43, %mul3A_42, %dma_wait3A_80] : memref<4x1280x128xi32, #tpu.memory_space<hbm>> -> memref<1x80x128xi32, #tpu.memory_space<hbm>>
      %dma_wait3A_82 = tpu.memref_squeeze %dma_wait3A_81 : memref<1x80x128xi32, #tpu.memory_space<hbm>> -> memref<80x128xi32, #tpu.memory_space<hbm>>
      tpu.wait_dma2 semaphore(%run_scoped3A_72 : memref<!tpu.dma_semaphore, #tpu.memory_space<semaphore_mem>>) src(%dma_wait3A_82 : memref<80x128xi32, #tpu.memory_space<hbm>>) dst(%arg9 : memref<80x128xi32, #tpu.memory_space<vmem>>)
      tpu.yield
    }) : () -> ()
    %scan3A_44 = arith.constant 0 : i32
    %scan3A_45 = arith.constant 0 : i32
    %scan3A_46 = arith.constant 80 : i32
    %scan3A_47 = arith.addi %scan3A_45, %scan3A_46 : i32
    %scan3A_48 = arith.constant 1 : i32
    scf.for %scan3A_72 = %scan3A_45 to %scan3A_47 step %scan3A_48  : i32 {
      "tpu.region"() ({
        %run_scoped3A_73 = tpu.sem_alloc : memref<!tpu.dma_semaphore, #tpu.memory_space<semaphore_mem>>
        %dma_start3A = arith.constant 0 : i32
        %dma_start3A_74 = tpu.memref_slice %arg8[%scan3A_72, %dma_start3A] : memref<80x128xi32, #tpu.memory_space<vmem>> -> memref<1x128xi32, #tpu.memory_space<vmem>>
        %dma_start3A_75 = tpu.memref_squeeze %dma_start3A_74 : memref<1x128xi32, #tpu.memory_space<vmem>> -> memref<128xi32, #tpu.memory_space<vmem>>
        %dma_start3A_76 = arith.constant 0 : i32
        %dma_start3A_77 = arith.constant 0 : i32
        %dma_start3A_78 = tpu.memref_slice %arg2[%add3A_37, %dma_start3A_76, %dma_start3A_77] : memref<4x20480x128xf32, #tpu.memory_space<hbm>> -> memref<1x20480x128xf32, #tpu.memory_space<hbm>>
        %dma_start3A_79 = tpu.memref_squeeze %dma_start3A_78 : memref<1x20480x128xf32, #tpu.memory_space<hbm>> -> memref<20480x128xf32, #tpu.memory_space<hbm>>
        %dma_start3A_80 = arith.constant 0 : i32
        %dma_start3A_81 = arith.constant 0 : i32
        %dma_start3A_82 = tpu.memref_slice %dma_start3A_79[%dma_start3A_80, %dma_start3A_81] : memref<20480x128xf32, #tpu.memory_space<hbm>> -> memref<20480x128xf32, #tpu.memory_space<hbm>>
        tpu.enqueue_indirect_dma source(%dma_start3A_82 : memref<20480x128xf32, #tpu.memory_space<hbm>>) target(%arg10 : memref<128x128xf32, #tpu.memory_space<vmem>>) offsets(%dma_start3A_75 : memref<128xi32, #tpu.memory_space<vmem>>) semaphore(%run_scoped3A_73 : memref<!tpu.dma_semaphore, #tpu.memory_space<semaphore_mem>>)
        %dma_wait3A = arith.constant 0 : i32
        %dma_wait3A_83 = tpu.memref_slice %arg8[%scan3A_72, %dma_wait3A] : memref<80x128xi32, #tpu.memory_space<vmem>> -> memref<1x128xi32, #tpu.memory_space<vmem>>
        %dma_wait3A_84 = tpu.memref_squeeze %dma_wait3A_83 : memref<1x128xi32, #tpu.memory_space<vmem>> -> memref<128xi32, #tpu.memory_space<vmem>>
        %dma_wait3A_85 = arith.constant 0 : i32
        %dma_wait3A_86 = arith.constant 0 : i32
        %dma_wait3A_87 = tpu.memref_slice %arg2[%add3A_37, %dma_wait3A_85, %dma_wait3A_86] : memref<4x20480x128xf32, #tpu.memory_space<hbm>> -> memref<1x20480x128xf32, #tpu.memory_space<hbm>>
        %dma_wait3A_88 = tpu.memref_squeeze %dma_wait3A_87 : memref<1x20480x128xf32, #tpu.memory_space<hbm>> -> memref<20480x128xf32, #tpu.memory_space<hbm>>
        %dma_wait3A_89 = arith.constant 0 : i32
        %dma_wait3A_90 = arith.constant 0 : i32
        %dma_wait3A_91 = tpu.memref_slice %dma_wait3A_88[%dma_wait3A_89, %dma_wait3A_90] : memref<20480x128xf32, #tpu.memory_space<hbm>> -> memref<20480x128xf32, #tpu.memory_space<hbm>>
        tpu.wait_indirect_dma semaphore(%run_scoped3A_73 : memref<!tpu.dma_semaphore, #tpu.memory_space<semaphore_mem>>) src(%dma_wait3A_91 : memref<20480x128xf32, #tpu.memory_space<hbm>>) dst(%arg10 : memref<128x128xf32, #tpu.memory_space<vmem>>)
        tpu.yield
      }) : () -> ()
      "tpu.region"() ({
        %run_scoped3A_73 = tpu.sem_alloc : memref<!tpu.dma_semaphore, #tpu.memory_space<semaphore_mem>>
        %dma_start3A = arith.constant 0 : i32
        %dma_start3A_74 = tpu.memref_slice %arg9[%scan3A_72, %dma_start3A] : memref<80x128xi32, #tpu.memory_space<vmem>> -> memref<1x128xi32, #tpu.memory_space<vmem>>
        %dma_start3A_75 = tpu.memref_squeeze %dma_start3A_74 : memref<1x128xi32, #tpu.memory_space<vmem>> -> memref<128xi32, #tpu.memory_space<vmem>>
        %dma_start3A_76 = arith.constant 0 : i32
        %dma_start3A_77 = arith.constant 0 : i32
        %dma_start3A_78 = tpu.memref_slice %arg11[%dma_start3A_76, %dma_start3A_77] : memref<10248x128xf32, #tpu.memory_space<vmem_shared>> -> memref<10248x128xf32, #tpu.memory_space<vmem_shared>>
        tpu.enqueue_indirect_dma source(%arg10 : memref<128x128xf32, #tpu.memory_space<vmem>>) target(%dma_start3A_78 : memref<10248x128xf32, #tpu.memory_space<vmem_shared>>) offsets(%dma_start3A_75 : memref<128xi32, #tpu.memory_space<vmem>>) semaphore(%run_scoped3A_73 : memref<!tpu.dma_semaphore, #tpu.memory_space<semaphore_mem>>) {add = true}
        %dma_wait3A = arith.constant 0 : i32
        %dma_wait3A_79 = tpu.memref_slice %arg9[%scan3A_72, %dma_wait3A] : memref<80x128xi32, #tpu.memory_space<vmem>> -> memref<1x128xi32, #tpu.memory_space<vmem>>
        %dma_wait3A_80 = tpu.memref_squeeze %dma_wait3A_79 : memref<1x128xi32, #tpu.memory_space<vmem>> -> memref<128xi32, #tpu.memory_space<vmem>>
        %dma_wait3A_81 = arith.constant 0 : i32
        %dma_wait3A_82 = arith.constant 0 : i32
        %dma_wait3A_83 = tpu.memref_slice %arg11[%dma_wait3A_81, %dma_wait3A_82] : memref<10248x128xf32, #tpu.memory_space<vmem_shared>> -> memref<10248x128xf32, #tpu.memory_space<vmem_shared>>
        tpu.wait_indirect_dma semaphore(%run_scoped3A_73 : memref<!tpu.dma_semaphore, #tpu.memory_space<semaphore_mem>>) src(%arg10 : memref<128x128xf32, #tpu.memory_space<vmem>>) dst(%dma_wait3A_83 : memref<10248x128xf32, #tpu.memory_space<vmem_shared>>)
        tpu.yield
      }) : () -> ()
    }
    %scan3A_49 = arith.constant 80 : i32
    %barrier3A_50 = arith.constant 0 : index
    tpu.barrier barrier_id(%barrier3A_50)
    %add3A_51 = arith.constant 10240 : i32
    %add3A_52 = arith.addi %add3A_51, %mul3A_0 : i32
    "tpu.region"() ({
      %run_scoped3A_72 = tpu.sem_alloc : memref<!tpu.dma_semaphore, #tpu.memory_space<semaphore_mem>>
      %dma_start3A = arith.constant 0 : i32
      %dma_start3A_73 = tpu.memref_slice %arg6[%arg0, %add3A_52, %dma_start3A] : memref<2x20480x128xf32, #tpu.memory_space<hbm>> -> memref<1x640x128xf32, #tpu.memory_space<hbm>>
      %dma_start3A_74 = tpu.memref_squeeze %dma_start3A_73 : memref<1x640x128xf32, #tpu.memory_space<hbm>> -> memref<640x128xf32, #tpu.memory_space<hbm>>
      %dma_start3A_75 = arith.constant 0 : i32
      %dma_start3A_76 = tpu.memref_slice %arg11[%mul3A_0, %dma_start3A_75] : memref<10248x128xf32, #tpu.memory_space<vmem_shared>> -> memref<640x128xf32, #tpu.memory_space<vmem_shared>>
      tpu.enqueue_dma source(%dma_start3A_76 : memref<640x128xf32, #tpu.memory_space<vmem_shared>>) target(%dma_start3A_74 : memref<640x128xf32, #tpu.memory_space<hbm>>) target_semaphore(%run_scoped3A_72 : memref<!tpu.dma_semaphore, #tpu.memory_space<semaphore_mem>>)
      %dma_wait3A = arith.constant 0 : i32
      %dma_wait3A_77 = tpu.memref_slice %arg6[%arg0, %add3A_52, %dma_wait3A] : memref<2x20480x128xf32, #tpu.memory_space<hbm>> -> memref<1x640x128xf32, #tpu.memory_space<hbm>>
      %dma_wait3A_78 = tpu.memref_squeeze %dma_wait3A_77 : memref<1x640x128xf32, #tpu.memory_space<hbm>> -> memref<640x128xf32, #tpu.memory_space<hbm>>
      %dma_wait3A_79 = arith.constant 0 : i32
      %dma_wait3A_80 = tpu.memref_slice %arg11[%mul3A_0, %dma_wait3A_79] : memref<10248x128xf32, #tpu.memory_space<vmem_shared>> -> memref<640x128xf32, #tpu.memory_space<vmem_shared>>
      tpu.wait_dma2 semaphore(%run_scoped3A_72 : memref<!tpu.dma_semaphore, #tpu.memory_space<semaphore_mem>>) src(%dma_wait3A_80 : memref<640x128xf32, #tpu.memory_space<vmem_shared>>) dst(%dma_wait3A_78 : memref<640x128xf32, #tpu.memory_space<hbm>>)
      tpu.yield
    }) : () -> ()
    "tpu.region"() ({
      %run_scoped3A_72 = tpu.sem_alloc : memref<!tpu.dma_semaphore, #tpu.memory_space<semaphore_mem>>
      %dma_start3A = arith.constant 0 : i32
      %dma_start3A_73 = tpu.memref_slice %arg11[%mul3A_0, %dma_start3A] : memref<10248x128xf32, #tpu.memory_space<vmem_shared>> -> memref<640x128xf32, #tpu.memory_space<vmem_shared>>
      %dma_start3A_74 = arith.constant 0 : i32
      %dma_start3A_75 = tpu.memref_slice %arg5[%mul3A_0, %dma_start3A_74] : memref<10248x128xf32, #tpu.memory_space<hbm>> -> memref<640x128xf32, #tpu.memory_space<hbm>>
      tpu.enqueue_dma source(%dma_start3A_75 : memref<640x128xf32, #tpu.memory_space<hbm>>) target(%dma_start3A_73 : memref<640x128xf32, #tpu.memory_space<vmem_shared>>) target_semaphore(%run_scoped3A_72 : memref<!tpu.dma_semaphore, #tpu.memory_space<semaphore_mem>>)
      %dma_wait3A = arith.constant 0 : i32
      %dma_wait3A_76 = tpu.memref_slice %arg11[%mul3A_0, %dma_wait3A] : memref<10248x128xf32, #tpu.memory_space<vmem_shared>> -> memref<640x128xf32, #tpu.memory_space<vmem_shared>>
      %dma_wait3A_77 = arith.constant 0 : i32
      %dma_wait3A_78 = tpu.memref_slice %arg5[%mul3A_0, %dma_wait3A_77] : memref<10248x128xf32, #tpu.memory_space<hbm>> -> memref<640x128xf32, #tpu.memory_space<hbm>>
      tpu.wait_dma2 semaphore(%run_scoped3A_72 : memref<!tpu.dma_semaphore, #tpu.memory_space<semaphore_mem>>) src(%dma_wait3A_78 : memref<640x128xf32, #tpu.memory_space<hbm>>) dst(%dma_wait3A_76 : memref<640x128xf32, #tpu.memory_space<vmem_shared>>)
      tpu.yield
    }) : () -> ()
    %barrier3A_53 = arith.constant 0 : index
    tpu.barrier barrier_id(%barrier3A_53)
    %add3A_54 = arith.constant 2 : i32
    %add3A_55 = arith.addi %add3A_54, %arg0 : i32
    %mul3A_56 = arith.constant 80 : i32
    %mul3A_57 = arith.muli %arg1, %mul3A_56 : i32
    %run_scoped3A_58 = arith.constant 3 : i32
    "tpu.region"() ({
      %run_scoped3A_72 = tpu.sem_alloc : memref<!tpu.dma_semaphore, #tpu.memory_space<semaphore_mem>>
      %dma_start3A = arith.constant 0 : i32
      %dma_start3A_73 = tpu.memref_slice %arg3[%run_scoped3A_58, %mul3A_57, %dma_start3A] : memref<4x1280x128xi32, #tpu.memory_space<hbm>> -> memref<1x80x128xi32, #tpu.memory_space<hbm>>
      %dma_start3A_74 = tpu.memref_squeeze %dma_start3A_73 : memref<1x80x128xi32, #tpu.memory_space<hbm>> -> memref<80x128xi32, #tpu.memory_space<hbm>>
      %dma_start3A_75 = arith.constant 0 : i32
      %dma_start3A_76 = tpu.memref_slice %arg3[%run_scoped3A_58, %mul3A_57, %dma_start3A_75] : memref<4x1280x128xi32, #tpu.memory_space<hbm>> -> memref<1x80x128xi32, #tpu.memory_space<hbm>>
      %dma_start3A_77 = tpu.memref_squeeze %dma_start3A_76 : memref<1x80x128xi32, #tpu.memory_space<hbm>> -> memref<80x128xi32, #tpu.memory_space<hbm>>
      tpu.enqueue_dma source(%dma_start3A_77 : memref<80x128xi32, #tpu.memory_space<hbm>>) target(%arg8 : memref<80x128xi32, #tpu.memory_space<vmem>>) target_semaphore(%run_scoped3A_72 : memref<!tpu.dma_semaphore, #tpu.memory_space<semaphore_mem>>)
      %dma_wait3A = arith.constant 0 : i32
      %dma_wait3A_78 = tpu.memref_slice %arg3[%run_scoped3A_58, %mul3A_57, %dma_wait3A] : memref<4x1280x128xi32, #tpu.memory_space<hbm>> -> memref<1x80x128xi32, #tpu.memory_space<hbm>>
      %dma_wait3A_79 = tpu.memref_squeeze %dma_wait3A_78 : memref<1x80x128xi32, #tpu.memory_space<hbm>> -> memref<80x128xi32, #tpu.memory_space<hbm>>
      %dma_wait3A_80 = arith.constant 0 : i32
      %dma_wait3A_81 = tpu.memref_slice %arg3[%run_scoped3A_58, %mul3A_57, %dma_wait3A_80] : memref<4x1280x128xi32, #tpu.memory_space<hbm>> -> memref<1x80x128xi32, #tpu.memory_space<hbm>>
      %dma_wait3A_82 = tpu.memref_squeeze %dma_wait3A_81 : memref<1x80x128xi32, #tpu.memory_space<hbm>> -> memref<80x128xi32, #tpu.memory_space<hbm>>
      tpu.wait_dma2 semaphore(%run_scoped3A_72 : memref<!tpu.dma_semaphore, #tpu.memory_space<semaphore_mem>>) src(%dma_wait3A_82 : memref<80x128xi32, #tpu.memory_space<hbm>>) dst(%arg8 : memref<80x128xi32, #tpu.memory_space<vmem>>)
      tpu.yield
    }) : () -> ()
    %mul3A_59 = arith.constant 80 : i32
    %mul3A_60 = arith.muli %arg1, %mul3A_59 : i32
    %run_scoped3A_61 = arith.constant 3 : i32
    "tpu.region"() ({
      %run_scoped3A_72 = tpu.sem_alloc : memref<!tpu.dma_semaphore, #tpu.memory_space<semaphore_mem>>
      %dma_start3A = arith.constant 0 : i32
      %dma_start3A_73 = tpu.memref_slice %arg4[%run_scoped3A_61, %mul3A_60, %dma_start3A] : memref<4x1280x128xi32, #tpu.memory_space<hbm>> -> memref<1x80x128xi32, #tpu.memory_space<hbm>>
      %dma_start3A_74 = tpu.memref_squeeze %dma_start3A_73 : memref<1x80x128xi32, #tpu.memory_space<hbm>> -> memref<80x128xi32, #tpu.memory_space<hbm>>
      %dma_start3A_75 = arith.constant 0 : i32
      %dma_start3A_76 = tpu.memref_slice %arg4[%run_scoped3A_61, %mul3A_60, %dma_start3A_75] : memref<4x1280x128xi32, #tpu.memory_space<hbm>> -> memref<1x80x128xi32, #tpu.memory_space<hbm>>
      %dma_start3A_77 = tpu.memref_squeeze %dma_start3A_76 : memref<1x80x128xi32, #tpu.memory_space<hbm>> -> memref<80x128xi32, #tpu.memory_space<hbm>>
      tpu.enqueue_dma source(%dma_start3A_77 : memref<80x128xi32, #tpu.memory_space<hbm>>) target(%arg9 : memref<80x128xi32, #tpu.memory_space<vmem>>) target_semaphore(%run_scoped3A_72 : memref<!tpu.dma_semaphore, #tpu.memory_space<semaphore_mem>>)
      %dma_wait3A = arith.constant 0 : i32
      %dma_wait3A_78 = tpu.memref_slice %arg4[%run_scoped3A_61, %mul3A_60, %dma_wait3A] : memref<4x1280x128xi32, #tpu.memory_space<hbm>> -> memref<1x80x128xi32, #tpu.memory_space<hbm>>
      %dma_wait3A_79 = tpu.memref_squeeze %dma_wait3A_78 : memref<1x80x128xi32, #tpu.memory_space<hbm>> -> memref<80x128xi32, #tpu.memory_space<hbm>>
      %dma_wait3A_80 = arith.constant 0 : i32
      %dma_wait3A_81 = tpu.memref_slice %arg4[%run_scoped3A_61, %mul3A_60, %dma_wait3A_80] : memref<4x1280x128xi32, #tpu.memory_space<hbm>> -> memref<1x80x128xi32, #tpu.memory_space<hbm>>
      %dma_wait3A_82 = tpu.memref_squeeze %dma_wait3A_81 : memref<1x80x128xi32, #tpu.memory_space<hbm>> -> memref<80x128xi32, #tpu.memory_space<hbm>>
      tpu.wait_dma2 semaphore(%run_scoped3A_72 : memref<!tpu.dma_semaphore, #tpu.memory_space<semaphore_mem>>) src(%dma_wait3A_82 : memref<80x128xi32, #tpu.memory_space<hbm>>) dst(%arg9 : memref<80x128xi32, #tpu.memory_space<vmem>>)
      tpu.yield
    }) : () -> ()
    %scan3A_62 = arith.constant 0 : i32
    %scan3A_63 = arith.constant 0 : i32
    %scan3A_64 = arith.constant 80 : i32
    %scan3A_65 = arith.addi %scan3A_63, %scan3A_64 : i32
    %scan3A_66 = arith.constant 1 : i32
    scf.for %scan3A_72 = %scan3A_63 to %scan3A_65 step %scan3A_66  : i32 {
      "tpu.region"() ({
        %run_scoped3A_73 = tpu.sem_alloc : memref<!tpu.dma_semaphore, #tpu.memory_space<semaphore_mem>>
        %dma_start3A = arith.constant 0 : i32
        %dma_start3A_74 = tpu.memref_slice %arg8[%scan3A_72, %dma_start3A] : memref<80x128xi32, #tpu.memory_space<vmem>> -> memref<1x128xi32, #tpu.memory_space<vmem>>
        %dma_start3A_75 = tpu.memref_squeeze %dma_start3A_74 : memref<1x128xi32, #tpu.memory_space<vmem>> -> memref<128xi32, #tpu.memory_space<vmem>>
        %dma_start3A_76 = arith.constant 0 : i32
        %dma_start3A_77 = arith.constant 0 : i32
        %dma_start3A_78 = tpu.memref_slice %arg2[%add3A_55, %dma_start3A_76, %dma_start3A_77] : memref<4x20480x128xf32, #tpu.memory_space<hbm>> -> memref<1x20480x128xf32, #tpu.memory_space<hbm>>
        %dma_start3A_79 = tpu.memref_squeeze %dma_start3A_78 : memref<1x20480x128xf32, #tpu.memory_space<hbm>> -> memref<20480x128xf32, #tpu.memory_space<hbm>>
        %dma_start3A_80 = arith.constant 0 : i32
        %dma_start3A_81 = arith.constant 0 : i32
        %dma_start3A_82 = tpu.memref_slice %dma_start3A_79[%dma_start3A_80, %dma_start3A_81] : memref<20480x128xf32, #tpu.memory_space<hbm>> -> memref<20480x128xf32, #tpu.memory_space<hbm>>
        tpu.enqueue_indirect_dma source(%dma_start3A_82 : memref<20480x128xf32, #tpu.memory_space<hbm>>) target(%arg10 : memref<128x128xf32, #tpu.memory_space<vmem>>) offsets(%dma_start3A_75 : memref<128xi32, #tpu.memory_space<vmem>>) semaphore(%run_scoped3A_73 : memref<!tpu.dma_semaphore, #tpu.memory_space<semaphore_mem>>)
        %dma_wait3A = arith.constant 0 : i32
        %dma_wait3A_83 = tpu.memref_slice %arg8[%scan3A_72, %dma_wait3A] : memref<80x128xi32, #tpu.memory_space<vmem>> -> memref<1x128xi32, #tpu.memory_space<vmem>>
        %dma_wait3A_84 = tpu.memref_squeeze %dma_wait3A_83 : memref<1x128xi32, #tpu.memory_space<vmem>> -> memref<128xi32, #tpu.memory_space<vmem>>
        %dma_wait3A_85 = arith.constant 0 : i32
        %dma_wait3A_86 = arith.constant 0 : i32
        %dma_wait3A_87 = tpu.memref_slice %arg2[%add3A_55, %dma_wait3A_85, %dma_wait3A_86] : memref<4x20480x128xf32, #tpu.memory_space<hbm>> -> memref<1x20480x128xf32, #tpu.memory_space<hbm>>
        %dma_wait3A_88 = tpu.memref_squeeze %dma_wait3A_87 : memref<1x20480x128xf32, #tpu.memory_space<hbm>> -> memref<20480x128xf32, #tpu.memory_space<hbm>>
        %dma_wait3A_89 = arith.constant 0 : i32
        %dma_wait3A_90 = arith.constant 0 : i32
        %dma_wait3A_91 = tpu.memref_slice %dma_wait3A_88[%dma_wait3A_89, %dma_wait3A_90] : memref<20480x128xf32, #tpu.memory_space<hbm>> -> memref<20480x128xf32, #tpu.memory_space<hbm>>
        tpu.wait_indirect_dma semaphore(%run_scoped3A_73 : memref<!tpu.dma_semaphore, #tpu.memory_space<semaphore_mem>>) src(%dma_wait3A_91 : memref<20480x128xf32, #tpu.memory_space<hbm>>) dst(%arg10 : memref<128x128xf32, #tpu.memory_space<vmem>>)
        tpu.yield
      }) : () -> ()
      "tpu.region"() ({
        %run_scoped3A_73 = tpu.sem_alloc : memref<!tpu.dma_semaphore, #tpu.memory_space<semaphore_mem>>
        %dma_start3A = arith.constant 0 : i32
        %dma_start3A_74 = tpu.memref_slice %arg9[%scan3A_72, %dma_start3A] : memref<80x128xi32, #tpu.memory_space<vmem>> -> memref<1x128xi32, #tpu.memory_space<vmem>>
        %dma_start3A_75 = tpu.memref_squeeze %dma_start3A_74 : memref<1x128xi32, #tpu.memory_space<vmem>> -> memref<128xi32, #tpu.memory_space<vmem>>
        %dma_start3A_76 = arith.constant 0 : i32
        %dma_start3A_77 = arith.constant 0 : i32
        %dma_start3A_78 = tpu.memref_slice %arg11[%dma_start3A_76, %dma_start3A_77] : memref<10248x128xf32, #tpu.memory_space<vmem_shared>> -> memref<10248x128xf32, #tpu.memory_space<vmem_shared>>
        tpu.enqueue_indirect_dma source(%arg10 : memref<128x128xf32, #tpu.memory_space<vmem>>) target(%dma_start3A_78 : memref<10248x128xf32, #tpu.memory_space<vmem_shared>>) offsets(%dma_start3A_75 : memref<128xi32, #tpu.memory_space<vmem>>) semaphore(%run_scoped3A_73 : memref<!tpu.dma_semaphore, #tpu.memory_space<semaphore_mem>>) {add = true}
        %dma_wait3A = arith.constant 0 : i32
        %dma_wait3A_79 = tpu.memref_slice %arg9[%scan3A_72, %dma_wait3A] : memref<80x128xi32, #tpu.memory_space<vmem>> -> memref<1x128xi32, #tpu.memory_space<vmem>>
        %dma_wait3A_80 = tpu.memref_squeeze %dma_wait3A_79 : memref<1x128xi32, #tpu.memory_space<vmem>> -> memref<128xi32, #tpu.memory_space<vmem>>
        %dma_wait3A_81 = arith.constant 0 : i32
        %dma_wait3A_82 = arith.constant 0 : i32
        %dma_wait3A_83 = tpu.memref_slice %arg11[%dma_wait3A_81, %dma_wait3A_82] : memref<10248x128xf32, #tpu.memory_space<vmem_shared>> -> memref<10248x128xf32, #tpu.memory_space<vmem_shared>>
        tpu.wait_indirect_dma semaphore(%run_scoped3A_73 : memref<!tpu.dma_semaphore, #tpu.memory_space<semaphore_mem>>) src(%arg10 : memref<128x128xf32, #tpu.memory_space<vmem>>) dst(%dma_wait3A_83 : memref<10248x128xf32, #tpu.memory_space<vmem_shared>>)
        tpu.yield
      }) : () -> ()
    }
    %scan3A_67 = arith.constant 80 : i32
    %barrier3A_68 = arith.constant 0 : index
    tpu.barrier barrier_id(%barrier3A_68)
    %add3A_69 = arith.constant 10240 : i32
    %add3A_70 = arith.addi %add3A_69, %mul3A_0 : i32
    "tpu.region"() ({
      %run_scoped3A_72 = tpu.sem_alloc : memref<!tpu.dma_semaphore, #tpu.memory_space<semaphore_mem>>
      %dma_start3A = arith.constant 0 : i32
      %dma_start3A_73 = tpu.memref_slice %arg7[%arg0, %add3A_70, %dma_start3A] : memref<2x20480x128xf32, #tpu.memory_space<hbm>> -> memref<1x640x128xf32, #tpu.memory_space<hbm>>
      %dma_start3A_74 = tpu.memref_squeeze %dma_start3A_73 : memref<1x640x128xf32, #tpu.memory_space<hbm>> -> memref<640x128xf32, #tpu.memory_space<hbm>>
      %dma_start3A_75 = arith.constant 0 : i32
      %dma_start3A_76 = tpu.memref_slice %arg11[%mul3A_0, %dma_start3A_75] : memref<10248x128xf32, #tpu.memory_space<vmem_shared>> -> memref<640x128xf32, #tpu.memory_space<vmem_shared>>
      tpu.enqueue_dma source(%dma_start3A_76 : memref<640x128xf32, #tpu.memory_space<vmem_shared>>) target(%dma_start3A_74 : memref<640x128xf32, #tpu.memory_space<hbm>>) target_semaphore(%run_scoped3A_72 : memref<!tpu.dma_semaphore, #tpu.memory_space<semaphore_mem>>)
      %dma_wait3A = arith.constant 0 : i32
      %dma_wait3A_77 = tpu.memref_slice %arg7[%arg0, %add3A_70, %dma_wait3A] : memref<2x20480x128xf32, #tpu.memory_space<hbm>> -> memref<1x640x128xf32, #tpu.memory_space<hbm>>
      %dma_wait3A_78 = tpu.memref_squeeze %dma_wait3A_77 : memref<1x640x128xf32, #tpu.memory_space<hbm>> -> memref<640x128xf32, #tpu.memory_space<hbm>>
      %dma_wait3A_79 = arith.constant 0 : i32
      %dma_wait3A_80 = tpu.memref_slice %arg11[%mul3A_0, %dma_wait3A_79] : memref<10248x128xf32, #tpu.memory_space<vmem_shared>> -> memref<640x128xf32, #tpu.memory_space<vmem_shared>>
      tpu.wait_dma2 semaphore(%run_scoped3A_72 : memref<!tpu.dma_semaphore, #tpu.memory_space<semaphore_mem>>) src(%dma_wait3A_80 : memref<640x128xf32, #tpu.memory_space<vmem_shared>>) dst(%dma_wait3A_78 : memref<640x128xf32, #tpu.memory_space<hbm>>)
      tpu.yield
    }) : () -> ()
    %barrier3A_71 = arith.constant 0 : index
    tpu.barrier barrier_id(%barrier3A_71)
    return
  }
}

#map = affine_map<(d0, d1) -> (0, 0, 0)>
#map1 = affine_map<(d0, d1) -> (0, 0)>
module attributes {stable_mosaic.version = 14 : i64} {
  func.func @_sc_scatter_body(%arg0: i32, %arg1: i32, %arg2: memref<4x20480x128xf32, #tpu.memory_space<hbm>>, %arg3: memref<4x1280x128xi32, #tpu.memory_space<hbm>>, %arg4: memref<4x1280x128xi32, #tpu.memory_space<hbm>>, %arg5: memref<10248x128xf32, #tpu.memory_space<hbm>>, %arg6: memref<2x20480x128xf32, #tpu.memory_space<hbm>>, %arg7: memref<2x20480x128xf32, #tpu.memory_space<hbm>>, %arg8: memref<80x128xi32, #tpu.memory_space<vmem>>, %arg9: memref<80x128xi32, #tpu.memory_space<vmem>>, %arg10: memref<128x128xf32, #tpu.memory_space<vmem>>, %arg11: memref<10248x128xf32, #tpu.memory_space<vmem_shared>>) attributes {dimension_semantics = [#tpu.dimension_semantics<core_parallel>, #tpu.dimension_semantics<subcore_parallel>], iteration_bounds = array<i64: 2, 16>, scalar_prefetch = 0 : i64, scratch_operands = 4 : i64, tpu.core_type = #tpu.core_type<sc_vector_subcore>, window_params = [{transform_indices = #map}, {transform_indices = #map}, {transform_indices = #map}, {transform_indices = #map1}, {transform_indices = #map}, {transform_indices = #map}]} {
    %mul3A = arith.constant 640 : i32
    %mul3A_0 = arith.muli %arg1, %mul3A : i32
    "tpu.region"() ({
      %run_scoped3A_72 = tpu.sem_alloc : memref<!tpu.dma_semaphore, #tpu.memory_space<semaphore_mem>>
      %dma_start3A = arith.constant 0 : i32
      %dma_start3A_73 = tpu.memref_slice %arg11[%mul3A_0, %dma_start3A] : memref<10248x128xf32, #tpu.memory_space<vmem_shared>> -> memref<640x128xf32, #tpu.memory_space<vmem_shared>>
      %dma_start3A_74 = arith.constant 0 : i32
      %dma_start3A_75 = tpu.memref_slice %arg5[%mul3A_0, %dma_start3A_74] : memref<10248x128xf32, #tpu.memory_space<hbm>> -> memref<640x128xf32, #tpu.memory_space<hbm>>
      tpu.enqueue_dma source(%dma_start3A_75 : memref<640x128xf32, #tpu.memory_space<hbm>>) target(%dma_start3A_73 : memref<640x128xf32, #tpu.memory_space<vmem_shared>>) target_semaphore(%run_scoped3A_72 : memref<!tpu.dma_semaphore, #tpu.memory_space<semaphore_mem>>)
      %dma_wait3A = arith.constant 0 : i32
      %dma_wait3A_76 = tpu.memref_slice %arg11[%mul3A_0, %dma_wait3A] : memref<10248x128xf32, #tpu.memory_space<vmem_shared>> -> memref<640x128xf32, #tpu.memory_space<vmem_shared>>
      %dma_wait3A_77 = arith.constant 0 : i32
      %dma_wait3A_78 = tpu.memref_slice %arg5[%mul3A_0, %dma_wait3A_77] : memref<10248x128xf32, #tpu.memory_space<hbm>> -> memref<640x128xf32, #tpu.memory_space<hbm>>
      tpu.wait_dma2 semaphore(%run_scoped3A_72 : memref<!tpu.dma_semaphore, #tpu.memory_space<semaphore_mem>>) src(%dma_wait3A_78 : memref<640x128xf32, #tpu.memory_space<hbm>>) dst(%dma_wait3A_76 : memref<640x128xf32, #tpu.memory_space<vmem_shared>>)
      tpu.yield
    }) : () -> ()
    %eq3A = arith.constant 0 : i32
    %eq3A_1 = arith.cmpi eq, %arg1, %eq3A : i32
    %convert_element_type3A = arith.extui %eq3A_1 : i1 to i32
    %cond3A = arith.constant 0 : i32
    %cond3A_2 = arith.cmpi ne, %convert_element_type3A, %cond3A : i32
    scf.if %cond3A_2 {
      "tpu.region"() ({
        %run_scoped3A_72 = tpu.sem_alloc : memref<!tpu.dma_semaphore, #tpu.memory_space<semaphore_mem>>
        %dma_start3A = arith.constant 10240 : i32
        %dma_start3A_73 = arith.constant 0 : i32
        %dma_start3A_74 = tpu.memref_slice %arg11[%dma_start3A, %dma_start3A_73] : memref<10248x128xf32, #tpu.memory_space<vmem_shared>> -> memref<8x128xf32, #tpu.memory_space<vmem_shared>>
        %dma_start3A_75 = arith.constant 10240 : i32
        %dma_start3A_76 = arith.constant 0 : i32
        %dma_start3A_77 = tpu.memref_slice %arg5[%dma_start3A_75, %dma_start3A_76] : memref<10248x128xf32, #tpu.memory_space<hbm>> -> memref<8x128xf32, #tpu.memory_space<hbm>>
        tpu.enqueue_dma source(%dma_start3A_77 : memref<8x128xf32, #tpu.memory_space<hbm>>) target(%dma_start3A_74 : memref<8x128xf32, #tpu.memory_space<vmem_shared>>) target_semaphore(%run_scoped3A_72 : memref<!tpu.dma_semaphore, #tpu.memory_space<semaphore_mem>>)
        %dma_wait3A = arith.constant 10240 : i32
        %dma_wait3A_78 = arith.constant 0 : i32
        %dma_wait3A_79 = tpu.memref_slice %arg11[%dma_wait3A, %dma_wait3A_78] : memref<10248x128xf32, #tpu.memory_space<vmem_shared>> -> memref<8x128xf32, #tpu.memory_space<vmem_shared>>
        %dma_wait3A_80 = arith.constant 10240 : i32
        %dma_wait3A_81 = arith.constant 0 : i32
        %dma_wait3A_82 = tpu.memref_slice %arg5[%dma_wait3A_80, %dma_wait3A_81] : memref<10248x128xf32, #tpu.memory_space<hbm>> -> memref<8x128xf32, #tpu.memory_space<hbm>>
        tpu.wait_dma2 semaphore(%run_scoped3A_72 : memref<!tpu.dma_semaphore, #tpu.memory_space<semaphore_mem>>) src(%dma_wait3A_82 : memref<8x128xf32, #tpu.memory_space<hbm>>) dst(%dma_wait3A_79 : memref<8x128xf32, #tpu.memory_space<vmem_shared>>)
        tpu.yield
      }) : () -> ()
    } else {
    }
    %barrier3A = arith.constant 0 : index
    tpu.barrier barrier_id(%barrier3A)
    %add3A = arith.constant 0 : i32
    %add3A_3 = arith.addi %add3A, %arg0 : i32
    %mul3A_4 = arith.constant 80 : i32
    %mul3A_5 = arith.muli %arg1, %mul3A_4 : i32
    %run_scoped3A = arith.constant 0 : i32
    "tpu.region"() ({
      %run_scoped3A_72 = tpu.sem_alloc : memref<!tpu.dma_semaphore, #tpu.memory_space<semaphore_mem>>
      %dma_start3A = arith.constant 0 : i32
      %dma_start3A_73 = tpu.memref_slice %arg3[%run_scoped3A, %mul3A_5, %dma_start3A] : memref<4x1280x128xi32, #tpu.memory_space<hbm>> -> memref<1x80x128xi32, #tpu.memory_space<hbm>>
      %dma_start3A_74 = tpu.memref_squeeze %dma_start3A_73 : memref<1x80x128xi32, #tpu.memory_space<hbm>> -> memref<80x128xi32, #tpu.memory_space<hbm>>
      %dma_start3A_75 = arith.constant 0 : i32
      %dma_start3A_76 = tpu.memref_slice %arg3[%run_scoped3A, %mul3A_5, %dma_start3A_75] : memref<4x1280x128xi32, #tpu.memory_space<hbm>> -> memref<1x80x128xi32, #tpu.memory_space<hbm>>
      %dma_start3A_77 = tpu.memref_squeeze %dma_start3A_76 : memref<1x80x128xi32, #tpu.memory_space<hbm>> -> memref<80x128xi32, #tpu.memory_space<hbm>>
      tpu.enqueue_dma source(%dma_start3A_77 : memref<80x128xi32, #tpu.memory_space<hbm>>) target(%arg8 : memref<80x128xi32, #tpu.memory_space<vmem>>) target_semaphore(%run_scoped3A_72 : memref<!tpu.dma_semaphore, #tpu.memory_space<semaphore_mem>>)
      %dma_wait3A = arith.constant 0 : i32
      %dma_wait3A_78 = tpu.memref_slice %arg3[%run_scoped3A, %mul3A_5, %dma_wait3A] : memref<4x1280x128xi32, #tpu.memory_space<hbm>> -> memref<1x80x128xi32, #tpu.memory_space<hbm>>
      %dma_wait3A_79 = tpu.memref_squeeze %dma_wait3A_78 : memref<1x80x128xi32, #tpu.memory_space<hbm>> -> memref<80x128xi32, #tpu.memory_space<hbm>>
      %dma_wait3A_80 = arith.constant 0 : i32
      %dma_wait3A_81 = tpu.memref_slice %arg3[%run_scoped3A, %mul3A_5, %dma_wait3A_80] : memref<4x1280x128xi32, #tpu.memory_space<hbm>> -> memref<1x80x128xi32, #tpu.memory_space<hbm>>
      %dma_wait3A_82 = tpu.memref_squeeze %dma_wait3A_81 : memref<1x80x128xi32, #tpu.memory_space<hbm>> -> memref<80x128xi32, #tpu.memory_space<hbm>>
      tpu.wait_dma2 semaphore(%run_scoped3A_72 : memref<!tpu.dma_semaphore, #tpu.memory_space<semaphore_mem>>) src(%dma_wait3A_82 : memref<80x128xi32, #tpu.memory_space<hbm>>) dst(%arg8 : memref<80x128xi32, #tpu.memory_space<vmem>>)
      tpu.yield
    }) : () -> ()
    %mul3A_6 = arith.constant 80 : i32
    %mul3A_7 = arith.muli %arg1, %mul3A_6 : i32
    %run_scoped3A_8 = arith.constant 0 : i32
    "tpu.region"() ({
      %run_scoped3A_72 = tpu.sem_alloc : memref<!tpu.dma_semaphore, #tpu.memory_space<semaphore_mem>>
      %dma_start3A = arith.constant 0 : i32
      %dma_start3A_73 = tpu.memref_slice %arg4[%run_scoped3A_8, %mul3A_7, %dma_start3A] : memref<4x1280x128xi32, #tpu.memory_space<hbm>> -> memref<1x80x128xi32, #tpu.memory_space<hbm>>
      %dma_start3A_74 = tpu.memref_squeeze %dma_start3A_73 : memref<1x80x128xi32, #tpu.memory_space<hbm>> -> memref<80x128xi32, #tpu.memory_space<hbm>>
      %dma_start3A_75 = arith.constant 0 : i32
      %dma_start3A_76 = tpu.memref_slice %arg4[%run_scoped3A_8, %mul3A_7, %dma_start3A_75] : memref<4x1280x128xi32, #tpu.memory_space<hbm>> -> memref<1x80x128xi32, #tpu.memory_space<hbm>>
      %dma_start3A_77 = tpu.memref_squeeze %dma_start3A_76 : memref<1x80x128xi32, #tpu.memory_space<hbm>> -> memref<80x128xi32, #tpu.memory_space<hbm>>
      tpu.enqueue_dma source(%dma_start3A_77 : memref<80x128xi32, #tpu.memory_space<hbm>>) target(%arg9 : memref<80x128xi32, #tpu.memory_space<vmem>>) target_semaphore(%run_scoped3A_72 : memref<!tpu.dma_semaphore, #tpu.memory_space<semaphore_mem>>)
      %dma_wait3A = arith.constant 0 : i32
      %dma_wait3A_78 = tpu.memref_slice %arg4[%run_scoped3A_8, %mul3A_7, %dma_wait3A] : memref<4x1280x128xi32, #tpu.memory_space<hbm>> -> memref<1x80x128xi32, #tpu.memory_space<hbm>>
      %dma_wait3A_79 = tpu.memref_squeeze %dma_wait3A_78 : memref<1x80x128xi32, #tpu.memory_space<hbm>> -> memref<80x128xi32, #tpu.memory_space<hbm>>
      %dma_wait3A_80 = arith.constant 0 : i32
      %dma_wait3A_81 = tpu.memref_slice %arg4[%run_scoped3A_8, %mul3A_7, %dma_wait3A_80] : memref<4x1280x128xi32, #tpu.memory_space<hbm>> -> memref<1x80x128xi32, #tpu.memory_space<hbm>>
      %dma_wait3A_82 = tpu.memref_squeeze %dma_wait3A_81 : memref<1x80x128xi32, #tpu.memory_space<hbm>> -> memref<80x128xi32, #tpu.memory_space<hbm>>
      tpu.wait_dma2 semaphore(%run_scoped3A_72 : memref<!tpu.dma_semaphore, #tpu.memory_space<semaphore_mem>>) src(%dma_wait3A_82 : memref<80x128xi32, #tpu.memory_space<hbm>>) dst(%arg9 : memref<80x128xi32, #tpu.memory_space<vmem>>)
      tpu.yield
    }) : () -> ()
    %scan3A = arith.constant 0 : i32
    %scan3A_9 = arith.constant 0 : i32
    %scan3A_10 = arith.constant 80 : i32
    %scan3A_11 = arith.addi %scan3A_9, %scan3A_10 : i32
    %scan3A_12 = arith.constant 1 : i32
    scf.for %scan3A_72 = %scan3A_9 to %scan3A_11 step %scan3A_12  : i32 {
      "tpu.region"() ({
        %run_scoped3A_73 = tpu.sem_alloc : memref<!tpu.dma_semaphore, #tpu.memory_space<semaphore_mem>>
        %dma_start3A = arith.constant 0 : i32
        %dma_start3A_74 = tpu.memref_slice %arg8[%scan3A_72, %dma_start3A] : memref<80x128xi32, #tpu.memory_space<vmem>> -> memref<1x128xi32, #tpu.memory_space<vmem>>
        %dma_start3A_75 = tpu.memref_squeeze %dma_start3A_74 : memref<1x128xi32, #tpu.memory_space<vmem>> -> memref<128xi32, #tpu.memory_space<vmem>>
        %dma_start3A_76 = arith.constant 0 : i32
        %dma_start3A_77 = arith.constant 0 : i32
        %dma_start3A_78 = tpu.memref_slice %arg2[%add3A_3, %dma_start3A_76, %dma_start3A_77] : memref<4x20480x128xf32, #tpu.memory_space<hbm>> -> memref<1x20480x128xf32, #tpu.memory_space<hbm>>
        %dma_start3A_79 = tpu.memref_squeeze %dma_start3A_78 : memref<1x20480x128xf32, #tpu.memory_space<hbm>> -> memref<20480x128xf32, #tpu.memory_space<hbm>>
        %dma_start3A_80 = arith.constant 0 : i32
        %dma_start3A_81 = arith.constant 0 : i32
        %dma_start3A_82 = tpu.memref_slice %dma_start3A_79[%dma_start3A_80, %dma_start3A_81] : memref<20480x128xf32, #tpu.memory_space<hbm>> -> memref<20480x128xf32, #tpu.memory_space<hbm>>
        tpu.enqueue_indirect_dma source(%dma_start3A_82 : memref<20480x128xf32, #tpu.memory_space<hbm>>) target(%arg10 : memref<128x128xf32, #tpu.memory_space<vmem>>) offsets(%dma_start3A_75 : memref<128xi32, #tpu.memory_space<vmem>>) semaphore(%run_scoped3A_73 : memref<!tpu.dma_semaphore, #tpu.memory_space<semaphore_mem>>)
        %dma_wait3A = arith.constant 0 : i32
        %dma_wait3A_83 = tpu.memref_slice %arg8[%scan3A_72, %dma_wait3A] : memref<80x128xi32, #tpu.memory_space<vmem>> -> memref<1x128xi32, #tpu.memory_space<vmem>>
        %dma_wait3A_84 = tpu.memref_squeeze %dma_wait3A_83 : memref<1x128xi32, #tpu.memory_space<vmem>> -> memref<128xi32, #tpu.memory_space<vmem>>
        %dma_wait3A_85 = arith.constant 0 : i32
        %dma_wait3A_86 = arith.constant 0 : i32
        %dma_wait3A_87 = tpu.memref_slice %arg2[%add3A_3, %dma_wait3A_85, %dma_wait3A_86] : memref<4x20480x128xf32, #tpu.memory_space<hbm>> -> memref<1x20480x128xf32, #tpu.memory_space<hbm>>
        %dma_wait3A_88 = tpu.memref_squeeze %dma_wait3A_87 : memref<1x20480x128xf32, #tpu.memory_space<hbm>> -> memref<20480x128xf32, #tpu.memory_space<hbm>>
        %dma_wait3A_89 = arith.constant 0 : i32
        %dma_wait3A_90 = arith.constant 0 : i32
        %dma_wait3A_91 = tpu.memref_slice %dma_wait3A_88[%dma_wait3A_89, %dma_wait3A_90] : memref<20480x128xf32, #tpu.memory_space<hbm>> -> memref<20480x128xf32, #tpu.memory_space<hbm>>
        tpu.wait_indirect_dma semaphore(%run_scoped3A_73 : memref<!tpu.dma_semaphore, #tpu.memory_space<semaphore_mem>>) src(%dma_wait3A_91 : memref<20480x128xf32, #tpu.memory_space<hbm>>) dst(%arg10 : memref<128x128xf32, #tpu.memory_space<vmem>>)
        tpu.yield
      }) : () -> ()
      "tpu.region"() ({
        %run_scoped3A_73 = tpu.sem_alloc : memref<!tpu.dma_semaphore, #tpu.memory_space<semaphore_mem>>
        %dma_start3A = arith.constant 0 : i32
        %dma_start3A_74 = tpu.memref_slice %arg9[%scan3A_72, %dma_start3A] : memref<80x128xi32, #tpu.memory_space<vmem>> -> memref<1x128xi32, #tpu.memory_space<vmem>>
        %dma_start3A_75 = tpu.memref_squeeze %dma_start3A_74 : memref<1x128xi32, #tpu.memory_space<vmem>> -> memref<128xi32, #tpu.memory_space<vmem>>
        %dma_start3A_76 = arith.constant 0 : i32
        %dma_start3A_77 = arith.constant 0 : i32
        %dma_start3A_78 = tpu.memref_slice %arg11[%dma_start3A_76, %dma_start3A_77] : memref<10248x128xf32, #tpu.memory_space<vmem_shared>> -> memref<10248x128xf32, #tpu.memory_space<vmem_shared>>
        tpu.enqueue_indirect_dma source(%arg10 : memref<128x128xf32, #tpu.memory_space<vmem>>) target(%dma_start3A_78 : memref<10248x128xf32, #tpu.memory_space<vmem_shared>>) offsets(%dma_start3A_75 : memref<128xi32, #tpu.memory_space<vmem>>) semaphore(%run_scoped3A_73 : memref<!tpu.dma_semaphore, #tpu.memory_space<semaphore_mem>>) {add = true}
        %dma_wait3A = arith.constant 0 : i32
        %dma_wait3A_79 = tpu.memref_slice %arg9[%scan3A_72, %dma_wait3A] : memref<80x128xi32, #tpu.memory_space<vmem>> -> memref<1x128xi32, #tpu.memory_space<vmem>>
        %dma_wait3A_80 = tpu.memref_squeeze %dma_wait3A_79 : memref<1x128xi32, #tpu.memory_space<vmem>> -> memref<128xi32, #tpu.memory_space<vmem>>
        %dma_wait3A_81 = arith.constant 0 : i32
        %dma_wait3A_82 = arith.constant 0 : i32
        %dma_wait3A_83 = tpu.memref_slice %arg11[%dma_wait3A_81, %dma_wait3A_82] : memref<10248x128xf32, #tpu.memory_space<vmem_shared>> -> memref<10248x128xf32, #tpu.memory_space<vmem_shared>>
        tpu.wait_indirect_dma semaphore(%run_scoped3A_73 : memref<!tpu.dma_semaphore, #tpu.memory_space<semaphore_mem>>) src(%arg10 : memref<128x128xf32, #tpu.memory_space<vmem>>) dst(%dma_wait3A_83 : memref<10248x128xf32, #tpu.memory_space<vmem_shared>>)
        tpu.yield
      }) : () -> ()
    }
    %scan3A_13 = arith.constant 80 : i32
    %barrier3A_14 = arith.constant 0 : index
    tpu.barrier barrier_id(%barrier3A_14)
    %add3A_15 = arith.constant 0 : i32
    %add3A_16 = arith.addi %add3A_15, %mul3A_0 : i32
    "tpu.region"() ({
      %run_scoped3A_72 = tpu.sem_alloc : memref<!tpu.dma_semaphore, #tpu.memory_space<semaphore_mem>>
      %dma_start3A = arith.constant 0 : i32
      %dma_start3A_73 = tpu.memref_slice %arg6[%arg0, %add3A_16, %dma_start3A] : memref<2x20480x128xf32, #tpu.memory_space<hbm>> -> memref<1x640x128xf32, #tpu.memory_space<hbm>>
      %dma_start3A_74 = tpu.memref_squeeze %dma_start3A_73 : memref<1x640x128xf32, #tpu.memory_space<hbm>> -> memref<640x128xf32, #tpu.memory_space<hbm>>
      %dma_start3A_75 = arith.constant 0 : i32
      %dma_start3A_76 = tpu.memref_slice %arg11[%mul3A_0, %dma_start3A_75] : memref<10248x128xf32, #tpu.memory_space<vmem_shared>> -> memref<640x128xf32, #tpu.memory_space<vmem_shared>>
      tpu.enqueue_dma source(%dma_start3A_76 : memref<640x128xf32, #tpu.memory_space<vmem_shared>>) target(%dma_start3A_74 : memref<640x128xf32, #tpu.memory_space<hbm>>) target_semaphore(%run_scoped3A_72 : memref<!tpu.dma_semaphore, #tpu.memory_space<semaphore_mem>>)
      %dma_wait3A = arith.constant 0 : i32
      %dma_wait3A_77 = tpu.memref_slice %arg6[%arg0, %add3A_16, %dma_wait3A] : memref<2x20480x128xf32, #tpu.memory_space<hbm>> -> memref<1x640x128xf32, #tpu.memory_space<hbm>>
      %dma_wait3A_78 = tpu.memref_squeeze %dma_wait3A_77 : memref<1x640x128xf32, #tpu.memory_space<hbm>> -> memref<640x128xf32, #tpu.memory_space<hbm>>
      %dma_wait3A_79 = arith.constant 0 : i32
      %dma_wait3A_80 = tpu.memref_slice %arg11[%mul3A_0, %dma_wait3A_79] : memref<10248x128xf32, #tpu.memory_space<vmem_shared>> -> memref<640x128xf32, #tpu.memory_space<vmem_shared>>
      tpu.wait_dma2 semaphore(%run_scoped3A_72 : memref<!tpu.dma_semaphore, #tpu.memory_space<semaphore_mem>>) src(%dma_wait3A_80 : memref<640x128xf32, #tpu.memory_space<vmem_shared>>) dst(%dma_wait3A_78 : memref<640x128xf32, #tpu.memory_space<hbm>>)
      tpu.yield
    }) : () -> ()
    "tpu.region"() ({
      %run_scoped3A_72 = tpu.sem_alloc : memref<!tpu.dma_semaphore, #tpu.memory_space<semaphore_mem>>
      %dma_start3A = arith.constant 0 : i32
      %dma_start3A_73 = tpu.memref_slice %arg11[%mul3A_0, %dma_start3A] : memref<10248x128xf32, #tpu.memory_space<vmem_shared>> -> memref<640x128xf32, #tpu.memory_space<vmem_shared>>
      %dma_start3A_74 = arith.constant 0 : i32
      %dma_start3A_75 = tpu.memref_slice %arg5[%mul3A_0, %dma_start3A_74] : memref<10248x128xf32, #tpu.memory_space<hbm>> -> memref<640x128xf32, #tpu.memory_space<hbm>>
      tpu.enqueue_dma source(%dma_start3A_75 : memref<640x128xf32, #tpu.memory_space<hbm>>) target(%dma_start3A_73 : memref<640x128xf32, #tpu.memory_space<vmem_shared>>) target_semaphore(%run_scoped3A_72 : memref<!tpu.dma_semaphore, #tpu.memory_space<semaphore_mem>>)
      %dma_wait3A = arith.constant 0 : i32
      %dma_wait3A_76 = tpu.memref_slice %arg11[%mul3A_0, %dma_wait3A] : memref<10248x128xf32, #tpu.memory_space<vmem_shared>> -> memref<640x128xf32, #tpu.memory_space<vmem_shared>>
      %dma_wait3A_77 = arith.constant 0 : i32
      %dma_wait3A_78 = tpu.memref_slice %arg5[%mul3A_0, %dma_wait3A_77] : memref<10248x128xf32, #tpu.memory_space<hbm>> -> memref<640x128xf32, #tpu.memory_space<hbm>>
      tpu.wait_dma2 semaphore(%run_scoped3A_72 : memref<!tpu.dma_semaphore, #tpu.memory_space<semaphore_mem>>) src(%dma_wait3A_78 : memref<640x128xf32, #tpu.memory_space<hbm>>) dst(%dma_wait3A_76 : memref<640x128xf32, #tpu.memory_space<vmem_shared>>)
      tpu.yield
    }) : () -> ()
    %barrier3A_17 = arith.constant 0 : index
    tpu.barrier barrier_id(%barrier3A_17)
    %add3A_18 = arith.constant 2 : i32
    %add3A_19 = arith.addi %add3A_18, %arg0 : i32
    %mul3A_20 = arith.constant 80 : i32
    %mul3A_21 = arith.muli %arg1, %mul3A_20 : i32
    %run_scoped3A_22 = arith.constant 1 : i32
    "tpu.region"() ({
      %run_scoped3A_72 = tpu.sem_alloc : memref<!tpu.dma_semaphore, #tpu.memory_space<semaphore_mem>>
      %dma_start3A = arith.constant 0 : i32
      %dma_start3A_73 = tpu.memref_slice %arg3[%run_scoped3A_22, %mul3A_21, %dma_start3A] : memref<4x1280x128xi32, #tpu.memory_space<hbm>> -> memref<1x80x128xi32, #tpu.memory_space<hbm>>
      %dma_start3A_74 = tpu.memref_squeeze %dma_start3A_73 : memref<1x80x128xi32, #tpu.memory_space<hbm>> -> memref<80x128xi32, #tpu.memory_space<hbm>>
      %dma_start3A_75 = arith.constant 0 : i32
      %dma_start3A_76 = tpu.memref_slice %arg3[%run_scoped3A_22, %mul3A_21, %dma_start3A_75] : memref<4x1280x128xi32, #tpu.memory_space<hbm>> -> memref<1x80x128xi32, #tpu.memory_space<hbm>>
      %dma_start3A_77 = tpu.memref_squeeze %dma_start3A_76 : memref<1x80x128xi32, #tpu.memory_space<hbm>> -> memref<80x128xi32, #tpu.memory_space<hbm>>
      tpu.enqueue_dma source(%dma_start3A_77 : memref<80x128xi32, #tpu.memory_space<hbm>>) target(%arg8 : memref<80x128xi32, #tpu.memory_space<vmem>>) target_semaphore(%run_scoped3A_72 : memref<!tpu.dma_semaphore, #tpu.memory_space<semaphore_mem>>)
      %dma_wait3A = arith.constant 0 : i32
      %dma_wait3A_78 = tpu.memref_slice %arg3[%run_scoped3A_22, %mul3A_21, %dma_wait3A] : memref<4x1280x128xi32, #tpu.memory_space<hbm>> -> memref<1x80x128xi32, #tpu.memory_space<hbm>>
      %dma_wait3A_79 = tpu.memref_squeeze %dma_wait3A_78 : memref<1x80x128xi32, #tpu.memory_space<hbm>> -> memref<80x128xi32, #tpu.memory_space<hbm>>
      %dma_wait3A_80 = arith.constant 0 : i32
      %dma_wait3A_81 = tpu.memref_slice %arg3[%run_scoped3A_22, %mul3A_21, %dma_wait3A_80] : memref<4x1280x128xi32, #tpu.memory_space<hbm>> -> memref<1x80x128xi32, #tpu.memory_space<hbm>>
      %dma_wait3A_82 = tpu.memref_squeeze %dma_wait3A_81 : memref<1x80x128xi32, #tpu.memory_space<hbm>> -> memref<80x128xi32, #tpu.memory_space<hbm>>
      tpu.wait_dma2 semaphore(%run_scoped3A_72 : memref<!tpu.dma_semaphore, #tpu.memory_space<semaphore_mem>>) src(%dma_wait3A_82 : memref<80x128xi32, #tpu.memory_space<hbm>>) dst(%arg8 : memref<80x128xi32, #tpu.memory_space<vmem>>)
      tpu.yield
    }) : () -> ()
    %mul3A_23 = arith.constant 80 : i32
    %mul3A_24 = arith.muli %arg1, %mul3A_23 : i32
    %run_scoped3A_25 = arith.constant 1 : i32
    "tpu.region"() ({
      %run_scoped3A_72 = tpu.sem_alloc : memref<!tpu.dma_semaphore, #tpu.memory_space<semaphore_mem>>
      %dma_start3A = arith.constant 0 : i32
      %dma_start3A_73 = tpu.memref_slice %arg4[%run_scoped3A_25, %mul3A_24, %dma_start3A] : memref<4x1280x128xi32, #tpu.memory_space<hbm>> -> memref<1x80x128xi32, #tpu.memory_space<hbm>>
      %dma_start3A_74 = tpu.memref_squeeze %dma_start3A_73 : memref<1x80x128xi32, #tpu.memory_space<hbm>> -> memref<80x128xi32, #tpu.memory_space<hbm>>
      %dma_start3A_75 = arith.constant 0 : i32
      %dma_start3A_76 = tpu.memref_slice %arg4[%run_scoped3A_25, %mul3A_24, %dma_start3A_75] : memref<4x1280x128xi32, #tpu.memory_space<hbm>> -> memref<1x80x128xi32, #tpu.memory_space<hbm>>
      %dma_start3A_77 = tpu.memref_squeeze %dma_start3A_76 : memref<1x80x128xi32, #tpu.memory_space<hbm>> -> memref<80x128xi32, #tpu.memory_space<hbm>>
      tpu.enqueue_dma source(%dma_start3A_77 : memref<80x128xi32, #tpu.memory_space<hbm>>) target(%arg9 : memref<80x128xi32, #tpu.memory_space<vmem>>) target_semaphore(%run_scoped3A_72 : memref<!tpu.dma_semaphore, #tpu.memory_space<semaphore_mem>>)
      %dma_wait3A = arith.constant 0 : i32
      %dma_wait3A_78 = tpu.memref_slice %arg4[%run_scoped3A_25, %mul3A_24, %dma_wait3A] : memref<4x1280x128xi32, #tpu.memory_space<hbm>> -> memref<1x80x128xi32, #tpu.memory_space<hbm>>
      %dma_wait3A_79 = tpu.memref_squeeze %dma_wait3A_78 : memref<1x80x128xi32, #tpu.memory_space<hbm>> -> memref<80x128xi32, #tpu.memory_space<hbm>>
      %dma_wait3A_80 = arith.constant 0 : i32
      %dma_wait3A_81 = tpu.memref_slice %arg4[%run_scoped3A_25, %mul3A_24, %dma_wait3A_80] : memref<4x1280x128xi32, #tpu.memory_space<hbm>> -> memref<1x80x128xi32, #tpu.memory_space<hbm>>
      %dma_wait3A_82 = tpu.memref_squeeze %dma_wait3A_81 : memref<1x80x128xi32, #tpu.memory_space<hbm>> -> memref<80x128xi32, #tpu.memory_space<hbm>>
      tpu.wait_dma2 semaphore(%run_scoped3A_72 : memref<!tpu.dma_semaphore, #tpu.memory_space<semaphore_mem>>) src(%dma_wait3A_82 : memref<80x128xi32, #tpu.memory_space<hbm>>) dst(%arg9 : memref<80x128xi32, #tpu.memory_space<vmem>>)
      tpu.yield
    }) : () -> ()
    %scan3A_26 = arith.constant 0 : i32
    %scan3A_27 = arith.constant 0 : i32
    %scan3A_28 = arith.constant 80 : i32
    %scan3A_29 = arith.addi %scan3A_27, %scan3A_28 : i32
    %scan3A_30 = arith.constant 1 : i32
    scf.for %scan3A_72 = %scan3A_27 to %scan3A_29 step %scan3A_30  : i32 {
      "tpu.region"() ({
        %run_scoped3A_73 = tpu.sem_alloc : memref<!tpu.dma_semaphore, #tpu.memory_space<semaphore_mem>>
        %dma_start3A = arith.constant 0 : i32
        %dma_start3A_74 = tpu.memref_slice %arg8[%scan3A_72, %dma_start3A] : memref<80x128xi32, #tpu.memory_space<vmem>> -> memref<1x128xi32, #tpu.memory_space<vmem>>
        %dma_start3A_75 = tpu.memref_squeeze %dma_start3A_74 : memref<1x128xi32, #tpu.memory_space<vmem>> -> memref<128xi32, #tpu.memory_space<vmem>>
        %dma_start3A_76 = arith.constant 0 : i32
        %dma_start3A_77 = arith.constant 0 : i32
        %dma_start3A_78 = tpu.memref_slice %arg2[%add3A_19, %dma_start3A_76, %dma_start3A_77] : memref<4x20480x128xf32, #tpu.memory_space<hbm>> -> memref<1x20480x128xf32, #tpu.memory_space<hbm>>
        %dma_start3A_79 = tpu.memref_squeeze %dma_start3A_78 : memref<1x20480x128xf32, #tpu.memory_space<hbm>> -> memref<20480x128xf32, #tpu.memory_space<hbm>>
        %dma_start3A_80 = arith.constant 0 : i32
        %dma_start3A_81 = arith.constant 0 : i32
        %dma_start3A_82 = tpu.memref_slice %dma_start3A_79[%dma_start3A_80, %dma_start3A_81] : memref<20480x128xf32, #tpu.memory_space<hbm>> -> memref<20480x128xf32, #tpu.memory_space<hbm>>
        tpu.enqueue_indirect_dma source(%dma_start3A_82 : memref<20480x128xf32, #tpu.memory_space<hbm>>) target(%arg10 : memref<128x128xf32, #tpu.memory_space<vmem>>) offsets(%dma_start3A_75 : memref<128xi32, #tpu.memory_space<vmem>>) semaphore(%run_scoped3A_73 : memref<!tpu.dma_semaphore, #tpu.memory_space<semaphore_mem>>)
        %dma_wait3A = arith.constant 0 : i32
        %dma_wait3A_83 = tpu.memref_slice %arg8[%scan3A_72, %dma_wait3A] : memref<80x128xi32, #tpu.memory_space<vmem>> -> memref<1x128xi32, #tpu.memory_space<vmem>>
        %dma_wait3A_84 = tpu.memref_squeeze %dma_wait3A_83 : memref<1x128xi32, #tpu.memory_space<vmem>> -> memref<128xi32, #tpu.memory_space<vmem>>
        %dma_wait3A_85 = arith.constant 0 : i32
        %dma_wait3A_86 = arith.constant 0 : i32
        %dma_wait3A_87 = tpu.memref_slice %arg2[%add3A_19, %dma_wait3A_85, %dma_wait3A_86] : memref<4x20480x128xf32, #tpu.memory_space<hbm>> -> memref<1x20480x128xf32, #tpu.memory_space<hbm>>
        %dma_wait3A_88 = tpu.memref_squeeze %dma_wait3A_87 : memref<1x20480x128xf32, #tpu.memory_space<hbm>> -> memref<20480x128xf32, #tpu.memory_space<hbm>>
        %dma_wait3A_89 = arith.constant 0 : i32
        %dma_wait3A_90 = arith.constant 0 : i32
        %dma_wait3A_91 = tpu.memref_slice %dma_wait3A_88[%dma_wait3A_89, %dma_wait3A_90] : memref<20480x128xf32, #tpu.memory_space<hbm>> -> memref<20480x128xf32, #tpu.memory_space<hbm>>
        tpu.wait_indirect_dma semaphore(%run_scoped3A_73 : memref<!tpu.dma_semaphore, #tpu.memory_space<semaphore_mem>>) src(%dma_wait3A_91 : memref<20480x128xf32, #tpu.memory_space<hbm>>) dst(%arg10 : memref<128x128xf32, #tpu.memory_space<vmem>>)
        tpu.yield
      }) : () -> ()
      "tpu.region"() ({
        %run_scoped3A_73 = tpu.sem_alloc : memref<!tpu.dma_semaphore, #tpu.memory_space<semaphore_mem>>
        %dma_start3A = arith.constant 0 : i32
        %dma_start3A_74 = tpu.memref_slice %arg9[%scan3A_72, %dma_start3A] : memref<80x128xi32, #tpu.memory_space<vmem>> -> memref<1x128xi32, #tpu.memory_space<vmem>>
        %dma_start3A_75 = tpu.memref_squeeze %dma_start3A_74 : memref<1x128xi32, #tpu.memory_space<vmem>> -> memref<128xi32, #tpu.memory_space<vmem>>
        %dma_start3A_76 = arith.constant 0 : i32
        %dma_start3A_77 = arith.constant 0 : i32
        %dma_start3A_78 = tpu.memref_slice %arg11[%dma_start3A_76, %dma_start3A_77] : memref<10248x128xf32, #tpu.memory_space<vmem_shared>> -> memref<10248x128xf32, #tpu.memory_space<vmem_shared>>
        tpu.enqueue_indirect_dma source(%arg10 : memref<128x128xf32, #tpu.memory_space<vmem>>) target(%dma_start3A_78 : memref<10248x128xf32, #tpu.memory_space<vmem_shared>>) offsets(%dma_start3A_75 : memref<128xi32, #tpu.memory_space<vmem>>) semaphore(%run_scoped3A_73 : memref<!tpu.dma_semaphore, #tpu.memory_space<semaphore_mem>>) {add = true}
        %dma_wait3A = arith.constant 0 : i32
        %dma_wait3A_79 = tpu.memref_slice %arg9[%scan3A_72, %dma_wait3A] : memref<80x128xi32, #tpu.memory_space<vmem>> -> memref<1x128xi32, #tpu.memory_space<vmem>>
        %dma_wait3A_80 = tpu.memref_squeeze %dma_wait3A_79 : memref<1x128xi32, #tpu.memory_space<vmem>> -> memref<128xi32, #tpu.memory_space<vmem>>
        %dma_wait3A_81 = arith.constant 0 : i32
        %dma_wait3A_82 = arith.constant 0 : i32
        %dma_wait3A_83 = tpu.memref_slice %arg11[%dma_wait3A_81, %dma_wait3A_82] : memref<10248x128xf32, #tpu.memory_space<vmem_shared>> -> memref<10248x128xf32, #tpu.memory_space<vmem_shared>>
        tpu.wait_indirect_dma semaphore(%run_scoped3A_73 : memref<!tpu.dma_semaphore, #tpu.memory_space<semaphore_mem>>) src(%arg10 : memref<128x128xf32, #tpu.memory_space<vmem>>) dst(%dma_wait3A_83 : memref<10248x128xf32, #tpu.memory_space<vmem_shared>>)
        tpu.yield
      }) : () -> ()
    }
    %scan3A_31 = arith.constant 80 : i32
    %barrier3A_32 = arith.constant 0 : index
    tpu.barrier barrier_id(%barrier3A_32)
    %add3A_33 = arith.constant 0 : i32
    %add3A_34 = arith.addi %add3A_33, %mul3A_0 : i32
    "tpu.region"() ({
      %run_scoped3A_72 = tpu.sem_alloc : memref<!tpu.dma_semaphore, #tpu.memory_space<semaphore_mem>>
      %dma_start3A = arith.constant 0 : i32
      %dma_start3A_73 = tpu.memref_slice %arg7[%arg0, %add3A_34, %dma_start3A] : memref<2x20480x128xf32, #tpu.memory_space<hbm>> -> memref<1x640x128xf32, #tpu.memory_space<hbm>>
      %dma_start3A_74 = tpu.memref_squeeze %dma_start3A_73 : memref<1x640x128xf32, #tpu.memory_space<hbm>> -> memref<640x128xf32, #tpu.memory_space<hbm>>
      %dma_start3A_75 = arith.constant 0 : i32
      %dma_start3A_76 = tpu.memref_slice %arg11[%mul3A_0, %dma_start3A_75] : memref<10248x128xf32, #tpu.memory_space<vmem_shared>> -> memref<640x128xf32, #tpu.memory_space<vmem_shared>>
      tpu.enqueue_dma source(%dma_start3A_76 : memref<640x128xf32, #tpu.memory_space<vmem_shared>>) target(%dma_start3A_74 : memref<640x128xf32, #tpu.memory_space<hbm>>) target_semaphore(%run_scoped3A_72 : memref<!tpu.dma_semaphore, #tpu.memory_space<semaphore_mem>>)
      %dma_wait3A = arith.constant 0 : i32
      %dma_wait3A_77 = tpu.memref_slice %arg7[%arg0, %add3A_34, %dma_wait3A] : memref<2x20480x128xf32, #tpu.memory_space<hbm>> -> memref<1x640x128xf32, #tpu.memory_space<hbm>>
      %dma_wait3A_78 = tpu.memref_squeeze %dma_wait3A_77 : memref<1x640x128xf32, #tpu.memory_space<hbm>> -> memref<640x128xf32, #tpu.memory_space<hbm>>
      %dma_wait3A_79 = arith.constant 0 : i32
      %dma_wait3A_80 = tpu.memref_slice %arg11[%mul3A_0, %dma_wait3A_79] : memref<10248x128xf32, #tpu.memory_space<vmem_shared>> -> memref<640x128xf32, #tpu.memory_space<vmem_shared>>
      tpu.wait_dma2 semaphore(%run_scoped3A_72 : memref<!tpu.dma_semaphore, #tpu.memory_space<semaphore_mem>>) src(%dma_wait3A_80 : memref<640x128xf32, #tpu.memory_space<vmem_shared>>) dst(%dma_wait3A_78 : memref<640x128xf32, #tpu.memory_space<hbm>>)
      tpu.yield
    }) : () -> ()
    "tpu.region"() ({
      %run_scoped3A_72 = tpu.sem_alloc : memref<!tpu.dma_semaphore, #tpu.memory_space<semaphore_mem>>
      %dma_start3A = arith.constant 0 : i32
      %dma_start3A_73 = tpu.memref_slice %arg11[%mul3A_0, %dma_start3A] : memref<10248x128xf32, #tpu.memory_space<vmem_shared>> -> memref<640x128xf32, #tpu.memory_space<vmem_shared>>
      %dma_start3A_74 = arith.constant 0 : i32
      %dma_start3A_75 = tpu.memref_slice %arg5[%mul3A_0, %dma_start3A_74] : memref<10248x128xf32, #tpu.memory_space<hbm>> -> memref<640x128xf32, #tpu.memory_space<hbm>>
      tpu.enqueue_dma source(%dma_start3A_75 : memref<640x128xf32, #tpu.memory_space<hbm>>) target(%dma_start3A_73 : memref<640x128xf32, #tpu.memory_space<vmem_shared>>) target_semaphore(%run_scoped3A_72 : memref<!tpu.dma_semaphore, #tpu.memory_space<semaphore_mem>>)
      %dma_wait3A = arith.constant 0 : i32
      %dma_wait3A_76 = tpu.memref_slice %arg11[%mul3A_0, %dma_wait3A] : memref<10248x128xf32, #tpu.memory_space<vmem_shared>> -> memref<640x128xf32, #tpu.memory_space<vmem_shared>>
      %dma_wait3A_77 = arith.constant 0 : i32
      %dma_wait3A_78 = tpu.memref_slice %arg5[%mul3A_0, %dma_wait3A_77] : memref<10248x128xf32, #tpu.memory_space<hbm>> -> memref<640x128xf32, #tpu.memory_space<hbm>>
      tpu.wait_dma2 semaphore(%run_scoped3A_72 : memref<!tpu.dma_semaphore, #tpu.memory_space<semaphore_mem>>) src(%dma_wait3A_78 : memref<640x128xf32, #tpu.memory_space<hbm>>) dst(%dma_wait3A_76 : memref<640x128xf32, #tpu.memory_space<vmem_shared>>)
      tpu.yield
    }) : () -> ()
    %barrier3A_35 = arith.constant 0 : index
    tpu.barrier barrier_id(%barrier3A_35)
    %add3A_36 = arith.constant 0 : i32
    %add3A_37 = arith.addi %add3A_36, %arg0 : i32
    %mul3A_38 = arith.constant 80 : i32
    %mul3A_39 = arith.muli %arg1, %mul3A_38 : i32
    %run_scoped3A_40 = arith.constant 2 : i32
    "tpu.region"() ({
      %run_scoped3A_72 = tpu.sem_alloc : memref<!tpu.dma_semaphore, #tpu.memory_space<semaphore_mem>>
      %dma_start3A = arith.constant 0 : i32
      %dma_start3A_73 = tpu.memref_slice %arg3[%run_scoped3A_40, %mul3A_39, %dma_start3A] : memref<4x1280x128xi32, #tpu.memory_space<hbm>> -> memref<1x80x128xi32, #tpu.memory_space<hbm>>
      %dma_start3A_74 = tpu.memref_squeeze %dma_start3A_73 : memref<1x80x128xi32, #tpu.memory_space<hbm>> -> memref<80x128xi32, #tpu.memory_space<hbm>>
      %dma_start3A_75 = arith.constant 0 : i32
      %dma_start3A_76 = tpu.memref_slice %arg3[%run_scoped3A_40, %mul3A_39, %dma_start3A_75] : memref<4x1280x128xi32, #tpu.memory_space<hbm>> -> memref<1x80x128xi32, #tpu.memory_space<hbm>>
      %dma_start3A_77 = tpu.memref_squeeze %dma_start3A_76 : memref<1x80x128xi32, #tpu.memory_space<hbm>> -> memref<80x128xi32, #tpu.memory_space<hbm>>
      tpu.enqueue_dma source(%dma_start3A_77 : memref<80x128xi32, #tpu.memory_space<hbm>>) target(%arg8 : memref<80x128xi32, #tpu.memory_space<vmem>>) target_semaphore(%run_scoped3A_72 : memref<!tpu.dma_semaphore, #tpu.memory_space<semaphore_mem>>)
      %dma_wait3A = arith.constant 0 : i32
      %dma_wait3A_78 = tpu.memref_slice %arg3[%run_scoped3A_40, %mul3A_39, %dma_wait3A] : memref<4x1280x128xi32, #tpu.memory_space<hbm>> -> memref<1x80x128xi32, #tpu.memory_space<hbm>>
      %dma_wait3A_79 = tpu.memref_squeeze %dma_wait3A_78 : memref<1x80x128xi32, #tpu.memory_space<hbm>> -> memref<80x128xi32, #tpu.memory_space<hbm>>
      %dma_wait3A_80 = arith.constant 0 : i32
      %dma_wait3A_81 = tpu.memref_slice %arg3[%run_scoped3A_40, %mul3A_39, %dma_wait3A_80] : memref<4x1280x128xi32, #tpu.memory_space<hbm>> -> memref<1x80x128xi32, #tpu.memory_space<hbm>>
      %dma_wait3A_82 = tpu.memref_squeeze %dma_wait3A_81 : memref<1x80x128xi32, #tpu.memory_space<hbm>> -> memref<80x128xi32, #tpu.memory_space<hbm>>
      tpu.wait_dma2 semaphore(%run_scoped3A_72 : memref<!tpu.dma_semaphore, #tpu.memory_space<semaphore_mem>>) src(%dma_wait3A_82 : memref<80x128xi32, #tpu.memory_space<hbm>>) dst(%arg8 : memref<80x128xi32, #tpu.memory_space<vmem>>)
      tpu.yield
    }) : () -> ()
    %mul3A_41 = arith.constant 80 : i32
    %mul3A_42 = arith.muli %arg1, %mul3A_41 : i32
    %run_scoped3A_43 = arith.constant 2 : i32
    "tpu.region"() ({
      %run_scoped3A_72 = tpu.sem_alloc : memref<!tpu.dma_semaphore, #tpu.memory_space<semaphore_mem>>
      %dma_start3A = arith.constant 0 : i32
      %dma_start3A_73 = tpu.memref_slice %arg4[%run_scoped3A_43, %mul3A_42, %dma_start3A] : memref<4x1280x128xi32, #tpu.memory_space<hbm>> -> memref<1x80x128xi32, #tpu.memory_space<hbm>>
      %dma_start3A_74 = tpu.memref_squeeze %dma_start3A_73 : memref<1x80x128xi32, #tpu.memory_space<hbm>> -> memref<80x128xi32, #tpu.memory_space<hbm>>
      %dma_start3A_75 = arith.constant 0 : i32
      %dma_start3A_76 = tpu.memref_slice %arg4[%run_scoped3A_43, %mul3A_42, %dma_start3A_75] : memref<4x1280x128xi32, #tpu.memory_space<hbm>> -> memref<1x80x128xi32, #tpu.memory_space<hbm>>
      %dma_start3A_77 = tpu.memref_squeeze %dma_start3A_76 : memref<1x80x128xi32, #tpu.memory_space<hbm>> -> memref<80x128xi32, #tpu.memory_space<hbm>>
      tpu.enqueue_dma source(%dma_start3A_77 : memref<80x128xi32, #tpu.memory_space<hbm>>) target(%arg9 : memref<80x128xi32, #tpu.memory_space<vmem>>) target_semaphore(%run_scoped3A_72 : memref<!tpu.dma_semaphore, #tpu.memory_space<semaphore_mem>>)
      %dma_wait3A = arith.constant 0 : i32
      %dma_wait3A_78 = tpu.memref_slice %arg4[%run_scoped3A_43, %mul3A_42, %dma_wait3A] : memref<4x1280x128xi32, #tpu.memory_space<hbm>> -> memref<1x80x128xi32, #tpu.memory_space<hbm>>
      %dma_wait3A_79 = tpu.memref_squeeze %dma_wait3A_78 : memref<1x80x128xi32, #tpu.memory_space<hbm>> -> memref<80x128xi32, #tpu.memory_space<hbm>>
      %dma_wait3A_80 = arith.constant 0 : i32
      %dma_wait3A_81 = tpu.memref_slice %arg4[%run_scoped3A_43, %mul3A_42, %dma_wait3A_80] : memref<4x1280x128xi32, #tpu.memory_space<hbm>> -> memref<1x80x128xi32, #tpu.memory_space<hbm>>
      %dma_wait3A_82 = tpu.memref_squeeze %dma_wait3A_81 : memref<1x80x128xi32, #tpu.memory_space<hbm>> -> memref<80x128xi32, #tpu.memory_space<hbm>>
      tpu.wait_dma2 semaphore(%run_scoped3A_72 : memref<!tpu.dma_semaphore, #tpu.memory_space<semaphore_mem>>) src(%dma_wait3A_82 : memref<80x128xi32, #tpu.memory_space<hbm>>) dst(%arg9 : memref<80x128xi32, #tpu.memory_space<vmem>>)
      tpu.yield
    }) : () -> ()
    %scan3A_44 = arith.constant 0 : i32
    %scan3A_45 = arith.constant 0 : i32
    %scan3A_46 = arith.constant 80 : i32
    %scan3A_47 = arith.addi %scan3A_45, %scan3A_46 : i32
    %scan3A_48 = arith.constant 1 : i32
    scf.for %scan3A_72 = %scan3A_45 to %scan3A_47 step %scan3A_48  : i32 {
      "tpu.region"() ({
        %run_scoped3A_73 = tpu.sem_alloc : memref<!tpu.dma_semaphore, #tpu.memory_space<semaphore_mem>>
        %dma_start3A = arith.constant 0 : i32
        %dma_start3A_74 = tpu.memref_slice %arg8[%scan3A_72, %dma_start3A] : memref<80x128xi32, #tpu.memory_space<vmem>> -> memref<1x128xi32, #tpu.memory_space<vmem>>
        %dma_start3A_75 = tpu.memref_squeeze %dma_start3A_74 : memref<1x128xi32, #tpu.memory_space<vmem>> -> memref<128xi32, #tpu.memory_space<vmem>>
        %dma_start3A_76 = arith.constant 0 : i32
        %dma_start3A_77 = arith.constant 0 : i32
        %dma_start3A_78 = tpu.memref_slice %arg2[%add3A_37, %dma_start3A_76, %dma_start3A_77] : memref<4x20480x128xf32, #tpu.memory_space<hbm>> -> memref<1x20480x128xf32, #tpu.memory_space<hbm>>
        %dma_start3A_79 = tpu.memref_squeeze %dma_start3A_78 : memref<1x20480x128xf32, #tpu.memory_space<hbm>> -> memref<20480x128xf32, #tpu.memory_space<hbm>>
        %dma_start3A_80 = arith.constant 0 : i32
        %dma_start3A_81 = arith.constant 0 : i32
        %dma_start3A_82 = tpu.memref_slice %dma_start3A_79[%dma_start3A_80, %dma_start3A_81] : memref<20480x128xf32, #tpu.memory_space<hbm>> -> memref<20480x128xf32, #tpu.memory_space<hbm>>
        tpu.enqueue_indirect_dma source(%dma_start3A_82 : memref<20480x128xf32, #tpu.memory_space<hbm>>) target(%arg10 : memref<128x128xf32, #tpu.memory_space<vmem>>) offsets(%dma_start3A_75 : memref<128xi32, #tpu.memory_space<vmem>>) semaphore(%run_scoped3A_73 : memref<!tpu.dma_semaphore, #tpu.memory_space<semaphore_mem>>)
        %dma_wait3A = arith.constant 0 : i32
        %dma_wait3A_83 = tpu.memref_slice %arg8[%scan3A_72, %dma_wait3A] : memref<80x128xi32, #tpu.memory_space<vmem>> -> memref<1x128xi32, #tpu.memory_space<vmem>>
        %dma_wait3A_84 = tpu.memref_squeeze %dma_wait3A_83 : memref<1x128xi32, #tpu.memory_space<vmem>> -> memref<128xi32, #tpu.memory_space<vmem>>
        %dma_wait3A_85 = arith.constant 0 : i32
        %dma_wait3A_86 = arith.constant 0 : i32
        %dma_wait3A_87 = tpu.memref_slice %arg2[%add3A_37, %dma_wait3A_85, %dma_wait3A_86] : memref<4x20480x128xf32, #tpu.memory_space<hbm>> -> memref<1x20480x128xf32, #tpu.memory_space<hbm>>
        %dma_wait3A_88 = tpu.memref_squeeze %dma_wait3A_87 : memref<1x20480x128xf32, #tpu.memory_space<hbm>> -> memref<20480x128xf32, #tpu.memory_space<hbm>>
        %dma_wait3A_89 = arith.constant 0 : i32
        %dma_wait3A_90 = arith.constant 0 : i32
        %dma_wait3A_91 = tpu.memref_slice %dma_wait3A_88[%dma_wait3A_89, %dma_wait3A_90] : memref<20480x128xf32, #tpu.memory_space<hbm>> -> memref<20480x128xf32, #tpu.memory_space<hbm>>
        tpu.wait_indirect_dma semaphore(%run_scoped3A_73 : memref<!tpu.dma_semaphore, #tpu.memory_space<semaphore_mem>>) src(%dma_wait3A_91 : memref<20480x128xf32, #tpu.memory_space<hbm>>) dst(%arg10 : memref<128x128xf32, #tpu.memory_space<vmem>>)
        tpu.yield
      }) : () -> ()
      "tpu.region"() ({
        %run_scoped3A_73 = tpu.sem_alloc : memref<!tpu.dma_semaphore, #tpu.memory_space<semaphore_mem>>
        %dma_start3A = arith.constant 0 : i32
        %dma_start3A_74 = tpu.memref_slice %arg9[%scan3A_72, %dma_start3A] : memref<80x128xi32, #tpu.memory_space<vmem>> -> memref<1x128xi32, #tpu.memory_space<vmem>>
        %dma_start3A_75 = tpu.memref_squeeze %dma_start3A_74 : memref<1x128xi32, #tpu.memory_space<vmem>> -> memref<128xi32, #tpu.memory_space<vmem>>
        %dma_start3A_76 = arith.constant 0 : i32
        %dma_start3A_77 = arith.constant 0 : i32
        %dma_start3A_78 = tpu.memref_slice %arg11[%dma_start3A_76, %dma_start3A_77] : memref<10248x128xf32, #tpu.memory_space<vmem_shared>> -> memref<10248x128xf32, #tpu.memory_space<vmem_shared>>
        tpu.enqueue_indirect_dma source(%arg10 : memref<128x128xf32, #tpu.memory_space<vmem>>) target(%dma_start3A_78 : memref<10248x128xf32, #tpu.memory_space<vmem_shared>>) offsets(%dma_start3A_75 : memref<128xi32, #tpu.memory_space<vmem>>) semaphore(%run_scoped3A_73 : memref<!tpu.dma_semaphore, #tpu.memory_space<semaphore_mem>>) {add = true}
        %dma_wait3A = arith.constant 0 : i32
        %dma_wait3A_79 = tpu.memref_slice %arg9[%scan3A_72, %dma_wait3A] : memref<80x128xi32, #tpu.memory_space<vmem>> -> memref<1x128xi32, #tpu.memory_space<vmem>>
        %dma_wait3A_80 = tpu.memref_squeeze %dma_wait3A_79 : memref<1x128xi32, #tpu.memory_space<vmem>> -> memref<128xi32, #tpu.memory_space<vmem>>
        %dma_wait3A_81 = arith.constant 0 : i32
        %dma_wait3A_82 = arith.constant 0 : i32
        %dma_wait3A_83 = tpu.memref_slice %arg11[%dma_wait3A_81, %dma_wait3A_82] : memref<10248x128xf32, #tpu.memory_space<vmem_shared>> -> memref<10248x128xf32, #tpu.memory_space<vmem_shared>>
        tpu.wait_indirect_dma semaphore(%run_scoped3A_73 : memref<!tpu.dma_semaphore, #tpu.memory_space<semaphore_mem>>) src(%arg10 : memref<128x128xf32, #tpu.memory_space<vmem>>) dst(%dma_wait3A_83 : memref<10248x128xf32, #tpu.memory_space<vmem_shared>>)
        tpu.yield
      }) : () -> ()
    }
    %scan3A_49 = arith.constant 80 : i32
    %barrier3A_50 = arith.constant 0 : index
    tpu.barrier barrier_id(%barrier3A_50)
    %add3A_51 = arith.constant 10240 : i32
    %add3A_52 = arith.addi %add3A_51, %mul3A_0 : i32
    "tpu.region"() ({
      %run_scoped3A_72 = tpu.sem_alloc : memref<!tpu.dma_semaphore, #tpu.memory_space<semaphore_mem>>
      %dma_start3A = arith.constant 0 : i32
      %dma_start3A_73 = tpu.memref_slice %arg6[%arg0, %add3A_52, %dma_start3A] : memref<2x20480x128xf32, #tpu.memory_space<hbm>> -> memref<1x640x128xf32, #tpu.memory_space<hbm>>
      %dma_start3A_74 = tpu.memref_squeeze %dma_start3A_73 : memref<1x640x128xf32, #tpu.memory_space<hbm>> -> memref<640x128xf32, #tpu.memory_space<hbm>>
      %dma_start3A_75 = arith.constant 0 : i32
      %dma_start3A_76 = tpu.memref_slice %arg11[%mul3A_0, %dma_start3A_75] : memref<10248x128xf32, #tpu.memory_space<vmem_shared>> -> memref<640x128xf32, #tpu.memory_space<vmem_shared>>
      tpu.enqueue_dma source(%dma_start3A_76 : memref<640x128xf32, #tpu.memory_space<vmem_shared>>) target(%dma_start3A_74 : memref<640x128xf32, #tpu.memory_space<hbm>>) target_semaphore(%run_scoped3A_72 : memref<!tpu.dma_semaphore, #tpu.memory_space<semaphore_mem>>)
      %dma_wait3A = arith.constant 0 : i32
      %dma_wait3A_77 = tpu.memref_slice %arg6[%arg0, %add3A_52, %dma_wait3A] : memref<2x20480x128xf32, #tpu.memory_space<hbm>> -> memref<1x640x128xf32, #tpu.memory_space<hbm>>
      %dma_wait3A_78 = tpu.memref_squeeze %dma_wait3A_77 : memref<1x640x128xf32, #tpu.memory_space<hbm>> -> memref<640x128xf32, #tpu.memory_space<hbm>>
      %dma_wait3A_79 = arith.constant 0 : i32
      %dma_wait3A_80 = tpu.memref_slice %arg11[%mul3A_0, %dma_wait3A_79] : memref<10248x128xf32, #tpu.memory_space<vmem_shared>> -> memref<640x128xf32, #tpu.memory_space<vmem_shared>>
      tpu.wait_dma2 semaphore(%run_scoped3A_72 : memref<!tpu.dma_semaphore, #tpu.memory_space<semaphore_mem>>) src(%dma_wait3A_80 : memref<640x128xf32, #tpu.memory_space<vmem_shared>>) dst(%dma_wait3A_78 : memref<640x128xf32, #tpu.memory_space<hbm>>)
      tpu.yield
    }) : () -> ()
    "tpu.region"() ({
      %run_scoped3A_72 = tpu.sem_alloc : memref<!tpu.dma_semaphore, #tpu.memory_space<semaphore_mem>>
      %dma_start3A = arith.constant 0 : i32
      %dma_start3A_73 = tpu.memref_slice %arg11[%mul3A_0, %dma_start3A] : memref<10248x128xf32, #tpu.memory_space<vmem_shared>> -> memref<640x128xf32, #tpu.memory_space<vmem_shared>>
      %dma_start3A_74 = arith.constant 0 : i32
      %dma_start3A_75 = tpu.memref_slice %arg5[%mul3A_0, %dma_start3A_74] : memref<10248x128xf32, #tpu.memory_space<hbm>> -> memref<640x128xf32, #tpu.memory_space<hbm>>
      tpu.enqueue_dma source(%dma_start3A_75 : memref<640x128xf32, #tpu.memory_space<hbm>>) target(%dma_start3A_73 : memref<640x128xf32, #tpu.memory_space<vmem_shared>>) target_semaphore(%run_scoped3A_72 : memref<!tpu.dma_semaphore, #tpu.memory_space<semaphore_mem>>)
      %dma_wait3A = arith.constant 0 : i32
      %dma_wait3A_76 = tpu.memref_slice %arg11[%mul3A_0, %dma_wait3A] : memref<10248x128xf32, #tpu.memory_space<vmem_shared>> -> memref<640x128xf32, #tpu.memory_space<vmem_shared>>
      %dma_wait3A_77 = arith.constant 0 : i32
      %dma_wait3A_78 = tpu.memref_slice %arg5[%mul3A_0, %dma_wait3A_77] : memref<10248x128xf32, #tpu.memory_space<hbm>> -> memref<640x128xf32, #tpu.memory_space<hbm>>
      tpu.wait_dma2 semaphore(%run_scoped3A_72 : memref<!tpu.dma_semaphore, #tpu.memory_space<semaphore_mem>>) src(%dma_wait3A_78 : memref<640x128xf32, #tpu.memory_space<hbm>>) dst(%dma_wait3A_76 : memref<640x128xf32, #tpu.memory_space<vmem_shared>>)
      tpu.yield
    }) : () -> ()
    %barrier3A_53 = arith.constant 0 : index
    tpu.barrier barrier_id(%barrier3A_53)
    %add3A_54 = arith.constant 2 : i32
    %add3A_55 = arith.addi %add3A_54, %arg0 : i32
    %mul3A_56 = arith.constant 80 : i32
    %mul3A_57 = arith.muli %arg1, %mul3A_56 : i32
    %run_scoped3A_58 = arith.constant 3 : i32
    "tpu.region"() ({
      %run_scoped3A_72 = tpu.sem_alloc : memref<!tpu.dma_semaphore, #tpu.memory_space<semaphore_mem>>
      %dma_start3A = arith.constant 0 : i32
      %dma_start3A_73 = tpu.memref_slice %arg3[%run_scoped3A_58, %mul3A_57, %dma_start3A] : memref<4x1280x128xi32, #tpu.memory_space<hbm>> -> memref<1x80x128xi32, #tpu.memory_space<hbm>>
      %dma_start3A_74 = tpu.memref_squeeze %dma_start3A_73 : memref<1x80x128xi32, #tpu.memory_space<hbm>> -> memref<80x128xi32, #tpu.memory_space<hbm>>
      %dma_start3A_75 = arith.constant 0 : i32
      %dma_start3A_76 = tpu.memref_slice %arg3[%run_scoped3A_58, %mul3A_57, %dma_start3A_75] : memref<4x1280x128xi32, #tpu.memory_space<hbm>> -> memref<1x80x128xi32, #tpu.memory_space<hbm>>
      %dma_start3A_77 = tpu.memref_squeeze %dma_start3A_76 : memref<1x80x128xi32, #tpu.memory_space<hbm>> -> memref<80x128xi32, #tpu.memory_space<hbm>>
      tpu.enqueue_dma source(%dma_start3A_77 : memref<80x128xi32, #tpu.memory_space<hbm>>) target(%arg8 : memref<80x128xi32, #tpu.memory_space<vmem>>) target_semaphore(%run_scoped3A_72 : memref<!tpu.dma_semaphore, #tpu.memory_space<semaphore_mem>>)
      %dma_wait3A = arith.constant 0 : i32
      %dma_wait3A_78 = tpu.memref_slice %arg3[%run_scoped3A_58, %mul3A_57, %dma_wait3A] : memref<4x1280x128xi32, #tpu.memory_space<hbm>> -> memref<1x80x128xi32, #tpu.memory_space<hbm>>
      %dma_wait3A_79 = tpu.memref_squeeze %dma_wait3A_78 : memref<1x80x128xi32, #tpu.memory_space<hbm>> -> memref<80x128xi32, #tpu.memory_space<hbm>>
      %dma_wait3A_80 = arith.constant 0 : i32
      %dma_wait3A_81 = tpu.memref_slice %arg3[%run_scoped3A_58, %mul3A_57, %dma_wait3A_80] : memref<4x1280x128xi32, #tpu.memory_space<hbm>> -> memref<1x80x128xi32, #tpu.memory_space<hbm>>
      %dma_wait3A_82 = tpu.memref_squeeze %dma_wait3A_81 : memref<1x80x128xi32, #tpu.memory_space<hbm>> -> memref<80x128xi32, #tpu.memory_space<hbm>>
      tpu.wait_dma2 semaphore(%run_scoped3A_72 : memref<!tpu.dma_semaphore, #tpu.memory_space<semaphore_mem>>) src(%dma_wait3A_82 : memref<80x128xi32, #tpu.memory_space<hbm>>) dst(%arg8 : memref<80x128xi32, #tpu.memory_space<vmem>>)
      tpu.yield
    }) : () -> ()
    %mul3A_59 = arith.constant 80 : i32
    %mul3A_60 = arith.muli %arg1, %mul3A_59 : i32
    %run_scoped3A_61 = arith.constant 3 : i32
    "tpu.region"() ({
      %run_scoped3A_72 = tpu.sem_alloc : memref<!tpu.dma_semaphore, #tpu.memory_space<semaphore_mem>>
      %dma_start3A = arith.constant 0 : i32
      %dma_start3A_73 = tpu.memref_slice %arg4[%run_scoped3A_61, %mul3A_60, %dma_start3A] : memref<4x1280x128xi32, #tpu.memory_space<hbm>> -> memref<1x80x128xi32, #tpu.memory_space<hbm>>
      %dma_start3A_74 = tpu.memref_squeeze %dma_start3A_73 : memref<1x80x128xi32, #tpu.memory_space<hbm>> -> memref<80x128xi32, #tpu.memory_space<hbm>>
      %dma_start3A_75 = arith.constant 0 : i32
      %dma_start3A_76 = tpu.memref_slice %arg4[%run_scoped3A_61, %mul3A_60, %dma_start3A_75] : memref<4x1280x128xi32, #tpu.memory_space<hbm>> -> memref<1x80x128xi32, #tpu.memory_space<hbm>>
      %dma_start3A_77 = tpu.memref_squeeze %dma_start3A_76 : memref<1x80x128xi32, #tpu.memory_space<hbm>> -> memref<80x128xi32, #tpu.memory_space<hbm>>
      tpu.enqueue_dma source(%dma_start3A_77 : memref<80x128xi32, #tpu.memory_space<hbm>>) target(%arg9 : memref<80x128xi32, #tpu.memory_space<vmem>>) target_semaphore(%run_scoped3A_72 : memref<!tpu.dma_semaphore, #tpu.memory_space<semaphore_mem>>)
      %dma_wait3A = arith.constant 0 : i32
      %dma_wait3A_78 = tpu.memref_slice %arg4[%run_scoped3A_61, %mul3A_60, %dma_wait3A] : memref<4x1280x128xi32, #tpu.memory_space<hbm>> -> memref<1x80x128xi32, #tpu.memory_space<hbm>>
      %dma_wait3A_79 = tpu.memref_squeeze %dma_wait3A_78 : memref<1x80x128xi32, #tpu.memory_space<hbm>> -> memref<80x128xi32, #tpu.memory_space<hbm>>
      %dma_wait3A_80 = arith.constant 0 : i32
      %dma_wait3A_81 = tpu.memref_slice %arg4[%run_scoped3A_61, %mul3A_60, %dma_wait3A_80] : memref<4x1280x128xi32, #tpu.memory_space<hbm>> -> memref<1x80x128xi32, #tpu.memory_space<hbm>>
      %dma_wait3A_82 = tpu.memref_squeeze %dma_wait3A_81 : memref<1x80x128xi32, #tpu.memory_space<hbm>> -> memref<80x128xi32, #tpu.memory_space<hbm>>
      tpu.wait_dma2 semaphore(%run_scoped3A_72 : memref<!tpu.dma_semaphore, #tpu.memory_space<semaphore_mem>>) src(%dma_wait3A_82 : memref<80x128xi32, #tpu.memory_space<hbm>>) dst(%arg9 : memref<80x128xi32, #tpu.memory_space<vmem>>)
      tpu.yield
    }) : () -> ()
    %scan3A_62 = arith.constant 0 : i32
    %scan3A_63 = arith.constant 0 : i32
    %scan3A_64 = arith.constant 80 : i32
    %scan3A_65 = arith.addi %scan3A_63, %scan3A_64 : i32
    %scan3A_66 = arith.constant 1 : i32
    scf.for %scan3A_72 = %scan3A_63 to %scan3A_65 step %scan3A_66  : i32 {
      "tpu.region"() ({
        %run_scoped3A_73 = tpu.sem_alloc : memref<!tpu.dma_semaphore, #tpu.memory_space<semaphore_mem>>
        %dma_start3A = arith.constant 0 : i32
        %dma_start3A_74 = tpu.memref_slice %arg8[%scan3A_72, %dma_start3A] : memref<80x128xi32, #tpu.memory_space<vmem>> -> memref<1x128xi32, #tpu.memory_space<vmem>>
        %dma_start3A_75 = tpu.memref_squeeze %dma_start3A_74 : memref<1x128xi32, #tpu.memory_space<vmem>> -> memref<128xi32, #tpu.memory_space<vmem>>
        %dma_start3A_76 = arith.constant 0 : i32
        %dma_start3A_77 = arith.constant 0 : i32
        %dma_start3A_78 = tpu.memref_slice %arg2[%add3A_55, %dma_start3A_76, %dma_start3A_77] : memref<4x20480x128xf32, #tpu.memory_space<hbm>> -> memref<1x20480x128xf32, #tpu.memory_space<hbm>>
        %dma_start3A_79 = tpu.memref_squeeze %dma_start3A_78 : memref<1x20480x128xf32, #tpu.memory_space<hbm>> -> memref<20480x128xf32, #tpu.memory_space<hbm>>
        %dma_start3A_80 = arith.constant 0 : i32
        %dma_start3A_81 = arith.constant 0 : i32
        %dma_start3A_82 = tpu.memref_slice %dma_start3A_79[%dma_start3A_80, %dma_start3A_81] : memref<20480x128xf32, #tpu.memory_space<hbm>> -> memref<20480x128xf32, #tpu.memory_space<hbm>>
        tpu.enqueue_indirect_dma source(%dma_start3A_82 : memref<20480x128xf32, #tpu.memory_space<hbm>>) target(%arg10 : memref<128x128xf32, #tpu.memory_space<vmem>>) offsets(%dma_start3A_75 : memref<128xi32, #tpu.memory_space<vmem>>) semaphore(%run_scoped3A_73 : memref<!tpu.dma_semaphore, #tpu.memory_space<semaphore_mem>>)
        %dma_wait3A = arith.constant 0 : i32
        %dma_wait3A_83 = tpu.memref_slice %arg8[%scan3A_72, %dma_wait3A] : memref<80x128xi32, #tpu.memory_space<vmem>> -> memref<1x128xi32, #tpu.memory_space<vmem>>
        %dma_wait3A_84 = tpu.memref_squeeze %dma_wait3A_83 : memref<1x128xi32, #tpu.memory_space<vmem>> -> memref<128xi32, #tpu.memory_space<vmem>>
        %dma_wait3A_85 = arith.constant 0 : i32
        %dma_wait3A_86 = arith.constant 0 : i32
        %dma_wait3A_87 = tpu.memref_slice %arg2[%add3A_55, %dma_wait3A_85, %dma_wait3A_86] : memref<4x20480x128xf32, #tpu.memory_space<hbm>> -> memref<1x20480x128xf32, #tpu.memory_space<hbm>>
        %dma_wait3A_88 = tpu.memref_squeeze %dma_wait3A_87 : memref<1x20480x128xf32, #tpu.memory_space<hbm>> -> memref<20480x128xf32, #tpu.memory_space<hbm>>
        %dma_wait3A_89 = arith.constant 0 : i32
        %dma_wait3A_90 = arith.constant 0 : i32
        %dma_wait3A_91 = tpu.memref_slice %dma_wait3A_88[%dma_wait3A_89, %dma_wait3A_90] : memref<20480x128xf32, #tpu.memory_space<hbm>> -> memref<20480x128xf32, #tpu.memory_space<hbm>>
        tpu.wait_indirect_dma semaphore(%run_scoped3A_73 : memref<!tpu.dma_semaphore, #tpu.memory_space<semaphore_mem>>) src(%dma_wait3A_91 : memref<20480x128xf32, #tpu.memory_space<hbm>>) dst(%arg10 : memref<128x128xf32, #tpu.memory_space<vmem>>)
        tpu.yield
      }) : () -> ()
      "tpu.region"() ({
        %run_scoped3A_73 = tpu.sem_alloc : memref<!tpu.dma_semaphore, #tpu.memory_space<semaphore_mem>>
        %dma_start3A = arith.constant 0 : i32
        %dma_start3A_74 = tpu.memref_slice %arg9[%scan3A_72, %dma_start3A] : memref<80x128xi32, #tpu.memory_space<vmem>> -> memref<1x128xi32, #tpu.memory_space<vmem>>
        %dma_start3A_75 = tpu.memref_squeeze %dma_start3A_74 : memref<1x128xi32, #tpu.memory_space<vmem>> -> memref<128xi32, #tpu.memory_space<vmem>>
        %dma_start3A_76 = arith.constant 0 : i32
        %dma_start3A_77 = arith.constant 0 : i32
        %dma_start3A_78 = tpu.memref_slice %arg11[%dma_start3A_76, %dma_start3A_77] : memref<10248x128xf32, #tpu.memory_space<vmem_shared>> -> memref<10248x128xf32, #tpu.memory_space<vmem_shared>>
        tpu.enqueue_indirect_dma source(%arg10 : memref<128x128xf32, #tpu.memory_space<vmem>>) target(%dma_start3A_78 : memref<10248x128xf32, #tpu.memory_space<vmem_shared>>) offsets(%dma_start3A_75 : memref<128xi32, #tpu.memory_space<vmem>>) semaphore(%run_scoped3A_73 : memref<!tpu.dma_semaphore, #tpu.memory_space<semaphore_mem>>) {add = true}
        %dma_wait3A = arith.constant 0 : i32
        %dma_wait3A_79 = tpu.memref_slice %arg9[%scan3A_72, %dma_wait3A] : memref<80x128xi32, #tpu.memory_space<vmem>> -> memref<1x128xi32, #tpu.memory_space<vmem>>
        %dma_wait3A_80 = tpu.memref_squeeze %dma_wait3A_79 : memref<1x128xi32, #tpu.memory_space<vmem>> -> memref<128xi32, #tpu.memory_space<vmem>>
        %dma_wait3A_81 = arith.constant 0 : i32
        %dma_wait3A_82 = arith.constant 0 : i32
        %dma_wait3A_83 = tpu.memref_slice %arg11[%dma_wait3A_81, %dma_wait3A_82] : memref<10248x128xf32, #tpu.memory_space<vmem_shared>> -> memref<10248x128xf32, #tpu.memory_space<vmem_shared>>
        tpu.wait_indirect_dma semaphore(%run_scoped3A_73 : memref<!tpu.dma_semaphore, #tpu.memory_space<semaphore_mem>>) src(%arg10 : memref<128x128xf32, #tpu.memory_space<vmem>>) dst(%dma_wait3A_83 : memref<10248x128xf32, #tpu.memory_space<vmem_shared>>)
        tpu.yield
      }) : () -> ()
    }
    %scan3A_67 = arith.constant 80 : i32
    %barrier3A_68 = arith.constant 0 : index
    tpu.barrier barrier_id(%barrier3A_68)
    %add3A_69 = arith.constant 10240 : i32
    %add3A_70 = arith.addi %add3A_69, %mul3A_0 : i32
    "tpu.region"() ({
      %run_scoped3A_72 = tpu.sem_alloc : memref<!tpu.dma_semaphore, #tpu.memory_space<semaphore_mem>>
      %dma_start3A = arith.constant 0 : i32
      %dma_start3A_73 = tpu.memref_slice %arg7[%arg0, %add3A_70, %dma_start3A] : memref<2x20480x128xf32, #tpu.memory_space<hbm>> -> memref<1x640x128xf32, #tpu.memory_space<hbm>>
      %dma_start3A_74 = tpu.memref_squeeze %dma_start3A_73 : memref<1x640x128xf32, #tpu.memory_space<hbm>> -> memref<640x128xf32, #tpu.memory_space<hbm>>
      %dma_start3A_75 = arith.constant 0 : i32
      %dma_start3A_76 = tpu.memref_slice %arg11[%mul3A_0, %dma_start3A_75] : memref<10248x128xf32, #tpu.memory_space<vmem_shared>> -> memref<640x128xf32, #tpu.memory_space<vmem_shared>>
      tpu.enqueue_dma source(%dma_start3A_76 : memref<640x128xf32, #tpu.memory_space<vmem_shared>>) target(%dma_start3A_74 : memref<640x128xf32, #tpu.memory_space<hbm>>) target_semaphore(%run_scoped3A_72 : memref<!tpu.dma_semaphore, #tpu.memory_space<semaphore_mem>>)
      %dma_wait3A = arith.constant 0 : i32
      %dma_wait3A_77 = tpu.memref_slice %arg7[%arg0, %add3A_70, %dma_wait3A] : memref<2x20480x128xf32, #tpu.memory_space<hbm>> -> memref<1x640x128xf32, #tpu.memory_space<hbm>>
      %dma_wait3A_78 = tpu.memref_squeeze %dma_wait3A_77 : memref<1x640x128xf32, #tpu.memory_space<hbm>> -> memref<640x128xf32, #tpu.memory_space<hbm>>
      %dma_wait3A_79 = arith.constant 0 : i32
      %dma_wait3A_80 = tpu.memref_slice %arg11[%mul3A_0, %dma_wait3A_79] : memref<10248x128xf32, #tpu.memory_space<vmem_shared>> -> memref<640x128xf32, #tpu.memory_space<vmem_shared>>
      tpu.wait_dma2 semaphore(%run_scoped3A_72 : memref<!tpu.dma_semaphore, #tpu.memory_space<semaphore_mem>>) src(%dma_wait3A_80 : memref<640x128xf32, #tpu.memory_space<vmem_shared>>) dst(%dma_wait3A_78 : memref<640x128xf32, #tpu.memory_space<hbm>>)
      tpu.yield
    }) : () -> ()
    %barrier3A_71 = arith.constant 0 : index
    tpu.barrier barrier_id(%barrier3A_71)
    return
  }
}

module attributes {stable_mosaic.version = 14 : i64} {
  func.func @_mm4_kernel(%arg0: i32, %arg1: i32, %arg2: memref<512x256xf32, #tpu.memory_space<vmem>>, %arg3: memref<256x128xf32, #tpu.memory_space<vmem>>, %arg4: memref<1x512x128xf32, #tpu.memory_space<vmem>>) attributes {dimension_semantics = [#tpu.dimension_semantics<parallel>, #tpu.dimension_semantics<parallel>], iteration_bounds = array<i64: 40, 4>, scalar_prefetch = 0 : i64, scratch_operands = 0 : i64, tpu.core_type = #tpu.core_type<tc>, window_params = [{transform_indices = @transform_0, window_bounds = array<i64: 512, 256>}, {transform_indices = @transform_1, window_bounds = array<i64: 256, 128>}, {transform_indices = @transform_2, window_bounds = array<i64: 1, 512, 128>}]} {
    %get3A = arith.constant 0 : index
    %get3A_0 = arith.constant 0 : index
    %get3A_1 = vector.load %arg2[%get3A, %get3A_0] : memref<512x256xf32, #tpu.memory_space<vmem>>, vector<512x256xf32>
    %get3A_2 = arith.constant 0 : index
    %get3A_3 = arith.constant 0 : index
    %get3A_4 = vector.load %arg3[%get3A_2, %get3A_3] : memref<256x128xf32, #tpu.memory_space<vmem>>, vector<256x128xf32>
    %dot_general3A = arith.constant dense<0.000000e+00> : vector<512x128xf32>
    %dot_general3A_5 = tpu.matmul %get3A_1, %get3A_4, %dot_general3A {dimension_numbers = #tpu.dot_dimension_numbers<[1], [0], [0], [1], [0, 0, 1, 1], [], []>, transpose_lhs_hint = false} : vector<512x256xf32>, vector<256x128xf32>, vector<512x128xf32> -> vector<512x128xf32>
    %swap3A = arith.constant 0 : index
    %swap3A_6 = arith.constant 0 : index
    %swap3A_7 = arith.constant 0 : index
    %swap3A_8 = vector.load %arg4[%swap3A, %swap3A_6, %swap3A_7] : memref<1x512x128xf32, #tpu.memory_space<vmem>>, vector<1x512x128xf32>
    %swap3A_9 = vector.shape_cast %swap3A_8 : vector<1x512x128xf32> to vector<512x128xf32>
    %swap3A_10 = vector.shape_cast %dot_general3A_5 : vector<512x128xf32> to vector<1x512x128xf32>
    tpu.vector_store %arg4[%swap3A, %swap3A_6, %swap3A_7], %swap3A_10 {strides = array<i32>} : memref<1x512x128xf32, #tpu.memory_space<vmem>>, vector<1x512x128xf32>,
    return
  }
  func.func @transform_0(%arg0: i32, %arg1: i32) -> (i32, i32) {
    %c0_i32 = arith.constant 0 : i32
    %c0_i32_0 = arith.constant 0 : i32
    return %arg0, %c0_i32 : i32, i32
  }
  func.func @transform_1(%arg0: i32, %arg1: i32) -> (i32, i32) {
    %c0_i32 = arith.constant 0 : i32
    %c0_i32_0 = arith.constant 0 : i32
    return %c0_i32, %arg1 : i32, i32
  }
  func.func @transform_2(%arg0: i32, %arg1: i32) -> (i32, i32, i32) {
    %c0_i32 = arith.constant 0 : i32
    %c0_i32_0 = arith.constant 0 : i32
    return %arg1, %arg0, %c0_i32 : i32, i32, i32
  }
}

module attributes {stable_mosaic.version = 14 : i64} {
  func.func @_combine_kernel(%arg0: i32, %arg1: memref<512x256xf32, #tpu.memory_space<vmem>>, %arg2: memref<256x256xf32, #tpu.memory_space<vmem>>, %arg3: memref<1x256xf32, #tpu.memory_space<vmem>>, %arg4: memref<2x512x128xf32, #tpu.memory_space<vmem>>, %arg5: memref<2x512x128xf32, #tpu.memory_space<vmem>>, %arg6: memref<2x1x512x128xf32, #tpu.memory_space<vmem>>, %arg7: memref<512x256xf32, #tpu.memory_space<vmem>>) attributes {dimension_semantics = [#tpu.dimension_semantics<arbitrary>], iteration_bounds = array<i64: 40>, scalar_prefetch = 0 : i64, scratch_operands = 0 : i64, tpu.core_type = #tpu.core_type<tc>, window_params = [{transform_indices = @transform_0, window_bounds = array<i64: 512, 256>}, {pipeline_mode = #tpu.pipeline_mode<synchronous>, transform_indices = @transform_1, window_bounds = array<i64: 256, 256>}, {pipeline_mode = #tpu.pipeline_mode<synchronous>, transform_indices = @transform_2, window_bounds = array<i64: 1, 256>}, {transform_indices = @transform_3, window_bounds = array<i64: 2, 512, 128>}, {transform_indices = @transform_4, window_bounds = array<i64: 2, 512, 128>}, {transform_indices = @transform_5, window_bounds = array<i64: 2, 1, 512, 128>}, {transform_indices = @transform_6, window_bounds = array<i64: 512, 256>}]} {
    %get3A = arith.constant 0 : index
    %get3A_0 = arith.constant 0 : index
    %get3A_1 = vector.load %arg1[%get3A, %get3A_0] : memref<512x256xf32, #tpu.memory_space<vmem>>, vector<512x256xf32>
    %get3A_2 = arith.constant 0 : index
    %get3A_3 = arith.constant 0 : index
    %get3A_4 = vector.load %arg2[%get3A_2, %get3A_3] : memref<256x256xf32, #tpu.memory_space<vmem>>, vector<256x256xf32>
    %dot_general3A = arith.constant dense<0.000000e+00> : vector<512x256xf32>
    %dot_general3A_5 = tpu.matmul %get3A_1, %get3A_4, %dot_general3A {dimension_numbers = #tpu.dot_dimension_numbers<[1], [0], [0], [1], [0, 0, 1, 1], [], []>, transpose_lhs_hint = false} : vector<512x256xf32>, vector<256x256xf32>, vector<512x256xf32> -> vector<512x256xf32>
    %get3A_6 = arith.constant 0 : index
    %get3A_7 = arith.constant 0 : index
    %get3A_8 = arith.constant 0 : index
    %get3A_9 = vector.load %arg4[%get3A_6, %get3A_7, %get3A_8] : memref<2x512x128xf32, #tpu.memory_space<vmem>>, vector<1x512x128xf32>
    %get3A_10 = vector.shape_cast %get3A_9 : vector<1x512x128xf32> to vector<512x128xf32>
    %get3A_11 = arith.constant 1 : index
    %get3A_12 = arith.constant 0 : index
    %get3A_13 = arith.constant 0 : index
    %get3A_14 = vector.load %arg4[%get3A_11, %get3A_12, %get3A_13] : memref<2x512x128xf32, #tpu.memory_space<vmem>>, vector<1x512x128xf32>
    %get3A_15 = vector.shape_cast %get3A_14 : vector<1x512x128xf32> to vector<512x128xf32>
    %concatenate3A = tpu.concatenate %get3A_10, %get3A_15 in 1 : vector<512x128xf32>, vector<512x128xf32> -> vector<512x256xf32>
    %get3A_16 = arith.constant 0 : index
    %get3A_17 = arith.constant 0 : index
    %get3A_18 = arith.constant 0 : index
    %get3A_19 = vector.load %arg5[%get3A_16, %get3A_17, %get3A_18] : memref<2x512x128xf32, #tpu.memory_space<vmem>>, vector<1x512x128xf32>
    %get3A_20 = vector.shape_cast %get3A_19 : vector<1x512x128xf32> to vector<512x128xf32>
    %get3A_21 = arith.constant 1 : index
    %get3A_22 = arith.constant 0 : index
    %get3A_23 = arith.constant 0 : index
    %get3A_24 = vector.load %arg5[%get3A_21, %get3A_22, %get3A_23] : memref<2x512x128xf32, #tpu.memory_space<vmem>>, vector<1x512x128xf32>
    %get3A_25 = vector.shape_cast %get3A_24 : vector<1x512x128xf32> to vector<512x128xf32>
    %concatenate3A_26 = tpu.concatenate %get3A_20, %get3A_25 in 1 : vector<512x128xf32>, vector<512x128xf32> -> vector<512x256xf32>
    %get3A_27 = arith.constant 0 : index
    %get3A_28 = arith.constant 0 : index
    %get3A_29 = arith.constant 0 : index
    %get3A_30 = arith.constant 0 : index
    %get3A_31 = vector.load %arg6[%get3A_27, %get3A_28, %get3A_29, %get3A_30] : memref<2x1x512x128xf32, #tpu.memory_space<vmem>>, vector<1x1x512x128xf32>
    %get3A_32 = vector.shape_cast %get3A_31 : vector<1x1x512x128xf32> to vector<512x128xf32>
    %slice3A = vector.extract_strided_slice %get3A_32 {offsets = [0, 0], sizes = [512, 1], strides = [1, 1]} : vector<512x128xf32> to vector<512x1xf32>
    %max3A = arith.constant 1.000000e+00 : f32
    %max3A_33 = vector.broadcast %max3A : f32 to vector<512x1xf32>
    %max3A_34 = arith.maximumf %slice3A, %max3A_33 : vector<512x1xf32>
    %get3A_35 = arith.constant 1 : index
    %get3A_36 = arith.constant 0 : index
    %get3A_37 = arith.constant 0 : index
    %get3A_38 = arith.constant 0 : index
    %get3A_39 = vector.load %arg6[%get3A_35, %get3A_36, %get3A_37, %get3A_38] : memref<2x1x512x128xf32, #tpu.memory_space<vmem>>, vector<1x1x512x128xf32>
    %get3A_40 = vector.shape_cast %get3A_39 : vector<1x1x512x128xf32> to vector<512x128xf32>
    %slice3A_41 = vector.extract_strided_slice %get3A_40 {offsets = [0, 0], sizes = [512, 1], strides = [1, 1]} : vector<512x128xf32> to vector<512x1xf32>
    %max3A_42 = arith.constant 1.000000e+00 : f32
    %max3A_43 = vector.broadcast %max3A_42 : f32 to vector<512x1xf32>
    %max3A_44 = arith.maximumf %slice3A_41, %max3A_43 : vector<512x1xf32>
    %get3A_45 = arith.constant 0 : index
    %get3A_46 = arith.constant 0 : index
    %get3A_47 = vector.load %arg3[%get3A_45, %get3A_46] : memref<1x256xf32, #tpu.memory_space<vmem>>, vector<1x256xf32>
    %add3A = vector.broadcast %get3A_47 : vector<1x256xf32> to vector<512x256xf32>
    %add3A_48 = arith.addf %dot_general3A_5, %add3A : vector<512x256xf32>
    %div3A = vector.broadcast %max3A_34 : vector<512x1xf32> to vector<512x256xf32>
    %div3A_49 = arith.divf %concatenate3A, %div3A : vector<512x256xf32>
    %add3A_50 = arith.addf %add3A_48, %div3A_49 : vector<512x256xf32>
    %div3A_51 = vector.broadcast %max3A_44 : vector<512x1xf32> to vector<512x256xf32>
    %div3A_52 = arith.divf %concatenate3A_26, %div3A_51 : vector<512x256xf32>
    %add3A_53 = arith.addf %add3A_50, %div3A_52 : vector<512x256xf32>
    %max3A_54 = arith.constant 0.000000e+00 : f32
    %max3A_55 = vector.broadcast %max3A_54 : f32 to vector<512x256xf32>
    %max3A_56 = arith.maximumf %add3A_53, %max3A_55 : vector<512x256xf32>
    %swap3A = arith.constant 0 : index
    %swap3A_57 = arith.constant 0 : index
    %swap3A_58 = vector.load %arg7[%swap3A, %swap3A_57] : memref<512x256xf32, #tpu.memory_space<vmem>>, vector<512x256xf32>
    tpu.vector_store %arg7[%swap3A, %swap3A_57], %max3A_56 {strides = array<i32>} : memref<512x256xf32, #tpu.memory_space<vmem>>, vector<512x256xf32>,
    return
  }
  func.func @transform_0(%arg0: i32) -> (i32, i32) {
    %c0_i32 = arith.constant 0 : i32
    %c0_i32_0 = arith.constant 0 : i32
    return %arg0, %c0_i32 : i32, i32
  }
  func.func @transform_1(%arg0: i32) -> (i32, i32) {
    %c0_i32 = arith.constant 0 : i32
    %c0_i32_0 = arith.constant 0 : i32
    %c0_i32_1 = arith.constant 0 : i32
    return %c0_i32, %c0_i32_0 : i32, i32
  }
  func.func @transform_2(%arg0: i32) -> (i32, i32) {
    %c0_i32 = arith.constant 0 : i32
    %c0_i32_0 = arith.constant 0 : i32
    %c0_i32_1 = arith.constant 0 : i32
    return %c0_i32, %c0_i32_0 : i32, i32
  }
  func.func @transform_3(%arg0: i32) -> (i32, i32, i32) {
    %c0_i32 = arith.constant 0 : i32
    %c0_i32_0 = arith.constant 0 : i32
    %c0_i32_1 = arith.constant 0 : i32
    return %c0_i32, %arg0, %c0_i32_0 : i32, i32, i32
  }
  func.func @transform_4(%arg0: i32) -> (i32, i32, i32) {
    %c0_i32 = arith.constant 0 : i32
    %c0_i32_0 = arith.constant 0 : i32
    %c0_i32_1 = arith.constant 0 : i32
    return %c0_i32, %arg0, %c0_i32_0 : i32, i32, i32
  }
  func.func @transform_5(%arg0: i32) -> (i32, i32, i32, i32) {
    %jit3A = arith.constant 20 : i32
    %div3A = arith.divsi %arg0, %jit3A : i32
    %sign3A = arith.constant 0 : i32
    %sign3A_0 = arith.cmpi sgt, %arg0, %sign3A : i32
    %sign3A_1 = arith.extui %sign3A_0 : i1 to i32
    %sign3A_2 = arith.constant 0 : i32
    %sign3A_3 = arith.cmpi slt, %arg0, %sign3A_2 : i32
    %sign3A_4 = arith.extui %sign3A_3 : i1 to i32
    %sign3A_5 = arith.subi %sign3A_1, %sign3A_4 : i32
    %sign3A_6 = arith.constant 0 : i32
    %sign3A_7 = arith.cmpi sgt, %jit3A, %sign3A_6 : i32
    %sign3A_8 = arith.extui %sign3A_7 : i1 to i32
    %sign3A_9 = arith.constant 0 : i32
    %sign3A_10 = arith.cmpi slt, %jit3A, %sign3A_9 : i32
    %sign3A_11 = arith.extui %sign3A_10 : i1 to i32
    %sign3A_12 = arith.subi %sign3A_8, %sign3A_11 : i32
    %ne3A = arith.cmpi ne, %sign3A_5, %sign3A_12 : i32
    %rem3A = arith.remsi %arg0, %jit3A : i32
    %ne3A_13 = arith.constant 0 : i32
    %ne3A_14 = arith.cmpi ne, %rem3A, %ne3A_13 : i32
    %and3A = arith.andi %ne3A, %ne3A_14 : i1
    %sub3A = arith.constant 1 : i32
    %sub3A_15 = arith.subi %div3A, %sub3A : i32
    %select_n3A = arith.select %and3A, %sub3A_15, %div3A : i32
    %jit3A_16 = arith.constant 20 : i32
    %eq3A = arith.constant 0 : i32
    %eq3A_17 = arith.cmpi eq, %jit3A_16, %eq3A : i32
    %jit3A_18 = arith.constant 1 : i32
    %select_n3A_19 = arith.select %eq3A_17, %jit3A_18, %jit3A_16 : i32
    %rem3A_20 = arith.remsi %arg0, %select_n3A_19 : i32
    %ne3A_21 = arith.constant 0 : i32
    %ne3A_22 = arith.cmpi ne, %rem3A_20, %ne3A_21 : i32
    %lt3A = arith.constant 0 : i32
    %lt3A_23 = arith.cmpi slt, %rem3A_20, %lt3A : i32
    %lt3A_24 = arith.constant 0 : i32
    %lt3A_25 = arith.cmpi slt, %select_n3A_19, %lt3A_24 : i32
    %ne3A_26 = arith.xori %lt3A_23, %lt3A_25 : i1
    %and3A_27 = arith.andi %ne3A_26, %ne3A_22 : i1
    %add3A = arith.addi %rem3A_20, %select_n3A_19 : i32
    %select_n3A_28 = arith.select %and3A_27, %add3A, %rem3A_20 : i32
    %c0_i32 = arith.constant 0 : i32
    %c0_i32_29 = arith.constant 0 : i32
    %c0_i32_30 = arith.constant 0 : i32
    return %c0_i32, %select_n3A, %select_n3A_28, %c0_i32_29 : i32, i32, i32, i32
  }
  func.func @transform_6(%arg0: i32) -> (i32, i32) {
    %c0_i32 = arith.constant 0 : i32
    %c0_i32_0 = arith.constant 0 : i32
    return %arg0, %c0_i32 : i32, i32
  }
}

module attributes {stable_mosaic.version = 14 : i64} {
  func.func @_mm_kernel(%arg0: i32, %arg1: memref<512x1024xf32, #tpu.memory_space<vmem>>, %arg2: memref<1024x256xf32, #tpu.memory_space<vmem>>, %arg3: memref<512x256xf32, #tpu.memory_space<vmem>>) attributes {dimension_semantics = [#tpu.dimension_semantics<arbitrary>], iteration_bounds = array<i64: 40>, scalar_prefetch = 0 : i64, scratch_operands = 0 : i64, tpu.core_type = #tpu.core_type<tc>, window_params = [{transform_indices = @transform_0, window_bounds = array<i64: 512, 1024>}, {pipeline_mode = #tpu.pipeline_mode<synchronous>, transform_indices = @transform_1, window_bounds = array<i64: 1024, 256>}, {transform_indices = @transform_2, window_bounds = array<i64: 512, 256>}]} {
    %get3A = arith.constant 0 : index
    %get3A_0 = arith.constant 0 : index
    %get3A_1 = vector.load %arg1[%get3A, %get3A_0] : memref<512x1024xf32, #tpu.memory_space<vmem>>, vector<512x1024xf32>
    %get3A_2 = arith.constant 0 : index
    %get3A_3 = arith.constant 0 : index
    %get3A_4 = vector.load %arg2[%get3A_2, %get3A_3] : memref<1024x256xf32, #tpu.memory_space<vmem>>, vector<1024x256xf32>
    %dot_general3A = arith.constant dense<0.000000e+00> : vector<512x256xf32>
    %dot_general3A_5 = tpu.matmul %get3A_1, %get3A_4, %dot_general3A {dimension_numbers = #tpu.dot_dimension_numbers<[1], [0], [0], [1], [0, 0, 1, 1], [], []>, transpose_lhs_hint = false} : vector<512x1024xf32>, vector<1024x256xf32>, vector<512x256xf32> -> vector<512x256xf32>
    %swap3A = arith.constant 0 : index
    %swap3A_6 = arith.constant 0 : index
    %swap3A_7 = vector.load %arg3[%swap3A, %swap3A_6] : memref<512x256xf32, #tpu.memory_space<vmem>>, vector<512x256xf32>
    tpu.vector_store %arg3[%swap3A, %swap3A_6], %dot_general3A_5 {strides = array<i32>} : memref<512x256xf32, #tpu.memory_space<vmem>>, vector<512x256xf32>,
    return
  }
  func.func @transform_0(%arg0: i32) -> (i32, i32) {
    %c0_i32 = arith.constant 0 : i32
    %c0_i32_0 = arith.constant 0 : i32
    return %arg0, %c0_i32 : i32, i32
  }
  func.func @transform_1(%arg0: i32) -> (i32, i32) {
    %c0_i32 = arith.constant 0 : i32
    %c0_i32_0 = arith.constant 0 : i32
    %c0_i32_1 = arith.constant 0 : i32
    return %c0_i32, %c0_i32_0 : i32, i32
  }
  func.func @transform_2(%arg0: i32) -> (i32, i32) {
    %c0_i32 = arith.constant 0 : i32
    %c0_i32_0 = arith.constant 0 : i32
    return %arg0, %c0_i32 : i32, i32
  }
}

module attributes {stable_mosaic.version = 14 : i64} {
  func.func @_topk_kernel(%arg0: i32, %arg1: i32, %arg2: memref<256x256xf32, #tpu.memory_space<vmem>>, %arg3: memref<512x256xf32, #tpu.memory_space<vmem>>, %arg4: memref<256x25xf32, #tpu.memory_space<vmem>>, %arg5: memref<256x32xf32, #tpu.memory_space<vmem>>) attributes {dimension_semantics = [#tpu.dimension_semantics<parallel>, #tpu.dimension_semantics<arbitrary>], iteration_bounds = array<i64: 40, 20>, scalar_prefetch = 0 : i64, scratch_operands = 1 : i64, tpu.core_type = #tpu.core_type<tc>, window_params = [{transform_indices = @transform_0, window_bounds = array<i64: 256, 256>}, {transform_indices = @transform_1, window_bounds = array<i64: 512, 256>}, {transform_indices = @transform_2, window_bounds = array<i64: 256, 25>}]} {
    %eq3A = arith.constant 0 : i32
    %eq3A_0 = arith.cmpi eq, %arg1, %eq3A : i32
    %convert_element_type3A = arith.extui %eq3A_0 : i1 to i32
    %cond3A = arith.constant 0 : i32
    %cond3A_1 = arith.cmpi ne, %convert_element_type3A, %cond3A : i32
    scf.if %cond3A_1 {
      %broadcast_in_dim3A_480 = arith.constant -3.000000e+38 : f32
      %broadcast_in_dim3A_481 = vector.broadcast %broadcast_in_dim3A_480 : f32 to vector<256x32xf32>
      %swap3A_482 = arith.constant 0 : index
      %swap3A_483 = arith.constant 0 : index
      %swap3A_484 = vector.load %arg5[%swap3A_482, %swap3A_483] : memref<256x32xf32, #tpu.memory_space<vmem>>, vector<256x32xf32>
      tpu.vector_store %arg5[%swap3A_482, %swap3A_483], %broadcast_in_dim3A_481 {strides = array<i32>} : memref<256x32xf32, #tpu.memory_space<vmem>>, vector<256x32xf32>,
    } else {
    }
    %get3A = arith.constant 0 : index
    %get3A_2 = arith.constant 0 : index
    %get3A_3 = vector.load %arg2[%get3A, %get3A_2] : memref<256x256xf32, #tpu.memory_space<vmem>>, vector<256x256xf32>
    %get3A_4 = arith.constant 0 : index
    %get3A_5 = arith.constant 0 : index
    %get3A_6 = vector.load %arg3[%get3A_4, %get3A_5] : memref<512x256xf32, #tpu.memory_space<vmem>>, vector<512x256xf32>
    %dot_general3A = arith.constant dense<0.000000e+00> : vector<256x512xf32>
    %dot_general3A_7 = tpu.matmul %get3A_3, %get3A_6, %dot_general3A {dimension_numbers = #tpu.dot_dimension_numbers<[1], [1], [0], [0], [0, 0, 1, 0], [], []>, transpose_lhs_hint = false} : vector<256x256xf32>, vector<512x256xf32>, vector<256x512xf32> -> vector<256x512xf32>
    %iota3A = tpu.iota {dimensions = array<i32: 1>} : vector<256x512xi32>
    %mul3A = arith.constant 512 : i32
    %mul3A_8 = arith.muli %arg1, %mul3A : i32
    %add3A = vector.broadcast %mul3A_8 : i32 to vector<256x512xi32>
    %add3A_9 = arith.addi %iota3A, %add3A : vector<256x512xi32>
    %lt3A = arith.constant 10000 : i32
    %lt3A_10 = vector.broadcast %lt3A : i32 to vector<256x512xi32>
    %lt3A_11 = arith.cmpi slt, %add3A_9, %lt3A_10 : vector<256x512xi32>
    %jit3A = arith.constant -3.000000e+38 : f32
    %broadcast_in_dim3A = vector.broadcast %jit3A : f32 to vector<256x512xf32>
    %select_n3A = arith.select %lt3A_11, %dot_general3A_7, %broadcast_in_dim3A : vector<256x512xi1>, vector<256x512xf32>
    %get3A_12 = arith.constant 0 : index
    %get3A_13 = arith.constant 0 : index
    %get3A_14 = vector.load %arg5[%get3A_12, %get3A_13] : memref<256x32xf32, #tpu.memory_space<vmem>>, vector<256x32xf32>
    %concatenate3A = tpu.concatenate %get3A_14, %select_n3A in 1 : vector<256x32xf32>, vector<256x512xf32> -> vector<256x544xf32>
    %iota3A_15 = tpu.iota {dimensions = array<i32: 1>} : vector<256x544xi32>
    %reduce_max3A = arith.constant dense<0xFF800000> : vector<256xf32>
    %reduce_max3A_16 = vector.multi_reduction <maximumf>, %concatenate3A, %reduce_max3A [1] : vector<256x544xf32> to vector<256xf32>
    %broadcast_in_dim3A_17 = vector.shape_cast %reduce_max3A_16 : vector<256xf32> to vector<256x1xf32>
    %swap3A = arith.constant 0 : index
    %swap3A_18 = arith.constant 0 : index
    %swap3A_19 = vector.load %arg5[%swap3A, %swap3A_18] : memref<256x32xf32, #tpu.memory_space<vmem>>, vector<256x1xf32>
    tpu.vector_store %arg5[%swap3A, %swap3A_18], %broadcast_in_dim3A_17 {strides = array<i32>} : memref<256x32xf32, #tpu.memory_space<vmem>>, vector<256x1xf32>,
    %eq3A_20 = vector.broadcast %broadcast_in_dim3A_17 : vector<256x1xf32> to vector<256x544xf32>
    %eq3A_21 = arith.cmpf oeq, %concatenate3A, %eq3A_20 : vector<256x544xf32>
    %jit3A_22 = arith.constant 544 : i32
    %broadcast_in_dim3A_23 = vector.broadcast %jit3A_22 : i32 to vector<256x544xi32>
    %select_n3A_24 = arith.select %eq3A_21, %iota3A_15, %broadcast_in_dim3A_23 : vector<256x544xi1>, vector<256x544xi32>
    %reduce_min3A = arith.constant dense<2147483647> : vector<256xi32>
    %reduce_min3A_25 = vector.multi_reduction <minsi>, %select_n3A_24, %reduce_min3A [1] : vector<256x544xi32> to vector<256xi32>
    %broadcast_in_dim3A_26 = vector.shape_cast %reduce_min3A_25 : vector<256xi32> to vector<256x1xi32>
    %eq3A_27 = vector.broadcast %broadcast_in_dim3A_26 : vector<256x1xi32> to vector<256x544xi32>
    %eq3A_28 = arith.cmpi eq, %iota3A_15, %eq3A_27 : vector<256x544xi32>
    %jit3A_29 = arith.constant -3.000000e+38 : f32
    %broadcast_in_dim3A_30 = vector.broadcast %jit3A_29 : f32 to vector<256x544xf32>
    %select_n3A_31 = arith.select %eq3A_28, %broadcast_in_dim3A_30, %concatenate3A : vector<256x544xi1>, vector<256x544xf32>
    %reduce_max3A_32 = arith.constant dense<0xFF800000> : vector<256xf32>
    %reduce_max3A_33 = vector.multi_reduction <maximumf>, %select_n3A_31, %reduce_max3A_32 [1] : vector<256x544xf32> to vector<256xf32>
    %broadcast_in_dim3A_34 = vector.shape_cast %reduce_max3A_33 : vector<256xf32> to vector<256x1xf32>
    %swap3A_35 = arith.constant 0 : index
    %swap3A_36 = arith.constant 1 : index
    %swap3A_37 = vector.load %arg5[%swap3A_35, %swap3A_36] : memref<256x32xf32, #tpu.memory_space<vmem>>, vector<256x1xf32>
    tpu.vector_store %arg5[%swap3A_35, %swap3A_36], %broadcast_in_dim3A_34 {strides = array<i32>} : memref<256x32xf32, #tpu.memory_space<vmem>>, vector<256x1xf32>,
    %eq3A_38 = vector.broadcast %broadcast_in_dim3A_34 : vector<256x1xf32> to vector<256x544xf32>
    %eq3A_39 = arith.cmpf oeq, %select_n3A_31, %eq3A_38 : vector<256x544xf32>
    %jit3A_40 = arith.constant 544 : i32
    %broadcast_in_dim3A_41 = vector.broadcast %jit3A_40 : i32 to vector<256x544xi32>
    %select_n3A_42 = arith.select %eq3A_39, %iota3A_15, %broadcast_in_dim3A_41 : vector<256x544xi1>, vector<256x544xi32>
    %reduce_min3A_43 = arith.constant dense<2147483647> : vector<256xi32>
    %reduce_min3A_44 = vector.multi_reduction <minsi>, %select_n3A_42, %reduce_min3A_43 [1] : vector<256x544xi32> to vector<256xi32>
    %broadcast_in_dim3A_45 = vector.shape_cast %reduce_min3A_44 : vector<256xi32> to vector<256x1xi32>
    %eq3A_46 = vector.broadcast %broadcast_in_dim3A_45 : vector<256x1xi32> to vector<256x544xi32>
    %eq3A_47 = arith.cmpi eq, %iota3A_15, %eq3A_46 : vector<256x544xi32>
    %jit3A_48 = arith.constant -3.000000e+38 : f32
    %broadcast_in_dim3A_49 = vector.broadcast %jit3A_48 : f32 to vector<256x544xf32>
    %select_n3A_50 = arith.select %eq3A_47, %broadcast_in_dim3A_49, %select_n3A_31 : vector<256x544xi1>, vector<256x544xf32>
    %reduce_max3A_51 = arith.constant dense<0xFF800000> : vector<256xf32>
    %reduce_max3A_52 = vector.multi_reduction <maximumf>, %select_n3A_50, %reduce_max3A_51 [1] : vector<256x544xf32> to vector<256xf32>
    %broadcast_in_dim3A_53 = vector.shape_cast %reduce_max3A_52 : vector<256xf32> to vector<256x1xf32>
    %swap3A_54 = arith.constant 0 : index
    %swap3A_55 = arith.constant 2 : index
    %swap3A_56 = vector.load %arg5[%swap3A_54, %swap3A_55] : memref<256x32xf32, #tpu.memory_space<vmem>>, vector<256x1xf32>
    tpu.vector_store %arg5[%swap3A_54, %swap3A_55], %broadcast_in_dim3A_53 {strides = array<i32>} : memref<256x32xf32, #tpu.memory_space<vmem>>, vector<256x1xf32>,
    %eq3A_57 = vector.broadcast %broadcast_in_dim3A_53 : vector<256x1xf32> to vector<256x544xf32>
    %eq3A_58 = arith.cmpf oeq, %select_n3A_50, %eq3A_57 : vector<256x544xf32>
    %jit3A_59 = arith.constant 544 : i32
    %broadcast_in_dim3A_60 = vector.broadcast %jit3A_59 : i32 to vector<256x544xi32>
    %select_n3A_61 = arith.select %eq3A_58, %iota3A_15, %broadcast_in_dim3A_60 : vector<256x544xi1>, vector<256x544xi32>
    %reduce_min3A_62 = arith.constant dense<2147483647> : vector<256xi32>
    %reduce_min3A_63 = vector.multi_reduction <minsi>, %select_n3A_61, %reduce_min3A_62 [1] : vector<256x544xi32> to vector<256xi32>
    %broadcast_in_dim3A_64 = vector.shape_cast %reduce_min3A_63 : vector<256xi32> to vector<256x1xi32>
    %eq3A_65 = vector.broadcast %broadcast_in_dim3A_64 : vector<256x1xi32> to vector<256x544xi32>
    %eq3A_66 = arith.cmpi eq, %iota3A_15, %eq3A_65 : vector<256x544xi32>
    %jit3A_67 = arith.constant -3.000000e+38 : f32
    %broadcast_in_dim3A_68 = vector.broadcast %jit3A_67 : f32 to vector<256x544xf32>
    %select_n3A_69 = arith.select %eq3A_66, %broadcast_in_dim3A_68, %select_n3A_50 : vector<256x544xi1>, vector<256x544xf32>
    %reduce_max3A_70 = arith.constant dense<0xFF800000> : vector<256xf32>
    %reduce_max3A_71 = vector.multi_reduction <maximumf>, %select_n3A_69, %reduce_max3A_70 [1] : vector<256x544xf32> to vector<256xf32>
    %broadcast_in_dim3A_72 = vector.shape_cast %reduce_max3A_71 : vector<256xf32> to vector<256x1xf32>
    %swap3A_73 = arith.constant 0 : index
    %swap3A_74 = arith.constant 3 : index
    %swap3A_75 = vector.load %arg5[%swap3A_73, %swap3A_74] : memref<256x32xf32, #tpu.memory_space<vmem>>, vector<256x1xf32>
    tpu.vector_store %arg5[%swap3A_73, %swap3A_74], %broadcast_in_dim3A_72 {strides = array<i32>} : memref<256x32xf32, #tpu.memory_space<vmem>>, vector<256x1xf32>,
    %eq3A_76 = vector.broadcast %broadcast_in_dim3A_72 : vector<256x1xf32> to vector<256x544xf32>
    %eq3A_77 = arith.cmpf oeq, %select_n3A_69, %eq3A_76 : vector<256x544xf32>
    %jit3A_78 = arith.constant 544 : i32
    %broadcast_in_dim3A_79 = vector.broadcast %jit3A_78 : i32 to vector<256x544xi32>
    %select_n3A_80 = arith.select %eq3A_77, %iota3A_15, %broadcast_in_dim3A_79 : vector<256x544xi1>, vector<256x544xi32>
    %reduce_min3A_81 = arith.constant dense<2147483647> : vector<256xi32>
    %reduce_min3A_82 = vector.multi_reduction <minsi>, %select_n3A_80, %reduce_min3A_81 [1] : vector<256x544xi32> to vector<256xi32>
    %broadcast_in_dim3A_83 = vector.shape_cast %reduce_min3A_82 : vector<256xi32> to vector<256x1xi32>
    %eq3A_84 = vector.broadcast %broadcast_in_dim3A_83 : vector<256x1xi32> to vector<256x544xi32>
    %eq3A_85 = arith.cmpi eq, %iota3A_15, %eq3A_84 : vector<256x544xi32>
    %jit3A_86 = arith.constant -3.000000e+38 : f32
    %broadcast_in_dim3A_87 = vector.broadcast %jit3A_86 : f32 to vector<256x544xf32>
    %select_n3A_88 = arith.select %eq3A_85, %broadcast_in_dim3A_87, %select_n3A_69 : vector<256x544xi1>, vector<256x544xf32>
    %reduce_max3A_89 = arith.constant dense<0xFF800000> : vector<256xf32>
    %reduce_max3A_90 = vector.multi_reduction <maximumf>, %select_n3A_88, %reduce_max3A_89 [1] : vector<256x544xf32> to vector<256xf32>
    %broadcast_in_dim3A_91 = vector.shape_cast %reduce_max3A_90 : vector<256xf32> to vector<256x1xf32>
    %swap3A_92 = arith.constant 0 : index
    %swap3A_93 = arith.constant 4 : index
    %swap3A_94 = vector.load %arg5[%swap3A_92, %swap3A_93] : memref<256x32xf32, #tpu.memory_space<vmem>>, vector<256x1xf32>
    tpu.vector_store %arg5[%swap3A_92, %swap3A_93], %broadcast_in_dim3A_91 {strides = array<i32>} : memref<256x32xf32, #tpu.memory_space<vmem>>, vector<256x1xf32>,
    %eq3A_95 = vector.broadcast %broadcast_in_dim3A_91 : vector<256x1xf32> to vector<256x544xf32>
    %eq3A_96 = arith.cmpf oeq, %select_n3A_88, %eq3A_95 : vector<256x544xf32>
    %jit3A_97 = arith.constant 544 : i32
    %broadcast_in_dim3A_98 = vector.broadcast %jit3A_97 : i32 to vector<256x544xi32>
    %select_n3A_99 = arith.select %eq3A_96, %iota3A_15, %broadcast_in_dim3A_98 : vector<256x544xi1>, vector<256x544xi32>
    %reduce_min3A_100 = arith.constant dense<2147483647> : vector<256xi32>
    %reduce_min3A_101 = vector.multi_reduction <minsi>, %select_n3A_99, %reduce_min3A_100 [1] : vector<256x544xi32> to vector<256xi32>
    %broadcast_in_dim3A_102 = vector.shape_cast %reduce_min3A_101 : vector<256xi32> to vector<256x1xi32>
    %eq3A_103 = vector.broadcast %broadcast_in_dim3A_102 : vector<256x1xi32> to vector<256x544xi32>
    %eq3A_104 = arith.cmpi eq, %iota3A_15, %eq3A_103 : vector<256x544xi32>
    %jit3A_105 = arith.constant -3.000000e+38 : f32
    %broadcast_in_dim3A_106 = vector.broadcast %jit3A_105 : f32 to vector<256x544xf32>
    %select_n3A_107 = arith.select %eq3A_104, %broadcast_in_dim3A_106, %select_n3A_88 : vector<256x544xi1>, vector<256x544xf32>
    %reduce_max3A_108 = arith.constant dense<0xFF800000> : vector<256xf32>
    %reduce_max3A_109 = vector.multi_reduction <maximumf>, %select_n3A_107, %reduce_max3A_108 [1] : vector<256x544xf32> to vector<256xf32>
    %broadcast_in_dim3A_110 = vector.shape_cast %reduce_max3A_109 : vector<256xf32> to vector<256x1xf32>
    %swap3A_111 = arith.constant 0 : index
    %swap3A_112 = arith.constant 5 : index
    %swap3A_113 = vector.load %arg5[%swap3A_111, %swap3A_112] : memref<256x32xf32, #tpu.memory_space<vmem>>, vector<256x1xf32>
    tpu.vector_store %arg5[%swap3A_111, %swap3A_112], %broadcast_in_dim3A_110 {strides = array<i32>} : memref<256x32xf32, #tpu.memory_space<vmem>>, vector<256x1xf32>,
    %eq3A_114 = vector.broadcast %broadcast_in_dim3A_110 : vector<256x1xf32> to vector<256x544xf32>
    %eq3A_115 = arith.cmpf oeq, %select_n3A_107, %eq3A_114 : vector<256x544xf32>
    %jit3A_116 = arith.constant 544 : i32
    %broadcast_in_dim3A_117 = vector.broadcast %jit3A_116 : i32 to vector<256x544xi32>
    %select_n3A_118 = arith.select %eq3A_115, %iota3A_15, %broadcast_in_dim3A_117 : vector<256x544xi1>, vector<256x544xi32>
    %reduce_min3A_119 = arith.constant dense<2147483647> : vector<256xi32>
    %reduce_min3A_120 = vector.multi_reduction <minsi>, %select_n3A_118, %reduce_min3A_119 [1] : vector<256x544xi32> to vector<256xi32>
    %broadcast_in_dim3A_121 = vector.shape_cast %reduce_min3A_120 : vector<256xi32> to vector<256x1xi32>
    %eq3A_122 = vector.broadcast %broadcast_in_dim3A_121 : vector<256x1xi32> to vector<256x544xi32>
    %eq3A_123 = arith.cmpi eq, %iota3A_15, %eq3A_122 : vector<256x544xi32>
    %jit3A_124 = arith.constant -3.000000e+38 : f32
    %broadcast_in_dim3A_125 = vector.broadcast %jit3A_124 : f32 to vector<256x544xf32>
    %select_n3A_126 = arith.select %eq3A_123, %broadcast_in_dim3A_125, %select_n3A_107 : vector<256x544xi1>, vector<256x544xf32>
    %reduce_max3A_127 = arith.constant dense<0xFF800000> : vector<256xf32>
    %reduce_max3A_128 = vector.multi_reduction <maximumf>, %select_n3A_126, %reduce_max3A_127 [1] : vector<256x544xf32> to vector<256xf32>
    %broadcast_in_dim3A_129 = vector.shape_cast %reduce_max3A_128 : vector<256xf32> to vector<256x1xf32>
    %swap3A_130 = arith.constant 0 : index
    %swap3A_131 = arith.constant 6 : index
    %swap3A_132 = vector.load %arg5[%swap3A_130, %swap3A_131] : memref<256x32xf32, #tpu.memory_space<vmem>>, vector<256x1xf32>
    tpu.vector_store %arg5[%swap3A_130, %swap3A_131], %broadcast_in_dim3A_129 {strides = array<i32>} : memref<256x32xf32, #tpu.memory_space<vmem>>, vector<256x1xf32>,
    %eq3A_133 = vector.broadcast %broadcast_in_dim3A_129 : vector<256x1xf32> to vector<256x544xf32>
    %eq3A_134 = arith.cmpf oeq, %select_n3A_126, %eq3A_133 : vector<256x544xf32>
    %jit3A_135 = arith.constant 544 : i32
    %broadcast_in_dim3A_136 = vector.broadcast %jit3A_135 : i32 to vector<256x544xi32>
    %select_n3A_137 = arith.select %eq3A_134, %iota3A_15, %broadcast_in_dim3A_136 : vector<256x544xi1>, vector<256x544xi32>
    %reduce_min3A_138 = arith.constant dense<2147483647> : vector<256xi32>
    %reduce_min3A_139 = vector.multi_reduction <minsi>, %select_n3A_137, %reduce_min3A_138 [1] : vector<256x544xi32> to vector<256xi32>
    %broadcast_in_dim3A_140 = vector.shape_cast %reduce_min3A_139 : vector<256xi32> to vector<256x1xi32>
    %eq3A_141 = vector.broadcast %broadcast_in_dim3A_140 : vector<256x1xi32> to vector<256x544xi32>
    %eq3A_142 = arith.cmpi eq, %iota3A_15, %eq3A_141 : vector<256x544xi32>
    %jit3A_143 = arith.constant -3.000000e+38 : f32
    %broadcast_in_dim3A_144 = vector.broadcast %jit3A_143 : f32 to vector<256x544xf32>
    %select_n3A_145 = arith.select %eq3A_142, %broadcast_in_dim3A_144, %select_n3A_126 : vector<256x544xi1>, vector<256x544xf32>
    %reduce_max3A_146 = arith.constant dense<0xFF800000> : vector<256xf32>
    %reduce_max3A_147 = vector.multi_reduction <maximumf>, %select_n3A_145, %reduce_max3A_146 [1] : vector<256x544xf32> to vector<256xf32>
    %broadcast_in_dim3A_148 = vector.shape_cast %reduce_max3A_147 : vector<256xf32> to vector<256x1xf32>
    %swap3A_149 = arith.constant 0 : index
    %swap3A_150 = arith.constant 7 : index
    %swap3A_151 = vector.load %arg5[%swap3A_149, %swap3A_150] : memref<256x32xf32, #tpu.memory_space<vmem>>, vector<256x1xf32>
    tpu.vector_store %arg5[%swap3A_149, %swap3A_150], %broadcast_in_dim3A_148 {strides = array<i32>} : memref<256x32xf32, #tpu.memory_space<vmem>>, vector<256x1xf32>,
    %eq3A_152 = vector.broadcast %broadcast_in_dim3A_148 : vector<256x1xf32> to vector<256x544xf32>
    %eq3A_153 = arith.cmpf oeq, %select_n3A_145, %eq3A_152 : vector<256x544xf32>
    %jit3A_154 = arith.constant 544 : i32
    %broadcast_in_dim3A_155 = vector.broadcast %jit3A_154 : i32 to vector<256x544xi32>
    %select_n3A_156 = arith.select %eq3A_153, %iota3A_15, %broadcast_in_dim3A_155 : vector<256x544xi1>, vector<256x544xi32>
    %reduce_min3A_157 = arith.constant dense<2147483647> : vector<256xi32>
    %reduce_min3A_158 = vector.multi_reduction <minsi>, %select_n3A_156, %reduce_min3A_157 [1] : vector<256x544xi32> to vector<256xi32>
    %broadcast_in_dim3A_159 = vector.shape_cast %reduce_min3A_158 : vector<256xi32> to vector<256x1xi32>
    %eq3A_160 = vector.broadcast %broadcast_in_dim3A_159 : vector<256x1xi32> to vector<256x544xi32>
    %eq3A_161 = arith.cmpi eq, %iota3A_15, %eq3A_160 : vector<256x544xi32>
    %jit3A_162 = arith.constant -3.000000e+38 : f32
    %broadcast_in_dim3A_163 = vector.broadcast %jit3A_162 : f32 to vector<256x544xf32>
    %select_n3A_164 = arith.select %eq3A_161, %broadcast_in_dim3A_163, %select_n3A_145 : vector<256x544xi1>, vector<256x544xf32>
    %reduce_max3A_165 = arith.constant dense<0xFF800000> : vector<256xf32>
    %reduce_max3A_166 = vector.multi_reduction <maximumf>, %select_n3A_164, %reduce_max3A_165 [1] : vector<256x544xf32> to vector<256xf32>
    %broadcast_in_dim3A_167 = vector.shape_cast %reduce_max3A_166 : vector<256xf32> to vector<256x1xf32>
    %swap3A_168 = arith.constant 0 : index
    %swap3A_169 = arith.constant 8 : index
    %swap3A_170 = vector.load %arg5[%swap3A_168, %swap3A_169] : memref<256x32xf32, #tpu.memory_space<vmem>>, vector<256x1xf32>
    tpu.vector_store %arg5[%swap3A_168, %swap3A_169], %broadcast_in_dim3A_167 {strides = array<i32>} : memref<256x32xf32, #tpu.memory_space<vmem>>, vector<256x1xf32>,
    %eq3A_171 = vector.broadcast %broadcast_in_dim3A_167 : vector<256x1xf32> to vector<256x544xf32>
    %eq3A_172 = arith.cmpf oeq, %select_n3A_164, %eq3A_171 : vector<256x544xf32>
    %jit3A_173 = arith.constant 544 : i32
    %broadcast_in_dim3A_174 = vector.broadcast %jit3A_173 : i32 to vector<256x544xi32>
    %select_n3A_175 = arith.select %eq3A_172, %iota3A_15, %broadcast_in_dim3A_174 : vector<256x544xi1>, vector<256x544xi32>
    %reduce_min3A_176 = arith.constant dense<2147483647> : vector<256xi32>
    %reduce_min3A_177 = vector.multi_reduction <minsi>, %select_n3A_175, %reduce_min3A_176 [1] : vector<256x544xi32> to vector<256xi32>
    %broadcast_in_dim3A_178 = vector.shape_cast %reduce_min3A_177 : vector<256xi32> to vector<256x1xi32>
    %eq3A_179 = vector.broadcast %broadcast_in_dim3A_178 : vector<256x1xi32> to vector<256x544xi32>
    %eq3A_180 = arith.cmpi eq, %iota3A_15, %eq3A_179 : vector<256x544xi32>
    %jit3A_181 = arith.constant -3.000000e+38 : f32
    %broadcast_in_dim3A_182 = vector.broadcast %jit3A_181 : f32 to vector<256x544xf32>
    %select_n3A_183 = arith.select %eq3A_180, %broadcast_in_dim3A_182, %select_n3A_164 : vector<256x544xi1>, vector<256x544xf32>
    %reduce_max3A_184 = arith.constant dense<0xFF800000> : vector<256xf32>
    %reduce_max3A_185 = vector.multi_reduction <maximumf>, %select_n3A_183, %reduce_max3A_184 [1] : vector<256x544xf32> to vector<256xf32>
    %broadcast_in_dim3A_186 = vector.shape_cast %reduce_max3A_185 : vector<256xf32> to vector<256x1xf32>
    %swap3A_187 = arith.constant 0 : index
    %swap3A_188 = arith.constant 9 : index
    %swap3A_189 = vector.load %arg5[%swap3A_187, %swap3A_188] : memref<256x32xf32, #tpu.memory_space<vmem>>, vector<256x1xf32>
    tpu.vector_store %arg5[%swap3A_187, %swap3A_188], %broadcast_in_dim3A_186 {strides = array<i32>} : memref<256x32xf32, #tpu.memory_space<vmem>>, vector<256x1xf32>,
    %eq3A_190 = vector.broadcast %broadcast_in_dim3A_186 : vector<256x1xf32> to vector<256x544xf32>
    %eq3A_191 = arith.cmpf oeq, %select_n3A_183, %eq3A_190 : vector<256x544xf32>
    %jit3A_192 = arith.constant 544 : i32
    %broadcast_in_dim3A_193 = vector.broadcast %jit3A_192 : i32 to vector<256x544xi32>
    %select_n3A_194 = arith.select %eq3A_191, %iota3A_15, %broadcast_in_dim3A_193 : vector<256x544xi1>, vector<256x544xi32>
    %reduce_min3A_195 = arith.constant dense<2147483647> : vector<256xi32>
    %reduce_min3A_196 = vector.multi_reduction <minsi>, %select_n3A_194, %reduce_min3A_195 [1] : vector<256x544xi32> to vector<256xi32>
    %broadcast_in_dim3A_197 = vector.shape_cast %reduce_min3A_196 : vector<256xi32> to vector<256x1xi32>
    %eq3A_198 = vector.broadcast %broadcast_in_dim3A_197 : vector<256x1xi32> to vector<256x544xi32>
    %eq3A_199 = arith.cmpi eq, %iota3A_15, %eq3A_198 : vector<256x544xi32>
    %jit3A_200 = arith.constant -3.000000e+38 : f32
    %broadcast_in_dim3A_201 = vector.broadcast %jit3A_200 : f32 to vector<256x544xf32>
    %select_n3A_202 = arith.select %eq3A_199, %broadcast_in_dim3A_201, %select_n3A_183 : vector<256x544xi1>, vector<256x544xf32>
    %reduce_max3A_203 = arith.constant dense<0xFF800000> : vector<256xf32>
    %reduce_max3A_204 = vector.multi_reduction <maximumf>, %select_n3A_202, %reduce_max3A_203 [1] : vector<256x544xf32> to vector<256xf32>
    %broadcast_in_dim3A_205 = vector.shape_cast %reduce_max3A_204 : vector<256xf32> to vector<256x1xf32>
    %swap3A_206 = arith.constant 0 : index
    %swap3A_207 = arith.constant 10 : index
    %swap3A_208 = vector.load %arg5[%swap3A_206, %swap3A_207] : memref<256x32xf32, #tpu.memory_space<vmem>>, vector<256x1xf32>
    tpu.vector_store %arg5[%swap3A_206, %swap3A_207], %broadcast_in_dim3A_205 {strides = array<i32>} : memref<256x32xf32, #tpu.memory_space<vmem>>, vector<256x1xf32>,
    %eq3A_209 = vector.broadcast %broadcast_in_dim3A_205 : vector<256x1xf32> to vector<256x544xf32>
    %eq3A_210 = arith.cmpf oeq, %select_n3A_202, %eq3A_209 : vector<256x544xf32>
    %jit3A_211 = arith.constant 544 : i32
    %broadcast_in_dim3A_212 = vector.broadcast %jit3A_211 : i32 to vector<256x544xi32>
    %select_n3A_213 = arith.select %eq3A_210, %iota3A_15, %broadcast_in_dim3A_212 : vector<256x544xi1>, vector<256x544xi32>
    %reduce_min3A_214 = arith.constant dense<2147483647> : vector<256xi32>
    %reduce_min3A_215 = vector.multi_reduction <minsi>, %select_n3A_213, %reduce_min3A_214 [1] : vector<256x544xi32> to vector<256xi32>
    %broadcast_in_dim3A_216 = vector.shape_cast %reduce_min3A_215 : vector<256xi32> to vector<256x1xi32>
    %eq3A_217 = vector.broadcast %broadcast_in_dim3A_216 : vector<256x1xi32> to vector<256x544xi32>
    %eq3A_218 = arith.cmpi eq, %iota3A_15, %eq3A_217 : vector<256x544xi32>
    %jit3A_219 = arith.constant -3.000000e+38 : f32
    %broadcast_in_dim3A_220 = vector.broadcast %jit3A_219 : f32 to vector<256x544xf32>
    %select_n3A_221 = arith.select %eq3A_218, %broadcast_in_dim3A_220, %select_n3A_202 : vector<256x544xi1>, vector<256x544xf32>
    %reduce_max3A_222 = arith.constant dense<0xFF800000> : vector<256xf32>
    %reduce_max3A_223 = vector.multi_reduction <maximumf>, %select_n3A_221, %reduce_max3A_222 [1] : vector<256x544xf32> to vector<256xf32>
    %broadcast_in_dim3A_224 = vector.shape_cast %reduce_max3A_223 : vector<256xf32> to vector<256x1xf32>
    %swap3A_225 = arith.constant 0 : index
    %swap3A_226 = arith.constant 11 : index
    %swap3A_227 = vector.load %arg5[%swap3A_225, %swap3A_226] : memref<256x32xf32, #tpu.memory_space<vmem>>, vector<256x1xf32>
    tpu.vector_store %arg5[%swap3A_225, %swap3A_226], %broadcast_in_dim3A_224 {strides = array<i32>} : memref<256x32xf32, #tpu.memory_space<vmem>>, vector<256x1xf32>,
    %eq3A_228 = vector.broadcast %broadcast_in_dim3A_224 : vector<256x1xf32> to vector<256x544xf32>
    %eq3A_229 = arith.cmpf oeq, %select_n3A_221, %eq3A_228 : vector<256x544xf32>
    %jit3A_230 = arith.constant 544 : i32
    %broadcast_in_dim3A_231 = vector.broadcast %jit3A_230 : i32 to vector<256x544xi32>
    %select_n3A_232 = arith.select %eq3A_229, %iota3A_15, %broadcast_in_dim3A_231 : vector<256x544xi1>, vector<256x544xi32>
    %reduce_min3A_233 = arith.constant dense<2147483647> : vector<256xi32>
    %reduce_min3A_234 = vector.multi_reduction <minsi>, %select_n3A_232, %reduce_min3A_233 [1] : vector<256x544xi32> to vector<256xi32>
    %broadcast_in_dim3A_235 = vector.shape_cast %reduce_min3A_234 : vector<256xi32> to vector<256x1xi32>
    %eq3A_236 = vector.broadcast %broadcast_in_dim3A_235 : vector<256x1xi32> to vector<256x544xi32>
    %eq3A_237 = arith.cmpi eq, %iota3A_15, %eq3A_236 : vector<256x544xi32>
    %jit3A_238 = arith.constant -3.000000e+38 : f32
    %broadcast_in_dim3A_239 = vector.broadcast %jit3A_238 : f32 to vector<256x544xf32>
    %select_n3A_240 = arith.select %eq3A_237, %broadcast_in_dim3A_239, %select_n3A_221 : vector<256x544xi1>, vector<256x544xf32>
    %reduce_max3A_241 = arith.constant dense<0xFF800000> : vector<256xf32>
    %reduce_max3A_242 = vector.multi_reduction <maximumf>, %select_n3A_240, %reduce_max3A_241 [1] : vector<256x544xf32> to vector<256xf32>
    %broadcast_in_dim3A_243 = vector.shape_cast %reduce_max3A_242 : vector<256xf32> to vector<256x1xf32>
    %swap3A_244 = arith.constant 0 : index
    %swap3A_245 = arith.constant 12 : index
    %swap3A_246 = vector.load %arg5[%swap3A_244, %swap3A_245] : memref<256x32xf32, #tpu.memory_space<vmem>>, vector<256x1xf32>
    tpu.vector_store %arg5[%swap3A_244, %swap3A_245], %broadcast_in_dim3A_243 {strides = array<i32>} : memref<256x32xf32, #tpu.memory_space<vmem>>, vector<256x1xf32>,
    %eq3A_247 = vector.broadcast %broadcast_in_dim3A_243 : vector<256x1xf32> to vector<256x544xf32>
    %eq3A_248 = arith.cmpf oeq, %select_n3A_240, %eq3A_247 : vector<256x544xf32>
    %jit3A_249 = arith.constant 544 : i32
    %broadcast_in_dim3A_250 = vector.broadcast %jit3A_249 : i32 to vector<256x544xi32>
    %select_n3A_251 = arith.select %eq3A_248, %iota3A_15, %broadcast_in_dim3A_250 : vector<256x544xi1>, vector<256x544xi32>
    %reduce_min3A_252 = arith.constant dense<2147483647> : vector<256xi32>
    %reduce_min3A_253 = vector.multi_reduction <minsi>, %select_n3A_251, %reduce_min3A_252 [1] : vector<256x544xi32> to vector<256xi32>
    %broadcast_in_dim3A_254 = vector.shape_cast %reduce_min3A_253 : vector<256xi32> to vector<256x1xi32>
    %eq3A_255 = vector.broadcast %broadcast_in_dim3A_254 : vector<256x1xi32> to vector<256x544xi32>
    %eq3A_256 = arith.cmpi eq, %iota3A_15, %eq3A_255 : vector<256x544xi32>
    %jit3A_257 = arith.constant -3.000000e+38 : f32
    %broadcast_in_dim3A_258 = vector.broadcast %jit3A_257 : f32 to vector<256x544xf32>
    %select_n3A_259 = arith.select %eq3A_256, %broadcast_in_dim3A_258, %select_n3A_240 : vector<256x544xi1>, vector<256x544xf32>
    %reduce_max3A_260 = arith.constant dense<0xFF800000> : vector<256xf32>
    %reduce_max3A_261 = vector.multi_reduction <maximumf>, %select_n3A_259, %reduce_max3A_260 [1] : vector<256x544xf32> to vector<256xf32>
    %broadcast_in_dim3A_262 = vector.shape_cast %reduce_max3A_261 : vector<256xf32> to vector<256x1xf32>
    %swap3A_263 = arith.constant 0 : index
    %swap3A_264 = arith.constant 13 : index
    %swap3A_265 = vector.load %arg5[%swap3A_263, %swap3A_264] : memref<256x32xf32, #tpu.memory_space<vmem>>, vector<256x1xf32>
    tpu.vector_store %arg5[%swap3A_263, %swap3A_264], %broadcast_in_dim3A_262 {strides = array<i32>} : memref<256x32xf32, #tpu.memory_space<vmem>>, vector<256x1xf32>,
    %eq3A_266 = vector.broadcast %broadcast_in_dim3A_262 : vector<256x1xf32> to vector<256x544xf32>
    %eq3A_267 = arith.cmpf oeq, %select_n3A_259, %eq3A_266 : vector<256x544xf32>
    %jit3A_268 = arith.constant 544 : i32
    %broadcast_in_dim3A_269 = vector.broadcast %jit3A_268 : i32 to vector<256x544xi32>
    %select_n3A_270 = arith.select %eq3A_267, %iota3A_15, %broadcast_in_dim3A_269 : vector<256x544xi1>, vector<256x544xi32>
    %reduce_min3A_271 = arith.constant dense<2147483647> : vector<256xi32>
    %reduce_min3A_272 = vector.multi_reduction <minsi>, %select_n3A_270, %reduce_min3A_271 [1] : vector<256x544xi32> to vector<256xi32>
    %broadcast_in_dim3A_273 = vector.shape_cast %reduce_min3A_272 : vector<256xi32> to vector<256x1xi32>
    %eq3A_274 = vector.broadcast %broadcast_in_dim3A_273 : vector<256x1xi32> to vector<256x544xi32>
    %eq3A_275 = arith.cmpi eq, %iota3A_15, %eq3A_274 : vector<256x544xi32>
    %jit3A_276 = arith.constant -3.000000e+38 : f32
    %broadcast_in_dim3A_277 = vector.broadcast %jit3A_276 : f32 to vector<256x544xf32>
    %select_n3A_278 = arith.select %eq3A_275, %broadcast_in_dim3A_277, %select_n3A_259 : vector<256x544xi1>, vector<256x544xf32>
    %reduce_max3A_279 = arith.constant dense<0xFF800000> : vector<256xf32>
    %reduce_max3A_280 = vector.multi_reduction <maximumf>, %select_n3A_278, %reduce_max3A_279 [1] : vector<256x544xf32> to vector<256xf32>
    %broadcast_in_dim3A_281 = vector.shape_cast %reduce_max3A_280 : vector<256xf32> to vector<256x1xf32>
    %swap3A_282 = arith.constant 0 : index
    %swap3A_283 = arith.constant 14 : index
    %swap3A_284 = vector.load %arg5[%swap3A_282, %swap3A_283] : memref<256x32xf32, #tpu.memory_space<vmem>>, vector<256x1xf32>
    tpu.vector_store %arg5[%swap3A_282, %swap3A_283], %broadcast_in_dim3A_281 {strides = array<i32>} : memref<256x32xf32, #tpu.memory_space<vmem>>, vector<256x1xf32>,
    %eq3A_285 = vector.broadcast %broadcast_in_dim3A_281 : vector<256x1xf32> to vector<256x544xf32>
    %eq3A_286 = arith.cmpf oeq, %select_n3A_278, %eq3A_285 : vector<256x544xf32>
    %jit3A_287 = arith.constant 544 : i32
    %broadcast_in_dim3A_288 = vector.broadcast %jit3A_287 : i32 to vector<256x544xi32>
    %select_n3A_289 = arith.select %eq3A_286, %iota3A_15, %broadcast_in_dim3A_288 : vector<256x544xi1>, vector<256x544xi32>
    %reduce_min3A_290 = arith.constant dense<2147483647> : vector<256xi32>
    %reduce_min3A_291 = vector.multi_reduction <minsi>, %select_n3A_289, %reduce_min3A_290 [1] : vector<256x544xi32> to vector<256xi32>
    %broadcast_in_dim3A_292 = vector.shape_cast %reduce_min3A_291 : vector<256xi32> to vector<256x1xi32>
    %eq3A_293 = vector.broadcast %broadcast_in_dim3A_292 : vector<256x1xi32> to vector<256x544xi32>
    %eq3A_294 = arith.cmpi eq, %iota3A_15, %eq3A_293 : vector<256x544xi32>
    %jit3A_295 = arith.constant -3.000000e+38 : f32
    %broadcast_in_dim3A_296 = vector.broadcast %jit3A_295 : f32 to vector<256x544xf32>
    %select_n3A_297 = arith.select %eq3A_294, %broadcast_in_dim3A_296, %select_n3A_278 : vector<256x544xi1>, vector<256x544xf32>
    %reduce_max3A_298 = arith.constant dense<0xFF800000> : vector<256xf32>
    %reduce_max3A_299 = vector.multi_reduction <maximumf>, %select_n3A_297, %reduce_max3A_298 [1] : vector<256x544xf32> to vector<256xf32>
    %broadcast_in_dim3A_300 = vector.shape_cast %reduce_max3A_299 : vector<256xf32> to vector<256x1xf32>
    %swap3A_301 = arith.constant 0 : index
    %swap3A_302 = arith.constant 15 : index
    %swap3A_303 = vector.load %arg5[%swap3A_301, %swap3A_302] : memref<256x32xf32, #tpu.memory_space<vmem>>, vector<256x1xf32>
    tpu.vector_store %arg5[%swap3A_301, %swap3A_302], %broadcast_in_dim3A_300 {strides = array<i32>} : memref<256x32xf32, #tpu.memory_space<vmem>>, vector<256x1xf32>,
    %eq3A_304 = vector.broadcast %broadcast_in_dim3A_300 : vector<256x1xf32> to vector<256x544xf32>
    %eq3A_305 = arith.cmpf oeq, %select_n3A_297, %eq3A_304 : vector<256x544xf32>
    %jit3A_306 = arith.constant 544 : i32
    %broadcast_in_dim3A_307 = vector.broadcast %jit3A_306 : i32 to vector<256x544xi32>
    %select_n3A_308 = arith.select %eq3A_305, %iota3A_15, %broadcast_in_dim3A_307 : vector<256x544xi1>, vector<256x544xi32>
    %reduce_min3A_309 = arith.constant dense<2147483647> : vector<256xi32>
    %reduce_min3A_310 = vector.multi_reduction <minsi>, %select_n3A_308, %reduce_min3A_309 [1] : vector<256x544xi32> to vector<256xi32>
    %broadcast_in_dim3A_311 = vector.shape_cast %reduce_min3A_310 : vector<256xi32> to vector<256x1xi32>
    %eq3A_312 = vector.broadcast %broadcast_in_dim3A_311 : vector<256x1xi32> to vector<256x544xi32>
    %eq3A_313 = arith.cmpi eq, %iota3A_15, %eq3A_312 : vector<256x544xi32>
    %jit3A_314 = arith.constant -3.000000e+38 : f32
    %broadcast_in_dim3A_315 = vector.broadcast %jit3A_314 : f32 to vector<256x544xf32>
    %select_n3A_316 = arith.select %eq3A_313, %broadcast_in_dim3A_315, %select_n3A_297 : vector<256x544xi1>, vector<256x544xf32>
    %reduce_max3A_317 = arith.constant dense<0xFF800000> : vector<256xf32>
    %reduce_max3A_318 = vector.multi_reduction <maximumf>, %select_n3A_316, %reduce_max3A_317 [1] : vector<256x544xf32> to vector<256xf32>
    %broadcast_in_dim3A_319 = vector.shape_cast %reduce_max3A_318 : vector<256xf32> to vector<256x1xf32>
    %swap3A_320 = arith.constant 0 : index
    %swap3A_321 = arith.constant 16 : index
    %swap3A_322 = vector.load %arg5[%swap3A_320, %swap3A_321] : memref<256x32xf32, #tpu.memory_space<vmem>>, vector<256x1xf32>
    tpu.vector_store %arg5[%swap3A_320, %swap3A_321], %broadcast_in_dim3A_319 {strides = array<i32>} : memref<256x32xf32, #tpu.memory_space<vmem>>, vector<256x1xf32>,
    %eq3A_323 = vector.broadcast %broadcast_in_dim3A_319 : vector<256x1xf32> to vector<256x544xf32>
    %eq3A_324 = arith.cmpf oeq, %select_n3A_316, %eq3A_323 : vector<256x544xf32>
    %jit3A_325 = arith.constant 544 : i32
    %broadcast_in_dim3A_326 = vector.broadcast %jit3A_325 : i32 to vector<256x544xi32>
    %select_n3A_327 = arith.select %eq3A_324, %iota3A_15, %broadcast_in_dim3A_326 : vector<256x544xi1>, vector<256x544xi32>
    %reduce_min3A_328 = arith.constant dense<2147483647> : vector<256xi32>
    %reduce_min3A_329 = vector.multi_reduction <minsi>, %select_n3A_327, %reduce_min3A_328 [1] : vector<256x544xi32> to vector<256xi32>
    %broadcast_in_dim3A_330 = vector.shape_cast %reduce_min3A_329 : vector<256xi32> to vector<256x1xi32>
    %eq3A_331 = vector.broadcast %broadcast_in_dim3A_330 : vector<256x1xi32> to vector<256x544xi32>
    %eq3A_332 = arith.cmpi eq, %iota3A_15, %eq3A_331 : vector<256x544xi32>
    %jit3A_333 = arith.constant -3.000000e+38 : f32
    %broadcast_in_dim3A_334 = vector.broadcast %jit3A_333 : f32 to vector<256x544xf32>
    %select_n3A_335 = arith.select %eq3A_332, %broadcast_in_dim3A_334, %select_n3A_316 : vector<256x544xi1>, vector<256x544xf32>
    %reduce_max3A_336 = arith.constant dense<0xFF800000> : vector<256xf32>
    %reduce_max3A_337 = vector.multi_reduction <maximumf>, %select_n3A_335, %reduce_max3A_336 [1] : vector<256x544xf32> to vector<256xf32>
    %broadcast_in_dim3A_338 = vector.shape_cast %reduce_max3A_337 : vector<256xf32> to vector<256x1xf32>
    %swap3A_339 = arith.constant 0 : index
    %swap3A_340 = arith.constant 17 : index
    %swap3A_341 = vector.load %arg5[%swap3A_339, %swap3A_340] : memref<256x32xf32, #tpu.memory_space<vmem>>, vector<256x1xf32>
    tpu.vector_store %arg5[%swap3A_339, %swap3A_340], %broadcast_in_dim3A_338 {strides = array<i32>} : memref<256x32xf32, #tpu.memory_space<vmem>>, vector<256x1xf32>,
    %eq3A_342 = vector.broadcast %broadcast_in_dim3A_338 : vector<256x1xf32> to vector<256x544xf32>
    %eq3A_343 = arith.cmpf oeq, %select_n3A_335, %eq3A_342 : vector<256x544xf32>
    %jit3A_344 = arith.constant 544 : i32
    %broadcast_in_dim3A_345 = vector.broadcast %jit3A_344 : i32 to vector<256x544xi32>
    %select_n3A_346 = arith.select %eq3A_343, %iota3A_15, %broadcast_in_dim3A_345 : vector<256x544xi1>, vector<256x544xi32>
    %reduce_min3A_347 = arith.constant dense<2147483647> : vector<256xi32>
    %reduce_min3A_348 = vector.multi_reduction <minsi>, %select_n3A_346, %reduce_min3A_347 [1] : vector<256x544xi32> to vector<256xi32>
    %broadcast_in_dim3A_349 = vector.shape_cast %reduce_min3A_348 : vector<256xi32> to vector<256x1xi32>
    %eq3A_350 = vector.broadcast %broadcast_in_dim3A_349 : vector<256x1xi32> to vector<256x544xi32>
    %eq3A_351 = arith.cmpi eq, %iota3A_15, %eq3A_350 : vector<256x544xi32>
    %jit3A_352 = arith.constant -3.000000e+38 : f32
    %broadcast_in_dim3A_353 = vector.broadcast %jit3A_352 : f32 to vector<256x544xf32>
    %select_n3A_354 = arith.select %eq3A_351, %broadcast_in_dim3A_353, %select_n3A_335 : vector<256x544xi1>, vector<256x544xf32>
    %reduce_max3A_355 = arith.constant dense<0xFF800000> : vector<256xf32>
    %reduce_max3A_356 = vector.multi_reduction <maximumf>, %select_n3A_354, %reduce_max3A_355 [1] : vector<256x544xf32> to vector<256xf32>
    %broadcast_in_dim3A_357 = vector.shape_cast %reduce_max3A_356 : vector<256xf32> to vector<256x1xf32>
    %swap3A_358 = arith.constant 0 : index
    %swap3A_359 = arith.constant 18 : index
    %swap3A_360 = vector.load %arg5[%swap3A_358, %swap3A_359] : memref<256x32xf32, #tpu.memory_space<vmem>>, vector<256x1xf32>
    tpu.vector_store %arg5[%swap3A_358, %swap3A_359], %broadcast_in_dim3A_357 {strides = array<i32>} : memref<256x32xf32, #tpu.memory_space<vmem>>, vector<256x1xf32>,
    %eq3A_361 = vector.broadcast %broadcast_in_dim3A_357 : vector<256x1xf32> to vector<256x544xf32>
    %eq3A_362 = arith.cmpf oeq, %select_n3A_354, %eq3A_361 : vector<256x544xf32>
    %jit3A_363 = arith.constant 544 : i32
    %broadcast_in_dim3A_364 = vector.broadcast %jit3A_363 : i32 to vector<256x544xi32>
    %select_n3A_365 = arith.select %eq3A_362, %iota3A_15, %broadcast_in_dim3A_364 : vector<256x544xi1>, vector<256x544xi32>
    %reduce_min3A_366 = arith.constant dense<2147483647> : vector<256xi32>
    %reduce_min3A_367 = vector.multi_reduction <minsi>, %select_n3A_365, %reduce_min3A_366 [1] : vector<256x544xi32> to vector<256xi32>
    %broadcast_in_dim3A_368 = vector.shape_cast %reduce_min3A_367 : vector<256xi32> to vector<256x1xi32>
    %eq3A_369 = vector.broadcast %broadcast_in_dim3A_368 : vector<256x1xi32> to vector<256x544xi32>
    %eq3A_370 = arith.cmpi eq, %iota3A_15, %eq3A_369 : vector<256x544xi32>
    %jit3A_371 = arith.constant -3.000000e+38 : f32
    %broadcast_in_dim3A_372 = vector.broadcast %jit3A_371 : f32 to vector<256x544xf32>
    %select_n3A_373 = arith.select %eq3A_370, %broadcast_in_dim3A_372, %select_n3A_354 : vector<256x544xi1>, vector<256x544xf32>
    %reduce_max3A_374 = arith.constant dense<0xFF800000> : vector<256xf32>
    %reduce_max3A_375 = vector.multi_reduction <maximumf>, %select_n3A_373, %reduce_max3A_374 [1] : vector<256x544xf32> to vector<256xf32>
    %broadcast_in_dim3A_376 = vector.shape_cast %reduce_max3A_375 : vector<256xf32> to vector<256x1xf32>
    %swap3A_377 = arith.constant 0 : index
    %swap3A_378 = arith.constant 19 : index
    %swap3A_379 = vector.load %arg5[%swap3A_377, %swap3A_378] : memref<256x32xf32, #tpu.memory_space<vmem>>, vector<256x1xf32>
    tpu.vector_store %arg5[%swap3A_377, %swap3A_378], %broadcast_in_dim3A_376 {strides = array<i32>} : memref<256x32xf32, #tpu.memory_space<vmem>>, vector<256x1xf32>,
    %eq3A_380 = vector.broadcast %broadcast_in_dim3A_376 : vector<256x1xf32> to vector<256x544xf32>
    %eq3A_381 = arith.cmpf oeq, %select_n3A_373, %eq3A_380 : vector<256x544xf32>
    %jit3A_382 = arith.constant 544 : i32
    %broadcast_in_dim3A_383 = vector.broadcast %jit3A_382 : i32 to vector<256x544xi32>
    %select_n3A_384 = arith.select %eq3A_381, %iota3A_15, %broadcast_in_dim3A_383 : vector<256x544xi1>, vector<256x544xi32>
    %reduce_min3A_385 = arith.constant dense<2147483647> : vector<256xi32>
    %reduce_min3A_386 = vector.multi_reduction <minsi>, %select_n3A_384, %reduce_min3A_385 [1] : vector<256x544xi32> to vector<256xi32>
    %broadcast_in_dim3A_387 = vector.shape_cast %reduce_min3A_386 : vector<256xi32> to vector<256x1xi32>
    %eq3A_388 = vector.broadcast %broadcast_in_dim3A_387 : vector<256x1xi32> to vector<256x544xi32>
    %eq3A_389 = arith.cmpi eq, %iota3A_15, %eq3A_388 : vector<256x544xi32>
    %jit3A_390 = arith.constant -3.000000e+38 : f32
    %broadcast_in_dim3A_391 = vector.broadcast %jit3A_390 : f32 to vector<256x544xf32>
    %select_n3A_392 = arith.select %eq3A_389, %broadcast_in_dim3A_391, %select_n3A_373 : vector<256x544xi1>, vector<256x544xf32>
    %reduce_max3A_393 = arith.constant dense<0xFF800000> : vector<256xf32>
    %reduce_max3A_394 = vector.multi_reduction <maximumf>, %select_n3A_392, %reduce_max3A_393 [1] : vector<256x544xf32> to vector<256xf32>
    %broadcast_in_dim3A_395 = vector.shape_cast %reduce_max3A_394 : vector<256xf32> to vector<256x1xf32>
    %swap3A_396 = arith.constant 0 : index
    %swap3A_397 = arith.constant 20 : index
    %swap3A_398 = vector.load %arg5[%swap3A_396, %swap3A_397] : memref<256x32xf32, #tpu.memory_space<vmem>>, vector<256x1xf32>
    tpu.vector_store %arg5[%swap3A_396, %swap3A_397], %broadcast_in_dim3A_395 {strides = array<i32>} : memref<256x32xf32, #tpu.memory_space<vmem>>, vector<256x1xf32>,
    %eq3A_399 = vector.broadcast %broadcast_in_dim3A_395 : vector<256x1xf32> to vector<256x544xf32>
    %eq3A_400 = arith.cmpf oeq, %select_n3A_392, %eq3A_399 : vector<256x544xf32>
    %jit3A_401 = arith.constant 544 : i32
    %broadcast_in_dim3A_402 = vector.broadcast %jit3A_401 : i32 to vector<256x544xi32>
    %select_n3A_403 = arith.select %eq3A_400, %iota3A_15, %broadcast_in_dim3A_402 : vector<256x544xi1>, vector<256x544xi32>
    %reduce_min3A_404 = arith.constant dense<2147483647> : vector<256xi32>
    %reduce_min3A_405 = vector.multi_reduction <minsi>, %select_n3A_403, %reduce_min3A_404 [1] : vector<256x544xi32> to vector<256xi32>
    %broadcast_in_dim3A_406 = vector.shape_cast %reduce_min3A_405 : vector<256xi32> to vector<256x1xi32>
    %eq3A_407 = vector.broadcast %broadcast_in_dim3A_406 : vector<256x1xi32> to vector<256x544xi32>
    %eq3A_408 = arith.cmpi eq, %iota3A_15, %eq3A_407 : vector<256x544xi32>
    %jit3A_409 = arith.constant -3.000000e+38 : f32
    %broadcast_in_dim3A_410 = vector.broadcast %jit3A_409 : f32 to vector<256x544xf32>
    %select_n3A_411 = arith.select %eq3A_408, %broadcast_in_dim3A_410, %select_n3A_392 : vector<256x544xi1>, vector<256x544xf32>
    %reduce_max3A_412 = arith.constant dense<0xFF800000> : vector<256xf32>
    %reduce_max3A_413 = vector.multi_reduction <maximumf>, %select_n3A_411, %reduce_max3A_412 [1] : vector<256x544xf32> to vector<256xf32>
    %broadcast_in_dim3A_414 = vector.shape_cast %reduce_max3A_413 : vector<256xf32> to vector<256x1xf32>
    %swap3A_415 = arith.constant 0 : index
    %swap3A_416 = arith.constant 21 : index
    %swap3A_417 = vector.load %arg5[%swap3A_415, %swap3A_416] : memref<256x32xf32, #tpu.memory_space<vmem>>, vector<256x1xf32>
    tpu.vector_store %arg5[%swap3A_415, %swap3A_416], %broadcast_in_dim3A_414 {strides = array<i32>} : memref<256x32xf32, #tpu.memory_space<vmem>>, vector<256x1xf32>,
    %eq3A_418 = vector.broadcast %broadcast_in_dim3A_414 : vector<256x1xf32> to vector<256x544xf32>
    %eq3A_419 = arith.cmpf oeq, %select_n3A_411, %eq3A_418 : vector<256x544xf32>
    %jit3A_420 = arith.constant 544 : i32
    %broadcast_in_dim3A_421 = vector.broadcast %jit3A_420 : i32 to vector<256x544xi32>
    %select_n3A_422 = arith.select %eq3A_419, %iota3A_15, %broadcast_in_dim3A_421 : vector<256x544xi1>, vector<256x544xi32>
    %reduce_min3A_423 = arith.constant dense<2147483647> : vector<256xi32>
    %reduce_min3A_424 = vector.multi_reduction <minsi>, %select_n3A_422, %reduce_min3A_423 [1] : vector<256x544xi32> to vector<256xi32>
    %broadcast_in_dim3A_425 = vector.shape_cast %reduce_min3A_424 : vector<256xi32> to vector<256x1xi32>
    %eq3A_426 = vector.broadcast %broadcast_in_dim3A_425 : vector<256x1xi32> to vector<256x544xi32>
    %eq3A_427 = arith.cmpi eq, %iota3A_15, %eq3A_426 : vector<256x544xi32>
    %jit3A_428 = arith.constant -3.000000e+38 : f32
    %broadcast_in_dim3A_429 = vector.broadcast %jit3A_428 : f32 to vector<256x544xf32>
    %select_n3A_430 = arith.select %eq3A_427, %broadcast_in_dim3A_429, %select_n3A_411 : vector<256x544xi1>, vector<256x544xf32>
    %reduce_max3A_431 = arith.constant dense<0xFF800000> : vector<256xf32>
    %reduce_max3A_432 = vector.multi_reduction <maximumf>, %select_n3A_430, %reduce_max3A_431 [1] : vector<256x544xf32> to vector<256xf32>
    %broadcast_in_dim3A_433 = vector.shape_cast %reduce_max3A_432 : vector<256xf32> to vector<256x1xf32>
    %swap3A_434 = arith.constant 0 : index
    %swap3A_435 = arith.constant 22 : index
    %swap3A_436 = vector.load %arg5[%swap3A_434, %swap3A_435] : memref<256x32xf32, #tpu.memory_space<vmem>>, vector<256x1xf32>
    tpu.vector_store %arg5[%swap3A_434, %swap3A_435], %broadcast_in_dim3A_433 {strides = array<i32>} : memref<256x32xf32, #tpu.memory_space<vmem>>, vector<256x1xf32>,
    %eq3A_437 = vector.broadcast %broadcast_in_dim3A_433 : vector<256x1xf32> to vector<256x544xf32>
    %eq3A_438 = arith.cmpf oeq, %select_n3A_430, %eq3A_437 : vector<256x544xf32>
    %jit3A_439 = arith.constant 544 : i32
    %broadcast_in_dim3A_440 = vector.broadcast %jit3A_439 : i32 to vector<256x544xi32>
    %select_n3A_441 = arith.select %eq3A_438, %iota3A_15, %broadcast_in_dim3A_440 : vector<256x544xi1>, vector<256x544xi32>
    %reduce_min3A_442 = arith.constant dense<2147483647> : vector<256xi32>
    %reduce_min3A_443 = vector.multi_reduction <minsi>, %select_n3A_441, %reduce_min3A_442 [1] : vector<256x544xi32> to vector<256xi32>
    %broadcast_in_dim3A_444 = vector.shape_cast %reduce_min3A_443 : vector<256xi32> to vector<256x1xi32>
    %eq3A_445 = vector.broadcast %broadcast_in_dim3A_444 : vector<256x1xi32> to vector<256x544xi32>
    %eq3A_446 = arith.cmpi eq, %iota3A_15, %eq3A_445 : vector<256x544xi32>
    %jit3A_447 = arith.constant -3.000000e+38 : f32
    %broadcast_in_dim3A_448 = vector.broadcast %jit3A_447 : f32 to vector<256x544xf32>
    %select_n3A_449 = arith.select %eq3A_446, %broadcast_in_dim3A_448, %select_n3A_430 : vector<256x544xi1>, vector<256x544xf32>
    %reduce_max3A_450 = arith.constant dense<0xFF800000> : vector<256xf32>
    %reduce_max3A_451 = vector.multi_reduction <maximumf>, %select_n3A_449, %reduce_max3A_450 [1] : vector<256x544xf32> to vector<256xf32>
    %broadcast_in_dim3A_452 = vector.shape_cast %reduce_max3A_451 : vector<256xf32> to vector<256x1xf32>
    %swap3A_453 = arith.constant 0 : index
    %swap3A_454 = arith.constant 23 : index
    %swap3A_455 = vector.load %arg5[%swap3A_453, %swap3A_454] : memref<256x32xf32, #tpu.memory_space<vmem>>, vector<256x1xf32>
    tpu.vector_store %arg5[%swap3A_453, %swap3A_454], %broadcast_in_dim3A_452 {strides = array<i32>} : memref<256x32xf32, #tpu.memory_space<vmem>>, vector<256x1xf32>,
    %eq3A_456 = vector.broadcast %broadcast_in_dim3A_452 : vector<256x1xf32> to vector<256x544xf32>
    %eq3A_457 = arith.cmpf oeq, %select_n3A_449, %eq3A_456 : vector<256x544xf32>
    %jit3A_458 = arith.constant 544 : i32
    %broadcast_in_dim3A_459 = vector.broadcast %jit3A_458 : i32 to vector<256x544xi32>
    %select_n3A_460 = arith.select %eq3A_457, %iota3A_15, %broadcast_in_dim3A_459 : vector<256x544xi1>, vector<256x544xi32>
    %reduce_min3A_461 = arith.constant dense<2147483647> : vector<256xi32>
    %reduce_min3A_462 = vector.multi_reduction <minsi>, %select_n3A_460, %reduce_min3A_461 [1] : vector<256x544xi32> to vector<256xi32>
    %broadcast_in_dim3A_463 = vector.shape_cast %reduce_min3A_462 : vector<256xi32> to vector<256x1xi32>
    %eq3A_464 = vector.broadcast %broadcast_in_dim3A_463 : vector<256x1xi32> to vector<256x544xi32>
    %eq3A_465 = arith.cmpi eq, %iota3A_15, %eq3A_464 : vector<256x544xi32>
    %jit3A_466 = arith.constant -3.000000e+38 : f32
    %broadcast_in_dim3A_467 = vector.broadcast %jit3A_466 : f32 to vector<256x544xf32>
    %select_n3A_468 = arith.select %eq3A_465, %broadcast_in_dim3A_467, %select_n3A_449 : vector<256x544xi1>, vector<256x544xf32>
    %reduce_max3A_469 = arith.constant dense<0xFF800000> : vector<256xf32>
    %reduce_max3A_470 = vector.multi_reduction <maximumf>, %select_n3A_468, %reduce_max3A_469 [1] : vector<256x544xf32> to vector<256xf32>
    %broadcast_in_dim3A_471 = vector.shape_cast %reduce_max3A_470 : vector<256xf32> to vector<256x1xf32>
    %swap3A_472 = arith.constant 0 : index
    %swap3A_473 = arith.constant 24 : index
    %swap3A_474 = vector.load %arg5[%swap3A_472, %swap3A_473] : memref<256x32xf32, #tpu.memory_space<vmem>>, vector<256x1xf32>
    tpu.vector_store %arg5[%swap3A_472, %swap3A_473], %broadcast_in_dim3A_471 {strides = array<i32>} : memref<256x32xf32, #tpu.memory_space<vmem>>, vector<256x1xf32>,
    %eq3A_475 = arith.constant 19 : i32
    %eq3A_476 = arith.cmpi eq, %arg1, %eq3A_475 : i32
    %convert_element_type3A_477 = arith.extui %eq3A_476 : i1 to i32
    %cond3A_478 = arith.constant 0 : i32
    %cond3A_479 = arith.cmpi ne, %convert_element_type3A_477, %cond3A_478 : i32
    scf.if %cond3A_479 {
      %get3A_480 = arith.constant 0 : index
      %get3A_481 = arith.constant 0 : index
      %get3A_482 = vector.load %arg5[%get3A_480, %get3A_481] : memref<256x32xf32, #tpu.memory_space<vmem>>, vector<256x25xf32>
      %slice3A = vector.extract_strided_slice %get3A_482 {offsets = [0, 0], sizes = [256, 1], strides = [1, 1]} : vector<256x25xf32> to vector<256x1xf32>
      %sub3A = vector.broadcast %slice3A : vector<256x1xf32> to vector<256x25xf32>
      %sub3A_483 = arith.subf %get3A_482, %sub3A : vector<256x25xf32>
      %exp3A = math.exp %sub3A_483 : vector<256x25xf32>
      %reduce_sum3A = arith.constant dense<0.000000e+00> : vector<256xf32>
      %reduce_sum3A_484 = vector.multi_reduction <add>, %exp3A, %reduce_sum3A [1] : vector<256x25xf32> to vector<256xf32>
      %broadcast_in_dim3A_485 = vector.shape_cast %reduce_sum3A_484 : vector<256xf32> to vector<256x1xf32>
      %div3A = vector.broadcast %broadcast_in_dim3A_485 : vector<256x1xf32> to vector<256x25xf32>
      %div3A_486 = arith.divf %exp3A, %div3A : vector<256x25xf32>
      %swap3A_487 = arith.constant 0 : index
      %swap3A_488 = arith.constant 0 : index
      %swap3A_489 = vector.load %arg4[%swap3A_487, %swap3A_488] : memref<256x25xf32, #tpu.memory_space<vmem>>, vector<256x25xf32>
      tpu.vector_store %arg4[%swap3A_487, %swap3A_488], %div3A_486 {strides = array<i32>} : memref<256x25xf32, #tpu.memory_space<vmem>>, vector<256x25xf32>,
    } else {
    }
    return
  }
  func.func @transform_0(%arg0: i32, %arg1: i32) -> (i32, i32) {
    %c0_i32 = arith.constant 0 : i32
    %c0_i32_0 = arith.constant 0 : i32
    return %arg0, %c0_i32 : i32, i32
  }
  func.func @transform_1(%arg0: i32, %arg1: i32) -> (i32, i32) {
    %c0_i32 = arith.constant 0 : i32
    %c0_i32_0 = arith.constant 0 : i32
    return %arg1, %c0_i32 : i32, i32
  }
  func.func @transform_2(%arg0: i32, %arg1: i32) -> (i32, i32) {
    %c0_i32 = arith.constant 0 : i32
    %c0_i32_0 = arith.constant 0 : i32
    return %arg0, %c0_i32 : i32, i32
  }
}

</mosaic_0001>

<sc_bundles>
// kernel: kernel.14.cloned.1.call-start
scs
__scs_entry_jumppad:
0x0: {  	(pc) =	sbr.rel $0x88, $3  }
0x1: {  	(tag) =	ssettag $0x0;
	lr =	simm.s32 $0x1  }
0x2: {  	[smem:$0x3F8F] =	sst lr;
	_ =	strace $0xD0000000  }
0x3: {  	_ = 	snop  }
0x4: {  	_ = 	snop  }
0x5: {  	_ = 	snop  }
0x6: {  	_ = 	snop  }
0x7: {  	_ = 	snop  }
__scs_overlays_trampoline_lowered:
0x8: {  	[smem:$0x3F9E] =	sst s0  }
0x9: {  	[smem:$0x3F9F] =	sst s1  }
0xa: {  	[smem:$0x3FA0] =	sst s2  }
0xb: {  	[smem:$0x3FA1] =	sst s3  }
0xc: {  	[smem:$0x3FA2] =	sst s4  }
0xd: {  	[smem:$0x3FA3] =	sst s5  }
0xe: {  	[smem:$0x3FA4] =	sst s6  }
0xf: {  	[smem:$0x3FA5] =	sst s7  }
0x10: {  	[smem:$0x3FA6] =	sst s8  }
0x11: {  	[smem:$0x3FA7] =	sst s9;
	s0 =	simm.s32 @!p0 $0x0  }
0x12: {  	s1 =	sld [smem:$0x3F8D];
	s0 =	simm.s32 @p0 $0x1  }
0x13: {  	[smem:$0x3FA8] =	sst s0;
	s0 =	simm.s32 @!p1 $0x0  }
0x14: {  	s2 =	sld [smem:$0x3F8C];
	s0 =	simm.s32 @p1 $0x1  }
0x15: {  	[smem:$0x3FA9] =	sst s0;
	s0 =	simm.s32 @!p2 $0x0  }
0x16: {  	s3 =	sld [smem:$0x3FDB];
	s0 =	simm.s32 @p2 $0x1  }
0x17: {  	s4 =	simm.s32 $0x1BF5;
	[smem:$0x3FAB] =	sst s0  }
0x18: {  	s0 =	sld [smem:$0x3F8E];
	_ =	swait.ge [sflag:s4], $0x0  }
0x19: {  	s7 =	sld [smem:$0x3F8F]  }
0x1a: {  	s8 =	sadd.s32 $0xFFFFE003, lr  }
0x1b: {  	s9 =	sadd.s32 $0xFFFFFEF7, lr;
	s5 =	simm.s32 $0xFFFFFFFF;
	p2 =	slt.u32 s8, $0xFFFFF086  }
0x1c: {  	p1 =	slt.u32 s9, $0xF7A;
	s5 =	simm.s32 @!p2 $0x0  }
0x1d: {  	s5 =	simm.s32 @p1 $0x1;
	p0 =	seq.s32 s7, s2  }
0x1e: {  	s7 =	smul.u32 @!p0 $0xF7A, s2;
	p2 =	seq.s32 @!p0 s5, $0x0  }
0x1f: {  	s9 =	smul.u32 $0xF7A, s1;
	s8 =	simm.s32 @!p0 $0x1BF5;
	p2 =	por !p2, p0  }
0x20: {  	[sflag:s8] =	ssyncset.s32 @!p0 $0xFFFFF086;
	s6 =	sadd.s32 @!p0 s3, s7;
	s7 =	simm.s32 @!p0 $0x108  }
0x21: {  	s3 =	sadd.s32 s3, s9;
	s6 =	sadd.s32 @!p0 $0x88, s6;
	s7 =	simm.s32 @p2 $0x1082  }
0x22: {  	[simem:s7], [sflag:s8] =	dma.local @!p0 [hbm:s6], $0xF7A  }
0x23: {  	s9 =	sor.u32 $0xD0000000, s2;
	s6 =	simm.s32 $0x108;
	_ =	swait.ge @!p0 [sflag:s8], $0x0  }
0x24: {  	s3 =	sadd.s32 $0x88, s3;
	s6 =	simm.s32 @!p1 $0x1082;
	[sflag:s4] =	ssyncset.s32 $0xFFFFF086  }
0x25: {  	[simem:s6], [sflag:s4] =	dma.local [hbm:s3], $0xF7A  }
0x26: {  	[smem:$0x3F8F] =	sst s1;
	(tag) =	ssettag s2;
	_ =	strace s9  }
0x27: {  	s1 =	sld [smem:$0x3F9F]  }
0x28: {  	s2 =	sld [smem:$0x3FA0]  }
0x29: {  	s4 =	sld [smem:$0x3FA2]  }
0x2a: {  	p0 =	seq.s32 s5, $0x0;
	s5 =	sld [smem:$0x3FA3]  }
0x2b: {  	s6 =	sld [smem:$0x3FA4]  }
0x2c: {  	s7 =	sld [smem:$0x3FA5]  }
0x2d: {  	s3 =	simm.s32 $0x108;
	s8 =	sld [smem:$0x3FA6]  }
0x2e: {  	s3 =	simm.s32 @!p0 $0x1082;
	s9 =	sld [smem:$0x3FA7]  }
0x2f: {  	lr =	sadd.s32 s0, s3;
	s0 =	sld [smem:$0x3F9E]  }
0x30: {  	s3 =	sld [smem:$0x3FA1]  }
0x31: {  	[smem:$0x3FAA] =	sst s10  }
0x32: {  	s10 =	sld [smem:$0x3FA8];
	_ =	sdelay $0x3  }
0x33: {  	p0 =	seq.s32 s10, $0x1;
	s10 =	sld [smem:$0x3FAA];
	_ =	sdelay $0x3  }
0x34: {  	[smem:$0x3FAA] =	sst s10  }
0x35: {  	s10 =	sld [smem:$0x3FA9];
	_ =	sdelay $0x3  }
0x36: {  	p1 =	seq.s32 s10, $0x1;
	s10 =	sld [smem:$0x3FAA];
	_ =	sdelay $0x3  }
0x37: {  	[smem:$0x3FAA] =	sst s10  }
0x38: {  	s10 =	sld [smem:$0x3FAB]  }
0x39: {  	_ = 	snop;
	(pc) =	sbr.ind lr, $3  }
0x3a: {  	_ = 	snop  }
0x3b: {  	_ = 	snop  }
0x3c: {  	p2 =	seq.s32 s10, $0x1;
	s10 =	sld [smem:$0x3FAA]  }
0x3d: {  	_ =	shalt  }
0x3e: {  	_ =	shalt  }
0x3f: {  	_ =	shalt  }
0x40: {  	_ =	shalt  }
0x41: {  	_ =	shalt  }
0x42: {  	_ =	shalt  }
0x43: {  	_ =	shalt  }
0x44: {  	_ =	shalt  }
0x45: {  	_ =	shalt  }
0x46: {  	_ =	shalt  }
0x47: {  	_ =	shalt  }
0x48: {  	_ =	shalt  }
0x49: {  	_ =	shalt  }
0x4a: {  	_ =	shalt  }
0x4b: {  	_ =	shalt  }
0x4c: {  	_ =	shalt  }
0x4d: {  	_ =	shalt  }
0x4e: {  	_ =	shalt  }
0x4f: {  	_ =	shalt  }
0x50: {  	_ =	shalt  }
0x51: {  	_ =	shalt  }
0x52: {  	_ =	shalt  }
0x53: {  	_ =	shalt  }
0x54: {  	_ =	shalt  }
0x55: {  	_ =	shalt  }
0x56: {  	_ =	shalt  }
0x57: {  	_ =	shalt  }
0x58: {  	_ =	shalt  }
0x59: {  	_ =	shalt  }
0x5a: {  	_ =	shalt  }
0x5b: {  	_ =	shalt  }
0x5c: {  	_ =	shalt  }
0x5d: {  	_ =	shalt  }
0x5e: {  	_ =	shalt  }
0x5f: {  	_ =	shalt  }
0x60: {  	_ =	shalt  }
0x61: {  	_ =	shalt  }
0x62: {  	_ =	shalt  }
0x63: {  	_ =	shalt  }
0x64: {  	_ =	shalt  }
0x65: {  	_ =	shalt  }
0x66: {  	_ =	shalt  }
0x67: {  	_ =	shalt  }
0x68: {  	_ =	shalt  }
0x69: {  	_ =	shalt  }
0x6a: {  	_ =	shalt  }
0x6b: {  	_ =	shalt  }
0x6c: {  	_ =	shalt  }
0x6d: {  	_ =	shalt  }
0x6e: {  	_ =	shalt  }
0x6f: {  	_ =	shalt  }
0x70: {  	_ =	shalt  }
0x71: {  	_ =	shalt  }
0x72: {  	_ =	shalt  }
0x73: {  	_ =	shalt  }
0x74: {  	_ =	shalt  }
0x75: {  	_ =	shalt  }
0x76: {  	_ =	shalt  }
0x77: {  	_ =	shalt  }
0x78: {  	_ =	shalt  }
0x79: {  	_ =	shalt  }
0x7a: {  	_ =	shalt  }
0x7b: {  	_ =	shalt  }
0x7c: {  	_ =	shalt  }
0x7d: {  	_ =	shalt  }
0x7e: {  	_ =	shalt  }
0x7f: {  	_ =	shalt  }
0x80: {  	_ =	shalt  }
0x81: {  	_ =	shalt  }
0x82: {  	_ =	shalt  }
0x83: {  	_ =	shalt  }
0x84: {  	_ =	shalt  }
0x85: {  	_ =	shalt  }
0x86: {  	_ =	shalt  }
0x87: {  	_ =	shalt  }
.Lfunc_end0:
.L_simem_size_0:
called_computation_lowered:
.L_overlay_start_0:
0x88: {  	s2 =	sld [smem:$0x3FD9]  }
0x89: {  	s3 =	sld [smem:$0x3FFE];
	_ =	sdelay $0x1  }
0x8a: {  	s1 =	srdreg.scid  }
0x8b: {  	s0 =	sand.u32 $0x1, s1  }
0x8c: {  	s17 =	sshll.u32 s0, $0xA;
	s2 =	sadd.s32 s3, s2  }
0x8d: {  	s2 =	sadd.s32 s2, s17  }
0x8e: {  	[smem:$0x3FB6] =	sst s2  }
0x8f: {  	_ = 	snop  }
0x90: {  	s2 =	sld [smem:$0x3FD0];
	(tm) =	ssettm $0x1  }
0x91: {  	s18 =	sld [smem:$0x3FFB];
	_ =	sdelay $0x3  }
0x92: {  	_ =	strace s18  }
0x93: {  	s3 =	sld [smem:$0x3FFC];
	_ =	sdelay $0x3  }
0x94: {  	_ =	strace s3  }
0x95: {  	s3 =	sld [smem:$0x3FFD];
	_ =	sdelay $0x3  }
0x96: {  	_ =	strace s3  }
0x97: {  	_ =	strace $0x8FFFFFFF  }
0x98: {  	s19 =	sld [smem:$0x3FDB];
	_ =	sdelay $0x1  }
0x99: {  	s4 =	simm.s32 $_scs_section_size  }
0x9a: {  	s5 =	simm.s32 $_size__tile_overlayer_lowered;
	s6 =	simm.s32 $_tile_overlayer_lowered  }
0x9b: {  	s22 =	simm.s32 $0x1BFF;
	s21 =	sshll.u32 s6, $0x1;
	s3 =	sadd.s32 s4, s19  }
0x9c: {  	s7 =	simm.s32 $0x0;
	s20 =	sshll.u32 s5, $0x1;
	s5 =	sadd.s32 s21, s3  }
0x9d: {  	[timem:s7], [sflag:s22] =	dma.local [hbm:s5], s20  }
0x9e: {  	_ =	swait.ge [sflag:s22], s20  }
0x9f: {  	s4 =	ssub.s32 $0x0, s20;
	[sflag:s22] =	ssyncset.done $0x0  }
0xa0: {  	[sflag:s22] =	ssyncadd.s32 s4;
	_ =	sdelay $0x1  }
0xa1: {  	s23 =	simm.s32 $0x1B8B  }
0xa2: {  	_ =	swait.ge [sflag:s23], $0x1  }
0xa3: {  	[sflag:s23] =	ssyncset.done $0x0  }
0xa4: {  	s25 =	simm.s32 $0x1B8E;
	s24 =	sld [smem:$0x3FFE];
	[sflag:s23] =	ssyncadd.s32 $0xFFFFFFFF  }
0xa5: {  	s26 =	simm.s32 $execute0_lowered;
	[smem:$0x3FD2] =	sst s25  }
0xa6: {  	s5 =	sshll.u32 s26, $0x1;
	_ =	strace $0x80000046;
	[dreg:$0x1] =	wrdreg $0xFFFFFFFF  }
0xa7: {  	s28 =	simm.s32 $_size_execute0_lowered;
	s3 =	sadd.s32 s3, s5;
	[dreg:$0x0] =	wrdreg $0x0  }
0xa8: {  	s5 =	sshll.u32 s28, $0x1;
	[dreg:$0x2] =	wrdreg s3  }
0xa9: {  	[dreg:$0x3] =	wrdreg s5  }
0xaa: {  	[dreg:$0x4] =	wrdreg $0xC0  }
0xab: {  	_ =	task [dreg:s7], $0x5FFFF  }
0xac: {  	[dreg:$0x1] =	wrdreg $0xFFFFFFFF  }
0xad: {  	[dreg:$0x0] =	wrdreg $0x60  }
0xae: {  	[dreg:$0x2] =	wrdreg s24  }
0xaf: {  	[dreg:$0x3] =	wrdreg s2  }
0xb0: {  	[dreg:$0x4] =	wrdreg $0x68000  }
0xb1: {  	[dreg:$0x5] =	wrdreg $0x9  }
0xb2: {  	_ =	task.clear_ibuf [dreg:s7], $0x6FFFF;
	_ =	strace $0x90000046  }
0xb3: {  	s29 =	simm.s32 $0x9;
	_ =	strace $0x80000048  }
0xb4: {  	_ =	swait.ge [sflag:s29], $0x1  }
0xb5: {  	[sflag:s29] =	ssyncadd.s32 $0xFFFFFFFF  }
0xb6: {  	_ =	strace $0x90000048  }
0xb7: {  	_ =	sfence  }
0xb8: {  	s30 =	sld [smem:$0x0];
	_ =	sdelay $0x2  }
0xb9: {  	s31 =	sshll.u32 s1, $0xD;
	s1 =	sshrl.u32 s1, $0x2  }
0xba: {  	s3 =	sand.u32 $0x4000, s31;
	s1 =	sadd.s32 s1, s30  }
0xbb: {  	s0 =	sor.u32 s3, s0;
	s1 =	sshll.u32 s1, $0x11  }
0xbc: {  	s0 =	sor.u32 s1, s0  }
0xbd: {  	s0 =	sadd.s32 $0x8F2B, s0  }
0xbe: {  	[sflag:s0] =	ssyncadd.remote.s32 $0x1  }
0xbf: {  	_ =	sfence.sel $0xFFFF  }
0xc0: {  	[dreg:$0x0] =	wrdreg $0xFFFFFFFF;
	(pc) =	sbr.abs _section_cstart, $3  }
0xc1: {  	[dreg:$0x1] =	wrdreg $0xFFFFFFFF  }
0xc2: {  	_ =	task.clear_ibuf [dreg:s7], $0x2FFFF;
	_ =	strace $0x9FFFFFFF  }
0xc3: {  	(tm) =	ssettm $0x7FFFFFFF  }
tec
execute0_lowered:
.L_overlay_start_1:
0x0: {  	(tag) =	ssettag $0x1  }
0x1: {  	s5 =	rddreg [dreg:$0x0]  }
0x2: {  	s0 =	srdreg.scid;
	s1 =	rddreg [dreg:$0x1]  }
0x3: {  	s12 =	stileid.u32;
	s2 =	rddreg [dreg:$0x2];
	s3 =	simm.s32 $0x0  }
0x4: {  	s16 =	simm.s32 $0x80;
	s17 =	simm.s32 $0x0;
	s6 =	smul.u32 $0x2800, s12  }
0x5: {  	s4 =	sand.u32 $0x1, s0;
	s0 =	rddreg [dreg:$0x3];
	s28 =	smul.u32 $0x14000, s12  }
0x6: {  	[smem:$0x7FF] =	sst s3;
	s30 =	smul.u32 $0x50000, s12;
	s15 =	sadd.s32 $0x140000, s2  }
0x7: {  	p0 =	sne.s32 s12, $0x0;
	s13 =	sshll.u32 s12, $0x6;
	s7 =	smul.u32 $0x50000, s4  }
0x8: {  	s12 =	simm.s32 $0x1;
	s8 =	smul.u32 $0x140000, s4;
	_ =	strace $0x80000047  }
0x9: {  	s4 =	ssub.s32 $0x2, s4;
	s13 =	sor.u32 $0x1C01, s13;
	s15 =	sshrl.u32 @!p0 s15, $0x3  }
0xa: {  	s29 =	sshrl.u32 s28, $0x3;
	s10 =	sshrl.u32 s4, $0x1;
	s31 =	sshrl.u32 s30, $0x2  }
0xb: {  	s6 =	sadd.s32 s6, s7;
	s7 =	sadd.s32 s28, s8;
	s10 =	ssub.s32 s4, s10  }
0xc: {  	s14 =	sadd.s32 s31, s2;
	s6 =	sshrl.u32 s6, $0x3;
	s7 =	sshrl.u32 s7, $0x3  }
0xd: {  	s10 =	smax.u32 s10, $0x1;
	s14 =	sshrl.u32 s14, $0x3;
	s9 =	sadd.s32 s6, s5  }
0xe: {  	s6 =	sadd.s32 s29, s5;
	s11 =	sadd.s32 s7, s5;
	s5 =	sadd.s32 $0x55800, s5  }
0xf: {  	s4 =	sadd.s32 $0x2D800, s6;
	s6 =	sadd.s32 $0x19800, s9;
	s7 =	sadd.s32 $0x55A00, s11  }
0x10: {  	s8 =	sadd.s32 $0x1E800, s9;
	s9 =	sadd.s32 $0xA5A00, s11;
	s11 =	simm.s32 $0x2800  }
.LBB2_1:
0x11: {  	[tilespmem:s11], [sflag:$0x1] =	stream.linear.gather [hbm4b:s1+s3], $0x4000, $0x38;
	[tilespmem:$0x1A840] =	vst v63  }
0x12: {  	_ =	swait.ge [sflag:s12], $0x4000  }
0x13: {  	[sflag:s12] =	ssyncset.done $0x0  }
0x14: {  	[sflag:s12] =	ssyncadd.s32 $0xFFFFC000  }
0x15: {  	[spmem:s14], [sflag:s13] =	dma.local [hbm:s4], $0x2800  }
0x16: {  	_ =	swait.ge [sflag:s12], $0x2800  }
0x17: {  	[sflag:s12] =	ssyncset.done $0x0  }
0x18: {  	s18 =	simm.s32 @!p0 $0x1;
	[sflag:s12] =	ssyncadd.s32 $0xFFFFD800  }
0x19: {  	[spmem:s15], [sflag:s13] =	dma.local @!p0 [hbm:s5], $0x80  }
0x1a: {  	_ =	swait.ge @!p0 [sflag:s18], $0x80  }
0x1b: {  	[sflag:s18] =	ssyncset.done @!p0 $0x0  }
0x1c: {  	[sflag:s18] =	ssyncadd.s32 @!p0 $0xFFFFFF80  }
0x1d: {  	[bflag:$0x0] =	sbarrier.arrive $0xFFFF  }
0x1e: {  	[tilespmem:s3], [sflag:$0x1] =	stream.linear.gather [hbm4b:s6+s3], $0x2800, $0x38;
	[tilespmem:$0x1A840] =	vst v63  }
0x1f: {  	_ =	swait.ge [sflag:s12], $0x2800  }
0x20: {  	[sflag:s12] =	ssyncset.done $0x0  }
0x21: {  	s31 =	simm.s32 $0x0;
	[sflag:s12] =	ssyncadd.s32 $0xFFFFD800  }
0x22: {  	[spmem:s2] =	stream.indirect.scatter.add.f32 [tilespmem:s11], [sflag:$0x1], $0x80, s31, s16, $0xb8;
	[tilespmem:$0x1A840] =	vst v63  }
0x23: {  	_ =	swait.ge [sflag:s12], $0x4000  }
0x24: {  	s18 =	simm.s32 $0x200;
	[sflag:s12] =	ssyncset.done $0x0  }
.LBB2_2:
0x25: {  	s19 =	sshra.s32 s18, $0x2;
	[sflag:s12] =	ssyncadd.s32 $0xFFFFC000;
	p1 =	sne.s32 s18, $0x9E00  }
0x26: {  	[spmem:s2] =	stream.indirect.scatter.add.f32 [tilespmem:s11], [sflag:$0x1], $0x80, s19, s16, $0xb8;
	[tilespmem:$0x1A840] =	vst v63  }
.Ltmp0:
0x27: {  	_ = 	snop;
	(pc) =	sbr.rel @p1 .LBB2_2-.Ltmp0, $4  }
0x28: {  	_ = 	snop  }
0x29: {  	s18 =	sadd.s32 $0x200, s18  }
0x2a: {  	_ =	swait.ge [sflag:s12], $0x4000  }
0x2b: {  	[sflag:s12] =	ssyncset.done $0x0  }
0x2c: {  	[sflag:s12] =	ssyncadd.s32 $0xFFFFC000  }
0x2d: {  	[bflag:$0x0] =	sbarrier.arrive $0xFFFF  }
0x2e: {  	[hbm:s7], [sflag:s13] =	dma.local [spmem:s14], $0x2800  }
0x2f: {  	_ =	swait.ge [sflag:s12], $0x2800  }
0x30: {  	[sflag:s12] =	ssyncset.done $0x0  }
0x31: {  	[sflag:s12] =	ssyncadd.s32 $0xFFFFD800  }
0x32: {  	[spmem:s14], [sflag:s13] =	dma.local [hbm:s4], $0x2800  }
0x33: {  	_ =	swait.ge [sflag:s12], $0x2800  }
0x34: {  	[sflag:s12] =	ssyncset.done $0x0  }
0x35: {  	[sflag:s12] =	ssyncadd.s32 $0xFFFFD800  }
0x36: {  	s18 =	simm.s32 $0x0;
	[bflag:$0x0] =	sbarrier.arrive $0xFFFF  }
0x37: {  	[tilespmem:s18], [sflag:$0x1] =	stream.linear.gather [hbm4b:s8+s18], $0x2800, $0x38;
	[tilespmem:$0x1A840] =	vst v63  }
0x38: {  	_ =	swait.ge [sflag:s12], $0x2800  }
0x39: {  	[sflag:s12] =	ssyncset.done $0x0  }
0x3a: {  	s31 =	simm.s32 $0x0;
	[sflag:s12] =	ssyncadd.s32 $0xFFFFD800  }
0x3b: {  	[spmem:s2] =	stream.indirect.scatter.add.f32 [tilespmem:s11], [sflag:$0x1], $0x80, s31, s16, $0xb8;
	[tilespmem:$0x1A840] =	vst v63  }
0x3c: {  	_ =	swait.ge [sflag:s12], $0x4000  }
0x3d: {  	s18 =	simm.s32 $0x200;
	[sflag:s12] =	ssyncset.done $0x0  }
.LBB2_4:
0x3e: {  	s19 =	sshra.s32 s18, $0x2;
	[sflag:s12] =	ssyncadd.s32 $0xFFFFC000;
	p1 =	sne.s32 s18, $0x9E00  }
0x3f: {  	[spmem:s2] =	stream.indirect.scatter.add.f32 [tilespmem:s11], [sflag:$0x1], $0x80, s19, s16, $0xb8;
	[tilespmem:$0x1A840] =	vst v63  }
.Ltmp1:
0x40: {  	_ = 	snop;
	(pc) =	sbr.rel @p1 .LBB2_4-.Ltmp1, $4  }
0x41: {  	_ = 	snop  }
0x42: {  	s18 =	sadd.s32 $0x200, s18  }
0x43: {  	_ =	swait.ge [sflag:s12], $0x4000  }
0x44: {  	[sflag:s12] =	ssyncset.done $0x0  }
0x45: {  	[sflag:s12] =	ssyncadd.s32 $0xFFFFC000;
	s17 =	sadd.s32 $0x1, s17  }
0x46: {  	[bflag:$0x0] =	sbarrier.arrive $0xFFFF;
	p1 =	sne.s32 s17, s10  }
0x47: {  	[hbm:s9], [sflag:s13] =	dma.local [spmem:s14], $0x2800  }
.Ltmp2:
0x48: {  	_ =	swait.ge [sflag:s12], $0x2800;
	(pc) =	sbr.rel @p1 .LBB2_1-.Ltmp2, $3  }
0x49: {  	[sflag:s12] =	ssyncset.done $0x0  }
0x4a: {  	[sflag:s12] =	ssyncadd.s32 $0xFFFFD800  }
0x4b: {  	[bflag:$0x0] =	sbarrier.arrive $0xFFFF;
	_ =	sdelay $0x1  }
0x4c: {  	_ =	sfence.sel $0x180000  }
0x4d: {  	[bflag:$0x0] =	sbarrier.arrive $0xFFFF  }
0x4e: {  	_ =	strace $0x90000047  }
0x4f: {  	s0 =	sadd.s32 @!p0 $0x100000, s0;
	[bflag:$0x2] =	sbarrier.arrive $0xFFFF  }
0x50: {  	[sflag:s0] =	ssyncadd.tile.s32 @!p0 $0x1;
	_ =	shalt  }
.Lfunc_end2:
_tile_overlayer_lowered:
.L_overlay_start_2:
0x51: {  	(tag) =	ssettag $0x2  }
0x52: {  	s0 =	rddreg [dreg:$0x0];
	s2 =	stileid.u32  }
0x53: {  	s1 =	rddreg [dreg:$0x1];
	p0 =	sne.s32 s2, $0x0  }
0x54: {  	s3 =	rddreg [dreg:$0x2];
	[bflag:$0x3] =	sbarrier.arrive $0xFFFF;
	s2 =	simm.s32 @!p0 $0x1C01  }
0x55: {  	[timem:s3], [sflag:s2] =	dma.local @!p0 [hbm:s0], s1  }
0x56: {  	s0 =	simm.s32 @!p0 $0x1  }
0x57: {  	_ =	swait.ge @!p0 [sflag:s0], s1  }
0x58: {  	s1 =	ssub.s32 @!p0 $0x0, s1;
	[sflag:s0] =	ssyncset.done @!p0 $0x0  }
0x59: {  	[sflag:s0] =	ssyncadd.s32 @!p0 s1  }
0x5a: {  	[bflag:$0x3] =	sbarrier.arrive $0xFFFF  }
0x5b: {  	_ =	shalt  }

// kernel: kernel.17.cloned.1.call-start
scs
__scs_entry_jumppad:
0x0: {  	(pc) =	sbr.rel $0x88, $3  }
0x1: {  	(tag) =	ssettag $0x0;
	lr =	simm.s32 $0x1  }
0x2: {  	[smem:$0x3F8F] =	sst lr;
	_ =	strace $0xD0000000  }
0x3: {  	_ = 	snop  }
0x4: {  	_ = 	snop  }
0x5: {  	_ = 	snop  }
0x6: {  	_ = 	snop  }
0x7: {  	_ = 	snop  }
__scs_overlays_trampoline_lowered:
0x8: {  	[smem:$0x3F9E] =	sst s0  }
0x9: {  	[smem:$0x3F9F] =	sst s1  }
0xa: {  	[smem:$0x3FA0] =	sst s2  }
0xb: {  	[smem:$0x3FA1] =	sst s3  }
0xc: {  	[smem:$0x3FA2] =	sst s4  }
0xd: {  	[smem:$0x3FA3] =	sst s5  }
0xe: {  	[smem:$0x3FA4] =	sst s6  }
0xf: {  	[smem:$0x3FA5] =	sst s7  }
0x10: {  	[smem:$0x3FA6] =	sst s8  }
0x11: {  	[smem:$0x3FA7] =	sst s9;
	s0 =	simm.s32 @!p0 $0x0  }
0x12: {  	s1 =	sld [smem:$0x3F8D];
	s0 =	simm.s32 @p0 $0x1  }
0x13: {  	[smem:$0x3FA8] =	sst s0;
	s0 =	simm.s32 @!p1 $0x0  }
0x14: {  	s2 =	sld [smem:$0x3F8C];
	s0 =	simm.s32 @p1 $0x1  }
0x15: {  	[smem:$0x3FA9] =	sst s0;
	s0 =	simm.s32 @!p2 $0x0  }
0x16: {  	s3 =	sld [smem:$0x3FDB];
	s0 =	simm.s32 @p2 $0x1  }
0x17: {  	s4 =	simm.s32 $0x1BF5;
	[smem:$0x3FAB] =	sst s0  }
0x18: {  	s0 =	sld [smem:$0x3F8E];
	_ =	swait.ge [sflag:s4], $0x0  }
0x19: {  	s7 =	sld [smem:$0x3F8F]  }
0x1a: {  	s8 =	sadd.s32 $0xFFFFE003, lr  }
0x1b: {  	s9 =	sadd.s32 $0xFFFFFEF7, lr;
	s5 =	simm.s32 $0xFFFFFFFF;
	p2 =	slt.u32 s8, $0xFFFFF086  }
0x1c: {  	p1 =	slt.u32 s9, $0xF7A;
	s5 =	simm.s32 @!p2 $0x0  }
0x1d: {  	s5 =	simm.s32 @p1 $0x1;
	p0 =	seq.s32 s7, s2  }
0x1e: {  	s7 =	smul.u32 @!p0 $0xF7A, s2;
	p2 =	seq.s32 @!p0 s5, $0x0  }
0x1f: {  	s9 =	smul.u32 $0xF7A, s1;
	s8 =	simm.s32 @!p0 $0x1BF5;
	p2 =	por !p2, p0  }
0x20: {  	[sflag:s8] =	ssyncset.s32 @!p0 $0xFFFFF086;
	s6 =	sadd.s32 @!p0 s3, s7;
	s7 =	simm.s32 @!p0 $0x108  }
0x21: {  	s3 =	sadd.s32 s3, s9;
	s6 =	sadd.s32 @!p0 $0x88, s6;
	s7 =	simm.s32 @p2 $0x1082  }
0x22: {  	[simem:s7], [sflag:s8] =	dma.local @!p0 [hbm:s6], $0xF7A  }
0x23: {  	s9 =	sor.u32 $0xD0000000, s2;
	s6 =	simm.s32 $0x108;
	_ =	swait.ge @!p0 [sflag:s8], $0x0  }
0x24: {  	s3 =	sadd.s32 $0x88, s3;
	s6 =	simm.s32 @!p1 $0x1082;
	[sflag:s4] =	ssyncset.s32 $0xFFFFF086  }
0x25: {  	[simem:s6], [sflag:s4] =	dma.local [hbm:s3], $0xF7A  }
0x26: {  	[smem:$0x3F8F] =	sst s1;
	(tag) =	ssettag s2;
	_ =	strace s9  }
0x27: {  	s1 =	sld [smem:$0x3F9F]  }
0x28: {  	s2 =	sld [smem:$0x3FA0]  }
0x29: {  	s4 =	sld [smem:$0x3FA2]  }
0x2a: {  	p0 =	seq.s32 s5, $0x0;
	s5 =	sld [smem:$0x3FA3]  }
0x2b: {  	s6 =	sld [smem:$0x3FA4]  }
0x2c: {  	s7 =	sld [smem:$0x3FA5]  }
0x2d: {  	s3 =	simm.s32 $0x108;
	s8 =	sld [smem:$0x3FA6]  }
0x2e: {  	s3 =	simm.s32 @!p0 $0x1082;
	s9 =	sld [smem:$0x3FA7]  }
0x2f: {  	lr =	sadd.s32 s0, s3;
	s0 =	sld [smem:$0x3F9E]  }
0x30: {  	s3 =	sld [smem:$0x3FA1]  }
0x31: {  	[smem:$0x3FAA] =	sst s10  }
0x32: {  	s10 =	sld [smem:$0x3FA8];
	_ =	sdelay $0x3  }
0x33: {  	p0 =	seq.s32 s10, $0x1;
	s10 =	sld [smem:$0x3FAA];
	_ =	sdelay $0x3  }
0x34: {  	[smem:$0x3FAA] =	sst s10  }
0x35: {  	s10 =	sld [smem:$0x3FA9];
	_ =	sdelay $0x3  }
0x36: {  	p1 =	seq.s32 s10, $0x1;
	s10 =	sld [smem:$0x3FAA];
	_ =	sdelay $0x3  }
0x37: {  	[smem:$0x3FAA] =	sst s10  }
0x38: {  	s10 =	sld [smem:$0x3FAB]  }
0x39: {  	_ = 	snop;
	(pc) =	sbr.ind lr, $3  }
0x3a: {  	_ = 	snop  }
0x3b: {  	_ = 	snop  }
0x3c: {  	p2 =	seq.s32 s10, $0x1;
	s10 =	sld [smem:$0x3FAA]  }
0x3d: {  	_ =	shalt  }
0x3e: {  	_ =	shalt  }
0x3f: {  	_ =	shalt  }
0x40: {  	_ =	shalt  }
0x41: {  	_ =	shalt  }
0x42: {  	_ =	shalt  }
0x43: {  	_ =	shalt  }
0x44: {  	_ =	shalt  }
0x45: {  	_ =	shalt  }
0x46: {  	_ =	shalt  }
0x47: {  	_ =	shalt  }
0x48: {  	_ =	shalt  }
0x49: {  	_ =	shalt  }
0x4a: {  	_ =	shalt  }
0x4b: {  	_ =	shalt  }
0x4c: {  	_ =	shalt  }
0x4d: {  	_ =	shalt  }
0x4e: {  	_ =	shalt  }
0x4f: {  	_ =	shalt  }
0x50: {  	_ =	shalt  }
0x51: {  	_ =	shalt  }
0x52: {  	_ =	shalt  }
0x53: {  	_ =	shalt  }
0x54: {  	_ =	shalt  }
0x55: {  	_ =	shalt  }
0x56: {  	_ =	shalt  }
0x57: {  	_ =	shalt  }
0x58: {  	_ =	shalt  }
0x59: {  	_ =	shalt  }
0x5a: {  	_ =	shalt  }
0x5b: {  	_ =	shalt  }
0x5c: {  	_ =	shalt  }
0x5d: {  	_ =	shalt  }
0x5e: {  	_ =	shalt  }
0x5f: {  	_ =	shalt  }
0x60: {  	_ =	shalt  }
0x61: {  	_ =	shalt  }
0x62: {  	_ =	shalt  }
0x63: {  	_ =	shalt  }
0x64: {  	_ =	shalt  }
0x65: {  	_ =	shalt  }
0x66: {  	_ =	shalt  }
0x67: {  	_ =	shalt  }
0x68: {  	_ =	shalt  }
0x69: {  	_ =	shalt  }
0x6a: {  	_ =	shalt  }
0x6b: {  	_ =	shalt  }
0x6c: {  	_ =	shalt  }
0x6d: {  	_ =	shalt  }
0x6e: {  	_ =	shalt  }
0x6f: {  	_ =	shalt  }
0x70: {  	_ =	shalt  }
0x71: {  	_ =	shalt  }
0x72: {  	_ =	shalt  }
0x73: {  	_ =	shalt  }
0x74: {  	_ =	shalt  }
0x75: {  	_ =	shalt  }
0x76: {  	_ =	shalt  }
0x77: {  	_ =	shalt  }
0x78: {  	_ =	shalt  }
0x79: {  	_ =	shalt  }
0x7a: {  	_ =	shalt  }
0x7b: {  	_ =	shalt  }
0x7c: {  	_ =	shalt  }
0x7d: {  	_ =	shalt  }
0x7e: {  	_ =	shalt  }
0x7f: {  	_ =	shalt  }
0x80: {  	_ =	shalt  }
0x81: {  	_ =	shalt  }
0x82: {  	_ =	shalt  }
0x83: {  	_ =	shalt  }
0x84: {  	_ =	shalt  }
0x85: {  	_ =	shalt  }
0x86: {  	_ =	shalt  }
0x87: {  	_ =	shalt  }
.Lfunc_end0:
.L_simem_size_0:
called_computation.1_lowered:
.L_overlay_start_0:
0x88: {  	s2 =	sld [smem:$0x3FD9]  }
0x89: {  	s3 =	sld [smem:$0x3FFE];
	_ =	sdelay $0x1  }
0x8a: {  	s1 =	srdreg.scid  }
0x8b: {  	s0 =	sand.u32 $0x1, s1  }
0x8c: {  	s17 =	sshll.u32 s0, $0xA;
	s2 =	sadd.s32 s3, s2  }
0x8d: {  	s2 =	sadd.s32 s2, s17  }
0x8e: {  	[smem:$0x3FB6] =	sst s2  }
0x8f: {  	_ = 	snop  }
0x90: {  	(tm) =	ssettm $0x1  }
0x91: {  	s18 =	sld [smem:$0x3FFB];
	_ =	sdelay $0x3  }
0x92: {  	_ =	strace s18  }
0x93: {  	s2 =	sld [smem:$0x3FFC];
	_ =	sdelay $0x3  }
0x94: {  	_ =	strace s2  }
0x95: {  	s2 =	sld [smem:$0x3FFD];
	_ =	sdelay $0x3  }
0x96: {  	_ =	strace s2  }
0x97: {  	_ =	strace $0x8FFFFFFF  }
0x98: {  	s19 =	sld [smem:$0x3FDB];
	_ =	sdelay $0x1  }
0x99: {  	s20 =	simm.s32 $_scs_section_size  }
0x9a: {  	s4 =	simm.s32 $_size__tile_overlayer_lowered;
	s5 =	simm.s32 $_tile_overlayer_lowered  }
0x9b: {  	s6 =	simm.s32 $0x1BFF;
	s21 =	sshll.u32 s5, $0x1;
	s3 =	sadd.s32 s20, s19  }
0x9c: {  	s22 =	simm.s32 $0x0;
	s4 =	sshll.u32 s4, $0x1;
	s5 =	sadd.s32 s21, s3  }
0x9d: {  	[timem:s22], [sflag:s6] =	dma.local [hbm:s5], s4  }
0x9e: {  	_ =	swait.ge [sflag:s6], s4  }
0x9f: {  	s4 =	ssub.s32 $0x0, s4;
	[sflag:s6] =	ssyncset.done $0x0  }
0xa0: {  	[sflag:s6] =	ssyncadd.s32 s4;
	_ =	sdelay $0x1  }
0xa1: {  	s23 =	simm.s32 $0x1B8B  }
0xa2: {  	_ =	swait.ge [sflag:s23], $0x1  }
0xa3: {  	[sflag:s23] =	ssyncset.done $0x0  }
0xa4: {  	[sflag:s23] =	ssyncadd.s32 $0xFFFFFFFF  }
0xa5: {  	s4 =	sld [smem:$0x0]  }
0xa6: {  	s5 =	sand.u32 $0xFFFFFFFE, s1  }
0xa7: {  	p0 =	sne.s32 s1, s5  }
0xa8: {  	s5 =	sshll.u32 @p0 s5, $0xE  }
0xa9: {  	s5 =	sadd.s32 @p0 $0x11B8D, s5;
	s6 =	sshll.u32 @p0 s4, $0x11  }
0xaa: {  	s5 =	sor.u32 @p0 s6, s5  }
0xab: {  	[sflag:s5] =	ssyncadd.remote.s32 @p0 $0x1;
	_ =	sdelay $0x1  }
0xac: {  	s5 =	simm.s32 @p0 $0x1B8D  }
0xad: {  	_ =	swait.eq @p0 [sflag:s5], $0x1  }
0xae: {  	[sflag:s5] =	ssyncadd.s32 @p0 $0xFFFFFFFF  }
0xaf: {  	s6 =	sshll.u32 @!p0 s1, $0xE  }
0xb0: {  	s6 =	sor.u32 @!p0 $0x4000, s6;
	s5 =	simm.s32 @!p0 $0x1B8D  }
0xb1: {  	s4 =	sshll.u32 @!p0 s4, $0x11;
	s6 =	sadd.s32 @!p0 $0x11B8D, s6;
	_ =	swait.eq @!p0 [sflag:s5], $0x1  }
0xb2: {  	s4 =	sor.u32 @!p0 s4, s6;
	[sflag:s5] =	ssyncadd.s32 @!p0 $0xFFFFFFFF  }
0xb3: {  	s25 =	simm.s32 $0x1B8E;
	s24 =	sld [smem:$0x3FFE];
	[sflag:s4] =	ssyncadd.remote.s32 @!p0 $0x1  }
0xb4: {  	s26 =	simm.s32 $execute0_lowered;
	[smem:$0x3FD2] =	sst s25  }
0xb5: {  	s5 =	sshll.u32 s26, $0x1;
	_ =	strace $0x80000049;
	[dreg:$0x1] =	wrdreg $0xFFFFFFFF  }
0xb6: {  	s28 =	simm.s32 $_size_execute0_lowered;
	s3 =	sadd.s32 s3, s5;
	[dreg:$0x0] =	wrdreg $0x0  }
0xb7: {  	s5 =	sshll.u32 s28, $0x1;
	[dreg:$0x2] =	wrdreg s3  }
0xb8: {  	[dreg:$0x3] =	wrdreg s5  }
0xb9: {  	[dreg:$0x4] =	wrdreg $0xC0  }
0xba: {  	_ =	task [dreg:s22], $0x5FFFF  }
0xbb: {  	[dreg:$0x1] =	wrdreg $0xFFFFFFFF  }
0xbc: {  	[dreg:$0x0] =	wrdreg $0x60  }
0xbd: {  	[dreg:$0x2] =	wrdreg s24  }
0xbe: {  	[dreg:$0x3] =	wrdreg $0x90000  }
0xbf: {  	[dreg:$0x4] =	wrdreg $0xA  }
0xc0: {  	_ =	task.clear_ibuf [dreg:s22], $0x5FFFF;
	_ =	strace $0x90000049  }
0xc1: {  	s29 =	simm.s32 $0xA;
	_ =	strace $0x8000004B  }
0xc2: {  	_ =	swait.ge [sflag:s29], $0x1  }
0xc3: {  	[sflag:s29] =	ssyncadd.s32 $0xFFFFFFFF  }
0xc4: {  	_ =	strace $0x9000004B  }
0xc5: {  	_ =	sfence  }
0xc6: {  	s30 =	sld [smem:$0x0];
	_ =	sdelay $0x2  }
0xc7: {  	s31 =	sshll.u32 s1, $0xD;
	s1 =	sshrl.u32 s1, $0x2  }
0xc8: {  	s4 =	sand.u32 $0x4000, s31;
	s1 =	sadd.s32 s1, s30  }
0xc9: {  	s0 =	sor.u32 s4, s0;
	s1 =	sshll.u32 s1, $0x11  }
0xca: {  	s0 =	sor.u32 s1, s0  }
0xcb: {  	s0 =	sadd.s32 $0x8F2B, s0  }
0xcc: {  	[sflag:s0] =	ssyncadd.remote.s32 $0x1  }
0xcd: {  	_ =	sfence.sel $0xFFFF  }
0xce: {  	[dreg:$0x0] =	wrdreg $0xFFFFFFFF;
	(pc) =	sbr.abs _section_cstart, $3  }
0xcf: {  	[dreg:$0x1] =	wrdreg $0xFFFFFFFF  }
0xd0: {  	_ =	task.clear_ibuf [dreg:s22], $0x2FFFF;
	_ =	strace $0x9FFFFFFF  }
0xd1: {  	(tm) =	ssettm $0x7FFFFFFF  }
tec
execute0_lowered:
.L_overlay_start_1:
0x0: {  	(tag) =	ssettag $0x1  }
0x1: {  	s0 =	rddreg [dreg:$0x0]  }
0x2: {  	s1 =	rddreg [dreg:$0x1]  }
0x3: {  	s2 =	simm.s32 $0x0;
	s23 =	stileid.u32;
	s3 =	srdreg.scid  }
0x4: {  	s28 =	simm.s32 $0x5000;
	s29 =	simm.s32 $0x0;
	[smem:$0x7FF] =	sst s2  }
0x5: {  	s9 =	smul.u32 $0x14000, s23;
	s15 =	sadd.s32 $0x235A00, s0;
	s16 =	sadd.s32 $0x5800, s0  }
0x6: {  	s7 =	sand.u32 $0x1, s3;
	s24 =	smul.u32 $0x50000, s23;
	s17 =	sadd.s32 $0x19800, s0  }
0x7: {  	s20 =	sadd.s32 $0x375A00, s0;
	s21 =	sadd.s32 $0x415A00, s0;
	s26 =	sshll.u32 s23, $0x6  }
0x8: {  	s8 =	smul.u32 $0x2800, s23;
	p0 =	sne.s32 s23, $0x0;
	s23 =	simm.s32 $0x1  }
0x9: {  	_ =	strace $0x8000004A;
	s5 =	ssub.s32 $0x2, s7;
	s14 =	smul.u32 $0x280000, s7  }
0xa: {  	s10 =	smul.u32 $0x50000, s7;
	s4 =	sshrl.u32 s9, $0x3;
	s6 =	sshrl.u32 s5, $0x1  }
0xb: {  	s3 =	sshrl.u32 s24, $0x2;
	s24 =	sadd.s32 $0x140000, s1;
	s30 =	sshrl.u32 s8, $0x3  }
0xc: {  	s4 =	sadd.s32 s4, s0;
	s22 =	ssub.s32 s5, s6;
	s25 =	sadd.s32 s3, s1  }
0xd: {  	s5 =	sor.u32 $0x1C01, s26;
	s6 =	sadd.s32 $0x55800, s0;
	s7 =	sadd.s32 s16, s30  }
0xe: {  	s8 =	sadd.s32 s17, s30;
	s11 =	sadd.s32 s9, s14;
	s9 =	sadd.s32 s15, s10  }
0xf: {  	s12 =	sadd.s32 $0x5000, s30;
	s18 =	sadd.s32 $0xA000, s30;
	s0 =	sadd.s32 $0xF000, s30  }
0x10: {  	s24 =	sshrl.u32 @!p0 s24, $0x3;
	s26 =	simm.s32 $0x80;
	[dreg:$0x3] =	wrdreg s25  }
0x11: {  	s4 =	sadd.s32 $0x2D800, s4;
	s19 =	sshrl.u32 s11, $0x3;
	s11 =	sadd.s32 s16, s12  }
0x12: {  	s12 =	sadd.s32 s17, s12;
	s13 =	sadd.s32 s16, s18;
	s25 =	sshrl.u32 s14, $0x3  }
0x13: {  	s14 =	sadd.s32 s17, s18;
	s16 =	sadd.s32 s16, s0;
	s17 =	sadd.s32 s17, s0  }
0x14: {  	s18 =	sadd.s32 $0xA0000, s9;
	s22 =	smax.u32 s22, $0x1;
	s10 =	sadd.s32 s20, s19  }
0x15: {  	s15 =	sadd.s32 s15, s25;
	s31 =	sadd.s32 $0x28000, s19;
	s19 =	sadd.s32 s21, s19  }
0x16: {  	s25 =	simm.s32 $0x2800;
	s20 =	sadd.s32 s20, s31;
	s21 =	sadd.s32 s21, s31  }
.LBB2_1:
0x17: {  	s0 =	rddreg [dreg:$0x3]  }
0x18: {  	s30 =	sshrl.u32 s0, $0x3  }
0x19: {  	[spmem:s30], [sflag:s5] =	dma.local [hbm:s4], $0x2800  }
0x1a: {  	_ =	swait.ge [sflag:s23], $0x2800  }
0x1b: {  	[sflag:s23] =	ssyncset.done $0x0  }
0x1c: {  	s0 =	simm.s32 @!p0 $0x1;
	[sflag:s23] =	ssyncadd.s32 $0xFFFFD800  }
0x1d: {  	[spmem:s24], [sflag:s5] =	dma.local @!p0 [hbm:s6], $0x80  }
0x1e: {  	_ =	swait.ge @!p0 [sflag:s0], $0x80  }
0x1f: {  	[sflag:s0] =	ssyncset.done @!p0 $0x0  }
0x20: {  	[sflag:s0] =	ssyncadd.s32 @!p0 $0xFFFFFF80  }
0x21: {  	s3 =	simm.s32 $0x0;
	[bflag:$0x0] =	sbarrier.arrive $0xFFFF  }
0x22: {  	[tilespmem:s3], [sflag:$0x1] =	stream.linear.gather [hbm4b:s7+s3], $0x2800, $0x38;
	[tilespmem:$0x1D040] =	vst v63  }
0x23: {  	_ =	swait.ge [sflag:s23], $0x2800  }
0x24: {  	[sflag:s23] =	ssyncset.done $0x0  }
0x25: {  	[sflag:s23] =	ssyncadd.s32 $0xFFFFD800  }
0x26: {  	[tilespmem:s25], [sflag:$0x1] =	stream.linear.gather [hbm4b:s8+s3], $0x2800, $0x38;
	[tilespmem:$0x1D040] =	vst v63  }
0x27: {  	_ =	swait.ge [sflag:s23], $0x2800  }
0x28: {  	[sflag:s23] =	ssyncset.done $0x0  }
0x29: {  	s2 =	simm.s32 $0x0;
	[sflag:s23] =	ssyncadd.s32 $0xFFFFD800  }
0x2a: {  	[tilespmem:s28], [sflag:$0x1] =	stream.indirect.gather [hbm4b:s9+s26], $0x80, s2, s26, $0xb8;
	[tilespmem:$0x1D040] =	vst v63  }
0x2b: {  	_ =	swait.ge [sflag:s23], $0x4000  }
0x2c: {  	[sflag:s23] =	ssyncset.done $0x0  }
0x2d: {  	s3 =	simm.s32 $0x2800;
	[sflag:s23] =	ssyncadd.s32 $0xFFFFC000  }
0x2e: {  	[spmem:s1] =	stream.indirect.scatter.add.f32 [tilespmem:s28], [sflag:$0x1], $0x80, s3, s26, $0xb8;
	[tilespmem:$0x1D040] =	vst v63  }
0x2f: {  	_ =	swait.ge [sflag:s23], $0x4000  }
0x30: {  	s31 =	simm.s32 $0x200;
	s0 =	simm.s32 $0x400;
	[sflag:s23] =	ssyncset.done $0x0  }
.LBB2_2:
0x31: {  	s2 =	sshra.s32 s31, $0x2  }
0x32: {  	[sflag:s23] =	ssyncadd.s32 $0xFFFFC000;
	s31 =	smov.u32 s0;
	s3 =	sadd.s32 $0x200, s0  }
0x33: {  	[tilespmem:s28], [sflag:$0x1] =	stream.indirect.gather [hbm4b:s9+s26], $0x80, s2, s26, $0xb8;
	[tilespmem:$0x1D040] =	vst v63  }
0x34: {  	p1 =	sne.s32 s0, $0x9E00;
	_ =	swait.ge [sflag:s23], $0x4000  }
.Ltmp0:
0x35: {  	[sflag:s23] =	ssyncset.done $0x0;
	(pc) =	sbr.rel @p1 .LBB2_2-.Ltmp0, $4  }
0x36: {  	s0 =	sadd.s32 $0x2800, s2;
	[sflag:s23] =	ssyncadd.s32 $0xFFFFC000  }
0x37: {  	[spmem:s1] =	stream.indirect.scatter.add.f32 [tilespmem:s28], [sflag:$0x1], $0x80, s0, s26, $0xb8;
	[tilespmem:$0x1D040] =	vst v63  }
0x38: {  	_ =	swait.ge [sflag:s23], $0x4000  }
0x39: {  	s0 =	smov.u32 s3;
	[sflag:s23] =	ssyncset.done $0x0  }
0x3a: {  	s0 =	sshra.s32 s31, $0x2;
	[sflag:s23] =	ssyncadd.s32 $0xFFFFC000  }
0x3b: {  	[tilespmem:s28], [sflag:$0x1] =	stream.indirect.gather [hbm4b:s9+s26], $0x80, s0, s26, $0xb8;
	[tilespmem:$0x1D040] =	vst v63  }
0x3c: {  	_ =	swait.ge [sflag:s23], $0x4000  }
0x3d: {  	[sflag:s23] =	ssyncset.done $0x0  }
0x3e: {  	s0 =	sadd.s32 $0x2800, s0;
	[sflag:s23] =	ssyncadd.s32 $0xFFFFC000  }
0x3f: {  	[spmem:s1] =	stream.indirect.scatter.add.f32 [tilespmem:s28], [sflag:$0x1], $0x80, s0, s26, $0xb8;
	[tilespmem:$0x1D040] =	vst v63  }
0x40: {  	_ =	swait.ge [sflag:s23], $0x4000  }
0x41: {  	[sflag:s23] =	ssyncset.done $0x0  }
0x42: {  	[sflag:s23] =	ssyncadd.s32 $0xFFFFC000  }
0x43: {  	[bflag:$0x0] =	sbarrier.arrive $0xFFFF  }
0x44: {  	[hbm:s10], [sflag:s5] =	dma.local [spmem:s30], $0x2800  }
0x45: {  	_ =	swait.ge [sflag:s23], $0x2800  }
0x46: {  	[sflag:s23] =	ssyncset.done $0x0  }
0x47: {  	[sflag:s23] =	ssyncadd.s32 $0xFFFFD800  }
0x48: {  	[spmem:s30], [sflag:s5] =	dma.local [hbm:s4], $0x2800  }
0x49: {  	_ =	swait.ge [sflag:s23], $0x2800  }
0x4a: {  	[sflag:s23] =	ssyncset.done $0x0  }
0x4b: {  	[sflag:s23] =	ssyncadd.s32 $0xFFFFD800  }
0x4c: {  	s3 =	simm.s32 $0x0;
	[bflag:$0x0] =	sbarrier.arrive $0xFFFF  }
0x4d: {  	[tilespmem:s3], [sflag:$0x1] =	stream.linear.gather [hbm4b:s11+s3], $0x2800, $0x38;
	[tilespmem:$0x1D040] =	vst v63  }
0x4e: {  	_ =	swait.ge [sflag:s23], $0x2800  }
0x4f: {  	[sflag:s23] =	ssyncset.done $0x0  }
0x50: {  	[sflag:s23] =	ssyncadd.s32 $0xFFFFD800  }
0x51: {  	[tilespmem:s25], [sflag:$0x1] =	stream.linear.gather [hbm4b:s12+s3], $0x2800, $0x38;
	[tilespmem:$0x1D040] =	vst v63  }
0x52: {  	_ =	swait.ge [sflag:s23], $0x2800  }
0x53: {  	[sflag:s23] =	ssyncset.done $0x0  }
0x54: {  	s2 =	simm.s32 $0x0;
	[sflag:s23] =	ssyncadd.s32 $0xFFFFD800  }
0x55: {  	[tilespmem:s28], [sflag:$0x1] =	stream.indirect.gather [hbm4b:s18+s26], $0x80, s2, s26, $0xb8;
	[tilespmem:$0x1D040] =	vst v63  }
0x56: {  	_ =	swait.ge [sflag:s23], $0x4000  }
0x57: {  	[sflag:s23] =	ssyncset.done $0x0  }
0x58: {  	s3 =	simm.s32 $0x2800;
	[sflag:s23] =	ssyncadd.s32 $0xFFFFC000  }
0x59: {  	[spmem:s1] =	stream.indirect.scatter.add.f32 [tilespmem:s28], [sflag:$0x1], $0x80, s3, s26, $0xb8;
	[tilespmem:$0x1D040] =	vst v63  }
0x5a: {  	_ =	swait.ge [sflag:s23], $0x4000  }
0x5b: {  	s31 =	simm.s32 $0x200;
	s0 =	simm.s32 $0x400;
	[sflag:s23] =	ssyncset.done $0x0  }
.LBB2_4:
0x5c: {  	s2 =	sshra.s32 s31, $0x2  }
0x5d: {  	[sflag:s23] =	ssyncadd.s32 $0xFFFFC000;
	s31 =	smov.u32 s0;
	s3 =	sadd.s32 $0x200, s0  }
0x5e: {  	[tilespmem:s28], [sflag:$0x1] =	stream.indirect.gather [hbm4b:s18+s26], $0x80, s2, s26, $0xb8;
	[tilespmem:$0x1D040] =	vst v63  }
0x5f: {  	p1 =	sne.s32 s0, $0x9E00;
	_ =	swait.ge [sflag:s23], $0x4000  }
.Ltmp1:
0x60: {  	[sflag:s23] =	ssyncset.done $0x0;
	(pc) =	sbr.rel @p1 .LBB2_4-.Ltmp1, $4  }
0x61: {  	s0 =	sadd.s32 $0x2800, s2;
	[sflag:s23] =	ssyncadd.s32 $0xFFFFC000  }
0x62: {  	[spmem:s1] =	stream.indirect.scatter.add.f32 [tilespmem:s28], [sflag:$0x1], $0x80, s0, s26, $0xb8;
	[tilespmem:$0x1D040] =	vst v63  }
0x63: {  	_ =	swait.ge [sflag:s23], $0x4000  }
0x64: {  	s0 =	smov.u32 s3;
	[sflag:s23] =	ssyncset.done $0x0  }
0x65: {  	s0 =	sshra.s32 s31, $0x2;
	[sflag:s23] =	ssyncadd.s32 $0xFFFFC000  }
0x66: {  	[tilespmem:s28], [sflag:$0x1] =	stream.indirect.gather [hbm4b:s18+s26], $0x80, s0, s26, $0xb8;
	[tilespmem:$0x1D040] =	vst v63  }
0x67: {  	_ =	swait.ge [sflag:s23], $0x4000  }
0x68: {  	[sflag:s23] =	ssyncset.done $0x0  }
0x69: {  	s0 =	sadd.s32 $0x2800, s0;
	[sflag:s23] =	ssyncadd.s32 $0xFFFFC000  }
0x6a: {  	[spmem:s1] =	stream.indirect.scatter.add.f32 [tilespmem:s28], [sflag:$0x1], $0x80, s0, s26, $0xb8;
	[tilespmem:$0x1D040] =	vst v63  }
0x6b: {  	_ =	swait.ge [sflag:s23], $0x4000  }
0x6c: {  	[sflag:s23] =	ssyncset.done $0x0  }
0x6d: {  	[sflag:s23] =	ssyncadd.s32 $0xFFFFC000  }
0x6e: {  	[bflag:$0x0] =	sbarrier.arrive $0xFFFF  }
0x6f: {  	[hbm:s19], [sflag:s5] =	dma.local [spmem:s30], $0x2800  }
0x70: {  	_ =	swait.ge [sflag:s23], $0x2800  }
0x71: {  	[sflag:s23] =	ssyncset.done $0x0  }
0x72: {  	[sflag:s23] =	ssyncadd.s32 $0xFFFFD800  }
0x73: {  	[spmem:s30], [sflag:s5] =	dma.local [hbm:s4], $0x2800  }
0x74: {  	_ =	swait.ge [sflag:s23], $0x2800  }
0x75: {  	[sflag:s23] =	ssyncset.done $0x0  }
0x76: {  	[sflag:s23] =	ssyncadd.s32 $0xFFFFD800  }
0x77: {  	s3 =	simm.s32 $0x0;
	[bflag:$0x0] =	sbarrier.arrive $0xFFFF  }
0x78: {  	[tilespmem:s3], [sflag:$0x1] =	stream.linear.gather [hbm4b:s13+s3], $0x2800, $0x38;
	[tilespmem:$0x1D040] =	vst v63  }
0x79: {  	_ =	swait.ge [sflag:s23], $0x2800  }
0x7a: {  	[sflag:s23] =	ssyncset.done $0x0  }
0x7b: {  	[sflag:s23] =	ssyncadd.s32 $0xFFFFD800  }
0x7c: {  	[tilespmem:s25], [sflag:$0x1] =	stream.linear.gather [hbm4b:s14+s3], $0x2800, $0x38;
	[tilespmem:$0x1D040] =	vst v63  }
0x7d: {  	_ =	swait.ge [sflag:s23], $0x2800  }
0x7e: {  	[sflag:s23] =	ssyncset.done $0x0  }
0x7f: {  	s2 =	simm.s32 $0x0;
	[sflag:s23] =	ssyncadd.s32 $0xFFFFD800  }
0x80: {  	[tilespmem:s28], [sflag:$0x1] =	stream.indirect.gather [hbm4b:s15+s26], $0x80, s2, s26, $0xb8;
	[tilespmem:$0x1D040] =	vst v63  }
0x81: {  	_ =	swait.ge [sflag:s23], $0x4000  }
0x82: {  	[sflag:s23] =	ssyncset.done $0x0  }
0x83: {  	s3 =	simm.s32 $0x2800;
	[sflag:s23] =	ssyncadd.s32 $0xFFFFC000  }
0x84: {  	[spmem:s1] =	stream.indirect.scatter.add.f32 [tilespmem:s28], [sflag:$0x1], $0x80, s3, s26, $0xb8;
	[tilespmem:$0x1D040] =	vst v63  }
0x85: {  	_ =	swait.ge [sflag:s23], $0x4000  }
0x86: {  	s31 =	simm.s32 $0x200;
	s0 =	simm.s32 $0x400;
	[sflag:s23] =	ssyncset.done $0x0  }
.LBB2_6:
0x87: {  	s2 =	sshra.s32 s31, $0x2  }
0x88: {  	[sflag:s23] =	ssyncadd.s32 $0xFFFFC000;
	s31 =	smov.u32 s0;
	s3 =	sadd.s32 $0x200, s0  }
0x89: {  	[tilespmem:s28], [sflag:$0x1] =	stream.indirect.gather [hbm4b:s15+s26], $0x80, s2, s26, $0xb8;
	[tilespmem:$0x1D040] =	vst v63  }
0x8a: {  	p1 =	sne.s32 s0, $0x9E00;
	_ =	swait.ge [sflag:s23], $0x4000  }
.Ltmp2:
0x8b: {  	[sflag:s23] =	ssyncset.done $0x0;
	(pc) =	sbr.rel @p1 .LBB2_6-.Ltmp2, $4  }
0x8c: {  	s0 =	sadd.s32 $0x2800, s2;
	[sflag:s23] =	ssyncadd.s32 $0xFFFFC000  }
0x8d: {  	[spmem:s1] =	stream.indirect.scatter.add.f32 [tilespmem:s28], [sflag:$0x1], $0x80, s0, s26, $0xb8;
	[tilespmem:$0x1D040] =	vst v63  }
0x8e: {  	_ =	swait.ge [sflag:s23], $0x4000  }
0x8f: {  	s0 =	smov.u32 s3;
	[sflag:s23] =	ssyncset.done $0x0  }
0x90: {  	s0 =	sshra.s32 s31, $0x2;
	[sflag:s23] =	ssyncadd.s32 $0xFFFFC000  }
0x91: {  	[tilespmem:s28], [sflag:$0x1] =	stream.indirect.gather [hbm4b:s15+s26], $0x80, s0, s26, $0xb8;
	[tilespmem:$0x1D040] =	vst v63  }
0x92: {  	_ =	swait.ge [sflag:s23], $0x4000  }
0x93: {  	[sflag:s23] =	ssyncset.done $0x0  }
0x94: {  	s0 =	sadd.s32 $0x2800, s0;
	[sflag:s23] =	ssyncadd.s32 $0xFFFFC000  }
0x95: {  	[spmem:s1] =	stream.indirect.scatter.add.f32 [tilespmem:s28], [sflag:$0x1], $0x80, s0, s26, $0xb8;
	[tilespmem:$0x1D040] =	vst v63  }
0x96: {  	_ =	swait.ge [sflag:s23], $0x4000  }
0x97: {  	[sflag:s23] =	ssyncset.done $0x0  }
0x98: {  	[sflag:s23] =	ssyncadd.s32 $0xFFFFC000  }
0x99: {  	[bflag:$0x0] =	sbarrier.arrive $0xFFFF  }
0x9a: {  	[hbm:s20], [sflag:s5] =	dma.local [spmem:s30], $0x2800  }
0x9b: {  	_ =	swait.ge [sflag:s23], $0x2800  }
0x9c: {  	[sflag:s23] =	ssyncset.done $0x0  }
0x9d: {  	[sflag:s23] =	ssyncadd.s32 $0xFFFFD800  }
0x9e: {  	[spmem:s30], [sflag:s5] =	dma.local [hbm:s4], $0x2800  }
0x9f: {  	_ =	swait.ge [sflag:s23], $0x2800  }
0xa0: {  	[sflag:s23] =	ssyncset.done $0x0  }
0xa1: {  	[sflag:s23] =	ssyncadd.s32 $0xFFFFD800  }
0xa2: {  	s3 =	simm.s32 $0x0;
	[bflag:$0x0] =	sbarrier.arrive $0xFFFF  }
0xa3: {  	[tilespmem:s3], [sflag:$0x1] =	stream.linear.gather [hbm4b:s16+s3], $0x2800, $0x38;
	[tilespmem:$0x1D040] =	vst v63  }
0xa4: {  	_ =	swait.ge [sflag:s23], $0x2800  }
0xa5: {  	[sflag:s23] =	ssyncset.done $0x0  }
0xa6: {  	[sflag:s23] =	ssyncadd.s32 $0xFFFFD800  }
0xa7: {  	[tilespmem:s25], [sflag:$0x1] =	stream.linear.gather [hbm4b:s17+s3], $0x2800, $0x38;
	[tilespmem:$0x1D040] =	vst v63  }
0xa8: {  	_ =	swait.ge [sflag:s23], $0x2800  }
0xa9: {  	[sflag:s23] =	ssyncset.done $0x0  }
0xaa: {  	s2 =	simm.s32 $0x0;
	[sflag:s23] =	ssyncadd.s32 $0xFFFFD800  }
0xab: {  	[tilespmem:s28], [sflag:$0x1] =	stream.indirect.gather [hbm4b:s18+s26], $0x80, s2, s26, $0xb8;
	[tilespmem:$0x1D040] =	vst v63  }
0xac: {  	_ =	swait.ge [sflag:s23], $0x4000  }
0xad: {  	[sflag:s23] =	ssyncset.done $0x0  }
0xae: {  	s3 =	simm.s32 $0x2800;
	[sflag:s23] =	ssyncadd.s32 $0xFFFFC000  }
0xaf: {  	[spmem:s1] =	stream.indirect.scatter.add.f32 [tilespmem:s28], [sflag:$0x1], $0x80, s3, s26, $0xb8;
	[tilespmem:$0x1D040] =	vst v63  }
0xb0: {  	_ =	swait.ge [sflag:s23], $0x4000  }
0xb1: {  	s31 =	simm.s32 $0x200;
	s0 =	simm.s32 $0x400;
	[sflag:s23] =	ssyncset.done $0x0  }
.LBB2_8:
0xb2: {  	s2 =	sshra.s32 s31, $0x2  }
0xb3: {  	[sflag:s23] =	ssyncadd.s32 $0xFFFFC000;
	s31 =	smov.u32 s0;
	s3 =	sadd.s32 $0x200, s0  }
0xb4: {  	[tilespmem:s28], [sflag:$0x1] =	stream.indirect.gather [hbm4b:s18+s26], $0x80, s2, s26, $0xb8;
	[tilespmem:$0x1D040] =	vst v63  }
0xb5: {  	p1 =	sne.s32 s0, $0x9E00;
	_ =	swait.ge [sflag:s23], $0x4000  }
.Ltmp3:
0xb6: {  	[sflag:s23] =	ssyncset.done $0x0;
	(pc) =	sbr.rel @p1 .LBB2_8-.Ltmp3, $4  }
0xb7: {  	s0 =	sadd.s32 $0x2800, s2;
	[sflag:s23] =	ssyncadd.s32 $0xFFFFC000  }
0xb8: {  	[spmem:s1] =	stream.indirect.scatter.add.f32 [tilespmem:s28], [sflag:$0x1], $0x80, s0, s26, $0xb8;
	[tilespmem:$0x1D040] =	vst v63  }
0xb9: {  	_ =	swait.ge [sflag:s23], $0x4000  }
0xba: {  	s0 =	smov.u32 s3;
	[sflag:s23] =	ssyncset.done $0x0  }
0xbb: {  	s0 =	sshra.s32 s31, $0x2;
	[sflag:s23] =	ssyncadd.s32 $0xFFFFC000  }
0xbc: {  	[tilespmem:s28], [sflag:$0x1] =	stream.indirect.gather [hbm4b:s18+s26], $0x80, s0, s26, $0xb8;
	[tilespmem:$0x1D040] =	vst v63  }
0xbd: {  	_ =	swait.ge [sflag:s23], $0x4000  }
0xbe: {  	[sflag:s23] =	ssyncset.done $0x0  }
0xbf: {  	s0 =	sadd.s32 $0x2800, s0;
	[sflag:s23] =	ssyncadd.s32 $0xFFFFC000  }
0xc0: {  	[spmem:s1] =	stream.indirect.scatter.add.f32 [tilespmem:s28], [sflag:$0x1], $0x80, s0, s26, $0xb8;
	[tilespmem:$0x1D040] =	vst v63  }
0xc1: {  	_ =	swait.ge [sflag:s23], $0x4000  }
0xc2: {  	[sflag:s23] =	ssyncset.done $0x0  }
0xc3: {  	s29 =	sadd.s32 $0x1, s29;
	[sflag:s23] =	ssyncadd.s32 $0xFFFFC000  }
0xc4: {  	p1 =	sne.s32 s29, s22;
	[bflag:$0x0] =	sbarrier.arrive $0xFFFF  }
0xc5: {  	[hbm:s21], [sflag:s5] =	dma.local [spmem:s30], $0x2800  }
.Ltmp4:
0xc6: {  	_ =	swait.ge [sflag:s23], $0x2800;
	(pc) =	sbr.rel @p1 .LBB2_1-.Ltmp4, $3  }
0xc7: {  	[sflag:s23] =	ssyncset.done $0x0  }
0xc8: {  	[sflag:s23] =	ssyncadd.s32 $0xFFFFD800  }
0xc9: {  	[bflag:$0x0] =	sbarrier.arrive $0xFFFF;
	_ =	sdelay $0x1  }
0xca: {  	_ =	sfence.sel $0x180000  }
0xcb: {  	[bflag:$0x0] =	sbarrier.arrive $0xFFFF  }
0xcc: {  	_ =	strace $0x9000004A  }
0xcd: {  	[bflag:$0x2] =	sbarrier.arrive $0xFFFF  }
0xce: {  	s0 =	rddreg [dreg:$0x2]  }
0xcf: {  	s0 =	sadd.s32 @!p0 $0x100000, s0  }
0xd0: {  	[sflag:s0] =	ssyncadd.tile.s32 @!p0 $0x1;
	_ =	shalt  }
.Lfunc_end2:
_tile_overlayer_lowered:
.L_overlay_start_2:
0xd1: {  	(tag) =	ssettag $0x2  }
0xd2: {  	s0 =	rddreg [dreg:$0x0];
	s2 =	stileid.u32  }
0xd3: {  	s1 =	rddreg [dreg:$0x1];
	p0 =	sne.s32 s2, $0x0  }
0xd4: {  	s3 =	rddreg [dreg:$0x2];
	[bflag:$0x3] =	sbarrier.arrive $0xFFFF;
	s2 =	simm.s32 @!p0 $0x1C01  }
0xd5: {  	[timem:s3], [sflag:s2] =	dma.local @!p0 [hbm:s0], s1  }
0xd6: {  	s0 =	simm.s32 @!p0 $0x1  }
0xd7: {  	_ =	swait.ge @!p0 [sflag:s0], s1  }
0xd8: {  	s1 =	ssub.s32 @!p0 $0x0, s1;
	[sflag:s0] =	ssyncset.done @!p0 $0x0  }
0xd9: {  	[sflag:s0] =	ssyncadd.s32 @!p0 s1  }
0xda: {  	[bflag:$0x3] =	sbarrier.arrive $0xFFFF  }
0xdb: {  	_ =	shalt  }

// kernel: kernel.20.cloned.1.call-start
scs
__scs_entry_jumppad:
0x0: {  	(pc) =	sbr.rel $0x88, $3  }
0x1: {  	(tag) =	ssettag $0x0;
	lr =	simm.s32 $0x1  }
0x2: {  	[smem:$0x3F8F] =	sst lr;
	_ =	strace $0xD0000000  }
0x3: {  	_ = 	snop  }
0x4: {  	_ = 	snop  }
0x5: {  	_ = 	snop  }
0x6: {  	_ = 	snop  }
0x7: {  	_ = 	snop  }
__scs_overlays_trampoline_lowered:
0x8: {  	[smem:$0x3F9E] =	sst s0  }
0x9: {  	[smem:$0x3F9F] =	sst s1  }
0xa: {  	[smem:$0x3FA0] =	sst s2  }
0xb: {  	[smem:$0x3FA1] =	sst s3  }
0xc: {  	[smem:$0x3FA2] =	sst s4  }
0xd: {  	[smem:$0x3FA3] =	sst s5  }
0xe: {  	[smem:$0x3FA4] =	sst s6  }
0xf: {  	[smem:$0x3FA5] =	sst s7  }
0x10: {  	[smem:$0x3FA6] =	sst s8  }
0x11: {  	[smem:$0x3FA7] =	sst s9;
	s0 =	simm.s32 @!p0 $0x0  }
0x12: {  	s1 =	sld [smem:$0x3F8D];
	s0 =	simm.s32 @p0 $0x1  }
0x13: {  	[smem:$0x3FA8] =	sst s0;
	s0 =	simm.s32 @!p1 $0x0  }
0x14: {  	s2 =	sld [smem:$0x3F8C];
	s0 =	simm.s32 @p1 $0x1  }
0x15: {  	[smem:$0x3FA9] =	sst s0;
	s0 =	simm.s32 @!p2 $0x0  }
0x16: {  	s3 =	sld [smem:$0x3FDB];
	s0 =	simm.s32 @p2 $0x1  }
0x17: {  	s4 =	simm.s32 $0x1BF5;
	[smem:$0x3FAB] =	sst s0  }
0x18: {  	s0 =	sld [smem:$0x3F8E];
	_ =	swait.ge [sflag:s4], $0x0  }
0x19: {  	s7 =	sld [smem:$0x3F8F]  }
0x1a: {  	s8 =	sadd.s32 $0xFFFFE003, lr  }
0x1b: {  	s9 =	sadd.s32 $0xFFFFFEF7, lr;
	s5 =	simm.s32 $0xFFFFFFFF;
	p2 =	slt.u32 s8, $0xFFFFF086  }
0x1c: {  	p1 =	slt.u32 s9, $0xF7A;
	s5 =	simm.s32 @!p2 $0x0  }
0x1d: {  	s5 =	simm.s32 @p1 $0x1;
	p0 =	seq.s32 s7, s2  }
0x1e: {  	s7 =	smul.u32 @!p0 $0xF7A, s2;
	p2 =	seq.s32 @!p0 s5, $0x0  }
0x1f: {  	s9 =	smul.u32 $0xF7A, s1;
	s8 =	simm.s32 @!p0 $0x1BF5;
	p2 =	por !p2, p0  }
0x20: {  	[sflag:s8] =	ssyncset.s32 @!p0 $0xFFFFF086;
	s6 =	sadd.s32 @!p0 s3, s7;
	s7 =	simm.s32 @!p0 $0x108  }
0x21: {  	s3 =	sadd.s32 s3, s9;
	s6 =	sadd.s32 @!p0 $0x88, s6;
	s7 =	simm.s32 @p2 $0x1082  }
0x22: {  	[simem:s7], [sflag:s8] =	dma.local @!p0 [hbm:s6], $0xF7A  }
0x23: {  	s9 =	sor.u32 $0xD0000000, s2;
	s6 =	simm.s32 $0x108;
	_ =	swait.ge @!p0 [sflag:s8], $0x0  }
0x24: {  	s3 =	sadd.s32 $0x88, s3;
	s6 =	simm.s32 @!p1 $0x1082;
	[sflag:s4] =	ssyncset.s32 $0xFFFFF086  }
0x25: {  	[simem:s6], [sflag:s4] =	dma.local [hbm:s3], $0xF7A  }
0x26: {  	[smem:$0x3F8F] =	sst s1;
	(tag) =	ssettag s2;
	_ =	strace s9  }
0x27: {  	s1 =	sld [smem:$0x3F9F]  }
0x28: {  	s2 =	sld [smem:$0x3FA0]  }
0x29: {  	s4 =	sld [smem:$0x3FA2]  }
0x2a: {  	p0 =	seq.s32 s5, $0x0;
	s5 =	sld [smem:$0x3FA3]  }
0x2b: {  	s6 =	sld [smem:$0x3FA4]  }
0x2c: {  	s7 =	sld [smem:$0x3FA5]  }
0x2d: {  	s3 =	simm.s32 $0x108;
	s8 =	sld [smem:$0x3FA6]  }
0x2e: {  	s3 =	simm.s32 @!p0 $0x1082;
	s9 =	sld [smem:$0x3FA7]  }
0x2f: {  	lr =	sadd.s32 s0, s3;
	s0 =	sld [smem:$0x3F9E]  }
0x30: {  	s3 =	sld [smem:$0x3FA1]  }
0x31: {  	[smem:$0x3FAA] =	sst s10  }
0x32: {  	s10 =	sld [smem:$0x3FA8];
	_ =	sdelay $0x3  }
0x33: {  	p0 =	seq.s32 s10, $0x1;
	s10 =	sld [smem:$0x3FAA];
	_ =	sdelay $0x3  }
0x34: {  	[smem:$0x3FAA] =	sst s10  }
0x35: {  	s10 =	sld [smem:$0x3FA9];
	_ =	sdelay $0x3  }
0x36: {  	p1 =	seq.s32 s10, $0x1;
	s10 =	sld [smem:$0x3FAA];
	_ =	sdelay $0x3  }
0x37: {  	[smem:$0x3FAA] =	sst s10  }
0x38: {  	s10 =	sld [smem:$0x3FAB]  }
0x39: {  	_ = 	snop;
	(pc) =	sbr.ind lr, $3  }
0x3a: {  	_ = 	snop  }
0x3b: {  	_ = 	snop  }
0x3c: {  	p2 =	seq.s32 s10, $0x1;
	s10 =	sld [smem:$0x3FAA]  }
0x3d: {  	_ =	shalt  }
0x3e: {  	_ =	shalt  }
0x3f: {  	_ =	shalt  }
0x40: {  	_ =	shalt  }
0x41: {  	_ =	shalt  }
0x42: {  	_ =	shalt  }
0x43: {  	_ =	shalt  }
0x44: {  	_ =	shalt  }
0x45: {  	_ =	shalt  }
0x46: {  	_ =	shalt  }
0x47: {  	_ =	shalt  }
0x48: {  	_ =	shalt  }
0x49: {  	_ =	shalt  }
0x4a: {  	_ =	shalt  }
0x4b: {  	_ =	shalt  }
0x4c: {  	_ =	shalt  }
0x4d: {  	_ =	shalt  }
0x4e: {  	_ =	shalt  }
0x4f: {  	_ =	shalt  }
0x50: {  	_ =	shalt  }
0x51: {  	_ =	shalt  }
0x52: {  	_ =	shalt  }
0x53: {  	_ =	shalt  }
0x54: {  	_ =	shalt  }
0x55: {  	_ =	shalt  }
0x56: {  	_ =	shalt  }
0x57: {  	_ =	shalt  }
0x58: {  	_ =	shalt  }
0x59: {  	_ =	shalt  }
0x5a: {  	_ =	shalt  }
0x5b: {  	_ =	shalt  }
0x5c: {  	_ =	shalt  }
0x5d: {  	_ =	shalt  }
0x5e: {  	_ =	shalt  }
0x5f: {  	_ =	shalt  }
0x60: {  	_ =	shalt  }
0x61: {  	_ =	shalt  }
0x62: {  	_ =	shalt  }
0x63: {  	_ =	shalt  }
0x64: {  	_ =	shalt  }
0x65: {  	_ =	shalt  }
0x66: {  	_ =	shalt  }
0x67: {  	_ =	shalt  }
0x68: {  	_ =	shalt  }
0x69: {  	_ =	shalt  }
0x6a: {  	_ =	shalt  }
0x6b: {  	_ =	shalt  }
0x6c: {  	_ =	shalt  }
0x6d: {  	_ =	shalt  }
0x6e: {  	_ =	shalt  }
0x6f: {  	_ =	shalt  }
0x70: {  	_ =	shalt  }
0x71: {  	_ =	shalt  }
0x72: {  	_ =	shalt  }
0x73: {  	_ =	shalt  }
0x74: {  	_ =	shalt  }
0x75: {  	_ =	shalt  }
0x76: {  	_ =	shalt  }
0x77: {  	_ =	shalt  }
0x78: {  	_ =	shalt  }
0x79: {  	_ =	shalt  }
0x7a: {  	_ =	shalt  }
0x7b: {  	_ =	shalt  }
0x7c: {  	_ =	shalt  }
0x7d: {  	_ =	shalt  }
0x7e: {  	_ =	shalt  }
0x7f: {  	_ =	shalt  }
0x80: {  	_ =	shalt  }
0x81: {  	_ =	shalt  }
0x82: {  	_ =	shalt  }
0x83: {  	_ =	shalt  }
0x84: {  	_ =	shalt  }
0x85: {  	_ =	shalt  }
0x86: {  	_ =	shalt  }
0x87: {  	_ =	shalt  }
.Lfunc_end0:
.L_simem_size_0:
called_computation.2_lowered:
.L_overlay_start_0:
0x88: {  	s2 =	sld [smem:$0x3FD9]  }
0x89: {  	s3 =	sld [smem:$0x3FFE];
	_ =	sdelay $0x1  }
0x8a: {  	s1 =	srdreg.scid  }
0x8b: {  	s0 =	sand.u32 $0x1, s1  }
0x8c: {  	s16 =	sshll.u32 s0, $0xA;
	s2 =	sadd.s32 s3, s2  }
0x8d: {  	s2 =	sadd.s32 s2, s16  }
0x8e: {  	[smem:$0x3FB6] =	sst s2  }
0x8f: {  	_ = 	snop  }
0x90: {  	(tm) =	ssettm $0x1  }
0x91: {  	s17 =	sld [smem:$0x3FFB];
	_ =	sdelay $0x3  }
0x92: {  	_ =	strace s17  }
0x93: {  	s2 =	sld [smem:$0x3FFC];
	_ =	sdelay $0x3  }
0x94: {  	_ =	strace s2  }
0x95: {  	s2 =	sld [smem:$0x3FFD];
	_ =	sdelay $0x3  }
0x96: {  	_ =	strace s2  }
0x97: {  	_ =	strace $0x8FFFFFFF  }
0x98: {  	s18 =	sld [smem:$0x3FDB];
	_ =	sdelay $0x1  }
0x99: {  	s19 =	simm.s32 $_scs_section_size  }
0x9a: {  	s4 =	simm.s32 $_size__tile_overlayer_lowered;
	s5 =	simm.s32 $_tile_overlayer_lowered  }
0x9b: {  	s22 =	simm.s32 $0x1BFF;
	s21 =	sshll.u32 s5, $0x1;
	s2 =	sadd.s32 s19, s18  }
0x9c: {  	s6 =	simm.s32 $0x0;
	s20 =	sshll.u32 s4, $0x1;
	s4 =	sadd.s32 s21, s2  }
0x9d: {  	[timem:s6], [sflag:s22] =	dma.local [hbm:s4], s20  }
0x9e: {  	_ =	swait.ge [sflag:s22], s20  }
0x9f: {  	s3 =	ssub.s32 $0x0, s20;
	[sflag:s22] =	ssyncset.done $0x0  }
0xa0: {  	[sflag:s22] =	ssyncadd.s32 s3;
	_ =	sdelay $0x1  }
0xa1: {  	s23 =	simm.s32 $0x1B8B  }
0xa2: {  	_ =	swait.ge [sflag:s23], $0x1  }
0xa3: {  	[sflag:s23] =	ssyncset.done $0x0  }
0xa4: {  	s25 =	simm.s32 $0x1B8E;
	s24 =	sld [smem:$0x3FFE];
	[sflag:s23] =	ssyncadd.s32 $0xFFFFFFFF  }
0xa5: {  	s26 =	simm.s32 $execute0_lowered;
	[smem:$0x3FD2] =	sst s25  }
0xa6: {  	s4 =	sshll.u32 s26, $0x1;
	_ =	strace $0x8000004C;
	[dreg:$0x1] =	wrdreg $0xFFFFFFFF  }
0xa7: {  	s28 =	simm.s32 $_size_execute0_lowered;
	s2 =	sadd.s32 s2, s4;
	[dreg:$0x0] =	wrdreg $0x0  }
0xa8: {  	s4 =	sshll.u32 s28, $0x1;
	[dreg:$0x2] =	wrdreg s2  }
0xa9: {  	[dreg:$0x3] =	wrdreg s4  }
0xaa: {  	[dreg:$0x4] =	wrdreg $0xC0  }
0xab: {  	_ =	task [dreg:s6], $0x5FFFF  }
0xac: {  	[dreg:$0x1] =	wrdreg $0xFFFFFFFF  }
0xad: {  	[dreg:$0x0] =	wrdreg $0x60  }
0xae: {  	[dreg:$0x2] =	wrdreg s24  }
0xaf: {  	[dreg:$0x3] =	wrdreg $0x90000  }
0xb0: {  	[dreg:$0x4] =	wrdreg $0x9  }
0xb1: {  	_ =	task.clear_ibuf [dreg:s6], $0x5FFFF;
	_ =	strace $0x9000004C  }
0xb2: {  	s29 =	simm.s32 $0x9;
	_ =	strace $0x8000004E  }
0xb3: {  	_ =	swait.ge [sflag:s29], $0x1  }
0xb4: {  	[sflag:s29] =	ssyncadd.s32 $0xFFFFFFFF  }
0xb5: {  	_ =	strace $0x9000004E  }
0xb6: {  	_ =	sfence  }
0xb7: {  	s30 =	sld [smem:$0x0];
	_ =	sdelay $0x2  }
0xb8: {  	s31 =	sshll.u32 s1, $0xD;
	s1 =	sshrl.u32 s1, $0x2  }
0xb9: {  	s3 =	sand.u32 $0x4000, s31;
	s1 =	sadd.s32 s1, s30  }
0xba: {  	s0 =	sor.u32 s3, s0;
	s1 =	sshll.u32 s1, $0x11  }
0xbb: {  	s0 =	sor.u32 s1, s0  }
0xbc: {  	s0 =	sadd.s32 $0x8F2B, s0  }
0xbd: {  	[sflag:s0] =	ssyncadd.remote.s32 $0x1  }
0xbe: {  	_ =	sfence.sel $0xFFFF  }
0xbf: {  	[dreg:$0x0] =	wrdreg $0xFFFFFFFF;
	(pc) =	sbr.abs _section_cstart, $3  }
0xc0: {  	[dreg:$0x1] =	wrdreg $0xFFFFFFFF  }
0xc1: {  	_ =	task.clear_ibuf [dreg:s6], $0x2FFFF;
	_ =	strace $0x9FFFFFFF  }
0xc2: {  	(tm) =	ssettm $0x7FFFFFFF  }
0xc3: {  	_ =	shalt  }
tec
execute0_lowered:
.L_overlay_start_1:
0x0: {  	(tag) =	ssettag $0x1  }
0x1: {  	s0 =	rddreg [dreg:$0x0]  }
0x2: {  	s1 =	rddreg [dreg:$0x1]  }
0x3: {  	s2 =	simm.s32 $0x0;
	s23 =	stileid.u32;
	s3 =	srdreg.scid  }
0x4: {  	s28 =	simm.s32 $0x5000;
	s29 =	simm.s32 $0x0;
	[smem:$0x7FF] =	sst s2  }
0x5: {  	s9 =	smul.u32 $0x14000, s23;
	s15 =	sadd.s32 $0x235A00, s0;
	s16 =	sadd.s32 $0x5800, s0  }
0x6: {  	s7 =	sand.u32 $0x1, s3;
	s24 =	smul.u32 $0x50000, s23;
	s17 =	sadd.s32 $0x19800, s0  }
0x7: {  	s20 =	sadd.s32 $0x375A00, s0;
	s21 =	sadd.s32 $0x415A00, s0;
	s26 =	sshll.u32 s23, $0x6  }
0x8: {  	s8 =	smul.u32 $0x2800, s23;
	p0 =	sne.s32 s23, $0x0;
	s23 =	simm.s32 $0x1  }
0x9: {  	_ =	strace $0x8000004D;
	s5 =	ssub.s32 $0x2, s7;
	s14 =	smul.u32 $0x280000, s7  }
0xa: {  	s10 =	smul.u32 $0x50000, s7;
	s4 =	sshrl.u32 s9, $0x3;
	s6 =	sshrl.u32 s5, $0x1  }
0xb: {  	s3 =	sshrl.u32 s24, $0x2;
	s24 =	sadd.s32 $0x140000, s1;
	s30 =	sshrl.u32 s8, $0x3  }
0xc: {  	s4 =	sadd.s32 s4, s0;
	s22 =	ssub.s32 s5, s6;
	s25 =	sadd.s32 s3, s1  }
0xd: {  	s5 =	sor.u32 $0x1C01, s26;
	s6 =	sadd.s32 $0x55800, s0;
	s7 =	sadd.s32 s16, s30  }
0xe: {  	s8 =	sadd.s32 s17, s30;
	s11 =	sadd.s32 s9, s14;
	s9 =	sadd.s32 s15, s10  }
0xf: {  	s12 =	sadd.s32 $0x5000, s30;
	s18 =	sadd.s32 $0xA000, s30;
	s0 =	sadd.s32 $0xF000, s30  }
0x10: {  	s24 =	sshrl.u32 @!p0 s24, $0x3;
	s26 =	simm.s32 $0x80;
	[dreg:$0x3] =	wrdreg s25  }
0x11: {  	s4 =	sadd.s32 $0x2D800, s4;
	s19 =	sshrl.u32 s11, $0x3;
	s11 =	sadd.s32 s16, s12  }
0x12: {  	s12 =	sadd.s32 s17, s12;
	s13 =	sadd.s32 s16, s18;
	s25 =	sshrl.u32 s14, $0x3  }
0x13: {  	s14 =	sadd.s32 s17, s18;
	s16 =	sadd.s32 s16, s0;
	s17 =	sadd.s32 s17, s0  }
0x14: {  	s18 =	sadd.s32 $0xA0000, s9;
	s22 =	smax.u32 s22, $0x1;
	s10 =	sadd.s32 s20, s19  }
0x15: {  	s15 =	sadd.s32 s15, s25;
	s31 =	sadd.s32 $0x28000, s19;
	s19 =	sadd.s32 s21, s19  }
0x16: {  	s25 =	simm.s32 $0x2800;
	s20 =	sadd.s32 s20, s31;
	s21 =	sadd.s32 s21, s31  }
.LBB2_1:
0x17: {  	s0 =	rddreg [dreg:$0x3]  }
0x18: {  	s30 =	sshrl.u32 s0, $0x3  }
0x19: {  	[spmem:s30], [sflag:s5] =	dma.local [hbm:s4], $0x2800  }
0x1a: {  	_ =	swait.ge [sflag:s23], $0x2800  }
0x1b: {  	[sflag:s23] =	ssyncset.done $0x0  }
0x1c: {  	s0 =	simm.s32 @!p0 $0x1;
	[sflag:s23] =	ssyncadd.s32 $0xFFFFD800  }
0x1d: {  	[spmem:s24], [sflag:s5] =	dma.local @!p0 [hbm:s6], $0x80  }
0x1e: {  	_ =	swait.ge @!p0 [sflag:s0], $0x80  }
0x1f: {  	[sflag:s0] =	ssyncset.done @!p0 $0x0  }
0x20: {  	[sflag:s0] =	ssyncadd.s32 @!p0 $0xFFFFFF80  }
0x21: {  	s3 =	simm.s32 $0x0;
	[bflag:$0x0] =	sbarrier.arrive $0xFFFF  }
0x22: {  	[tilespmem:s3], [sflag:$0x1] =	stream.linear.gather [hbm4b:s7+s3], $0x2800, $0x38;
	[tilespmem:$0x1D040] =	vst v63  }
0x23: {  	_ =	swait.ge [sflag:s23], $0x2800  }
0x24: {  	[sflag:s23] =	ssyncset.done $0x0  }
0x25: {  	[sflag:s23] =	ssyncadd.s32 $0xFFFFD800  }
0x26: {  	[tilespmem:s25], [sflag:$0x1] =	stream.linear.gather [hbm4b:s8+s3], $0x2800, $0x38;
	[tilespmem:$0x1D040] =	vst v63  }
0x27: {  	_ =	swait.ge [sflag:s23], $0x2800  }
0x28: {  	[sflag:s23] =	ssyncset.done $0x0  }
0x29: {  	s2 =	simm.s32 $0x0;
	[sflag:s23] =	ssyncadd.s32 $0xFFFFD800  }
0x2a: {  	[tilespmem:s28], [sflag:$0x1] =	stream.indirect.gather [hbm4b:s9+s26], $0x80, s2, s26, $0xb8;
	[tilespmem:$0x1D040] =	vst v63  }
0x2b: {  	_ =	swait.ge [sflag:s23], $0x4000  }
0x2c: {  	[sflag:s23] =	ssyncset.done $0x0  }
0x2d: {  	s3 =	simm.s32 $0x2800;
	[sflag:s23] =	ssyncadd.s32 $0xFFFFC000  }
0x2e: {  	[spmem:s1] =	stream.indirect.scatter.add.f32 [tilespmem:s28], [sflag:$0x1], $0x80, s3, s26, $0xb8;
	[tilespmem:$0x1D040] =	vst v63  }
0x2f: {  	_ =	swait.ge [sflag:s23], $0x4000  }
0x30: {  	s31 =	simm.s32 $0x200;
	s0 =	simm.s32 $0x400;
	[sflag:s23] =	ssyncset.done $0x0  }
.LBB2_2:
0x31: {  	s2 =	sshra.s32 s31, $0x2  }
0x32: {  	[sflag:s23] =	ssyncadd.s32 $0xFFFFC000;
	s31 =	smov.u32 s0;
	s3 =	sadd.s32 $0x200, s0  }
0x33: {  	[tilespmem:s28], [sflag:$0x1] =	stream.indirect.gather [hbm4b:s9+s26], $0x80, s2, s26, $0xb8;
	[tilespmem:$0x1D040] =	vst v63  }
0x34: {  	p1 =	sne.s32 s0, $0x9E00;
	_ =	swait.ge [sflag:s23], $0x4000  }
.Ltmp0:
0x35: {  	[sflag:s23] =	ssyncset.done $0x0;
	(pc) =	sbr.rel @p1 .LBB2_2-.Ltmp0, $4  }
0x36: {  	s0 =	sadd.s32 $0x2800, s2;
	[sflag:s23] =	ssyncadd.s32 $0xFFFFC000  }
0x37: {  	[spmem:s1] =	stream.indirect.scatter.add.f32 [tilespmem:s28], [sflag:$0x1], $0x80, s0, s26, $0xb8;
	[tilespmem:$0x1D040] =	vst v63  }
0x38: {  	_ =	swait.ge [sflag:s23], $0x4000  }
0x39: {  	s0 =	smov.u32 s3;
	[sflag:s23] =	ssyncset.done $0x0  }
0x3a: {  	s0 =	sshra.s32 s31, $0x2;
	[sflag:s23] =	ssyncadd.s32 $0xFFFFC000  }
0x3b: {  	[tilespmem:s28], [sflag:$0x1] =	stream.indirect.gather [hbm4b:s9+s26], $0x80, s0, s26, $0xb8;
	[tilespmem:$0x1D040] =	vst v63  }
0x3c: {  	_ =	swait.ge [sflag:s23], $0x4000  }
0x3d: {  	[sflag:s23] =	ssyncset.done $0x0  }
0x3e: {  	s0 =	sadd.s32 $0x2800, s0;
	[sflag:s23] =	ssyncadd.s32 $0xFFFFC000  }
0x3f: {  	[spmem:s1] =	stream.indirect.scatter.add.f32 [tilespmem:s28], [sflag:$0x1], $0x80, s0, s26, $0xb8;
	[tilespmem:$0x1D040] =	vst v63  }
0x40: {  	_ =	swait.ge [sflag:s23], $0x4000  }
0x41: {  	[sflag:s23] =	ssyncset.done $0x0  }
0x42: {  	[sflag:s23] =	ssyncadd.s32 $0xFFFFC000  }
0x43: {  	[bflag:$0x0] =	sbarrier.arrive $0xFFFF  }
0x44: {  	[hbm:s10], [sflag:s5] =	dma.local [spmem:s30], $0x2800  }
0x45: {  	_ =	swait.ge [sflag:s23], $0x2800  }
0x46: {  	[sflag:s23] =	ssyncset.done $0x0  }
0x47: {  	[sflag:s23] =	ssyncadd.s32 $0xFFFFD800  }
0x48: {  	[spmem:s30], [sflag:s5] =	dma.local [hbm:s4], $0x2800  }
0x49: {  	_ =	swait.ge [sflag:s23], $0x2800  }
0x4a: {  	[sflag:s23] =	ssyncset.done $0x0  }
0x4b: {  	[sflag:s23] =	ssyncadd.s32 $0xFFFFD800  }
0x4c: {  	s3 =	simm.s32 $0x0;
	[bflag:$0x0] =	sbarrier.arrive $0xFFFF  }
0x4d: {  	[tilespmem:s3], [sflag:$0x1] =	stream.linear.gather [hbm4b:s11+s3], $0x2800, $0x38;
	[tilespmem:$0x1D040] =	vst v63  }
0x4e: {  	_ =	swait.ge [sflag:s23], $0x2800  }
0x4f: {  	[sflag:s23] =	ssyncset.done $0x0  }
0x50: {  	[sflag:s23] =	ssyncadd.s32 $0xFFFFD800  }
0x51: {  	[tilespmem:s25], [sflag:$0x1] =	stream.linear.gather [hbm4b:s12+s3], $0x2800, $0x38;
	[tilespmem:$0x1D040] =	vst v63  }
0x52: {  	_ =	swait.ge [sflag:s23], $0x2800  }
0x53: {  	[sflag:s23] =	ssyncset.done $0x0  }
0x54: {  	s2 =	simm.s32 $0x0;
	[sflag:s23] =	ssyncadd.s32 $0xFFFFD800  }
0x55: {  	[tilespmem:s28], [sflag:$0x1] =	stream.indirect.gather [hbm4b:s18+s26], $0x80, s2, s26, $0xb8;
	[tilespmem:$0x1D040] =	vst v63  }
0x56: {  	_ =	swait.ge [sflag:s23], $0x4000  }
0x57: {  	[sflag:s23] =	ssyncset.done $0x0  }
0x58: {  	s3 =	simm.s32 $0x2800;
	[sflag:s23] =	ssyncadd.s32 $0xFFFFC000  }
0x59: {  	[spmem:s1] =	stream.indirect.scatter.add.f32 [tilespmem:s28], [sflag:$0x1], $0x80, s3, s26, $0xb8;
	[tilespmem:$0x1D040] =	vst v63  }
0x5a: {  	_ =	swait.ge [sflag:s23], $0x4000  }
0x5b: {  	s31 =	simm.s32 $0x200;
	s0 =	simm.s32 $0x400;
	[sflag:s23] =	ssyncset.done $0x0  }
.LBB2_4:
0x5c: {  	s2 =	sshra.s32 s31, $0x2  }
0x5d: {  	[sflag:s23] =	ssyncadd.s32 $0xFFFFC000;
	s31 =	smov.u32 s0;
	s3 =	sadd.s32 $0x200, s0  }
0x5e: {  	[tilespmem:s28], [sflag:$0x1] =	stream.indirect.gather [hbm4b:s18+s26], $0x80, s2, s26, $0xb8;
	[tilespmem:$0x1D040] =	vst v63  }
0x5f: {  	p1 =	sne.s32 s0, $0x9E00;
	_ =	swait.ge [sflag:s23], $0x4000  }
.Ltmp1:
0x60: {  	[sflag:s23] =	ssyncset.done $0x0;
	(pc) =	sbr.rel @p1 .LBB2_4-.Ltmp1, $4  }
0x61: {  	s0 =	sadd.s32 $0x2800, s2;
	[sflag:s23] =	ssyncadd.s32 $0xFFFFC000  }
0x62: {  	[spmem:s1] =	stream.indirect.scatter.add.f32 [tilespmem:s28], [sflag:$0x1], $0x80, s0, s26, $0xb8;
	[tilespmem:$0x1D040] =	vst v63  }
0x63: {  	_ =	swait.ge [sflag:s23], $0x4000  }
0x64: {  	s0 =	smov.u32 s3;
	[sflag:s23] =	ssyncset.done $0x0  }
0x65: {  	s0 =	sshra.s32 s31, $0x2;
	[sflag:s23] =	ssyncadd.s32 $0xFFFFC000  }
0x66: {  	[tilespmem:s28], [sflag:$0x1] =	stream.indirect.gather [hbm4b:s18+s26], $0x80, s0, s26, $0xb8;
	[tilespmem:$0x1D040] =	vst v63  }
0x67: {  	_ =	swait.ge [sflag:s23], $0x4000  }
0x68: {  	[sflag:s23] =	ssyncset.done $0x0  }
0x69: {  	s0 =	sadd.s32 $0x2800, s0;
	[sflag:s23] =	ssyncadd.s32 $0xFFFFC000  }
0x6a: {  	[spmem:s1] =	stream.indirect.scatter.add.f32 [tilespmem:s28], [sflag:$0x1], $0x80, s0, s26, $0xb8;
	[tilespmem:$0x1D040] =	vst v63  }
0x6b: {  	_ =	swait.ge [sflag:s23], $0x4000  }
0x6c: {  	[sflag:s23] =	ssyncset.done $0x0  }
0x6d: {  	[sflag:s23] =	ssyncadd.s32 $0xFFFFC000  }
0x6e: {  	[bflag:$0x0] =	sbarrier.arrive $0xFFFF  }
0x6f: {  	[hbm:s19], [sflag:s5] =	dma.local [spmem:s30], $0x2800  }
0x70: {  	_ =	swait.ge [sflag:s23], $0x2800  }
0x71: {  	[sflag:s23] =	ssyncset.done $0x0  }
0x72: {  	[sflag:s23] =	ssyncadd.s32 $0xFFFFD800  }
0x73: {  	[spmem:s30], [sflag:s5] =	dma.local [hbm:s4], $0x2800  }
0x74: {  	_ =	swait.ge [sflag:s23], $0x2800  }
0x75: {  	[sflag:s23] =	ssyncset.done $0x0  }
0x76: {  	[sflag:s23] =	ssyncadd.s32 $0xFFFFD800  }
0x77: {  	s3 =	simm.s32 $0x0;
	[bflag:$0x0] =	sbarrier.arrive $0xFFFF  }
0x78: {  	[tilespmem:s3], [sflag:$0x1] =	stream.linear.gather [hbm4b:s13+s3], $0x2800, $0x38;
	[tilespmem:$0x1D040] =	vst v63  }
0x79: {  	_ =	swait.ge [sflag:s23], $0x2800  }
0x7a: {  	[sflag:s23] =	ssyncset.done $0x0  }
0x7b: {  	[sflag:s23] =	ssyncadd.s32 $0xFFFFD800  }
0x7c: {  	[tilespmem:s25], [sflag:$0x1] =	stream.linear.gather [hbm4b:s14+s3], $0x2800, $0x38;
	[tilespmem:$0x1D040] =	vst v63  }
0x7d: {  	_ =	swait.ge [sflag:s23], $0x2800  }
0x7e: {  	[sflag:s23] =	ssyncset.done $0x0  }
0x7f: {  	s2 =	simm.s32 $0x0;
	[sflag:s23] =	ssyncadd.s32 $0xFFFFD800  }
0x80: {  	[tilespmem:s28], [sflag:$0x1] =	stream.indirect.gather [hbm4b:s15+s26], $0x80, s2, s26, $0xb8;
	[tilespmem:$0x1D040] =	vst v63  }
0x81: {  	_ =	swait.ge [sflag:s23], $0x4000  }
0x82: {  	[sflag:s23] =	ssyncset.done $0x0  }
0x83: {  	s3 =	simm.s32 $0x2800;
	[sflag:s23] =	ssyncadd.s32 $0xFFFFC000  }
0x84: {  	[spmem:s1] =	stream.indirect.scatter.add.f32 [tilespmem:s28], [sflag:$0x1], $0x80, s3, s26, $0xb8;
	[tilespmem:$0x1D040] =	vst v63  }
0x85: {  	_ =	swait.ge [sflag:s23], $0x4000  }
0x86: {  	s31 =	simm.s32 $0x200;
	s0 =	simm.s32 $0x400;
	[sflag:s23] =	ssyncset.done $0x0  }
.LBB2_6:
0x87: {  	s2 =	sshra.s32 s31, $0x2  }
0x88: {  	[sflag:s23] =	ssyncadd.s32 $0xFFFFC000;
	s31 =	smov.u32 s0;
	s3 =	sadd.s32 $0x200, s0  }
0x89: {  	[tilespmem:s28], [sflag:$0x1] =	stream.indirect.gather [hbm4b:s15+s26], $0x80, s2, s26, $0xb8;
	[tilespmem:$0x1D040] =	vst v63  }
0x8a: {  	p1 =	sne.s32 s0, $0x9E00;
	_ =	swait.ge [sflag:s23], $0x4000  }
.Ltmp2:
0x8b: {  	[sflag:s23] =	ssyncset.done $0x0;
	(pc) =	sbr.rel @p1 .LBB2_6-.Ltmp2, $4  }
0x8c: {  	s0 =	sadd.s32 $0x2800, s2;
	[sflag:s23] =	ssyncadd.s32 $0xFFFFC000  }
0x8d: {  	[spmem:s1] =	stream.indirect.scatter.add.f32 [tilespmem:s28], [sflag:$0x1], $0x80, s0, s26, $0xb8;
	[tilespmem:$0x1D040] =	vst v63  }
0x8e: {  	_ =	swait.ge [sflag:s23], $0x4000  }
0x8f: {  	s0 =	smov.u32 s3;
	[sflag:s23] =	ssyncset.done $0x0  }
0x90: {  	s0 =	sshra.s32 s31, $0x2;
	[sflag:s23] =	ssyncadd.s32 $0xFFFFC000  }
0x91: {  	[tilespmem:s28], [sflag:$0x1] =	stream.indirect.gather [hbm4b:s15+s26], $0x80, s0, s26, $0xb8;
	[tilespmem:$0x1D040] =	vst v63  }
0x92: {  	_ =	swait.ge [sflag:s23], $0x4000  }
0x93: {  	[sflag:s23] =	ssyncset.done $0x0  }
0x94: {  	s0 =	sadd.s32 $0x2800, s0;
	[sflag:s23] =	ssyncadd.s32 $0xFFFFC000  }
0x95: {  	[spmem:s1] =	stream.indirect.scatter.add.f32 [tilespmem:s28], [sflag:$0x1], $0x80, s0, s26, $0xb8;
	[tilespmem:$0x1D040] =	vst v63  }
0x96: {  	_ =	swait.ge [sflag:s23], $0x4000  }
0x97: {  	[sflag:s23] =	ssyncset.done $0x0  }
0x98: {  	[sflag:s23] =	ssyncadd.s32 $0xFFFFC000  }
0x99: {  	[bflag:$0x0] =	sbarrier.arrive $0xFFFF  }
0x9a: {  	[hbm:s20], [sflag:s5] =	dma.local [spmem:s30], $0x2800  }
0x9b: {  	_ =	swait.ge [sflag:s23], $0x2800  }
0x9c: {  	[sflag:s23] =	ssyncset.done $0x0  }
0x9d: {  	[sflag:s23] =	ssyncadd.s32 $0xFFFFD800  }
0x9e: {  	[spmem:s30], [sflag:s5] =	dma.local [hbm:s4], $0x2800  }
0x9f: {  	_ =	swait.ge [sflag:s23], $0x2800  }
0xa0: {  	[sflag:s23] =	ssyncset.done $0x0  }
0xa1: {  	[sflag:s23] =	ssyncadd.s32 $0xFFFFD800  }
0xa2: {  	s3 =	simm.s32 $0x0;
	[bflag:$0x0] =	sbarrier.arrive $0xFFFF  }
0xa3: {  	[tilespmem:s3], [sflag:$0x1] =	stream.linear.gather [hbm4b:s16+s3], $0x2800, $0x38;
	[tilespmem:$0x1D040] =	vst v63  }
0xa4: {  	_ =	swait.ge [sflag:s23], $0x2800  }
0xa5: {  	[sflag:s23] =	ssyncset.done $0x0  }
0xa6: {  	[sflag:s23] =	ssyncadd.s32 $0xFFFFD800  }
0xa7: {  	[tilespmem:s25], [sflag:$0x1] =	stream.linear.gather [hbm4b:s17+s3], $0x2800, $0x38;
	[tilespmem:$0x1D040] =	vst v63  }
0xa8: {  	_ =	swait.ge [sflag:s23], $0x2800  }
0xa9: {  	[sflag:s23] =	ssyncset.done $0x0  }
0xaa: {  	s2 =	simm.s32 $0x0;
	[sflag:s23] =	ssyncadd.s32 $0xFFFFD800  }
0xab: {  	[tilespmem:s28], [sflag:$0x1] =	stream.indirect.gather [hbm4b:s18+s26], $0x80, s2, s26, $0xb8;
	[tilespmem:$0x1D040] =	vst v63  }
0xac: {  	_ =	swait.ge [sflag:s23], $0x4000  }
0xad: {  	[sflag:s23] =	ssyncset.done $0x0  }
0xae: {  	s3 =	simm.s32 $0x2800;
	[sflag:s23] =	ssyncadd.s32 $0xFFFFC000  }
0xaf: {  	[spmem:s1] =	stream.indirect.scatter.add.f32 [tilespmem:s28], [sflag:$0x1], $0x80, s3, s26, $0xb8;
	[tilespmem:$0x1D040] =	vst v63  }
0xb0: {  	_ =	swait.ge [sflag:s23], $0x4000  }
0xb1: {  	s31 =	simm.s32 $0x200;
	s0 =	simm.s32 $0x400;
	[sflag:s23] =	ssyncset.done $0x0  }
.LBB2_8:
0xb2: {  	s2 =	sshra.s32 s31, $0x2  }
0xb3: {  	[sflag:s23] =	ssyncadd.s32 $0xFFFFC000;
	s31 =	smov.u32 s0;
	s3 =	sadd.s32 $0x200, s0  }
0xb4: {  	[tilespmem:s28], [sflag:$0x1] =	stream.indirect.gather [hbm4b:s18+s26], $0x80, s2, s26, $0xb8;
	[tilespmem:$0x1D040] =	vst v63  }
0xb5: {  	p1 =	sne.s32 s0, $0x9E00;
	_ =	swait.ge [sflag:s23], $0x4000  }
.Ltmp3:
0xb6: {  	[sflag:s23] =	ssyncset.done $0x0;
	(pc) =	sbr.rel @p1 .LBB2_8-.Ltmp3, $4  }
0xb7: {  	s0 =	sadd.s32 $0x2800, s2;
	[sflag:s23] =	ssyncadd.s32 $0xFFFFC000  }
0xb8: {  	[spmem:s1] =	stream.indirect.scatter.add.f32 [tilespmem:s28], [sflag:$0x1], $0x80, s0, s26, $0xb8;
	[tilespmem:$0x1D040] =	vst v63  }
0xb9: {  	_ =	swait.ge [sflag:s23], $0x4000  }
0xba: {  	s0 =	smov.u32 s3;
	[sflag:s23] =	ssyncset.done $0x0  }
0xbb: {  	s0 =	sshra.s32 s31, $0x2;
	[sflag:s23] =	ssyncadd.s32 $0xFFFFC000  }
0xbc: {  	[tilespmem:s28], [sflag:$0x1] =	stream.indirect.gather [hbm4b:s18+s26], $0x80, s0, s26, $0xb8;
	[tilespmem:$0x1D040] =	vst v63  }
0xbd: {  	_ =	swait.ge [sflag:s23], $0x4000  }
0xbe: {  	[sflag:s23] =	ssyncset.done $0x0  }
0xbf: {  	s0 =	sadd.s32 $0x2800, s0;
	[sflag:s23] =	ssyncadd.s32 $0xFFFFC000  }
0xc0: {  	[spmem:s1] =	stream.indirect.scatter.add.f32 [tilespmem:s28], [sflag:$0x1], $0x80, s0, s26, $0xb8;
	[tilespmem:$0x1D040] =	vst v63  }
0xc1: {  	_ =	swait.ge [sflag:s23], $0x4000  }
0xc2: {  	[sflag:s23] =	ssyncset.done $0x0  }
0xc3: {  	s29 =	sadd.s32 $0x1, s29;
	[sflag:s23] =	ssyncadd.s32 $0xFFFFC000  }
0xc4: {  	p1 =	sne.s32 s29, s22;
	[bflag:$0x0] =	sbarrier.arrive $0xFFFF  }
0xc5: {  	[hbm:s21], [sflag:s5] =	dma.local [spmem:s30], $0x2800  }
.Ltmp4:
0xc6: {  	_ =	swait.ge [sflag:s23], $0x2800;
	(pc) =	sbr.rel @p1 .LBB2_1-.Ltmp4, $3  }
0xc7: {  	[sflag:s23] =	ssyncset.done $0x0  }
0xc8: {  	[sflag:s23] =	ssyncadd.s32 $0xFFFFD800  }
0xc9: {  	[bflag:$0x0] =	sbarrier.arrive $0xFFFF;
	_ =	sdelay $0x1  }
0xca: {  	_ =	sfence.sel $0x180000  }
0xcb: {  	[bflag:$0x0] =	sbarrier.arrive $0xFFFF  }
0xcc: {  	_ =	strace $0x9000004D  }
0xcd: {  	[bflag:$0x2] =	sbarrier.arrive $0xFFFF  }
0xce: {  	s0 =	rddreg [dreg:$0x2]  }
0xcf: {  	s0 =	sadd.s32 @!p0 $0x100000, s0  }
0xd0: {  	[sflag:s0] =	ssyncadd.tile.s32 @!p0 $0x1;
	_ =	shalt  }
.Lfunc_end2:
_tile_overlayer_lowered:
.L_overlay_start_2:
0xd1: {  	(tag) =	ssettag $0x2  }
0xd2: {  	s0 =	rddreg [dreg:$0x0];
	s2 =	stileid.u32  }
0xd3: {  	s1 =	rddreg [dreg:$0x1];
	p0 =	sne.s32 s2, $0x0  }
0xd4: {  	s3 =	rddreg [dreg:$0x2];
	[bflag:$0x3] =	sbarrier.arrive $0xFFFF;
	s2 =	simm.s32 @!p0 $0x1C01  }
0xd5: {  	[timem:s3], [sflag:s2] =	dma.local @!p0 [hbm:s0], s1  }
0xd6: {  	s0 =	simm.s32 @!p0 $0x1  }
0xd7: {  	_ =	swait.ge @!p0 [sflag:s0], s1  }
0xd8: {  	s1 =	ssub.s32 @!p0 $0x0, s1;
	[sflag:s0] =	ssyncset.done @!p0 $0x0  }
0xd9: {  	[sflag:s0] =	ssyncadd.s32 @!p0 s1  }
0xda: {  	[bflag:$0x3] =	sbarrier.arrive $0xFFFF  }
0xdb: {  	_ =	shalt  }

// kernel: kernel.23.cloned.1.call-start
scs
__scs_entry_jumppad:
0x0: {  	(pc) =	sbr.rel $0x88, $3  }
0x1: {  	(tag) =	ssettag $0x0;
	lr =	simm.s32 $0x1  }
0x2: {  	[smem:$0x3F8F] =	sst lr;
	_ =	strace $0xD0000000  }
0x3: {  	_ = 	snop  }
0x4: {  	_ = 	snop  }
0x5: {  	_ = 	snop  }
0x6: {  	_ = 	snop  }
0x7: {  	_ = 	snop  }
__scs_overlays_trampoline_lowered:
0x8: {  	[smem:$0x3F9E] =	sst s0  }
0x9: {  	[smem:$0x3F9F] =	sst s1  }
0xa: {  	[smem:$0x3FA0] =	sst s2  }
0xb: {  	[smem:$0x3FA1] =	sst s3  }
0xc: {  	[smem:$0x3FA2] =	sst s4  }
0xd: {  	[smem:$0x3FA3] =	sst s5  }
0xe: {  	[smem:$0x3FA4] =	sst s6  }
0xf: {  	[smem:$0x3FA5] =	sst s7  }
0x10: {  	[smem:$0x3FA6] =	sst s8  }
0x11: {  	[smem:$0x3FA7] =	sst s9;
	s0 =	simm.s32 @!p0 $0x0  }
0x12: {  	s1 =	sld [smem:$0x3F8D];
	s0 =	simm.s32 @p0 $0x1  }
0x13: {  	[smem:$0x3FA8] =	sst s0;
	s0 =	simm.s32 @!p1 $0x0  }
0x14: {  	s2 =	sld [smem:$0x3F8C];
	s0 =	simm.s32 @p1 $0x1  }
0x15: {  	[smem:$0x3FA9] =	sst s0;
	s0 =	simm.s32 @!p2 $0x0  }
0x16: {  	s3 =	sld [smem:$0x3FDB];
	s0 =	simm.s32 @p2 $0x1  }
0x17: {  	s4 =	simm.s32 $0x1BF5;
	[smem:$0x3FAB] =	sst s0  }
0x18: {  	s0 =	sld [smem:$0x3F8E];
	_ =	swait.ge [sflag:s4], $0x0  }
0x19: {  	s7 =	sld [smem:$0x3F8F]  }
0x1a: {  	s8 =	sadd.s32 $0xFFFFE003, lr  }
0x1b: {  	s9 =	sadd.s32 $0xFFFFFEF7, lr;
	s5 =	simm.s32 $0xFFFFFFFF;
	p2 =	slt.u32 s8, $0xFFFFF086  }
0x1c: {  	p1 =	slt.u32 s9, $0xF7A;
	s5 =	simm.s32 @!p2 $0x0  }
0x1d: {  	s5 =	simm.s32 @p1 $0x1;
	p0 =	seq.s32 s7, s2  }
0x1e: {  	s7 =	smul.u32 @!p0 $0xF7A, s2;
	p2 =	seq.s32 @!p0 s5, $0x0  }
0x1f: {  	s9 =	smul.u32 $0xF7A, s1;
	s8 =	simm.s32 @!p0 $0x1BF5;
	p2 =	por !p2, p0  }
0x20: {  	[sflag:s8] =	ssyncset.s32 @!p0 $0xFFFFF086;
	s6 =	sadd.s32 @!p0 s3, s7;
	s7 =	simm.s32 @!p0 $0x108  }
0x21: {  	s3 =	sadd.s32 s3, s9;
	s6 =	sadd.s32 @!p0 $0x88, s6;
	s7 =	simm.s32 @p2 $0x1082  }
0x22: {  	[simem:s7], [sflag:s8] =	dma.local @!p0 [hbm:s6], $0xF7A  }
0x23: {  	s9 =	sor.u32 $0xD0000000, s2;
	s6 =	simm.s32 $0x108;
	_ =	swait.ge @!p0 [sflag:s8], $0x0  }
0x24: {  	s3 =	sadd.s32 $0x88, s3;
	s6 =	simm.s32 @!p1 $0x1082;
	[sflag:s4] =	ssyncset.s32 $0xFFFFF086  }
0x25: {  	[simem:s6], [sflag:s4] =	dma.local [hbm:s3], $0xF7A  }
0x26: {  	[smem:$0x3F8F] =	sst s1;
	(tag) =	ssettag s2;
	_ =	strace s9  }
0x27: {  	s1 =	sld [smem:$0x3F9F]  }
0x28: {  	s2 =	sld [smem:$0x3FA0]  }
0x29: {  	s4 =	sld [smem:$0x3FA2]  }
0x2a: {  	p0 =	seq.s32 s5, $0x0;
	s5 =	sld [smem:$0x3FA3]  }
0x2b: {  	s6 =	sld [smem:$0x3FA4]  }
0x2c: {  	s7 =	sld [smem:$0x3FA5]  }
0x2d: {  	s3 =	simm.s32 $0x108;
	s8 =	sld [smem:$0x3FA6]  }
0x2e: {  	s3 =	simm.s32 @!p0 $0x1082;
	s9 =	sld [smem:$0x3FA7]  }
0x2f: {  	lr =	sadd.s32 s0, s3;
	s0 =	sld [smem:$0x3F9E]  }
0x30: {  	s3 =	sld [smem:$0x3FA1]  }
0x31: {  	[smem:$0x3FAA] =	sst s10  }
0x32: {  	s10 =	sld [smem:$0x3FA8];
	_ =	sdelay $0x3  }
0x33: {  	p0 =	seq.s32 s10, $0x1;
	s10 =	sld [smem:$0x3FAA];
	_ =	sdelay $0x3  }
0x34: {  	[smem:$0x3FAA] =	sst s10  }
0x35: {  	s10 =	sld [smem:$0x3FA9];
	_ =	sdelay $0x3  }
0x36: {  	p1 =	seq.s32 s10, $0x1;
	s10 =	sld [smem:$0x3FAA];
	_ =	sdelay $0x3  }
0x37: {  	[smem:$0x3FAA] =	sst s10  }
0x38: {  	s10 =	sld [smem:$0x3FAB]  }
0x39: {  	_ = 	snop;
	(pc) =	sbr.ind lr, $3  }
0x3a: {  	_ = 	snop  }
0x3b: {  	_ = 	snop  }
0x3c: {  	p2 =	seq.s32 s10, $0x1;
	s10 =	sld [smem:$0x3FAA]  }
0x3d: {  	_ =	shalt  }
0x3e: {  	_ =	shalt  }
0x3f: {  	_ =	shalt  }
0x40: {  	_ =	shalt  }
0x41: {  	_ =	shalt  }
0x42: {  	_ =	shalt  }
0x43: {  	_ =	shalt  }
0x44: {  	_ =	shalt  }
0x45: {  	_ =	shalt  }
0x46: {  	_ =	shalt  }
0x47: {  	_ =	shalt  }
0x48: {  	_ =	shalt  }
0x49: {  	_ =	shalt  }
0x4a: {  	_ =	shalt  }
0x4b: {  	_ =	shalt  }
0x4c: {  	_ =	shalt  }
0x4d: {  	_ =	shalt  }
0x4e: {  	_ =	shalt  }
0x4f: {  	_ =	shalt  }
0x50: {  	_ =	shalt  }
0x51: {  	_ =	shalt  }
0x52: {  	_ =	shalt  }
0x53: {  	_ =	shalt  }
0x54: {  	_ =	shalt  }
0x55: {  	_ =	shalt  }
0x56: {  	_ =	shalt  }
0x57: {  	_ =	shalt  }
0x58: {  	_ =	shalt  }
0x59: {  	_ =	shalt  }
0x5a: {  	_ =	shalt  }
0x5b: {  	_ =	shalt  }
0x5c: {  	_ =	shalt  }
0x5d: {  	_ =	shalt  }
0x5e: {  	_ =	shalt  }
0x5f: {  	_ =	shalt  }
0x60: {  	_ =	shalt  }
0x61: {  	_ =	shalt  }
0x62: {  	_ =	shalt  }
0x63: {  	_ =	shalt  }
0x64: {  	_ =	shalt  }
0x65: {  	_ =	shalt  }
0x66: {  	_ =	shalt  }
0x67: {  	_ =	shalt  }
0x68: {  	_ =	shalt  }
0x69: {  	_ =	shalt  }
0x6a: {  	_ =	shalt  }
0x6b: {  	_ =	shalt  }
0x6c: {  	_ =	shalt  }
0x6d: {  	_ =	shalt  }
0x6e: {  	_ =	shalt  }
0x6f: {  	_ =	shalt  }
0x70: {  	_ =	shalt  }
0x71: {  	_ =	shalt  }
0x72: {  	_ =	shalt  }
0x73: {  	_ =	shalt  }
0x74: {  	_ =	shalt  }
0x75: {  	_ =	shalt  }
0x76: {  	_ =	shalt  }
0x77: {  	_ =	shalt  }
0x78: {  	_ =	shalt  }
0x79: {  	_ =	shalt  }
0x7a: {  	_ =	shalt  }
0x7b: {  	_ =	shalt  }
0x7c: {  	_ =	shalt  }
0x7d: {  	_ =	shalt  }
0x7e: {  	_ =	shalt  }
0x7f: {  	_ =	shalt  }
0x80: {  	_ =	shalt  }
0x81: {  	_ =	shalt  }
0x82: {  	_ =	shalt  }
0x83: {  	_ =	shalt  }
0x84: {  	_ =	shalt  }
0x85: {  	_ =	shalt  }
0x86: {  	_ =	shalt  }
0x87: {  	_ =	shalt  }
.Lfunc_end0:
.L_simem_size_0:
called_computation.3_lowered:
.L_overlay_start_0:
0x88: {  	s2 =	sld [smem:$0x3FD9]  }
0x89: {  	s3 =	sld [smem:$0x3FFE];
	_ =	sdelay $0x1  }
0x8a: {  	s1 =	srdreg.scid  }
0x8b: {  	s0 =	sand.u32 $0x1, s1  }
0x8c: {  	s16 =	sshll.u32 s0, $0xA;
	s2 =	sadd.s32 s3, s2  }
0x8d: {  	s2 =	sadd.s32 s2, s16  }
0x8e: {  	[smem:$0x3FB6] =	sst s2  }
0x8f: {  	_ = 	snop  }
0x90: {  	(tm) =	ssettm $0x1  }
0x91: {  	s17 =	sld [smem:$0x3FFB];
	_ =	sdelay $0x3  }
0x92: {  	_ =	strace s17  }
0x93: {  	s2 =	sld [smem:$0x3FFC];
	_ =	sdelay $0x3  }
0x94: {  	_ =	strace s2  }
0x95: {  	s2 =	sld [smem:$0x3FFD];
	_ =	sdelay $0x3  }
0x96: {  	_ =	strace s2  }
0x97: {  	_ =	strace $0x8FFFFFFF  }
0x98: {  	s18 =	sld [smem:$0x3FDB];
	_ =	sdelay $0x1  }
0x99: {  	s19 =	simm.s32 $_scs_section_size  }
0x9a: {  	s4 =	simm.s32 $_size__tile_overlayer_lowered;
	s5 =	simm.s32 $_tile_overlayer_lowered  }
0x9b: {  	s22 =	simm.s32 $0x1BFF;
	s21 =	sshll.u32 s5, $0x1;
	s2 =	sadd.s32 s19, s18  }
0x9c: {  	s6 =	simm.s32 $0x0;
	s20 =	sshll.u32 s4, $0x1;
	s4 =	sadd.s32 s21, s2  }
0x9d: {  	[timem:s6], [sflag:s22] =	dma.local [hbm:s4], s20  }
0x9e: {  	_ =	swait.ge [sflag:s22], s20  }
0x9f: {  	s3 =	ssub.s32 $0x0, s20;
	[sflag:s22] =	ssyncset.done $0x0  }
0xa0: {  	[sflag:s22] =	ssyncadd.s32 s3;
	_ =	sdelay $0x1  }
0xa1: {  	s23 =	simm.s32 $0x1B8B  }
0xa2: {  	_ =	swait.ge [sflag:s23], $0x1  }
0xa3: {  	[sflag:s23] =	ssyncset.done $0x0  }
0xa4: {  	s25 =	simm.s32 $0x1B8E;
	s24 =	sld [smem:$0x3FFE];
	[sflag:s23] =	ssyncadd.s32 $0xFFFFFFFF  }
0xa5: {  	s26 =	simm.s32 $execute0_lowered;
	[smem:$0x3FD2] =	sst s25  }
0xa6: {  	s4 =	sshll.u32 s26, $0x1;
	_ =	strace $0x8000004F;
	[dreg:$0x1] =	wrdreg $0xFFFFFFFF  }
0xa7: {  	s28 =	simm.s32 $_size_execute0_lowered;
	s2 =	sadd.s32 s2, s4;
	[dreg:$0x0] =	wrdreg $0x0  }
0xa8: {  	s4 =	sshll.u32 s28, $0x1;
	[dreg:$0x2] =	wrdreg s2  }
0xa9: {  	[dreg:$0x3] =	wrdreg s4  }
0xaa: {  	[dreg:$0x4] =	wrdreg $0xC0  }
0xab: {  	_ =	task [dreg:s6], $0x5FFFF  }
0xac: {  	[dreg:$0x1] =	wrdreg $0xFFFFFFFF  }
0xad: {  	[dreg:$0x0] =	wrdreg $0x60  }
0xae: {  	[dreg:$0x2] =	wrdreg s24  }
0xaf: {  	[dreg:$0x3] =	wrdreg $0x90000  }
0xb0: {  	[dreg:$0x4] =	wrdreg $0x9  }
0xb1: {  	_ =	task.clear_ibuf [dreg:s6], $0x5FFFF;
	_ =	strace $0x9000004F  }
0xb2: {  	s29 =	simm.s32 $0x9;
	_ =	strace $0x80000051  }
0xb3: {  	_ =	swait.ge [sflag:s29], $0x1  }
0xb4: {  	[sflag:s29] =	ssyncadd.s32 $0xFFFFFFFF  }
0xb5: {  	_ =	strace $0x90000051  }
0xb6: {  	_ =	sfence  }
0xb7: {  	s30 =	sld [smem:$0x0];
	_ =	sdelay $0x2  }
0xb8: {  	s31 =	sshll.u32 s1, $0xD;
	s1 =	sshrl.u32 s1, $0x2  }
0xb9: {  	s3 =	sand.u32 $0x4000, s31;
	s1 =	sadd.s32 s1, s30  }
0xba: {  	s0 =	sor.u32 s3, s0;
	s1 =	sshll.u32 s1, $0x11  }
0xbb: {  	s0 =	sor.u32 s1, s0  }
0xbc: {  	s0 =	sadd.s32 $0x8F2B, s0  }
0xbd: {  	[sflag:s0] =	ssyncadd.remote.s32 $0x1  }
0xbe: {  	_ =	sfence.sel $0xFFFF  }
0xbf: {  	[dreg:$0x0] =	wrdreg $0xFFFFFFFF;
	(pc) =	sbr.abs _section_cstart, $3  }
0xc0: {  	[dreg:$0x1] =	wrdreg $0xFFFFFFFF  }
0xc1: {  	_ =	task.clear_ibuf [dreg:s6], $0x2FFFF;
	_ =	strace $0x9FFFFFFF  }
0xc2: {  	(tm) =	ssettm $0x7FFFFFFF  }
0xc3: {  	_ =	shalt  }
tec
execute0_lowered:
.L_overlay_start_1:
0x0: {  	(tag) =	ssettag $0x1  }
0x1: {  	s0 =	rddreg [dreg:$0x0]  }
0x2: {  	s1 =	rddreg [dreg:$0x1]  }
0x3: {  	s2 =	simm.s32 $0x0;
	s23 =	stileid.u32;
	s3 =	srdreg.scid  }
0x4: {  	s28 =	simm.s32 $0x5000;
	s29 =	simm.s32 $0x0;
	[smem:$0x7FF] =	sst s2  }
0x5: {  	s9 =	smul.u32 $0x14000, s23;
	s15 =	sadd.s32 $0x2D5A00, s0;
	s16 =	sadd.s32 $0x5800, s0  }
0x6: {  	s7 =	sand.u32 $0x1, s3;
	s24 =	smul.u32 $0x50000, s23;
	s17 =	sadd.s32 $0x19800, s0  }
0x7: {  	s20 =	sadd.s32 $0x415A00, s0;
	s21 =	sadd.s32 $0x4B5A00, s0;
	s26 =	sshll.u32 s23, $0x6  }
0x8: {  	s8 =	smul.u32 $0x2800, s23;
	p0 =	sne.s32 s23, $0x0;
	s23 =	simm.s32 $0x1  }
0x9: {  	_ =	strace $0x80000050;
	s5 =	ssub.s32 $0x2, s7;
	s14 =	smul.u32 $0x280000, s7  }
0xa: {  	s10 =	smul.u32 $0x50000, s7;
	s4 =	sshrl.u32 s9, $0x3;
	s6 =	sshrl.u32 s5, $0x1  }
0xb: {  	s3 =	sshrl.u32 s24, $0x2;
	s24 =	sadd.s32 $0x140000, s1;
	s30 =	sshrl.u32 s8, $0x3  }
0xc: {  	s4 =	sadd.s32 s4, s0;
	s22 =	ssub.s32 s5, s6;
	s25 =	sadd.s32 s3, s1  }
0xd: {  	s5 =	sor.u32 $0x1C01, s26;
	s6 =	sadd.s32 $0x55800, s0;
	s7 =	sadd.s32 s16, s30  }
0xe: {  	s8 =	sadd.s32 s17, s30;
	s11 =	sadd.s32 s9, s14;
	s9 =	sadd.s32 s15, s10  }
0xf: {  	s12 =	sadd.s32 $0x5000, s30;
	s18 =	sadd.s32 $0xA000, s30;
	s0 =	sadd.s32 $0xF000, s30  }
0x10: {  	s24 =	sshrl.u32 @!p0 s24, $0x3;
	s26 =	simm.s32 $0x80;
	[dreg:$0x3] =	wrdreg s25  }
0x11: {  	s4 =	sadd.s32 $0x2D800, s4;
	s19 =	sshrl.u32 s11, $0x3;
	s11 =	sadd.s32 s16, s12  }
0x12: {  	s12 =	sadd.s32 s17, s12;
	s13 =	sadd.s32 s16, s18;
	s25 =	sshrl.u32 s14, $0x3  }
0x13: {  	s14 =	sadd.s32 s17, s18;
	s16 =	sadd.s32 s16, s0;
	s17 =	sadd.s32 s17, s0  }
0x14: {  	s18 =	sadd.s32 $0xA0000, s9;
	s22 =	smax.u32 s22, $0x1;
	s10 =	sadd.s32 s20, s19  }
0x15: {  	s15 =	sadd.s32 s15, s25;
	s31 =	sadd.s32 $0x28000, s19;
	s19 =	sadd.s32 s21, s19  }
0x16: {  	s25 =	simm.s32 $0x2800;
	s20 =	sadd.s32 s20, s31;
	s21 =	sadd.s32 s21, s31  }
.LBB2_1:
0x17: {  	s0 =	rddreg [dreg:$0x3]  }
0x18: {  	s30 =	sshrl.u32 s0, $0x3  }
0x19: {  	[spmem:s30], [sflag:s5] =	dma.local [hbm:s4], $0x2800  }
0x1a: {  	_ =	swait.ge [sflag:s23], $0x2800  }
0x1b: {  	[sflag:s23] =	ssyncset.done $0x0  }
0x1c: {  	s0 =	simm.s32 @!p0 $0x1;
	[sflag:s23] =	ssyncadd.s32 $0xFFFFD800  }
0x1d: {  	[spmem:s24], [sflag:s5] =	dma.local @!p0 [hbm:s6], $0x80  }
0x1e: {  	_ =	swait.ge @!p0 [sflag:s0], $0x80  }
0x1f: {  	[sflag:s0] =	ssyncset.done @!p0 $0x0  }
0x20: {  	[sflag:s0] =	ssyncadd.s32 @!p0 $0xFFFFFF80  }
0x21: {  	s3 =	simm.s32 $0x0;
	[bflag:$0x0] =	sbarrier.arrive $0xFFFF  }
0x22: {  	[tilespmem:s3], [sflag:$0x1] =	stream.linear.gather [hbm4b:s7+s3], $0x2800, $0x38;
	[tilespmem:$0x1D040] =	vst v63  }
0x23: {  	_ =	swait.ge [sflag:s23], $0x2800  }
0x24: {  	[sflag:s23] =	ssyncset.done $0x0  }
0x25: {  	[sflag:s23] =	ssyncadd.s32 $0xFFFFD800  }
0x26: {  	[tilespmem:s25], [sflag:$0x1] =	stream.linear.gather [hbm4b:s8+s3], $0x2800, $0x38;
	[tilespmem:$0x1D040] =	vst v63  }
0x27: {  	_ =	swait.ge [sflag:s23], $0x2800  }
0x28: {  	[sflag:s23] =	ssyncset.done $0x0  }
0x29: {  	s2 =	simm.s32 $0x0;
	[sflag:s23] =	ssyncadd.s32 $0xFFFFD800  }
0x2a: {  	[tilespmem:s28], [sflag:$0x1] =	stream.indirect.gather [hbm4b:s9+s26], $0x80, s2, s26, $0xb8;
	[tilespmem:$0x1D040] =	vst v63  }
0x2b: {  	_ =	swait.ge [sflag:s23], $0x4000  }
0x2c: {  	[sflag:s23] =	ssyncset.done $0x0  }
0x2d: {  	s3 =	simm.s32 $0x2800;
	[sflag:s23] =	ssyncadd.s32 $0xFFFFC000  }
0x2e: {  	[spmem:s1] =	stream.indirect.scatter.add.f32 [tilespmem:s28], [sflag:$0x1], $0x80, s3, s26, $0xb8;
	[tilespmem:$0x1D040] =	vst v63  }
0x2f: {  	_ =	swait.ge [sflag:s23], $0x4000  }
0x30: {  	s31 =	simm.s32 $0x200;
	s0 =	simm.s32 $0x400;
	[sflag:s23] =	ssyncset.done $0x0  }
.LBB2_2:
0x31: {  	s2 =	sshra.s32 s31, $0x2  }
0x32: {  	[sflag:s23] =	ssyncadd.s32 $0xFFFFC000;
	s31 =	smov.u32 s0;
	s3 =	sadd.s32 $0x200, s0  }
0x33: {  	[tilespmem:s28], [sflag:$0x1] =	stream.indirect.gather [hbm4b:s9+s26], $0x80, s2, s26, $0xb8;
	[tilespmem:$0x1D040] =	vst v63  }
0x34: {  	p1 =	sne.s32 s0, $0x9E00;
	_ =	swait.ge [sflag:s23], $0x4000  }
.Ltmp0:
0x35: {  	[sflag:s23] =	ssyncset.done $0x0;
	(pc) =	sbr.rel @p1 .LBB2_2-.Ltmp0, $4  }
0x36: {  	s0 =	sadd.s32 $0x2800, s2;
	[sflag:s23] =	ssyncadd.s32 $0xFFFFC000  }
0x37: {  	[spmem:s1] =	stream.indirect.scatter.add.f32 [tilespmem:s28], [sflag:$0x1], $0x80, s0, s26, $0xb8;
	[tilespmem:$0x1D040] =	vst v63  }
0x38: {  	_ =	swait.ge [sflag:s23], $0x4000  }
0x39: {  	s0 =	smov.u32 s3;
	[sflag:s23] =	ssyncset.done $0x0  }
0x3a: {  	s0 =	sshra.s32 s31, $0x2;
	[sflag:s23] =	ssyncadd.s32 $0xFFFFC000  }
0x3b: {  	[tilespmem:s28], [sflag:$0x1] =	stream.indirect.gather [hbm4b:s9+s26], $0x80, s0, s26, $0xb8;
	[tilespmem:$0x1D040] =	vst v63  }
0x3c: {  	_ =	swait.ge [sflag:s23], $0x4000  }
0x3d: {  	[sflag:s23] =	ssyncset.done $0x0  }
0x3e: {  	s0 =	sadd.s32 $0x2800, s0;
	[sflag:s23] =	ssyncadd.s32 $0xFFFFC000  }
0x3f: {  	[spmem:s1] =	stream.indirect.scatter.add.f32 [tilespmem:s28], [sflag:$0x1], $0x80, s0, s26, $0xb8;
	[tilespmem:$0x1D040] =	vst v63  }
0x40: {  	_ =	swait.ge [sflag:s23], $0x4000  }
0x41: {  	[sflag:s23] =	ssyncset.done $0x0  }
0x42: {  	[sflag:s23] =	ssyncadd.s32 $0xFFFFC000  }
0x43: {  	[bflag:$0x0] =	sbarrier.arrive $0xFFFF  }
0x44: {  	[hbm:s10], [sflag:s5] =	dma.local [spmem:s30], $0x2800  }
0x45: {  	_ =	swait.ge [sflag:s23], $0x2800  }
0x46: {  	[sflag:s23] =	ssyncset.done $0x0  }
0x47: {  	[sflag:s23] =	ssyncadd.s32 $0xFFFFD800  }
0x48: {  	[spmem:s30], [sflag:s5] =	dma.local [hbm:s4], $0x2800  }
0x49: {  	_ =	swait.ge [sflag:s23], $0x2800  }
0x4a: {  	[sflag:s23] =	ssyncset.done $0x0  }
0x4b: {  	[sflag:s23] =	ssyncadd.s32 $0xFFFFD800  }
0x4c: {  	s3 =	simm.s32 $0x0;
	[bflag:$0x0] =	sbarrier.arrive $0xFFFF  }
0x4d: {  	[tilespmem:s3], [sflag:$0x1] =	stream.linear.gather [hbm4b:s11+s3], $0x2800, $0x38;
	[tilespmem:$0x1D040] =	vst v63  }
0x4e: {  	_ =	swait.ge [sflag:s23], $0x2800  }
0x4f: {  	[sflag:s23] =	ssyncset.done $0x0  }
0x50: {  	[sflag:s23] =	ssyncadd.s32 $0xFFFFD800  }
0x51: {  	[tilespmem:s25], [sflag:$0x1] =	stream.linear.gather [hbm4b:s12+s3], $0x2800, $0x38;
	[tilespmem:$0x1D040] =	vst v63  }
0x52: {  	_ =	swait.ge [sflag:s23], $0x2800  }
0x53: {  	[sflag:s23] =	ssyncset.done $0x0  }
0x54: {  	s2 =	simm.s32 $0x0;
	[sflag:s23] =	ssyncadd.s32 $0xFFFFD800  }
0x55: {  	[tilespmem:s28], [sflag:$0x1] =	stream.indirect.gather [hbm4b:s18+s26], $0x80, s2, s26, $0xb8;
	[tilespmem:$0x1D040] =	vst v63  }
0x56: {  	_ =	swait.ge [sflag:s23], $0x4000  }
0x57: {  	[sflag:s23] =	ssyncset.done $0x0  }
0x58: {  	s3 =	simm.s32 $0x2800;
	[sflag:s23] =	ssyncadd.s32 $0xFFFFC000  }
0x59: {  	[spmem:s1] =	stream.indirect.scatter.add.f32 [tilespmem:s28], [sflag:$0x1], $0x80, s3, s26, $0xb8;
	[tilespmem:$0x1D040] =	vst v63  }
0x5a: {  	_ =	swait.ge [sflag:s23], $0x4000  }
0x5b: {  	s31 =	simm.s32 $0x200;
	s0 =	simm.s32 $0x400;
	[sflag:s23] =	ssyncset.done $0x0  }
.LBB2_4:
0x5c: {  	s2 =	sshra.s32 s31, $0x2  }
0x5d: {  	[sflag:s23] =	ssyncadd.s32 $0xFFFFC000;
	s31 =	smov.u32 s0;
	s3 =	sadd.s32 $0x200, s0  }
0x5e: {  	[tilespmem:s28], [sflag:$0x1] =	stream.indirect.gather [hbm4b:s18+s26], $0x80, s2, s26, $0xb8;
	[tilespmem:$0x1D040] =	vst v63  }
0x5f: {  	p1 =	sne.s32 s0, $0x9E00;
	_ =	swait.ge [sflag:s23], $0x4000  }
.Ltmp1:
0x60: {  	[sflag:s23] =	ssyncset.done $0x0;
	(pc) =	sbr.rel @p1 .LBB2_4-.Ltmp1, $4  }
0x61: {  	s0 =	sadd.s32 $0x2800, s2;
	[sflag:s23] =	ssyncadd.s32 $0xFFFFC000  }
0x62: {  	[spmem:s1] =	stream.indirect.scatter.add.f32 [tilespmem:s28], [sflag:$0x1], $0x80, s0, s26, $0xb8;
	[tilespmem:$0x1D040] =	vst v63  }
0x63: {  	_ =	swait.ge [sflag:s23], $0x4000  }
0x64: {  	s0 =	smov.u32 s3;
	[sflag:s23] =	ssyncset.done $0x0  }
0x65: {  	s0 =	sshra.s32 s31, $0x2;
	[sflag:s23] =	ssyncadd.s32 $0xFFFFC000  }
0x66: {  	[tilespmem:s28], [sflag:$0x1] =	stream.indirect.gather [hbm4b:s18+s26], $0x80, s0, s26, $0xb8;
	[tilespmem:$0x1D040] =	vst v63  }
0x67: {  	_ =	swait.ge [sflag:s23], $0x4000  }
0x68: {  	[sflag:s23] =	ssyncset.done $0x0  }
0x69: {  	s0 =	sadd.s32 $0x2800, s0;
	[sflag:s23] =	ssyncadd.s32 $0xFFFFC000  }
0x6a: {  	[spmem:s1] =	stream.indirect.scatter.add.f32 [tilespmem:s28], [sflag:$0x1], $0x80, s0, s26, $0xb8;
	[tilespmem:$0x1D040] =	vst v63  }
0x6b: {  	_ =	swait.ge [sflag:s23], $0x4000  }
0x6c: {  	[sflag:s23] =	ssyncset.done $0x0  }
0x6d: {  	[sflag:s23] =	ssyncadd.s32 $0xFFFFC000  }
0x6e: {  	[bflag:$0x0] =	sbarrier.arrive $0xFFFF  }
0x6f: {  	[hbm:s19], [sflag:s5] =	dma.local [spmem:s30], $0x2800  }
0x70: {  	_ =	swait.ge [sflag:s23], $0x2800  }
0x71: {  	[sflag:s23] =	ssyncset.done $0x0  }
0x72: {  	[sflag:s23] =	ssyncadd.s32 $0xFFFFD800  }
0x73: {  	[spmem:s30], [sflag:s5] =	dma.local [hbm:s4], $0x2800  }
0x74: {  	_ =	swait.ge [sflag:s23], $0x2800  }
0x75: {  	[sflag:s23] =	ssyncset.done $0x0  }
0x76: {  	[sflag:s23] =	ssyncadd.s32 $0xFFFFD800  }
0x77: {  	s3 =	simm.s32 $0x0;
	[bflag:$0x0] =	sbarrier.arrive $0xFFFF  }
0x78: {  	[tilespmem:s3], [sflag:$0x1] =	stream.linear.gather [hbm4b:s13+s3], $0x2800, $0x38;
	[tilespmem:$0x1D040] =	vst v63  }
0x79: {  	_ =	swait.ge [sflag:s23], $0x2800  }
0x7a: {  	[sflag:s23] =	ssyncset.done $0x0  }
0x7b: {  	[sflag:s23] =	ssyncadd.s32 $0xFFFFD800  }
0x7c: {  	[tilespmem:s25], [sflag:$0x1] =	stream.linear.gather [hbm4b:s14+s3], $0x2800, $0x38;
	[tilespmem:$0x1D040] =	vst v63  }
0x7d: {  	_ =	swait.ge [sflag:s23], $0x2800  }
0x7e: {  	[sflag:s23] =	ssyncset.done $0x0  }
0x7f: {  	s2 =	simm.s32 $0x0;
	[sflag:s23] =	ssyncadd.s32 $0xFFFFD800  }
0x80: {  	[tilespmem:s28], [sflag:$0x1] =	stream.indirect.gather [hbm4b:s15+s26], $0x80, s2, s26, $0xb8;
	[tilespmem:$0x1D040] =	vst v63  }
0x81: {  	_ =	swait.ge [sflag:s23], $0x4000  }
0x82: {  	[sflag:s23] =	ssyncset.done $0x0  }
0x83: {  	s3 =	simm.s32 $0x2800;
	[sflag:s23] =	ssyncadd.s32 $0xFFFFC000  }
0x84: {  	[spmem:s1] =	stream.indirect.scatter.add.f32 [tilespmem:s28], [sflag:$0x1], $0x80, s3, s26, $0xb8;
	[tilespmem:$0x1D040] =	vst v63  }
0x85: {  	_ =	swait.ge [sflag:s23], $0x4000  }
0x86: {  	s31 =	simm.s32 $0x200;
	s0 =	simm.s32 $0x400;
	[sflag:s23] =	ssyncset.done $0x0  }
.LBB2_6:
0x87: {  	s2 =	sshra.s32 s31, $0x2  }
0x88: {  	[sflag:s23] =	ssyncadd.s32 $0xFFFFC000;
	s31 =	smov.u32 s0;
	s3 =	sadd.s32 $0x200, s0  }
0x89: {  	[tilespmem:s28], [sflag:$0x1] =	stream.indirect.gather [hbm4b:s15+s26], $0x80, s2, s26, $0xb8;
	[tilespmem:$0x1D040] =	vst v63  }
0x8a: {  	p1 =	sne.s32 s0, $0x9E00;
	_ =	swait.ge [sflag:s23], $0x4000  }
.Ltmp2:
0x8b: {  	[sflag:s23] =	ssyncset.done $0x0;
	(pc) =	sbr.rel @p1 .LBB2_6-.Ltmp2, $4  }
0x8c: {  	s0 =	sadd.s32 $0x2800, s2;
	[sflag:s23] =	ssyncadd.s32 $0xFFFFC000  }
0x8d: {  	[spmem:s1] =	stream.indirect.scatter.add.f32 [tilespmem:s28], [sflag:$0x1], $0x80, s0, s26, $0xb8;
	[tilespmem:$0x1D040] =	vst v63  }
0x8e: {  	_ =	swait.ge [sflag:s23], $0x4000  }
0x8f: {  	s0 =	smov.u32 s3;
	[sflag:s23] =	ssyncset.done $0x0  }
0x90: {  	s0 =	sshra.s32 s31, $0x2;
	[sflag:s23] =	ssyncadd.s32 $0xFFFFC000  }
0x91: {  	[tilespmem:s28], [sflag:$0x1] =	stream.indirect.gather [hbm4b:s15+s26], $0x80, s0, s26, $0xb8;
	[tilespmem:$0x1D040] =	vst v63  }
0x92: {  	_ =	swait.ge [sflag:s23], $0x4000  }
0x93: {  	[sflag:s23] =	ssyncset.done $0x0  }
0x94: {  	s0 =	sadd.s32 $0x2800, s0;
	[sflag:s23] =	ssyncadd.s32 $0xFFFFC000  }
0x95: {  	[spmem:s1] =	stream.indirect.scatter.add.f32 [tilespmem:s28], [sflag:$0x1], $0x80, s0, s26, $0xb8;
	[tilespmem:$0x1D040] =	vst v63  }
0x96: {  	_ =	swait.ge [sflag:s23], $0x4000  }
0x97: {  	[sflag:s23] =	ssyncset.done $0x0  }
0x98: {  	[sflag:s23] =	ssyncadd.s32 $0xFFFFC000  }
0x99: {  	[bflag:$0x0] =	sbarrier.arrive $0xFFFF  }
0x9a: {  	[hbm:s20], [sflag:s5] =	dma.local [spmem:s30], $0x2800  }
0x9b: {  	_ =	swait.ge [sflag:s23], $0x2800  }
0x9c: {  	[sflag:s23] =	ssyncset.done $0x0  }
0x9d: {  	[sflag:s23] =	ssyncadd.s32 $0xFFFFD800  }
0x9e: {  	[spmem:s30], [sflag:s5] =	dma.local [hbm:s4], $0x2800  }
0x9f: {  	_ =	swait.ge [sflag:s23], $0x2800  }
0xa0: {  	[sflag:s23] =	ssyncset.done $0x0  }
0xa1: {  	[sflag:s23] =	ssyncadd.s32 $0xFFFFD800  }
0xa2: {  	s3 =	simm.s32 $0x0;
	[bflag:$0x0] =	sbarrier.arrive $0xFFFF  }
0xa3: {  	[tilespmem:s3], [sflag:$0x1] =	stream.linear.gather [hbm4b:s16+s3], $0x2800, $0x38;
	[tilespmem:$0x1D040] =	vst v63  }
0xa4: {  	_ =	swait.ge [sflag:s23], $0x2800  }
0xa5: {  	[sflag:s23] =	ssyncset.done $0x0  }
0xa6: {  	[sflag:s23] =	ssyncadd.s32 $0xFFFFD800  }
0xa7: {  	[tilespmem:s25], [sflag:$0x1] =	stream.linear.gather [hbm4b:s17+s3], $0x2800, $0x38;
	[tilespmem:$0x1D040] =	vst v63  }
0xa8: {  	_ =	swait.ge [sflag:s23], $0x2800  }
0xa9: {  	[sflag:s23] =	ssyncset.done $0x0  }
0xaa: {  	s2 =	simm.s32 $0x0;
	[sflag:s23] =	ssyncadd.s32 $0xFFFFD800  }
0xab: {  	[tilespmem:s28], [sflag:$0x1] =	stream.indirect.gather [hbm4b:s18+s26], $0x80, s2, s26, $0xb8;
	[tilespmem:$0x1D040] =	vst v63  }
0xac: {  	_ =	swait.ge [sflag:s23], $0x4000  }
0xad: {  	[sflag:s23] =	ssyncset.done $0x0  }
0xae: {  	s3 =	simm.s32 $0x2800;
	[sflag:s23] =	ssyncadd.s32 $0xFFFFC000  }
0xaf: {  	[spmem:s1] =	stream.indirect.scatter.add.f32 [tilespmem:s28], [sflag:$0x1], $0x80, s3, s26, $0xb8;
	[tilespmem:$0x1D040] =	vst v63  }
0xb0: {  	_ =	swait.ge [sflag:s23], $0x4000  }
0xb1: {  	s31 =	simm.s32 $0x200;
	s0 =	simm.s32 $0x400;
	[sflag:s23] =	ssyncset.done $0x0  }
.LBB2_8:
0xb2: {  	s2 =	sshra.s32 s31, $0x2  }
0xb3: {  	[sflag:s23] =	ssyncadd.s32 $0xFFFFC000;
	s31 =	smov.u32 s0;
	s3 =	sadd.s32 $0x200, s0  }
0xb4: {  	[tilespmem:s28], [sflag:$0x1] =	stream.indirect.gather [hbm4b:s18+s26], $0x80, s2, s26, $0xb8;
	[tilespmem:$0x1D040] =	vst v63  }
0xb5: {  	p1 =	sne.s32 s0, $0x9E00;
	_ =	swait.ge [sflag:s23], $0x4000  }
.Ltmp3:
0xb6: {  	[sflag:s23] =	ssyncset.done $0x0;
	(pc) =	sbr.rel @p1 .LBB2_8-.Ltmp3, $4  }
0xb7: {  	s0 =	sadd.s32 $0x2800, s2;
	[sflag:s23] =	ssyncadd.s32 $0xFFFFC000  }
0xb8: {  	[spmem:s1] =	stream.indirect.scatter.add.f32 [tilespmem:s28], [sflag:$0x1], $0x80, s0, s26, $0xb8;
	[tilespmem:$0x1D040] =	vst v63  }
0xb9: {  	_ =	swait.ge [sflag:s23], $0x4000  }
0xba: {  	s0 =	smov.u32 s3;
	[sflag:s23] =	ssyncset.done $0x0  }
0xbb: {  	s0 =	sshra.s32 s31, $0x2;
	[sflag:s23] =	ssyncadd.s32 $0xFFFFC000  }
0xbc: {  	[tilespmem:s28], [sflag:$0x1] =	stream.indirect.gather [hbm4b:s18+s26], $0x80, s0, s26, $0xb8;
	[tilespmem:$0x1D040] =	vst v63  }
0xbd: {  	_ =	swait.ge [sflag:s23], $0x4000  }
0xbe: {  	[sflag:s23] =	ssyncset.done $0x0  }
0xbf: {  	s0 =	sadd.s32 $0x2800, s0;
	[sflag:s23] =	ssyncadd.s32 $0xFFFFC000  }
0xc0: {  	[spmem:s1] =	stream.indirect.scatter.add.f32 [tilespmem:s28], [sflag:$0x1], $0x80, s0, s26, $0xb8;
	[tilespmem:$0x1D040] =	vst v63  }
0xc1: {  	_ =	swait.ge [sflag:s23], $0x4000  }
0xc2: {  	[sflag:s23] =	ssyncset.done $0x0  }
0xc3: {  	s29 =	sadd.s32 $0x1, s29;
	[sflag:s23] =	ssyncadd.s32 $0xFFFFC000  }
0xc4: {  	p1 =	sne.s32 s29, s22;
	[bflag:$0x0] =	sbarrier.arrive $0xFFFF  }
0xc5: {  	[hbm:s21], [sflag:s5] =	dma.local [spmem:s30], $0x2800  }
.Ltmp4:
0xc6: {  	_ =	swait.ge [sflag:s23], $0x2800;
	(pc) =	sbr.rel @p1 .LBB2_1-.Ltmp4, $3  }
0xc7: {  	[sflag:s23] =	ssyncset.done $0x0  }
0xc8: {  	[sflag:s23] =	ssyncadd.s32 $0xFFFFD800  }
0xc9: {  	[bflag:$0x0] =	sbarrier.arrive $0xFFFF;
	_ =	sdelay $0x1  }
0xca: {  	_ =	sfence.sel $0x180000  }
0xcb: {  	[bflag:$0x0] =	sbarrier.arrive $0xFFFF  }
0xcc: {  	_ =	strace $0x90000050  }
0xcd: {  	[bflag:$0x2] =	sbarrier.arrive $0xFFFF  }
0xce: {  	s0 =	rddreg [dreg:$0x2]  }
0xcf: {  	s0 =	sadd.s32 @!p0 $0x100000, s0  }
0xd0: {  	[sflag:s0] =	ssyncadd.tile.s32 @!p0 $0x1;
	_ =	shalt  }
.Lfunc_end2:
_tile_overlayer_lowered:
.L_overlay_start_2:
0xd1: {  	(tag) =	ssettag $0x2  }
0xd2: {  	s0 =	rddreg [dreg:$0x0];
	s2 =	stileid.u32  }
0xd3: {  	s1 =	rddreg [dreg:$0x1];
	p0 =	sne.s32 s2, $0x0  }
0xd4: {  	s3 =	rddreg [dreg:$0x2];
	[bflag:$0x3] =	sbarrier.arrive $0xFFFF;
	s2 =	simm.s32 @!p0 $0x1C01  }
0xd5: {  	[timem:s3], [sflag:s2] =	dma.local @!p0 [hbm:s0], s1  }
0xd6: {  	s0 =	simm.s32 @!p0 $0x1  }
0xd7: {  	_ =	swait.ge @!p0 [sflag:s0], s1  }
0xd8: {  	s1 =	ssub.s32 @!p0 $0x0, s1;
	[sflag:s0] =	ssyncset.done @!p0 $0x0  }
0xd9: {  	[sflag:s0] =	ssyncadd.s32 @!p0 s1  }
0xda: {  	[bflag:$0x3] =	sbarrier.arrive $0xFFFF  }
0xdb: {  	_ =	shalt  }

</sc_bundles>
